<compile_context>
chip_gen: v7x
topology: tpu7x:2x2x1
jax: 0.10.2.dev20260603
libtpu: 0.0.44.dev20260713+nightly
codegen_flags: <defaults>
</compile_context>

<pallas_src>
import jax
import jax.numpy as jnp
from jax import lax
from jax.experimental import pallas as pl
from jax.experimental.pallas import tpu as pltpu
from jax.experimental.pallas import tpu_sc as plsc

N_SEG = 100000
NP = 100096
BE = 1024
NW = 32
NT = 16
NPW = NP // NW
SPAN1 = 256
SPAN2 = 2048
STAB = NP + SPAN2 + 16

_mesh = plsc.VectorSubcoreMesh(core_axis_name="c", subcore_axis_name="s")
_SC_PARAMS = pltpu.CompilerParams(
    use_tc_tiling_on_sc=False, needs_layout_passes=False)


def _scalar_at(vec16, pos):
    lane = lax.iota(jnp.int32, 16)
    return jnp.sum(jnp.where(lane == pos, vec16, 0))


def _phase_a(scores3, dst2, bounds, zerosw):
    def body(scores_hbm, dst_hbm, bounds_hbm, zeros_hbm,
             osum, osq, ocnt,
             tsum, tsq, tcnt, sco_v, dst_v, bnd_v):
        cid = lax.axis_index("c")
        sid = lax.axis_index("s")
        w = sid * 2 + cid
        pltpu.sync_copy(zeros_hbm, tsum)
        pltpu.sync_copy(zeros_hbm, tsq)
        pltpu.sync_copy(zeros_hbm, tcnt)
        pltpu.sync_copy(bounds_hbm.at[w], bnd_v)
        bv = bnd_v[...]
        blk0 = _scalar_at(bv, 0)
        nblk = _scalar_at(bv, 1)
        base = w * NPW

        lane = lax.iota(jnp.int32, 16)
        cvec = lax.rem(lane, 4)
        rv0 = lax.div(lane, 4)
        onesf = jnp.full((16,), 1.0, jnp.float32)

        def block_body(i, _):
            b = blk0 + i
            pltpu.sync_copy(scores_hbm.at[pl.ds(b * BE * 4, BE * 4)], sco_v)
            pltpu.sync_copy(dst_hbm.at[pl.ds(b * BE, BE)], dst_v)

            def group_body(g, _):
                for k in range(4):
                    ev = g * 16 + 4 * k + rv0
                    vals = sco_v[pl.ds(g * 64 + k * 16, 16)]
                    relg = plsc.load_gather(dst_v, [ev]) - base
                    mk = jnp.logical_and(relg >= 0, relg < NPW)
                    plsc.addupdate_scatter(tsum, [relg, cvec], vals, mask=mk)
                    plsc.addupdate_scatter(tsq, [relg, cvec], vals * vals,
                                           mask=mk)
                    plsc.addupdate_scatter(tcnt, [relg, cvec], onesf, mask=mk)
                return 0

            lax.fori_loop(0, BE // 16, group_body, 0, unroll=2)
            return 0

        lax.fori_loop(0, nblk, block_body, 0)
        rows = pl.ds(base, NPW)
        pltpu.sync_copy(tsum, osum.at[rows, :])
        pltpu.sync_copy(tsq, osq.at[rows, :])
        pltpu.sync_copy(tcnt, ocnt.at[rows, :])

    f = pl.kernel(
        body,
        out_type=[jax.ShapeDtypeStruct((NP, 4), jnp.float32)] * 3,
        mesh=_mesh,
        compiler_params=_SC_PARAMS,
        scratch_types=[
            pltpu.VMEM((NPW, 4), jnp.float32),
            pltpu.VMEM((NPW, 4), jnp.float32),
            pltpu.VMEM((NPW, 4), jnp.float32),
            pltpu.VMEM((BE * 4,), jnp.float32),
            pltpu.VMEM((BE,), jnp.int32),
            pltpu.VMEM((16,), jnp.int32),
        ],
    )
    return f(scores3, dst2, bounds, zerosw)


def _phase_b_body(ps, pq, pc, g, b, oa, ob):
    s = ps[...]
    q = pq[...]
    c = pc[...]
    mean = s / jnp.maximum(c, 1.0)
    var = jnp.maximum(q - c * mean * mean, 0.0)
    std = jnp.sqrt(var / jnp.maximum(c, 1.0))
    inv = 1.0 / jnp.maximum(std, 1e-5)
    a = g[0:1, :] * inv
    oa[...] = a
    ob[...] = b[0:1, :] - mean * a


def _phase_b(psum, psq, pcnt, gvec, bvec):
    rows = NP * 4 // 128
    f = pl.pallas_call(
        _phase_b_body,
        out_shape=[jax.ShapeDtypeStruct((rows, 128), jnp.float32)] * 2,
    )
    return f(psum.reshape(rows, 128), psq.reshape(rows, 128),
             pcnt.reshape(rows, 128), gvec, bvec)


def _phase_c(scores3, dst2, atab, btab):
    nblocks = scores3.shape[0] // (BE * 4)

    def body(scores_hbm, dst_hbm, a_hbm, b_hbm, out_hbm,
             sco_v, ga_v, gb_v, out_v, dst_v, idx_v):
        cid = lax.axis_index("c")
        sid = lax.axis_index("s")
        w = sid * 2 + cid

        lane = lax.iota(jnp.int32, 16)
        cvec = lax.rem(lane, 4)
        rv0 = lax.div(lane, 4)
        dummy = jnp.full((16,), N_SEG, jnp.int32)
        for j in range(8):
            for t in range(8):
                idx_v[j, pl.ds(128 + 16 * t, 16)] = dummy

        nfull = nblocks // NW
        extra = (w < (nblocks - nfull * NW)).astype(jnp.int32)

        def block_body(i, _):
            b = w + NW * i
            pltpu.sync_copy(scores_hbm.at[pl.ds(b * BE * 4, BE * 4)], sco_v)
            pltpu.sync_copy(dst_hbm.at[pl.ds(b * BE, BE)], dst_v)
            first = lax.reduce_min(dst_v[pl.ds(0, 16)], (0,))
            last = lax.reduce_max(dst_v[pl.ds(BE - 16, 16)], (0,))
            first8 = lax.div(first, 8) * 8
            span = last - first8 + 1

            def run_linear(nrows):
                pltpu.sync_copy(a_hbm.at[pl.ds(first8, nrows), :],
                                ga_v.at[pl.ds(0, nrows), :])
                pltpu.sync_copy(b_hbm.at[pl.ds(first8, nrows), :],
                                gb_v.at[pl.ds(0, nrows), :])

                def fma_body(g, _):
                    for k in range(4):
                        ev = g * 16 + 4 * k + rv0
                        vals = sco_v[pl.ds(g * 64 + k * 16, 16)]
                        relg = plsc.load_gather(dst_v, [ev]) - first8
                        av = plsc.load_gather(ga_v, [relg, cvec])
                        bv2 = plsc.load_gather(gb_v, [relg, cvec])
                        out_v[pl.ds(g * 64 + k * 16, 16)] = av * vals + bv2
                    return 0

                lax.fori_loop(0, BE // 16, fma_body, 0, unroll=2)

            def run_fallback():
                for j in range(8):
                    for t in range(8):
                        idx_v[j, pl.ds(16 * t, 16)] = dst_v[
                            pl.ds(j * 128 + 16 * t, 16)]
                for j in range(8):
                    pltpu.sync_copy(a_hbm.at[idx_v.at[j]],
                                    ga_v.at[pl.ds(j * 256, 256), :])
                    pltpu.sync_copy(b_hbm.at[idx_v.at[j]],
                                    gb_v.at[pl.ds(j * 256, 256), :])

                def fma_body(g, _):
                    for k in range(4):
                        ev = g * 16 + 4 * k + rv0
                        vals = sco_v[pl.ds(g * 64 + k * 16, 16)]
                        rowv = ev + lax.div(ev, 128) * 128
                        av = plsc.load_gather(ga_v, [rowv, cvec])
                        bv2 = plsc.load_gather(gb_v, [rowv, cvec])
                        out_v[pl.ds(g * 64 + k * 16, 16)] = av * vals + bv2
                    return 0

                lax.fori_loop(0, BE // 16, fma_body, 0, unroll=2)

            @pl.when(span <= SPAN1)
            def _():
                run_linear(SPAN1 + 8)

            @pl.when(jnp.logical_and(span > SPAN1, span <= SPAN2))
            def _():
                run_linear(SPAN2 + 8)

            @pl.when(span > SPAN2)
            def _():
                run_fallback()

            pltpu.sync_copy(out_v, out_hbm.at[pl.ds(b * BE * 4, BE * 4)])
            return 0

        lax.fori_loop(0, nfull + extra, block_body, 0)

    f = pl.kernel(
        body,
        out_type=jax.ShapeDtypeStruct((nblocks * BE * 4,), jnp.float32),
        mesh=_mesh,
        compiler_params=_SC_PARAMS,
        scratch_types=[
            pltpu.VMEM((BE * 4,), jnp.float32),
            pltpu.VMEM((SPAN2 + 16, 4), jnp.float32),
            pltpu.VMEM((SPAN2 + 16, 4), jnp.float32),
            pltpu.VMEM((BE * 4,), jnp.float32),
            pltpu.VMEM((BE,), jnp.int32),
            pltpu.VMEM((8, 256), jnp.int32),
        ],
    )
    return f(scores3, dst2, atab, btab)


def kernel(edge_scores, dst, gain, bias):
    e, h, _ = edge_scores.shape
    nblocks = e // BE
    scores3 = edge_scores.reshape(e * h)
    dst2 = dst
    node_bnd = jnp.arange(NW + 1, dtype=jnp.int32) * NPW
    edge_bnd = jnp.searchsorted(dst, node_bnd, side="left").astype(jnp.int32)
    blk0 = edge_bnd[:-1] // BE
    blkend = (edge_bnd[1:] + BE - 1) // BE
    nblk = jnp.maximum(blkend - blk0, 0)
    blk0 = jnp.minimum(blk0, nblocks - 1)
    bounds = jnp.zeros((NW, 16), jnp.int32)
    bounds = bounds.at[:, 0].set(blk0).at[:, 1].set(nblk)
    zerosw = jnp.zeros((NPW, 4), jnp.float32)

    psum, psq, pcnt = _phase_a(scores3, dst2, bounds, zerosw)
    gvec = jnp.tile(gain.reshape(1, h), (1, 128 // h))
    bvec = jnp.tile(bias.reshape(1, h), (1, 128 // h))
    a2, b2 = _phase_b(psum, psq, pcnt, gvec, bvec)
    pad = jnp.zeros((STAB - NP, 4), jnp.float32)
    atab = jnp.concatenate([a2.reshape(NP, 4), pad])
    btab = jnp.concatenate([b2.reshape(NP, 4), pad])
    out3 = _phase_c(scores3, dst2, atab, btab)
    return out3.reshape(e, h, 1)

# --- scband reference (transcript-rebuilt; emitter-appended) ---
"""Pipeline reference for scband-edge-norm-with-gain-and-bias-55301998903452 (READ-ONLY COPY).

The authoritative reference and input builder live on the scoring server;
editing this copy changes nothing except your own understanding.
"""

import jax, jax.numpy as jnp
import numpy as np

N_NODES = 100000
E = 3200000
H = 4


def setup_inputs(seed: int = 0) -> dict:
    key = jax.random.key(seed)
    k1, k2 = jax.random.split(key)
    edge_scores = jax.random.normal(k1, (E, H, 1), dtype=jnp.float32)
    dst = jnp.sort(jax.random.randint(k2, (E,), 0, N_NODES, dtype=jnp.int32))
    # learned parameters per init_kwargs (nheads=4)
    gain = jnp.ones((H, 1), dtype=jnp.float32)
    bias = jnp.zeros((H, 1), dtype=jnp.float32)
    return {"edge_scores": edge_scores, "dst": dst, "gain": gain, "bias": bias}


def reference(edge_scores, dst, gain, bias):
    # EdgeNorm: normalize edge scores grouped by destination node (gspmm copy_rhs sum == segment_sum over dst)
    score = edge_scores  # (E, H, 1)
    ones = jnp.ones_like(score)
    score_sums = jax.ops.segment_sum(score, dst, num_segments=N_NODES)  # (N, H, 1)
    score_counts = jax.ops.segment_sum(ones, dst, num_segments=N_NODES)  # (N, H, 1)
    means = score_sums / jnp.maximum(score_counts, 1.0)
    # gsddmm 'sub' e,v: per-edge score minus dst-node mean (gather)
    residual = score - means[dst]
    var = residual ** 2
    var_sum = jax.ops.segment_sum(var, dst, num_segments=N_NODES)
    stdev = jnp.sqrt(var_sum / score_counts)
    inv_stdev = 1.0 / jnp.maximum(stdev, 1e-05)
    # gsddmm 'mul' e,v: per-edge residual times dst-node inv_stdev (gather)
    normalized = residual * inv_stdev[dst]
    # gain and bias per head
    return gain * normalized + bias

if __name__ == "__main__":
    import jax
    _d = setup_inputs()
    print(jax.jit(kernel)(*tuple(_d.values())))

</pallas_src>

<mosaic_0001>
#map = affine_map<(d0, d1) -> (0)>
#map1 = affine_map<(d0, d1) -> (0, 0)>
module attributes {stable_mosaic.version = 14 : i64} {
  func.func @body(%arg0: i32, %arg1: i32, %arg2: memref<12800000xf32, #tpu.memory_space<hbm>>, %arg3: memref<3200000xi32, #tpu.memory_space<hbm>>, %arg4: memref<32x16xi32, #tpu.memory_space<hbm>>, %arg5: memref<3128x4xf32, #tpu.memory_space<hbm>>, %arg6: memref<100096x4xf32, #tpu.memory_space<hbm>>, %arg7: memref<100096x4xf32, #tpu.memory_space<hbm>>, %arg8: memref<100096x4xf32, #tpu.memory_space<hbm>>, %arg9: memref<3128x4xf32, #tpu.memory_space<vmem>>, %arg10: memref<3128x4xf32, #tpu.memory_space<vmem>>, %arg11: memref<3128x4xf32, #tpu.memory_space<vmem>>, %arg12: memref<4096xf32, #tpu.memory_space<vmem>>, %arg13: memref<1024xi32, #tpu.memory_space<vmem>>, %arg14: memref<16xi32, #tpu.memory_space<vmem>>) attributes {dimension_semantics = [#tpu.dimension_semantics<core_parallel>, #tpu.dimension_semantics<subcore_parallel>], iteration_bounds = array<i64: 2, 16>, scalar_prefetch = 0 : i64, scratch_operands = 6 : i64, tpu.core_type = #tpu.core_type<sc_vector_subcore>, window_params = [{transform_indices = #map}, {transform_indices = #map}, {transform_indices = #map1}, {transform_indices = #map1}, {transform_indices = #map1}, {transform_indices = #map1}, {transform_indices = #map1}]} {
    %mul3A = arith.constant 2 : i32
    %mul3A_0 = arith.muli %arg1, %mul3A : i32
    %add3A = arith.addi %mul3A_0, %arg0 : i32
    "tpu.region"() ({
      %run_scoped3A = tpu.sem_alloc : memref<!tpu.dma_semaphore, #tpu.memory_space<semaphore_mem>>
      tpu.enqueue_dma source(%arg5 : memref<3128x4xf32, #tpu.memory_space<hbm>>) target(%arg9 : memref<3128x4xf32, #tpu.memory_space<vmem>>) target_semaphore(%run_scoped3A : memref<!tpu.dma_semaphore, #tpu.memory_space<semaphore_mem>>)
      tpu.wait_dma2 semaphore(%run_scoped3A : memref<!tpu.dma_semaphore, #tpu.memory_space<semaphore_mem>>) src(%arg5 : memref<3128x4xf32, #tpu.memory_space<hbm>>) dst(%arg9 : memref<3128x4xf32, #tpu.memory_space<vmem>>)
      tpu.yield
    }) : () -> ()
    "tpu.region"() ({
      %run_scoped3A = tpu.sem_alloc : memref<!tpu.dma_semaphore, #tpu.memory_space<semaphore_mem>>
      tpu.enqueue_dma source(%arg5 : memref<3128x4xf32, #tpu.memory_space<hbm>>) target(%arg10 : memref<3128x4xf32, #tpu.memory_space<vmem>>) target_semaphore(%run_scoped3A : memref<!tpu.dma_semaphore, #tpu.memory_space<semaphore_mem>>)
      tpu.wait_dma2 semaphore(%run_scoped3A : memref<!tpu.dma_semaphore, #tpu.memory_space<semaphore_mem>>) src(%arg5 : memref<3128x4xf32, #tpu.memory_space<hbm>>) dst(%arg10 : memref<3128x4xf32, #tpu.memory_space<vmem>>)
      tpu.yield
    }) : () -> ()
    "tpu.region"() ({
      %run_scoped3A = tpu.sem_alloc : memref<!tpu.dma_semaphore, #tpu.memory_space<semaphore_mem>>
      tpu.enqueue_dma source(%arg5 : memref<3128x4xf32, #tpu.memory_space<hbm>>) target(%arg11 : memref<3128x4xf32, #tpu.memory_space<vmem>>) target_semaphore(%run_scoped3A : memref<!tpu.dma_semaphore, #tpu.memory_space<semaphore_mem>>)
      tpu.wait_dma2 semaphore(%run_scoped3A : memref<!tpu.dma_semaphore, #tpu.memory_space<semaphore_mem>>) src(%arg5 : memref<3128x4xf32, #tpu.memory_space<hbm>>) dst(%arg11 : memref<3128x4xf32, #tpu.memory_space<vmem>>)
      tpu.yield
    }) : () -> ()
    "tpu.region"() ({
      %run_scoped3A = tpu.sem_alloc : memref<!tpu.dma_semaphore, #tpu.memory_space<semaphore_mem>>
      %dma_start3A = arith.constant 0 : i32
      %dma_start3A_38 = tpu.memref_slice %arg4[%add3A, %dma_start3A] : memref<32x16xi32, #tpu.memory_space<hbm>> -> memref<1x16xi32, #tpu.memory_space<hbm>>
      %dma_start3A_39 = tpu.memref_squeeze %dma_start3A_38 : memref<1x16xi32, #tpu.memory_space<hbm>> -> memref<16xi32, #tpu.memory_space<hbm>>
      %dma_start3A_40 = arith.constant 0 : i32
      %dma_start3A_41 = tpu.memref_slice %arg4[%add3A, %dma_start3A_40] : memref<32x16xi32, #tpu.memory_space<hbm>> -> memref<1x16xi32, #tpu.memory_space<hbm>>
      %dma_start3A_42 = tpu.memref_squeeze %dma_start3A_41 : memref<1x16xi32, #tpu.memory_space<hbm>> -> memref<16xi32, #tpu.memory_space<hbm>>
      tpu.enqueue_dma source(%dma_start3A_42 : memref<16xi32, #tpu.memory_space<hbm>>) target(%arg14 : memref<16xi32, #tpu.memory_space<vmem>>) target_semaphore(%run_scoped3A : memref<!tpu.dma_semaphore, #tpu.memory_space<semaphore_mem>>)
      %dma_wait3A = arith.constant 0 : i32
      %dma_wait3A_43 = tpu.memref_slice %arg4[%add3A, %dma_wait3A] : memref<32x16xi32, #tpu.memory_space<hbm>> -> memref<1x16xi32, #tpu.memory_space<hbm>>
      %dma_wait3A_44 = tpu.memref_squeeze %dma_wait3A_43 : memref<1x16xi32, #tpu.memory_space<hbm>> -> memref<16xi32, #tpu.memory_space<hbm>>
      %dma_wait3A_45 = arith.constant 0 : i32
      %dma_wait3A_46 = tpu.memref_slice %arg4[%add3A, %dma_wait3A_45] : memref<32x16xi32, #tpu.memory_space<hbm>> -> memref<1x16xi32, #tpu.memory_space<hbm>>
      %dma_wait3A_47 = tpu.memref_squeeze %dma_wait3A_46 : memref<1x16xi32, #tpu.memory_space<hbm>> -> memref<16xi32, #tpu.memory_space<hbm>>
      tpu.wait_dma2 semaphore(%run_scoped3A : memref<!tpu.dma_semaphore, #tpu.memory_space<semaphore_mem>>) src(%dma_wait3A_47 : memref<16xi32, #tpu.memory_space<hbm>>) dst(%arg14 : memref<16xi32, #tpu.memory_space<vmem>>)
      tpu.yield
    }) : () -> ()
    %get3A = arith.constant 0 : index
    %get3A_1 = tpu.vector_load %arg14[%get3A] {strides = array<i32>} : memref<16xi32, #tpu.memory_space<vmem>>, vector<16xi32>,
    %iota3A = tpu.iota {dimensions = array<i32: 0>} : vector<16xi32>
    %eq3A = arith.constant 0 : i32
    %eq3A_2 = vector.broadcast %eq3A : i32 to vector<16xi32>
    %eq3A_3 = arith.cmpi eq, %iota3A, %eq3A_2 : vector<16xi32>
    %jit3A = arith.constant 0 : i32
    %broadcast_in_dim3A = vector.broadcast %jit3A : i32 to vector<16xi32>
    %select_n3A = arith.select %eq3A_3, %get3A_1, %broadcast_in_dim3A : vector<16xi1>, vector<16xi32>
    %reduce_sum3A = arith.constant true
    %reduce_sum3A_4 = vector.broadcast %reduce_sum3A : i1 to vector<16xi1>
    %reduce_sum3A_5 = tpu.scan <sum>, %select_n3A masked %reduce_sum3A_4 : vector<16xi32>, vector<16xi1> -> vector<16xi32>
    %reduce_sum3A_6 = vector.extract %reduce_sum3A_5[15] : i32 from vector<16xi32>
    %iota3A_7 = tpu.iota {dimensions = array<i32: 0>} : vector<16xi32>
    %eq3A_8 = arith.constant 1 : i32
    %eq3A_9 = vector.broadcast %eq3A_8 : i32 to vector<16xi32>
    %eq3A_10 = arith.cmpi eq, %iota3A_7, %eq3A_9 : vector<16xi32>
    %jit3A_11 = arith.constant 0 : i32
    %broadcast_in_dim3A_12 = vector.broadcast %jit3A_11 : i32 to vector<16xi32>
    %select_n3A_13 = arith.select %eq3A_10, %get3A_1, %broadcast_in_dim3A_12 : vector<16xi1>, vector<16xi32>
    %reduce_sum3A_14 = arith.constant true
    %reduce_sum3A_15 = vector.broadcast %reduce_sum3A_14 : i1 to vector<16xi1>
    %reduce_sum3A_16 = tpu.scan <sum>, %select_n3A_13 masked %reduce_sum3A_15 : vector<16xi32>, vector<16xi1> -> vector<16xi32>
    %reduce_sum3A_17 = vector.extract %reduce_sum3A_16[15] : i32 from vector<16xi32>
    %mul3A_18 = arith.constant 3128 : i32
    %mul3A_19 = arith.muli %add3A, %mul3A_18 : i32
    %iota3A_20 = tpu.iota {dimensions = array<i32: 0>} : vector<16xi32>
    %rem3A = arith.constant 4 : i32
    %rem3A_21 = vector.broadcast %rem3A : i32 to vector<16xi32>
    %rem3A_22 = arith.remsi %iota3A_20, %rem3A_21 : vector<16xi32>
    %div3A = arith.constant 4 : i32
    %div3A_23 = vector.broadcast %div3A : i32 to vector<16xi32>
    %div3A_24 = arith.divsi %iota3A_20, %div3A_23 : vector<16xi32>
    %broadcast_in_dim3A_25 = arith.constant 1.000000e+00 : f32
    %broadcast_in_dim3A_26 = vector.broadcast %broadcast_in_dim3A_25 : f32 to vector<16xf32>
    %while3A = arith.constant 0 : i32
    %while3A_27 = arith.constant 0 : i32
    %while3A_28 = arith.subi %reduce_sum3A_17, %while3A : i32
    %while3A_29 = arith.addi %while3A, %while3A_28 : i32
    %while3A_30 = arith.constant 1 : i32
    %while3A_31 = arith.divsi %while3A_28, %while3A_30 : i32
    %while3A_32 = arith.muli %while3A_31, %while3A_30 : i32
    %while3A_33 = arith.addi %while3A, %while3A_32 : i32
    %while3A_34 = arith.constant 1 : i32
    %while3A_35 = scf.for %while3A_38 = %while3A to %while3A_33 step %while3A_34 iter_args(%while3A_39 = %while3A_27) -> (i32)  : i32 {
      %add3A_40 = arith.addi %reduce_sum3A_6, %while3A_38 : i32
      %mul3A_41 = arith.constant 1024 : i32
      %mul3A_42 = arith.muli %add3A_40, %mul3A_41 : i32
      %mul3A_43 = arith.constant 4 : i32
      %mul3A_44 = arith.muli %mul3A_42, %mul3A_43 : i32
      "tpu.region"() ({
        %run_scoped3A = tpu.sem_alloc : memref<!tpu.dma_semaphore, #tpu.memory_space<semaphore_mem>>
        %dma_start3A = tpu.memref_slice %arg2[%mul3A_44] : memref<12800000xf32, #tpu.memory_space<hbm>> -> memref<4096xf32, #tpu.memory_space<hbm>>
        %dma_start3A_54 = tpu.memref_slice %arg2[%mul3A_44] : memref<12800000xf32, #tpu.memory_space<hbm>> -> memref<4096xf32, #tpu.memory_space<hbm>>
        tpu.enqueue_dma source(%dma_start3A_54 : memref<4096xf32, #tpu.memory_space<hbm>>) target(%arg12 : memref<4096xf32, #tpu.memory_space<vmem>>) target_semaphore(%run_scoped3A : memref<!tpu.dma_semaphore, #tpu.memory_space<semaphore_mem>>)
        %dma_wait3A = tpu.memref_slice %arg2[%mul3A_44] : memref<12800000xf32, #tpu.memory_space<hbm>> -> memref<4096xf32, #tpu.memory_space<hbm>>
        %dma_wait3A_55 = tpu.memref_slice %arg2[%mul3A_44] : memref<12800000xf32, #tpu.memory_space<hbm>> -> memref<4096xf32, #tpu.memory_space<hbm>>
        tpu.wait_dma2 semaphore(%run_scoped3A : memref<!tpu.dma_semaphore, #tpu.memory_space<semaphore_mem>>) src(%dma_wait3A_55 : memref<4096xf32, #tpu.memory_space<hbm>>) dst(%arg12 : memref<4096xf32, #tpu.memory_space<vmem>>)
        tpu.yield
      }) : () -> ()
      %mul3A_45 = arith.constant 1024 : i32
      %mul3A_46 = arith.muli %add3A_40, %mul3A_45 : i32
      "tpu.region"() ({
        %run_scoped3A = tpu.sem_alloc : memref<!tpu.dma_semaphore, #tpu.memory_space<semaphore_mem>>
        %dma_start3A = tpu.memref_slice %arg3[%mul3A_46] : memref<3200000xi32, #tpu.memory_space<hbm>> -> memref<1024xi32, #tpu.memory_space<hbm>>
        %dma_start3A_54 = tpu.memref_slice %arg3[%mul3A_46] : memref<3200000xi32, #tpu.memory_space<hbm>> -> memref<1024xi32, #tpu.memory_space<hbm>>
        tpu.enqueue_dma source(%dma_start3A_54 : memref<1024xi32, #tpu.memory_space<hbm>>) target(%arg13 : memref<1024xi32, #tpu.memory_space<vmem>>) target_semaphore(%run_scoped3A : memref<!tpu.dma_semaphore, #tpu.memory_space<semaphore_mem>>)
        %dma_wait3A = tpu.memref_slice %arg3[%mul3A_46] : memref<3200000xi32, #tpu.memory_space<hbm>> -> memref<1024xi32, #tpu.memory_space<hbm>>
        %dma_wait3A_55 = tpu.memref_slice %arg3[%mul3A_46] : memref<3200000xi32, #tpu.memory_space<hbm>> -> memref<1024xi32, #tpu.memory_space<hbm>>
        tpu.wait_dma2 semaphore(%run_scoped3A : memref<!tpu.dma_semaphore, #tpu.memory_space<semaphore_mem>>) src(%dma_wait3A_55 : memref<1024xi32, #tpu.memory_space<hbm>>) dst(%arg13 : memref<1024xi32, #tpu.memory_space<vmem>>)
        tpu.yield
      }) : () -> ()
      %scan3A = arith.constant 0 : i32
      %scan3A_47 = arith.constant 0 : i32
      %scan3A_48 = arith.constant 64 : i32
      %scan3A_49 = arith.addi %scan3A_47, %scan3A_48 : i32
      %scan3A_50 = arith.constant 2 : i32
      %scan3A_51 = scf.for %scan3A_54 = %scan3A_47 to %scan3A_49 step %scan3A_50 iter_args(%scan3A_55 = %scan3A) -> (i32)  : i32 {
        %mul3A_56 = arith.constant 16 : i32
        %mul3A_57 = arith.muli %scan3A_54, %mul3A_56 : i32
        %add3A_58 = arith.constant 0 : i32
        %add3A_59 = arith.addi %mul3A_57, %add3A_58 : i32
        %add3A_60 = vector.broadcast %add3A_59 : i32 to vector<16xi32>
        %add3A_61 = arith.addi %add3A_60, %div3A_24 : vector<16xi32>
        %mul3A_62 = arith.constant 64 : i32
        %mul3A_63 = arith.muli %scan3A_54, %mul3A_62 : i32
        %add3A_64 = arith.constant 0 : i32
        %add3A_65 = arith.addi %mul3A_63, %add3A_64 : i32
        %get3A_66 = arith.index_cast %add3A_65 : i32 to index
        %get3A_67 = tpu.vector_load %arg12[%get3A_66] {strides = array<i32>} : memref<4096xf32, #tpu.memory_space<vmem>>, vector<16xf32>,
        %gather3A = tpu.vector_load_idx %arg13[%add3A_61] : memref<1024xi32, #tpu.memory_space<vmem>>[vector<16xi32>], vector<16xi32>,
        %sub3A = vector.broadcast %mul3A_19 : i32 to vector<16xi32>
        %sub3A_68 = arith.subi %gather3A, %sub3A : vector<16xi32>
        %ge3A = arith.constant 0 : i32
        %ge3A_69 = vector.broadcast %ge3A : i32 to vector<16xi32>
        %ge3A_70 = arith.cmpi sge, %sub3A_68, %ge3A_69 : vector<16xi32>
        %lt3A = arith.constant 3128 : i32
        %lt3A_71 = vector.broadcast %lt3A : i32 to vector<16xi32>
        %lt3A_72 = arith.cmpi slt, %sub3A_68, %lt3A_71 : vector<16xi32>
        %and3A = arith.andi %ge3A_70, %lt3A_72 : vector<16xi1>
        tpu.vector_store_idx %arg9[%sub3A_68, %rem3A_22], %get3A_67 masked %and3A {add = true} : memref<3128x4xf32, #tpu.memory_space<vmem>>[vector<16xi32>, vector<16xi32>], vector<16xf32>, vector<16xi1>
        %mul3A_73 = arith.mulf %get3A_67, %get3A_67 : vector<16xf32>
        tpu.vector_store_idx %arg10[%sub3A_68, %rem3A_22], %mul3A_73 masked %and3A {add = true} : memref<3128x4xf32, #tpu.memory_space<vmem>>[vector<16xi32>, vector<16xi32>], vector<16xf32>, vector<16xi1>
        tpu.vector_store_idx %arg11[%sub3A_68, %rem3A_22], %broadcast_in_dim3A_26 masked %and3A {add = true} : memref<3128x4xf32, #tpu.memory_space<vmem>>[vector<16xi32>, vector<16xi32>], vector<16xf32>, vector<16xi1>
        %mul3A_74 = arith.constant 16 : i32
        %mul3A_75 = arith.muli %scan3A_54, %mul3A_74 : i32
        %add3A_76 = arith.constant 4 : i32
        %add3A_77 = arith.addi %mul3A_75, %add3A_76 : i32
        %add3A_78 = vector.broadcast %add3A_77 : i32 to vector<16xi32>
        %add3A_79 = arith.addi %add3A_78, %div3A_24 : vector<16xi32>
        %mul3A_80 = arith.constant 64 : i32
        %mul3A_81 = arith.muli %scan3A_54, %mul3A_80 : i32
        %add3A_82 = arith.constant 16 : i32
        %add3A_83 = arith.addi %mul3A_81, %add3A_82 : i32
        %get3A_84 = arith.index_cast %add3A_83 : i32 to index
        %get3A_85 = tpu.vector_load %arg12[%get3A_84] {strides = array<i32>} : memref<4096xf32, #tpu.memory_space<vmem>>, vector<16xf32>,
        %gather3A_86 = tpu.vector_load_idx %arg13[%add3A_79] : memref<1024xi32, #tpu.memory_space<vmem>>[vector<16xi32>], vector<16xi32>,
        %sub3A_87 = vector.broadcast %mul3A_19 : i32 to vector<16xi32>
        %sub3A_88 = arith.subi %gather3A_86, %sub3A_87 : vector<16xi32>
        %ge3A_89 = arith.constant 0 : i32
        %ge3A_90 = vector.broadcast %ge3A_89 : i32 to vector<16xi32>
        %ge3A_91 = arith.cmpi sge, %sub3A_88, %ge3A_90 : vector<16xi32>
        %lt3A_92 = arith.constant 3128 : i32
        %lt3A_93 = vector.broadcast %lt3A_92 : i32 to vector<16xi32>
        %lt3A_94 = arith.cmpi slt, %sub3A_88, %lt3A_93 : vector<16xi32>
        %and3A_95 = arith.andi %ge3A_91, %lt3A_94 : vector<16xi1>
        tpu.vector_store_idx %arg9[%sub3A_88, %rem3A_22], %get3A_85 masked %and3A_95 {add = true} : memref<3128x4xf32, #tpu.memory_space<vmem>>[vector<16xi32>, vector<16xi32>], vector<16xf32>, vector<16xi1>
        %mul3A_96 = arith.mulf %get3A_85, %get3A_85 : vector<16xf32>
        tpu.vector_store_idx %arg10[%sub3A_88, %rem3A_22], %mul3A_96 masked %and3A_95 {add = true} : memref<3128x4xf32, #tpu.memory_space<vmem>>[vector<16xi32>, vector<16xi32>], vector<16xf32>, vector<16xi1>
        tpu.vector_store_idx %arg11[%sub3A_88, %rem3A_22], %broadcast_in_dim3A_26 masked %and3A_95 {add = true} : memref<3128x4xf32, #tpu.memory_space<vmem>>[vector<16xi32>, vector<16xi32>], vector<16xf32>, vector<16xi1>
        %mul3A_97 = arith.constant 16 : i32
        %mul3A_98 = arith.muli %scan3A_54, %mul3A_97 : i32
        %add3A_99 = arith.constant 8 : i32
        %add3A_100 = arith.addi %mul3A_98, %add3A_99 : i32
        %add3A_101 = vector.broadcast %add3A_100 : i32 to vector<16xi32>
        %add3A_102 = arith.addi %add3A_101, %div3A_24 : vector<16xi32>
        %mul3A_103 = arith.constant 64 : i32
        %mul3A_104 = arith.muli %scan3A_54, %mul3A_103 : i32
        %add3A_105 = arith.constant 32 : i32
        %add3A_106 = arith.addi %mul3A_104, %add3A_105 : i32
        %get3A_107 = arith.index_cast %add3A_106 : i32 to index
        %get3A_108 = tpu.vector_load %arg12[%get3A_107] {strides = array<i32>} : memref<4096xf32, #tpu.memory_space<vmem>>, vector<16xf32>,
        %gather3A_109 = tpu.vector_load_idx %arg13[%add3A_102] : memref<1024xi32, #tpu.memory_space<vmem>>[vector<16xi32>], vector<16xi32>,
        %sub3A_110 = vector.broadcast %mul3A_19 : i32 to vector<16xi32>
        %sub3A_111 = arith.subi %gather3A_109, %sub3A_110 : vector<16xi32>
        %ge3A_112 = arith.constant 0 : i32
        %ge3A_113 = vector.broadcast %ge3A_112 : i32 to vector<16xi32>
        %ge3A_114 = arith.cmpi sge, %sub3A_111, %ge3A_113 : vector<16xi32>
        %lt3A_115 = arith.constant 3128 : i32
        %lt3A_116 = vector.broadcast %lt3A_115 : i32 to vector<16xi32>
        %lt3A_117 = arith.cmpi slt, %sub3A_111, %lt3A_116 : vector<16xi32>
        %and3A_118 = arith.andi %ge3A_114, %lt3A_117 : vector<16xi1>
        tpu.vector_store_idx %arg9[%sub3A_111, %rem3A_22], %get3A_108 masked %and3A_118 {add = true} : memref<3128x4xf32, #tpu.memory_space<vmem>>[vector<16xi32>, vector<16xi32>], vector<16xf32>, vector<16xi1>
        %mul3A_119 = arith.mulf %get3A_108, %get3A_108 : vector<16xf32>
        tpu.vector_store_idx %arg10[%sub3A_111, %rem3A_22], %mul3A_119 masked %and3A_118 {add = true} : memref<3128x4xf32, #tpu.memory_space<vmem>>[vector<16xi32>, vector<16xi32>], vector<16xf32>, vector<16xi1>
        tpu.vector_store_idx %arg11[%sub3A_111, %rem3A_22], %broadcast_in_dim3A_26 masked %and3A_118 {add = true} : memref<3128x4xf32, #tpu.memory_space<vmem>>[vector<16xi32>, vector<16xi32>], vector<16xf32>, vector<16xi1>
        %mul3A_120 = arith.constant 16 : i32
        %mul3A_121 = arith.muli %scan3A_54, %mul3A_120 : i32
        %add3A_122 = arith.constant 12 : i32
        %add3A_123 = arith.addi %mul3A_121, %add3A_122 : i32
        %add3A_124 = vector.broadcast %add3A_123 : i32 to vector<16xi32>
        %add3A_125 = arith.addi %add3A_124, %div3A_24 : vector<16xi32>
        %mul3A_126 = arith.constant 64 : i32
        %mul3A_127 = arith.muli %scan3A_54, %mul3A_126 : i32
        %add3A_128 = arith.constant 48 : i32
        %add3A_129 = arith.addi %mul3A_127, %add3A_128 : i32
        %get3A_130 = arith.index_cast %add3A_129 : i32 to index
        %get3A_131 = tpu.vector_load %arg12[%get3A_130] {strides = array<i32>} : memref<4096xf32, #tpu.memory_space<vmem>>, vector<16xf32>,
        %gather3A_132 = tpu.vector_load_idx %arg13[%add3A_125] : memref<1024xi32, #tpu.memory_space<vmem>>[vector<16xi32>], vector<16xi32>,
        %sub3A_133 = vector.broadcast %mul3A_19 : i32 to vector<16xi32>
        %sub3A_134 = arith.subi %gather3A_132, %sub3A_133 : vector<16xi32>
        %ge3A_135 = arith.constant 0 : i32
        %ge3A_136 = vector.broadcast %ge3A_135 : i32 to vector<16xi32>
        %ge3A_137 = arith.cmpi sge, %sub3A_134, %ge3A_136 : vector<16xi32>
        %lt3A_138 = arith.constant 3128 : i32
        %lt3A_139 = vector.broadcast %lt3A_138 : i32 to vector<16xi32>
        %lt3A_140 = arith.cmpi slt, %sub3A_134, %lt3A_139 : vector<16xi32>
        %and3A_141 = arith.andi %ge3A_137, %lt3A_140 : vector<16xi1>
        tpu.vector_store_idx %arg9[%sub3A_134, %rem3A_22], %get3A_131 masked %and3A_141 {add = true} : memref<3128x4xf32, #tpu.memory_space<vmem>>[vector<16xi32>, vector<16xi32>], vector<16xf32>, vector<16xi1>
        %mul3A_142 = arith.mulf %get3A_131, %get3A_131 : vector<16xf32>
        tpu.vector_store_idx %arg10[%sub3A_134, %rem3A_22], %mul3A_142 masked %and3A_141 {add = true} : memref<3128x4xf32, #tpu.memory_space<vmem>>[vector<16xi32>, vector<16xi32>], vector<16xf32>, vector<16xi1>
        tpu.vector_store_idx %arg11[%sub3A_134, %rem3A_22], %broadcast_in_dim3A_26 masked %and3A_141 {add = true} : memref<3128x4xf32, #tpu.memory_space<vmem>>[vector<16xi32>, vector<16xi32>], vector<16xf32>, vector<16xi1>
        %scan3A_143 = arith.constant 0 : i32
        %scan3A_144 = arith.constant 1 : i32
        %scan3A_145 = arith.addi %scan3A_54, %scan3A_144 : i32
        %mul3A_146 = arith.constant 16 : i32
        %mul3A_147 = arith.muli %scan3A_145, %mul3A_146 : i32
        %add3A_148 = arith.constant 0 : i32
        %add3A_149 = arith.addi %mul3A_147, %add3A_148 : i32
        %add3A_150 = vector.broadcast %add3A_149 : i32 to vector<16xi32>
        %add3A_151 = arith.addi %add3A_150, %div3A_24 : vector<16xi32>
        %mul3A_152 = arith.constant 64 : i32
        %mul3A_153 = arith.muli %scan3A_145, %mul3A_152 : i32
        %add3A_154 = arith.constant 0 : i32
        %add3A_155 = arith.addi %mul3A_153, %add3A_154 : i32
        %get3A_156 = arith.index_cast %add3A_155 : i32 to index
        %get3A_157 = tpu.vector_load %arg12[%get3A_156] {strides = array<i32>} : memref<4096xf32, #tpu.memory_space<vmem>>, vector<16xf32>,
        %gather3A_158 = tpu.vector_load_idx %arg13[%add3A_151] : memref<1024xi32, #tpu.memory_space<vmem>>[vector<16xi32>], vector<16xi32>,
        %sub3A_159 = vector.broadcast %mul3A_19 : i32 to vector<16xi32>
        %sub3A_160 = arith.subi %gather3A_158, %sub3A_159 : vector<16xi32>
        %ge3A_161 = arith.constant 0 : i32
        %ge3A_162 = vector.broadcast %ge3A_161 : i32 to vector<16xi32>
        %ge3A_163 = arith.cmpi sge, %sub3A_160, %ge3A_162 : vector<16xi32>
        %lt3A_164 = arith.constant 3128 : i32
        %lt3A_165 = vector.broadcast %lt3A_164 : i32 to vector<16xi32>
        %lt3A_166 = arith.cmpi slt, %sub3A_160, %lt3A_165 : vector<16xi32>
        %and3A_167 = arith.andi %ge3A_163, %lt3A_166 : vector<16xi1>
        tpu.vector_store_idx %arg9[%sub3A_160, %rem3A_22], %get3A_157 masked %and3A_167 {add = true} : memref<3128x4xf32, #tpu.memory_space<vmem>>[vector<16xi32>, vector<16xi32>], vector<16xf32>, vector<16xi1>
        %mul3A_168 = arith.mulf %get3A_157, %get3A_157 : vector<16xf32>
        tpu.vector_store_idx %arg10[%sub3A_160, %rem3A_22], %mul3A_168 masked %and3A_167 {add = true} : memref<3128x4xf32, #tpu.memory_space<vmem>>[vector<16xi32>, vector<16xi32>], vector<16xf32>, vector<16xi1>
        tpu.vector_store_idx %arg11[%sub3A_160, %rem3A_22], %broadcast_in_dim3A_26 masked %and3A_167 {add = true} : memref<3128x4xf32, #tpu.memory_space<vmem>>[vector<16xi32>, vector<16xi32>], vector<16xf32>, vector<16xi1>
        %mul3A_169 = arith.constant 16 : i32
        %mul3A_170 = arith.muli %scan3A_145, %mul3A_169 : i32
        %add3A_171 = arith.constant 4 : i32
        %add3A_172 = arith.addi %mul3A_170, %add3A_171 : i32
        %add3A_173 = vector.broadcast %add3A_172 : i32 to vector<16xi32>
        %add3A_174 = arith.addi %add3A_173, %div3A_24 : vector<16xi32>
        %mul3A_175 = arith.constant 64 : i32
        %mul3A_176 = arith.muli %scan3A_145, %mul3A_175 : i32
        %add3A_177 = arith.constant 16 : i32
        %add3A_178 = arith.addi %mul3A_176, %add3A_177 : i32
        %get3A_179 = arith.index_cast %add3A_178 : i32 to index
        %get3A_180 = tpu.vector_load %arg12[%get3A_179] {strides = array<i32>} : memref<4096xf32, #tpu.memory_space<vmem>>, vector<16xf32>,
        %gather3A_181 = tpu.vector_load_idx %arg13[%add3A_174] : memref<1024xi32, #tpu.memory_space<vmem>>[vector<16xi32>], vector<16xi32>,
        %sub3A_182 = vector.broadcast %mul3A_19 : i32 to vector<16xi32>
        %sub3A_183 = arith.subi %gather3A_181, %sub3A_182 : vector<16xi32>
        %ge3A_184 = arith.constant 0 : i32
        %ge3A_185 = vector.broadcast %ge3A_184 : i32 to vector<16xi32>
        %ge3A_186 = arith.cmpi sge, %sub3A_183, %ge3A_185 : vector<16xi32>
        %lt3A_187 = arith.constant 3128 : i32
        %lt3A_188 = vector.broadcast %lt3A_187 : i32 to vector<16xi32>
        %lt3A_189 = arith.cmpi slt, %sub3A_183, %lt3A_188 : vector<16xi32>
        %and3A_190 = arith.andi %ge3A_186, %lt3A_189 : vector<16xi1>
        tpu.vector_store_idx %arg9[%sub3A_183, %rem3A_22], %get3A_180 masked %and3A_190 {add = true} : memref<3128x4xf32, #tpu.memory_space<vmem>>[vector<16xi32>, vector<16xi32>], vector<16xf32>, vector<16xi1>
        %mul3A_191 = arith.mulf %get3A_180, %get3A_180 : vector<16xf32>
        tpu.vector_store_idx %arg10[%sub3A_183, %rem3A_22], %mul3A_191 masked %and3A_190 {add = true} : memref<3128x4xf32, #tpu.memory_space<vmem>>[vector<16xi32>, vector<16xi32>], vector<16xf32>, vector<16xi1>
        tpu.vector_store_idx %arg11[%sub3A_183, %rem3A_22], %broadcast_in_dim3A_26 masked %and3A_190 {add = true} : memref<3128x4xf32, #tpu.memory_space<vmem>>[vector<16xi32>, vector<16xi32>], vector<16xf32>, vector<16xi1>
        %mul3A_192 = arith.constant 16 : i32
        %mul3A_193 = arith.muli %scan3A_145, %mul3A_192 : i32
        %add3A_194 = arith.constant 8 : i32
        %add3A_195 = arith.addi %mul3A_193, %add3A_194 : i32
        %add3A_196 = vector.broadcast %add3A_195 : i32 to vector<16xi32>
        %add3A_197 = arith.addi %add3A_196, %div3A_24 : vector<16xi32>
        %mul3A_198 = arith.constant 64 : i32
        %mul3A_199 = arith.muli %scan3A_145, %mul3A_198 : i32
        %add3A_200 = arith.constant 32 : i32
        %add3A_201 = arith.addi %mul3A_199, %add3A_200 : i32
        %get3A_202 = arith.index_cast %add3A_201 : i32 to index
        %get3A_203 = tpu.vector_load %arg12[%get3A_202] {strides = array<i32>} : memref<4096xf32, #tpu.memory_space<vmem>>, vector<16xf32>,
        %gather3A_204 = tpu.vector_load_idx %arg13[%add3A_197] : memref<1024xi32, #tpu.memory_space<vmem>>[vector<16xi32>], vector<16xi32>,
        %sub3A_205 = vector.broadcast %mul3A_19 : i32 to vector<16xi32>
        %sub3A_206 = arith.subi %gather3A_204, %sub3A_205 : vector<16xi32>
        %ge3A_207 = arith.constant 0 : i32
        %ge3A_208 = vector.broadcast %ge3A_207 : i32 to vector<16xi32>
        %ge3A_209 = arith.cmpi sge, %sub3A_206, %ge3A_208 : vector<16xi32>
        %lt3A_210 = arith.constant 3128 : i32
        %lt3A_211 = vector.broadcast %lt3A_210 : i32 to vector<16xi32>
        %lt3A_212 = arith.cmpi slt, %sub3A_206, %lt3A_211 : vector<16xi32>
        %and3A_213 = arith.andi %ge3A_209, %lt3A_212 : vector<16xi1>
        tpu.vector_store_idx %arg9[%sub3A_206, %rem3A_22], %get3A_203 masked %and3A_213 {add = true} : memref<3128x4xf32, #tpu.memory_space<vmem>>[vector<16xi32>, vector<16xi32>], vector<16xf32>, vector<16xi1>
        %mul3A_214 = arith.mulf %get3A_203, %get3A_203 : vector<16xf32>
        tpu.vector_store_idx %arg10[%sub3A_206, %rem3A_22], %mul3A_214 masked %and3A_213 {add = true} : memref<3128x4xf32, #tpu.memory_space<vmem>>[vector<16xi32>, vector<16xi32>], vector<16xf32>, vector<16xi1>
        tpu.vector_store_idx %arg11[%sub3A_206, %rem3A_22], %broadcast_in_dim3A_26 masked %and3A_213 {add = true} : memref<3128x4xf32, #tpu.memory_space<vmem>>[vector<16xi32>, vector<16xi32>], vector<16xf32>, vector<16xi1>
        %mul3A_215 = arith.constant 16 : i32
        %mul3A_216 = arith.muli %scan3A_145, %mul3A_215 : i32
        %add3A_217 = arith.constant 12 : i32
        %add3A_218 = arith.addi %mul3A_216, %add3A_217 : i32
        %add3A_219 = vector.broadcast %add3A_218 : i32 to vector<16xi32>
        %add3A_220 = arith.addi %add3A_219, %div3A_24 : vector<16xi32>
        %mul3A_221 = arith.constant 64 : i32
        %mul3A_222 = arith.muli %scan3A_145, %mul3A_221 : i32
        %add3A_223 = arith.constant 48 : i32
        %add3A_224 = arith.addi %mul3A_222, %add3A_223 : i32
        %get3A_225 = arith.index_cast %add3A_224 : i32 to index
        %get3A_226 = tpu.vector_load %arg12[%get3A_225] {strides = array<i32>} : memref<4096xf32, #tpu.memory_space<vmem>>, vector<16xf32>,
        %gather3A_227 = tpu.vector_load_idx %arg13[%add3A_220] : memref<1024xi32, #tpu.memory_space<vmem>>[vector<16xi32>], vector<16xi32>,
        %sub3A_228 = vector.broadcast %mul3A_19 : i32 to vector<16xi32>
        %sub3A_229 = arith.subi %gather3A_227, %sub3A_228 : vector<16xi32>
        %ge3A_230 = arith.constant 0 : i32
        %ge3A_231 = vector.broadcast %ge3A_230 : i32 to vector<16xi32>
        %ge3A_232 = arith.cmpi sge, %sub3A_229, %ge3A_231 : vector<16xi32>
        %lt3A_233 = arith.constant 3128 : i32
        %lt3A_234 = vector.broadcast %lt3A_233 : i32 to vector<16xi32>
        %lt3A_235 = arith.cmpi slt, %sub3A_229, %lt3A_234 : vector<16xi32>
        %and3A_236 = arith.andi %ge3A_232, %lt3A_235 : vector<16xi1>
        tpu.vector_store_idx %arg9[%sub3A_229, %rem3A_22], %get3A_226 masked %and3A_236 {add = true} : memref<3128x4xf32, #tpu.memory_space<vmem>>[vector<16xi32>, vector<16xi32>], vector<16xf32>, vector<16xi1>
        %mul3A_237 = arith.mulf %get3A_226, %get3A_226 : vector<16xf32>
        tpu.vector_store_idx %arg10[%sub3A_229, %rem3A_22], %mul3A_237 masked %and3A_236 {add = true} : memref<3128x4xf32, #tpu.memory_space<vmem>>[vector<16xi32>, vector<16xi32>], vector<16xf32>, vector<16xi1>
        tpu.vector_store_idx %arg11[%sub3A_229, %rem3A_22], %broadcast_in_dim3A_26 masked %and3A_236 {add = true} : memref<3128x4xf32, #tpu.memory_space<vmem>>[vector<16xi32>, vector<16xi32>], vector<16xf32>, vector<16xi1>
        %scan3A_238 = arith.constant 0 : i32
        scf.yield %scan3A_238 : i32
      }
      %scan3A_52 = arith.constant 64 : i32
      %while3A_53 = arith.constant 0 : i32
      scf.yield %while3A_53 : i32
    }
    %while3A_36 = arith.constant 1 : i32
    %while3A_37 = scf.for %while3A_38 = %while3A_33 to %while3A_29 step %while3A_36 iter_args(%while3A_39 = %while3A_35) -> (i32)  : i32 {
      %add3A_40 = arith.addi %reduce_sum3A_6, %while3A_38 : i32
      %mul3A_41 = arith.constant 1024 : i32
      %mul3A_42 = arith.muli %add3A_40, %mul3A_41 : i32
      %mul3A_43 = arith.constant 4 : i32
      %mul3A_44 = arith.muli %mul3A_42, %mul3A_43 : i32
      "tpu.region"() ({
        %run_scoped3A = tpu.sem_alloc : memref<!tpu.dma_semaphore, #tpu.memory_space<semaphore_mem>>
        %dma_start3A = tpu.memref_slice %arg2[%mul3A_44] : memref<12800000xf32, #tpu.memory_space<hbm>> -> memref<4096xf32, #tpu.memory_space<hbm>>
        %dma_start3A_54 = tpu.memref_slice %arg2[%mul3A_44] : memref<12800000xf32, #tpu.memory_space<hbm>> -> memref<4096xf32, #tpu.memory_space<hbm>>
        tpu.enqueue_dma source(%dma_start3A_54 : memref<4096xf32, #tpu.memory_space<hbm>>) target(%arg12 : memref<4096xf32, #tpu.memory_space<vmem>>) target_semaphore(%run_scoped3A : memref<!tpu.dma_semaphore, #tpu.memory_space<semaphore_mem>>)
        %dma_wait3A = tpu.memref_slice %arg2[%mul3A_44] : memref<12800000xf32, #tpu.memory_space<hbm>> -> memref<4096xf32, #tpu.memory_space<hbm>>
        %dma_wait3A_55 = tpu.memref_slice %arg2[%mul3A_44] : memref<12800000xf32, #tpu.memory_space<hbm>> -> memref<4096xf32, #tpu.memory_space<hbm>>
        tpu.wait_dma2 semaphore(%run_scoped3A : memref<!tpu.dma_semaphore, #tpu.memory_space<semaphore_mem>>) src(%dma_wait3A_55 : memref<4096xf32, #tpu.memory_space<hbm>>) dst(%arg12 : memref<4096xf32, #tpu.memory_space<vmem>>)
        tpu.yield
      }) : () -> ()
      %mul3A_45 = arith.constant 1024 : i32
      %mul3A_46 = arith.muli %add3A_40, %mul3A_45 : i32
      "tpu.region"() ({
        %run_scoped3A = tpu.sem_alloc : memref<!tpu.dma_semaphore, #tpu.memory_space<semaphore_mem>>
        %dma_start3A = tpu.memref_slice %arg3[%mul3A_46] : memref<3200000xi32, #tpu.memory_space<hbm>> -> memref<1024xi32, #tpu.memory_space<hbm>>
        %dma_start3A_54 = tpu.memref_slice %arg3[%mul3A_46] : memref<3200000xi32, #tpu.memory_space<hbm>> -> memref<1024xi32, #tpu.memory_space<hbm>>
        tpu.enqueue_dma source(%dma_start3A_54 : memref<1024xi32, #tpu.memory_space<hbm>>) target(%arg13 : memref<1024xi32, #tpu.memory_space<vmem>>) target_semaphore(%run_scoped3A : memref<!tpu.dma_semaphore, #tpu.memory_space<semaphore_mem>>)
        %dma_wait3A = tpu.memref_slice %arg3[%mul3A_46] : memref<3200000xi32, #tpu.memory_space<hbm>> -> memref<1024xi32, #tpu.memory_space<hbm>>
        %dma_wait3A_55 = tpu.memref_slice %arg3[%mul3A_46] : memref<3200000xi32, #tpu.memory_space<hbm>> -> memref<1024xi32, #tpu.memory_space<hbm>>
        tpu.wait_dma2 semaphore(%run_scoped3A : memref<!tpu.dma_semaphore, #tpu.memory_space<semaphore_mem>>) src(%dma_wait3A_55 : memref<1024xi32, #tpu.memory_space<hbm>>) dst(%arg13 : memref<1024xi32, #tpu.memory_space<vmem>>)
        tpu.yield
      }) : () -> ()
      %scan3A = arith.constant 0 : i32
      %scan3A_47 = arith.constant 0 : i32
      %scan3A_48 = arith.constant 64 : i32
      %scan3A_49 = arith.addi %scan3A_47, %scan3A_48 : i32
      %scan3A_50 = arith.constant 2 : i32
      %scan3A_51 = scf.for %scan3A_54 = %scan3A_47 to %scan3A_49 step %scan3A_50 iter_args(%scan3A_55 = %scan3A) -> (i32)  : i32 {
        %mul3A_56 = arith.constant 16 : i32
        %mul3A_57 = arith.muli %scan3A_54, %mul3A_56 : i32
        %add3A_58 = arith.constant 0 : i32
        %add3A_59 = arith.addi %mul3A_57, %add3A_58 : i32
        %add3A_60 = vector.broadcast %add3A_59 : i32 to vector<16xi32>
        %add3A_61 = arith.addi %add3A_60, %div3A_24 : vector<16xi32>
        %mul3A_62 = arith.constant 64 : i32
        %mul3A_63 = arith.muli %scan3A_54, %mul3A_62 : i32
        %add3A_64 = arith.constant 0 : i32
        %add3A_65 = arith.addi %mul3A_63, %add3A_64 : i32
        %get3A_66 = arith.index_cast %add3A_65 : i32 to index
        %get3A_67 = tpu.vector_load %arg12[%get3A_66] {strides = array<i32>} : memref<4096xf32, #tpu.memory_space<vmem>>, vector<16xf32>,
        %gather3A = tpu.vector_load_idx %arg13[%add3A_61] : memref<1024xi32, #tpu.memory_space<vmem>>[vector<16xi32>], vector<16xi32>,
        %sub3A = vector.broadcast %mul3A_19 : i32 to vector<16xi32>
        %sub3A_68 = arith.subi %gather3A, %sub3A : vector<16xi32>
        %ge3A = arith.constant 0 : i32
        %ge3A_69 = vector.broadcast %ge3A : i32 to vector<16xi32>
        %ge3A_70 = arith.cmpi sge, %sub3A_68, %ge3A_69 : vector<16xi32>
        %lt3A = arith.constant 3128 : i32
        %lt3A_71 = vector.broadcast %lt3A : i32 to vector<16xi32>
        %lt3A_72 = arith.cmpi slt, %sub3A_68, %lt3A_71 : vector<16xi32>
        %and3A = arith.andi %ge3A_70, %lt3A_72 : vector<16xi1>
        tpu.vector_store_idx %arg9[%sub3A_68, %rem3A_22], %get3A_67 masked %and3A {add = true} : memref<3128x4xf32, #tpu.memory_space<vmem>>[vector<16xi32>, vector<16xi32>], vector<16xf32>, vector<16xi1>
        %mul3A_73 = arith.mulf %get3A_67, %get3A_67 : vector<16xf32>
        tpu.vector_store_idx %arg10[%sub3A_68, %rem3A_22], %mul3A_73 masked %and3A {add = true} : memref<3128x4xf32, #tpu.memory_space<vmem>>[vector<16xi32>, vector<16xi32>], vector<16xf32>, vector<16xi1>
        tpu.vector_store_idx %arg11[%sub3A_68, %rem3A_22], %broadcast_in_dim3A_26 masked %and3A {add = true} : memref<3128x4xf32, #tpu.memory_space<vmem>>[vector<16xi32>, vector<16xi32>], vector<16xf32>, vector<16xi1>
        %mul3A_74 = arith.constant 16 : i32
        %mul3A_75 = arith.muli %scan3A_54, %mul3A_74 : i32
        %add3A_76 = arith.constant 4 : i32
        %add3A_77 = arith.addi %mul3A_75, %add3A_76 : i32
        %add3A_78 = vector.broadcast %add3A_77 : i32 to vector<16xi32>
        %add3A_79 = arith.addi %add3A_78, %div3A_24 : vector<16xi32>
        %mul3A_80 = arith.constant 64 : i32
        %mul3A_81 = arith.muli %scan3A_54, %mul3A_80 : i32
        %add3A_82 = arith.constant 16 : i32
        %add3A_83 = arith.addi %mul3A_81, %add3A_82 : i32
        %get3A_84 = arith.index_cast %add3A_83 : i32 to index
        %get3A_85 = tpu.vector_load %arg12[%get3A_84] {strides = array<i32>} : memref<4096xf32, #tpu.memory_space<vmem>>, vector<16xf32>,
        %gather3A_86 = tpu.vector_load_idx %arg13[%add3A_79] : memref<1024xi32, #tpu.memory_space<vmem>>[vector<16xi32>], vector<16xi32>,
        %sub3A_87 = vector.broadcast %mul3A_19 : i32 to vector<16xi32>
        %sub3A_88 = arith.subi %gather3A_86, %sub3A_87 : vector<16xi32>
        %ge3A_89 = arith.constant 0 : i32
        %ge3A_90 = vector.broadcast %ge3A_89 : i32 to vector<16xi32>
        %ge3A_91 = arith.cmpi sge, %sub3A_88, %ge3A_90 : vector<16xi32>
        %lt3A_92 = arith.constant 3128 : i32
        %lt3A_93 = vector.broadcast %lt3A_92 : i32 to vector<16xi32>
        %lt3A_94 = arith.cmpi slt, %sub3A_88, %lt3A_93 : vector<16xi32>
        %and3A_95 = arith.andi %ge3A_91, %lt3A_94 : vector<16xi1>
        tpu.vector_store_idx %arg9[%sub3A_88, %rem3A_22], %get3A_85 masked %and3A_95 {add = true} : memref<3128x4xf32, #tpu.memory_space<vmem>>[vector<16xi32>, vector<16xi32>], vector<16xf32>, vector<16xi1>
        %mul3A_96 = arith.mulf %get3A_85, %get3A_85 : vector<16xf32>
        tpu.vector_store_idx %arg10[%sub3A_88, %rem3A_22], %mul3A_96 masked %and3A_95 {add = true} : memref<3128x4xf32, #tpu.memory_space<vmem>>[vector<16xi32>, vector<16xi32>], vector<16xf32>, vector<16xi1>
        tpu.vector_store_idx %arg11[%sub3A_88, %rem3A_22], %broadcast_in_dim3A_26 masked %and3A_95 {add = true} : memref<3128x4xf32, #tpu.memory_space<vmem>>[vector<16xi32>, vector<16xi32>], vector<16xf32>, vector<16xi1>
        %mul3A_97 = arith.constant 16 : i32
        %mul3A_98 = arith.muli %scan3A_54, %mul3A_97 : i32
        %add3A_99 = arith.constant 8 : i32
        %add3A_100 = arith.addi %mul3A_98, %add3A_99 : i32
        %add3A_101 = vector.broadcast %add3A_100 : i32 to vector<16xi32>
        %add3A_102 = arith.addi %add3A_101, %div3A_24 : vector<16xi32>
        %mul3A_103 = arith.constant 64 : i32
        %mul3A_104 = arith.muli %scan3A_54, %mul3A_103 : i32
        %add3A_105 = arith.constant 32 : i32
        %add3A_106 = arith.addi %mul3A_104, %add3A_105 : i32
        %get3A_107 = arith.index_cast %add3A_106 : i32 to index
        %get3A_108 = tpu.vector_load %arg12[%get3A_107] {strides = array<i32>} : memref<4096xf32, #tpu.memory_space<vmem>>, vector<16xf32>,
        %gather3A_109 = tpu.vector_load_idx %arg13[%add3A_102] : memref<1024xi32, #tpu.memory_space<vmem>>[vector<16xi32>], vector<16xi32>,
        %sub3A_110 = vector.broadcast %mul3A_19 : i32 to vector<16xi32>
        %sub3A_111 = arith.subi %gather3A_109, %sub3A_110 : vector<16xi32>
        %ge3A_112 = arith.constant 0 : i32
        %ge3A_113 = vector.broadcast %ge3A_112 : i32 to vector<16xi32>
        %ge3A_114 = arith.cmpi sge, %sub3A_111, %ge3A_113 : vector<16xi32>
        %lt3A_115 = arith.constant 3128 : i32
        %lt3A_116 = vector.broadcast %lt3A_115 : i32 to vector<16xi32>
        %lt3A_117 = arith.cmpi slt, %sub3A_111, %lt3A_116 : vector<16xi32>
        %and3A_118 = arith.andi %ge3A_114, %lt3A_117 : vector<16xi1>
        tpu.vector_store_idx %arg9[%sub3A_111, %rem3A_22], %get3A_108 masked %and3A_118 {add = true} : memref<3128x4xf32, #tpu.memory_space<vmem>>[vector<16xi32>, vector<16xi32>], vector<16xf32>, vector<16xi1>
        %mul3A_119 = arith.mulf %get3A_108, %get3A_108 : vector<16xf32>
        tpu.vector_store_idx %arg10[%sub3A_111, %rem3A_22], %mul3A_119 masked %and3A_118 {add = true} : memref<3128x4xf32, #tpu.memory_space<vmem>>[vector<16xi32>, vector<16xi32>], vector<16xf32>, vector<16xi1>
        tpu.vector_store_idx %arg11[%sub3A_111, %rem3A_22], %broadcast_in_dim3A_26 masked %and3A_118 {add = true} : memref<3128x4xf32, #tpu.memory_space<vmem>>[vector<16xi32>, vector<16xi32>], vector<16xf32>, vector<16xi1>
        %mul3A_120 = arith.constant 16 : i32
        %mul3A_121 = arith.muli %scan3A_54, %mul3A_120 : i32
        %add3A_122 = arith.constant 12 : i32
        %add3A_123 = arith.addi %mul3A_121, %add3A_122 : i32
        %add3A_124 = vector.broadcast %add3A_123 : i32 to vector<16xi32>
        %add3A_125 = arith.addi %add3A_124, %div3A_24 : vector<16xi32>
        %mul3A_126 = arith.constant 64 : i32
        %mul3A_127 = arith.muli %scan3A_54, %mul3A_126 : i32
        %add3A_128 = arith.constant 48 : i32
        %add3A_129 = arith.addi %mul3A_127, %add3A_128 : i32
        %get3A_130 = arith.index_cast %add3A_129 : i32 to index
        %get3A_131 = tpu.vector_load %arg12[%get3A_130] {strides = array<i32>} : memref<4096xf32, #tpu.memory_space<vmem>>, vector<16xf32>,
        %gather3A_132 = tpu.vector_load_idx %arg13[%add3A_125] : memref<1024xi32, #tpu.memory_space<vmem>>[vector<16xi32>], vector<16xi32>,
        %sub3A_133 = vector.broadcast %mul3A_19 : i32 to vector<16xi32>
        %sub3A_134 = arith.subi %gather3A_132, %sub3A_133 : vector<16xi32>
        %ge3A_135 = arith.constant 0 : i32
        %ge3A_136 = vector.broadcast %ge3A_135 : i32 to vector<16xi32>
        %ge3A_137 = arith.cmpi sge, %sub3A_134, %ge3A_136 : vector<16xi32>
        %lt3A_138 = arith.constant 3128 : i32
        %lt3A_139 = vector.broadcast %lt3A_138 : i32 to vector<16xi32>
        %lt3A_140 = arith.cmpi slt, %sub3A_134, %lt3A_139 : vector<16xi32>
        %and3A_141 = arith.andi %ge3A_137, %lt3A_140 : vector<16xi1>
        tpu.vector_store_idx %arg9[%sub3A_134, %rem3A_22], %get3A_131 masked %and3A_141 {add = true} : memref<3128x4xf32, #tpu.memory_space<vmem>>[vector<16xi32>, vector<16xi32>], vector<16xf32>, vector<16xi1>
        %mul3A_142 = arith.mulf %get3A_131, %get3A_131 : vector<16xf32>
        tpu.vector_store_idx %arg10[%sub3A_134, %rem3A_22], %mul3A_142 masked %and3A_141 {add = true} : memref<3128x4xf32, #tpu.memory_space<vmem>>[vector<16xi32>, vector<16xi32>], vector<16xf32>, vector<16xi1>
        tpu.vector_store_idx %arg11[%sub3A_134, %rem3A_22], %broadcast_in_dim3A_26 masked %and3A_141 {add = true} : memref<3128x4xf32, #tpu.memory_space<vmem>>[vector<16xi32>, vector<16xi32>], vector<16xf32>, vector<16xi1>
        %scan3A_143 = arith.constant 0 : i32
        %scan3A_144 = arith.constant 1 : i32
        %scan3A_145 = arith.addi %scan3A_54, %scan3A_144 : i32
        %mul3A_146 = arith.constant 16 : i32
        %mul3A_147 = arith.muli %scan3A_145, %mul3A_146 : i32
        %add3A_148 = arith.constant 0 : i32
        %add3A_149 = arith.addi %mul3A_147, %add3A_148 : i32
        %add3A_150 = vector.broadcast %add3A_149 : i32 to vector<16xi32>
        %add3A_151 = arith.addi %add3A_150, %div3A_24 : vector<16xi32>
        %mul3A_152 = arith.constant 64 : i32
        %mul3A_153 = arith.muli %scan3A_145, %mul3A_152 : i32
        %add3A_154 = arith.constant 0 : i32
        %add3A_155 = arith.addi %mul3A_153, %add3A_154 : i32
        %get3A_156 = arith.index_cast %add3A_155 : i32 to index
        %get3A_157 = tpu.vector_load %arg12[%get3A_156] {strides = array<i32>} : memref<4096xf32, #tpu.memory_space<vmem>>, vector<16xf32>,
        %gather3A_158 = tpu.vector_load_idx %arg13[%add3A_151] : memref<1024xi32, #tpu.memory_space<vmem>>[vector<16xi32>], vector<16xi32>,
        %sub3A_159 = vector.broadcast %mul3A_19 : i32 to vector<16xi32>
        %sub3A_160 = arith.subi %gather3A_158, %sub3A_159 : vector<16xi32>
        %ge3A_161 = arith.constant 0 : i32
        %ge3A_162 = vector.broadcast %ge3A_161 : i32 to vector<16xi32>
        %ge3A_163 = arith.cmpi sge, %sub3A_160, %ge3A_162 : vector<16xi32>
        %lt3A_164 = arith.constant 3128 : i32
        %lt3A_165 = vector.broadcast %lt3A_164 : i32 to vector<16xi32>
        %lt3A_166 = arith.cmpi slt, %sub3A_160, %lt3A_165 : vector<16xi32>
        %and3A_167 = arith.andi %ge3A_163, %lt3A_166 : vector<16xi1>
        tpu.vector_store_idx %arg9[%sub3A_160, %rem3A_22], %get3A_157 masked %and3A_167 {add = true} : memref<3128x4xf32, #tpu.memory_space<vmem>>[vector<16xi32>, vector<16xi32>], vector<16xf32>, vector<16xi1>
        %mul3A_168 = arith.mulf %get3A_157, %get3A_157 : vector<16xf32>
        tpu.vector_store_idx %arg10[%sub3A_160, %rem3A_22], %mul3A_168 masked %and3A_167 {add = true} : memref<3128x4xf32, #tpu.memory_space<vmem>>[vector<16xi32>, vector<16xi32>], vector<16xf32>, vector<16xi1>
        tpu.vector_store_idx %arg11[%sub3A_160, %rem3A_22], %broadcast_in_dim3A_26 masked %and3A_167 {add = true} : memref<3128x4xf32, #tpu.memory_space<vmem>>[vector<16xi32>, vector<16xi32>], vector<16xf32>, vector<16xi1>
        %mul3A_169 = arith.constant 16 : i32
        %mul3A_170 = arith.muli %scan3A_145, %mul3A_169 : i32
        %add3A_171 = arith.constant 4 : i32
        %add3A_172 = arith.addi %mul3A_170, %add3A_171 : i32
        %add3A_173 = vector.broadcast %add3A_172 : i32 to vector<16xi32>
        %add3A_174 = arith.addi %add3A_173, %div3A_24 : vector<16xi32>
        %mul3A_175 = arith.constant 64 : i32
        %mul3A_176 = arith.muli %scan3A_145, %mul3A_175 : i32
        %add3A_177 = arith.constant 16 : i32
        %add3A_178 = arith.addi %mul3A_176, %add3A_177 : i32
        %get3A_179 = arith.index_cast %add3A_178 : i32 to index
        %get3A_180 = tpu.vector_load %arg12[%get3A_179] {strides = array<i32>} : memref<4096xf32, #tpu.memory_space<vmem>>, vector<16xf32>,
        %gather3A_181 = tpu.vector_load_idx %arg13[%add3A_174] : memref<1024xi32, #tpu.memory_space<vmem>>[vector<16xi32>], vector<16xi32>,
        %sub3A_182 = vector.broadcast %mul3A_19 : i32 to vector<16xi32>
        %sub3A_183 = arith.subi %gather3A_181, %sub3A_182 : vector<16xi32>
        %ge3A_184 = arith.constant 0 : i32
        %ge3A_185 = vector.broadcast %ge3A_184 : i32 to vector<16xi32>
        %ge3A_186 = arith.cmpi sge, %sub3A_183, %ge3A_185 : vector<16xi32>
        %lt3A_187 = arith.constant 3128 : i32
        %lt3A_188 = vector.broadcast %lt3A_187 : i32 to vector<16xi32>
        %lt3A_189 = arith.cmpi slt, %sub3A_183, %lt3A_188 : vector<16xi32>
        %and3A_190 = arith.andi %ge3A_186, %lt3A_189 : vector<16xi1>
        tpu.vector_store_idx %arg9[%sub3A_183, %rem3A_22], %get3A_180 masked %and3A_190 {add = true} : memref<3128x4xf32, #tpu.memory_space<vmem>>[vector<16xi32>, vector<16xi32>], vector<16xf32>, vector<16xi1>
        %mul3A_191 = arith.mulf %get3A_180, %get3A_180 : vector<16xf32>
        tpu.vector_store_idx %arg10[%sub3A_183, %rem3A_22], %mul3A_191 masked %and3A_190 {add = true} : memref<3128x4xf32, #tpu.memory_space<vmem>>[vector<16xi32>, vector<16xi32>], vector<16xf32>, vector<16xi1>
        tpu.vector_store_idx %arg11[%sub3A_183, %rem3A_22], %broadcast_in_dim3A_26 masked %and3A_190 {add = true} : memref<3128x4xf32, #tpu.memory_space<vmem>>[vector<16xi32>, vector<16xi32>], vector<16xf32>, vector<16xi1>
        %mul3A_192 = arith.constant 16 : i32
        %mul3A_193 = arith.muli %scan3A_145, %mul3A_192 : i32
        %add3A_194 = arith.constant 8 : i32
        %add3A_195 = arith.addi %mul3A_193, %add3A_194 : i32
        %add3A_196 = vector.broadcast %add3A_195 : i32 to vector<16xi32>
        %add3A_197 = arith.addi %add3A_196, %div3A_24 : vector<16xi32>
        %mul3A_198 = arith.constant 64 : i32
        %mul3A_199 = arith.muli %scan3A_145, %mul3A_198 : i32
        %add3A_200 = arith.constant 32 : i32
        %add3A_201 = arith.addi %mul3A_199, %add3A_200 : i32
        %get3A_202 = arith.index_cast %add3A_201 : i32 to index
        %get3A_203 = tpu.vector_load %arg12[%get3A_202] {strides = array<i32>} : memref<4096xf32, #tpu.memory_space<vmem>>, vector<16xf32>,
        %gather3A_204 = tpu.vector_load_idx %arg13[%add3A_197] : memref<1024xi32, #tpu.memory_space<vmem>>[vector<16xi32>], vector<16xi32>,
        %sub3A_205 = vector.broadcast %mul3A_19 : i32 to vector<16xi32>
        %sub3A_206 = arith.subi %gather3A_204, %sub3A_205 : vector<16xi32>
        %ge3A_207 = arith.constant 0 : i32
        %ge3A_208 = vector.broadcast %ge3A_207 : i32 to vector<16xi32>
        %ge3A_209 = arith.cmpi sge, %sub3A_206, %ge3A_208 : vector<16xi32>
        %lt3A_210 = arith.constant 3128 : i32
        %lt3A_211 = vector.broadcast %lt3A_210 : i32 to vector<16xi32>
        %lt3A_212 = arith.cmpi slt, %sub3A_206, %lt3A_211 : vector<16xi32>
        %and3A_213 = arith.andi %ge3A_209, %lt3A_212 : vector<16xi1>
        tpu.vector_store_idx %arg9[%sub3A_206, %rem3A_22], %get3A_203 masked %and3A_213 {add = true} : memref<3128x4xf32, #tpu.memory_space<vmem>>[vector<16xi32>, vector<16xi32>], vector<16xf32>, vector<16xi1>
        %mul3A_214 = arith.mulf %get3A_203, %get3A_203 : vector<16xf32>
        tpu.vector_store_idx %arg10[%sub3A_206, %rem3A_22], %mul3A_214 masked %and3A_213 {add = true} : memref<3128x4xf32, #tpu.memory_space<vmem>>[vector<16xi32>, vector<16xi32>], vector<16xf32>, vector<16xi1>
        tpu.vector_store_idx %arg11[%sub3A_206, %rem3A_22], %broadcast_in_dim3A_26 masked %and3A_213 {add = true} : memref<3128x4xf32, #tpu.memory_space<vmem>>[vector<16xi32>, vector<16xi32>], vector<16xf32>, vector<16xi1>
        %mul3A_215 = arith.constant 16 : i32
        %mul3A_216 = arith.muli %scan3A_145, %mul3A_215 : i32
        %add3A_217 = arith.constant 12 : i32
        %add3A_218 = arith.addi %mul3A_216, %add3A_217 : i32
        %add3A_219 = vector.broadcast %add3A_218 : i32 to vector<16xi32>
        %add3A_220 = arith.addi %add3A_219, %div3A_24 : vector<16xi32>
        %mul3A_221 = arith.constant 64 : i32
        %mul3A_222 = arith.muli %scan3A_145, %mul3A_221 : i32
        %add3A_223 = arith.constant 48 : i32
        %add3A_224 = arith.addi %mul3A_222, %add3A_223 : i32
        %get3A_225 = arith.index_cast %add3A_224 : i32 to index
        %get3A_226 = tpu.vector_load %arg12[%get3A_225] {strides = array<i32>} : memref<4096xf32, #tpu.memory_space<vmem>>, vector<16xf32>,
        %gather3A_227 = tpu.vector_load_idx %arg13[%add3A_220] : memref<1024xi32, #tpu.memory_space<vmem>>[vector<16xi32>], vector<16xi32>,
        %sub3A_228 = vector.broadcast %mul3A_19 : i32 to vector<16xi32>
        %sub3A_229 = arith.subi %gather3A_227, %sub3A_228 : vector<16xi32>
        %ge3A_230 = arith.constant 0 : i32
        %ge3A_231 = vector.broadcast %ge3A_230 : i32 to vector<16xi32>
        %ge3A_232 = arith.cmpi sge, %sub3A_229, %ge3A_231 : vector<16xi32>
        %lt3A_233 = arith.constant 3128 : i32
        %lt3A_234 = vector.broadcast %lt3A_233 : i32 to vector<16xi32>
        %lt3A_235 = arith.cmpi slt, %sub3A_229, %lt3A_234 : vector<16xi32>
        %and3A_236 = arith.andi %ge3A_232, %lt3A_235 : vector<16xi1>
        tpu.vector_store_idx %arg9[%sub3A_229, %rem3A_22], %get3A_226 masked %and3A_236 {add = true} : memref<3128x4xf32, #tpu.memory_space<vmem>>[vector<16xi32>, vector<16xi32>], vector<16xf32>, vector<16xi1>
        %mul3A_237 = arith.mulf %get3A_226, %get3A_226 : vector<16xf32>
        tpu.vector_store_idx %arg10[%sub3A_229, %rem3A_22], %mul3A_237 masked %and3A_236 {add = true} : memref<3128x4xf32, #tpu.memory_space<vmem>>[vector<16xi32>, vector<16xi32>], vector<16xf32>, vector<16xi1>
        tpu.vector_store_idx %arg11[%sub3A_229, %rem3A_22], %broadcast_in_dim3A_26 masked %and3A_236 {add = true} : memref<3128x4xf32, #tpu.memory_space<vmem>>[vector<16xi32>, vector<16xi32>], vector<16xf32>, vector<16xi1>
        %scan3A_238 = arith.constant 0 : i32
        scf.yield %scan3A_238 : i32
      }
      %scan3A_52 = arith.constant 64 : i32
      %while3A_53 = arith.constant 0 : i32
      scf.yield %while3A_53 : i32
    }
    "tpu.region"() ({
      %run_scoped3A = tpu.sem_alloc : memref<!tpu.dma_semaphore, #tpu.memory_space<semaphore_mem>>
      %dma_start3A = arith.constant 0 : i32
      %dma_start3A_38 = tpu.memref_slice %arg6[%mul3A_19, %dma_start3A] : memref<100096x4xf32, #tpu.memory_space<hbm>> -> memref<3128x4xf32, #tpu.memory_space<hbm>>
      %dma_start3A_39 = arith.constant 0 : i32
      %dma_start3A_40 = tpu.memref_slice %arg6[%mul3A_19, %dma_start3A_39] : memref<100096x4xf32, #tpu.memory_space<hbm>> -> memref<3128x4xf32, #tpu.memory_space<hbm>>
      tpu.enqueue_dma source(%arg9 : memref<3128x4xf32, #tpu.memory_space<vmem>>) target(%dma_start3A_40 : memref<3128x4xf32, #tpu.memory_space<hbm>>) target_semaphore(%run_scoped3A : memref<!tpu.dma_semaphore, #tpu.memory_space<semaphore_mem>>)
      %dma_wait3A = arith.constant 0 : i32
      %dma_wait3A_41 = tpu.memref_slice %arg6[%mul3A_19, %dma_wait3A] : memref<100096x4xf32, #tpu.memory_space<hbm>> -> memref<3128x4xf32, #tpu.memory_space<hbm>>
      %dma_wait3A_42 = arith.constant 0 : i32
      %dma_wait3A_43 = tpu.memref_slice %arg6[%mul3A_19, %dma_wait3A_42] : memref<100096x4xf32, #tpu.memory_space<hbm>> -> memref<3128x4xf32, #tpu.memory_space<hbm>>
      tpu.wait_dma2 semaphore(%run_scoped3A : memref<!tpu.dma_semaphore, #tpu.memory_space<semaphore_mem>>) src(%arg9 : memref<3128x4xf32, #tpu.memory_space<vmem>>) dst(%dma_wait3A_43 : memref<3128x4xf32, #tpu.memory_space<hbm>>)
      tpu.yield
    }) : () -> ()
    "tpu.region"() ({
      %run_scoped3A = tpu.sem_alloc : memref<!tpu.dma_semaphore, #tpu.memory_space<semaphore_mem>>
      %dma_start3A = arith.constant 0 : i32
      %dma_start3A_38 = tpu.memref_slice %arg7[%mul3A_19, %dma_start3A] : memref<100096x4xf32, #tpu.memory_space<hbm>> -> memref<3128x4xf32, #tpu.memory_space<hbm>>
      %dma_start3A_39 = arith.constant 0 : i32
      %dma_start3A_40 = tpu.memref_slice %arg7[%mul3A_19, %dma_start3A_39] : memref<100096x4xf32, #tpu.memory_space<hbm>> -> memref<3128x4xf32, #tpu.memory_space<hbm>>
      tpu.enqueue_dma source(%arg10 : memref<3128x4xf32, #tpu.memory_space<vmem>>) target(%dma_start3A_40 : memref<3128x4xf32, #tpu.memory_space<hbm>>) target_semaphore(%run_scoped3A : memref<!tpu.dma_semaphore, #tpu.memory_space<semaphore_mem>>)
      %dma_wait3A = arith.constant 0 : i32
      %dma_wait3A_41 = tpu.memref_slice %arg7[%mul3A_19, %dma_wait3A] : memref<100096x4xf32, #tpu.memory_space<hbm>> -> memref<3128x4xf32, #tpu.memory_space<hbm>>
      %dma_wait3A_42 = arith.constant 0 : i32
      %dma_wait3A_43 = tpu.memref_slice %arg7[%mul3A_19, %dma_wait3A_42] : memref<100096x4xf32, #tpu.memory_space<hbm>> -> memref<3128x4xf32, #tpu.memory_space<hbm>>
      tpu.wait_dma2 semaphore(%run_scoped3A : memref<!tpu.dma_semaphore, #tpu.memory_space<semaphore_mem>>) src(%arg10 : memref<3128x4xf32, #tpu.memory_space<vmem>>) dst(%dma_wait3A_43 : memref<3128x4xf32, #tpu.memory_space<hbm>>)
      tpu.yield
    }) : () -> ()
    "tpu.region"() ({
      %run_scoped3A = tpu.sem_alloc : memref<!tpu.dma_semaphore, #tpu.memory_space<semaphore_mem>>
      %dma_start3A = arith.constant 0 : i32
      %dma_start3A_38 = tpu.memref_slice %arg8[%mul3A_19, %dma_start3A] : memref<100096x4xf32, #tpu.memory_space<hbm>> -> memref<3128x4xf32, #tpu.memory_space<hbm>>
      %dma_start3A_39 = arith.constant 0 : i32
      %dma_start3A_40 = tpu.memref_slice %arg8[%mul3A_19, %dma_start3A_39] : memref<100096x4xf32, #tpu.memory_space<hbm>> -> memref<3128x4xf32, #tpu.memory_space<hbm>>
      tpu.enqueue_dma source(%arg11 : memref<3128x4xf32, #tpu.memory_space<vmem>>) target(%dma_start3A_40 : memref<3128x4xf32, #tpu.memory_space<hbm>>) target_semaphore(%run_scoped3A : memref<!tpu.dma_semaphore, #tpu.memory_space<semaphore_mem>>)
      %dma_wait3A = arith.constant 0 : i32
      %dma_wait3A_41 = tpu.memref_slice %arg8[%mul3A_19, %dma_wait3A] : memref<100096x4xf32, #tpu.memory_space<hbm>> -> memref<3128x4xf32, #tpu.memory_space<hbm>>
      %dma_wait3A_42 = arith.constant 0 : i32
      %dma_wait3A_43 = tpu.memref_slice %arg8[%mul3A_19, %dma_wait3A_42] : memref<100096x4xf32, #tpu.memory_space<hbm>> -> memref<3128x4xf32, #tpu.memory_space<hbm>>
      tpu.wait_dma2 semaphore(%run_scoped3A : memref<!tpu.dma_semaphore, #tpu.memory_space<semaphore_mem>>) src(%arg11 : memref<3128x4xf32, #tpu.memory_space<vmem>>) dst(%dma_wait3A_43 : memref<3128x4xf32, #tpu.memory_space<hbm>>)
      tpu.yield
    }) : () -> ()
    return
  }
}

#map = affine_map<(d0, d1) -> (0)>
#map1 = affine_map<(d0, d1) -> (0, 0)>
module attributes {stable_mosaic.version = 14 : i64} {
  func.func @body(%arg0: i32, %arg1: i32, %arg2: memref<12800000xf32, #tpu.memory_space<hbm>>, %arg3: memref<3200000xi32, #tpu.memory_space<hbm>>, %arg4: memref<102160x4xf32, #tpu.memory_space<hbm>>, %arg5: memref<102160x4xf32, #tpu.memory_space<hbm>>, %arg6: memref<12800000xf32, #tpu.memory_space<hbm>>, %arg7: memref<4096xf32, #tpu.memory_space<vmem>>, %arg8: memref<2064x4xf32, #tpu.memory_space<vmem>>, %arg9: memref<2064x4xf32, #tpu.memory_space<vmem>>, %arg10: memref<4096xf32, #tpu.memory_space<vmem>>, %arg11: memref<1024xi32, #tpu.memory_space<vmem>>, %arg12: memref<8x256xi32, #tpu.memory_space<vmem>>) attributes {dimension_semantics = [#tpu.dimension_semantics<core_parallel>, #tpu.dimension_semantics<subcore_parallel>], iteration_bounds = array<i64: 2, 16>, scalar_prefetch = 0 : i64, scratch_operands = 6 : i64, tpu.core_type = #tpu.core_type<sc_vector_subcore>, window_params = [{transform_indices = #map}, {transform_indices = #map}, {transform_indices = #map1}, {transform_indices = #map1}, {transform_indices = #map}]} {
    %mul3A = arith.constant 2 : i32
    %mul3A_0 = arith.muli %arg1, %mul3A : i32
    %add3A = arith.addi %mul3A_0, %arg0 : i32
    %iota3A = tpu.iota {dimensions = array<i32: 0>} : vector<16xi32>
    %rem3A = arith.constant 4 : i32
    %rem3A_1 = vector.broadcast %rem3A : i32 to vector<16xi32>
    %rem3A_2 = arith.remsi %iota3A, %rem3A_1 : vector<16xi32>
    %div3A = arith.constant 4 : i32
    %div3A_3 = vector.broadcast %div3A : i32 to vector<16xi32>
    %div3A_4 = arith.divsi %iota3A, %div3A_3 : vector<16xi32>
    %broadcast_in_dim3A = arith.constant 100000 : i32
    %broadcast_in_dim3A_5 = vector.broadcast %broadcast_in_dim3A : i32 to vector<16xi32>
    %swap3A = arith.constant 0 : i32
    %swap3A_6 = arith.index_cast %swap3A : i32 to index
    %swap3A_7 = arith.constant 128 : index
    %swap3A_8 = tpu.vector_load %arg12[%swap3A_6, %swap3A_7] {strides = array<i32>} : memref<8x256xi32, #tpu.memory_space<vmem>>, vector<16xi32>,
    tpu.vector_store %arg12[%swap3A_6, %swap3A_7], %broadcast_in_dim3A_5 {strides = array<i32>} : memref<8x256xi32, #tpu.memory_space<vmem>>, vector<16xi32>,
    %swap3A_9 = arith.constant 0 : i32
    %swap3A_10 = arith.index_cast %swap3A_9 : i32 to index
    %swap3A_11 = arith.constant 144 : index
    %swap3A_12 = tpu.vector_load %arg12[%swap3A_10, %swap3A_11] {strides = array<i32>} : memref<8x256xi32, #tpu.memory_space<vmem>>, vector<16xi32>,
    tpu.vector_store %arg12[%swap3A_10, %swap3A_11], %broadcast_in_dim3A_5 {strides = array<i32>} : memref<8x256xi32, #tpu.memory_space<vmem>>, vector<16xi32>,
    %swap3A_13 = arith.constant 0 : i32
    %swap3A_14 = arith.index_cast %swap3A_13 : i32 to index
    %swap3A_15 = arith.constant 160 : index
    %swap3A_16 = tpu.vector_load %arg12[%swap3A_14, %swap3A_15] {strides = array<i32>} : memref<8x256xi32, #tpu.memory_space<vmem>>, vector<16xi32>,
    tpu.vector_store %arg12[%swap3A_14, %swap3A_15], %broadcast_in_dim3A_5 {strides = array<i32>} : memref<8x256xi32, #tpu.memory_space<vmem>>, vector<16xi32>,
    %swap3A_17 = arith.constant 0 : i32
    %swap3A_18 = arith.index_cast %swap3A_17 : i32 to index
    %swap3A_19 = arith.constant 176 : index
    %swap3A_20 = tpu.vector_load %arg12[%swap3A_18, %swap3A_19] {strides = array<i32>} : memref<8x256xi32, #tpu.memory_space<vmem>>, vector<16xi32>,
    tpu.vector_store %arg12[%swap3A_18, %swap3A_19], %broadcast_in_dim3A_5 {strides = array<i32>} : memref<8x256xi32, #tpu.memory_space<vmem>>, vector<16xi32>,
    %swap3A_21 = arith.constant 0 : i32
    %swap3A_22 = arith.index_cast %swap3A_21 : i32 to index
    %swap3A_23 = arith.constant 192 : index
    %swap3A_24 = tpu.vector_load %arg12[%swap3A_22, %swap3A_23] {strides = array<i32>} : memref<8x256xi32, #tpu.memory_space<vmem>>, vector<16xi32>,
    tpu.vector_store %arg12[%swap3A_22, %swap3A_23], %broadcast_in_dim3A_5 {strides = array<i32>} : memref<8x256xi32, #tpu.memory_space<vmem>>, vector<16xi32>,
    %swap3A_25 = arith.constant 0 : i32
    %swap3A_26 = arith.index_cast %swap3A_25 : i32 to index
    %swap3A_27 = arith.constant 208 : index
    %swap3A_28 = tpu.vector_load %arg12[%swap3A_26, %swap3A_27] {strides = array<i32>} : memref<8x256xi32, #tpu.memory_space<vmem>>, vector<16xi32>,
    tpu.vector_store %arg12[%swap3A_26, %swap3A_27], %broadcast_in_dim3A_5 {strides = array<i32>} : memref<8x256xi32, #tpu.memory_space<vmem>>, vector<16xi32>,
    %swap3A_29 = arith.constant 0 : i32
    %swap3A_30 = arith.index_cast %swap3A_29 : i32 to index
    %swap3A_31 = arith.constant 224 : index
    %swap3A_32 = tpu.vector_load %arg12[%swap3A_30, %swap3A_31] {strides = array<i32>} : memref<8x256xi32, #tpu.memory_space<vmem>>, vector<16xi32>,
    tpu.vector_store %arg12[%swap3A_30, %swap3A_31], %broadcast_in_dim3A_5 {strides = array<i32>} : memref<8x256xi32, #tpu.memory_space<vmem>>, vector<16xi32>,
    %swap3A_33 = arith.constant 0 : i32
    %swap3A_34 = arith.index_cast %swap3A_33 : i32 to index
    %swap3A_35 = arith.constant 240 : index
    %swap3A_36 = tpu.vector_load %arg12[%swap3A_34, %swap3A_35] {strides = array<i32>} : memref<8x256xi32, #tpu.memory_space<vmem>>, vector<16xi32>,
    tpu.vector_store %arg12[%swap3A_34, %swap3A_35], %broadcast_in_dim3A_5 {strides = array<i32>} : memref<8x256xi32, #tpu.memory_space<vmem>>, vector<16xi32>,
    %swap3A_37 = arith.constant 1 : i32
    %swap3A_38 = arith.index_cast %swap3A_37 : i32 to index
    %swap3A_39 = arith.constant 128 : index
    %swap3A_40 = tpu.vector_load %arg12[%swap3A_38, %swap3A_39] {strides = array<i32>} : memref<8x256xi32, #tpu.memory_space<vmem>>, vector<16xi32>,
    tpu.vector_store %arg12[%swap3A_38, %swap3A_39], %broadcast_in_dim3A_5 {strides = array<i32>} : memref<8x256xi32, #tpu.memory_space<vmem>>, vector<16xi32>,
    %swap3A_41 = arith.constant 1 : i32
    %swap3A_42 = arith.index_cast %swap3A_41 : i32 to index
    %swap3A_43 = arith.constant 144 : index
    %swap3A_44 = tpu.vector_load %arg12[%swap3A_42, %swap3A_43] {strides = array<i32>} : memref<8x256xi32, #tpu.memory_space<vmem>>, vector<16xi32>,
    tpu.vector_store %arg12[%swap3A_42, %swap3A_43], %broadcast_in_dim3A_5 {strides = array<i32>} : memref<8x256xi32, #tpu.memory_space<vmem>>, vector<16xi32>,
    %swap3A_45 = arith.constant 1 : i32
    %swap3A_46 = arith.index_cast %swap3A_45 : i32 to index
    %swap3A_47 = arith.constant 160 : index
    %swap3A_48 = tpu.vector_load %arg12[%swap3A_46, %swap3A_47] {strides = array<i32>} : memref<8x256xi32, #tpu.memory_space<vmem>>, vector<16xi32>,
    tpu.vector_store %arg12[%swap3A_46, %swap3A_47], %broadcast_in_dim3A_5 {strides = array<i32>} : memref<8x256xi32, #tpu.memory_space<vmem>>, vector<16xi32>,
    %swap3A_49 = arith.constant 1 : i32
    %swap3A_50 = arith.index_cast %swap3A_49 : i32 to index
    %swap3A_51 = arith.constant 176 : index
    %swap3A_52 = tpu.vector_load %arg12[%swap3A_50, %swap3A_51] {strides = array<i32>} : memref<8x256xi32, #tpu.memory_space<vmem>>, vector<16xi32>,
    tpu.vector_store %arg12[%swap3A_50, %swap3A_51], %broadcast_in_dim3A_5 {strides = array<i32>} : memref<8x256xi32, #tpu.memory_space<vmem>>, vector<16xi32>,
    %swap3A_53 = arith.constant 1 : i32
    %swap3A_54 = arith.index_cast %swap3A_53 : i32 to index
    %swap3A_55 = arith.constant 192 : index
    %swap3A_56 = tpu.vector_load %arg12[%swap3A_54, %swap3A_55] {strides = array<i32>} : memref<8x256xi32, #tpu.memory_space<vmem>>, vector<16xi32>,
    tpu.vector_store %arg12[%swap3A_54, %swap3A_55], %broadcast_in_dim3A_5 {strides = array<i32>} : memref<8x256xi32, #tpu.memory_space<vmem>>, vector<16xi32>,
    %swap3A_57 = arith.constant 1 : i32
    %swap3A_58 = arith.index_cast %swap3A_57 : i32 to index
    %swap3A_59 = arith.constant 208 : index
    %swap3A_60 = tpu.vector_load %arg12[%swap3A_58, %swap3A_59] {strides = array<i32>} : memref<8x256xi32, #tpu.memory_space<vmem>>, vector<16xi32>,
    tpu.vector_store %arg12[%swap3A_58, %swap3A_59], %broadcast_in_dim3A_5 {strides = array<i32>} : memref<8x256xi32, #tpu.memory_space<vmem>>, vector<16xi32>,
    %swap3A_61 = arith.constant 1 : i32
    %swap3A_62 = arith.index_cast %swap3A_61 : i32 to index
    %swap3A_63 = arith.constant 224 : index
    %swap3A_64 = tpu.vector_load %arg12[%swap3A_62, %swap3A_63] {strides = array<i32>} : memref<8x256xi32, #tpu.memory_space<vmem>>, vector<16xi32>,
    tpu.vector_store %arg12[%swap3A_62, %swap3A_63], %broadcast_in_dim3A_5 {strides = array<i32>} : memref<8x256xi32, #tpu.memory_space<vmem>>, vector<16xi32>,
    %swap3A_65 = arith.constant 1 : i32
    %swap3A_66 = arith.index_cast %swap3A_65 : i32 to index
    %swap3A_67 = arith.constant 240 : index
    %swap3A_68 = tpu.vector_load %arg12[%swap3A_66, %swap3A_67] {strides = array<i32>} : memref<8x256xi32, #tpu.memory_space<vmem>>, vector<16xi32>,
    tpu.vector_store %arg12[%swap3A_66, %swap3A_67], %broadcast_in_dim3A_5 {strides = array<i32>} : memref<8x256xi32, #tpu.memory_space<vmem>>, vector<16xi32>,
    %swap3A_69 = arith.constant 2 : i32
    %swap3A_70 = arith.index_cast %swap3A_69 : i32 to index
    %swap3A_71 = arith.constant 128 : index
    %swap3A_72 = tpu.vector_load %arg12[%swap3A_70, %swap3A_71] {strides = array<i32>} : memref<8x256xi32, #tpu.memory_space<vmem>>, vector<16xi32>,
    tpu.vector_store %arg12[%swap3A_70, %swap3A_71], %broadcast_in_dim3A_5 {strides = array<i32>} : memref<8x256xi32, #tpu.memory_space<vmem>>, vector<16xi32>,
    %swap3A_73 = arith.constant 2 : i32
    %swap3A_74 = arith.index_cast %swap3A_73 : i32 to index
    %swap3A_75 = arith.constant 144 : index
    %swap3A_76 = tpu.vector_load %arg12[%swap3A_74, %swap3A_75] {strides = array<i32>} : memref<8x256xi32, #tpu.memory_space<vmem>>, vector<16xi32>,
    tpu.vector_store %arg12[%swap3A_74, %swap3A_75], %broadcast_in_dim3A_5 {strides = array<i32>} : memref<8x256xi32, #tpu.memory_space<vmem>>, vector<16xi32>,
    %swap3A_77 = arith.constant 2 : i32
    %swap3A_78 = arith.index_cast %swap3A_77 : i32 to index
    %swap3A_79 = arith.constant 160 : index
    %swap3A_80 = tpu.vector_load %arg12[%swap3A_78, %swap3A_79] {strides = array<i32>} : memref<8x256xi32, #tpu.memory_space<vmem>>, vector<16xi32>,
    tpu.vector_store %arg12[%swap3A_78, %swap3A_79], %broadcast_in_dim3A_5 {strides = array<i32>} : memref<8x256xi32, #tpu.memory_space<vmem>>, vector<16xi32>,
    %swap3A_81 = arith.constant 2 : i32
    %swap3A_82 = arith.index_cast %swap3A_81 : i32 to index
    %swap3A_83 = arith.constant 176 : index
    %swap3A_84 = tpu.vector_load %arg12[%swap3A_82, %swap3A_83] {strides = array<i32>} : memref<8x256xi32, #tpu.memory_space<vmem>>, vector<16xi32>,
    tpu.vector_store %arg12[%swap3A_82, %swap3A_83], %broadcast_in_dim3A_5 {strides = array<i32>} : memref<8x256xi32, #tpu.memory_space<vmem>>, vector<16xi32>,
    %swap3A_85 = arith.constant 2 : i32
    %swap3A_86 = arith.index_cast %swap3A_85 : i32 to index
    %swap3A_87 = arith.constant 192 : index
    %swap3A_88 = tpu.vector_load %arg12[%swap3A_86, %swap3A_87] {strides = array<i32>} : memref<8x256xi32, #tpu.memory_space<vmem>>, vector<16xi32>,
    tpu.vector_store %arg12[%swap3A_86, %swap3A_87], %broadcast_in_dim3A_5 {strides = array<i32>} : memref<8x256xi32, #tpu.memory_space<vmem>>, vector<16xi32>,
    %swap3A_89 = arith.constant 2 : i32
    %swap3A_90 = arith.index_cast %swap3A_89 : i32 to index
    %swap3A_91 = arith.constant 208 : index
    %swap3A_92 = tpu.vector_load %arg12[%swap3A_90, %swap3A_91] {strides = array<i32>} : memref<8x256xi32, #tpu.memory_space<vmem>>, vector<16xi32>,
    tpu.vector_store %arg12[%swap3A_90, %swap3A_91], %broadcast_in_dim3A_5 {strides = array<i32>} : memref<8x256xi32, #tpu.memory_space<vmem>>, vector<16xi32>,
    %swap3A_93 = arith.constant 2 : i32
    %swap3A_94 = arith.index_cast %swap3A_93 : i32 to index
    %swap3A_95 = arith.constant 224 : index
    %swap3A_96 = tpu.vector_load %arg12[%swap3A_94, %swap3A_95] {strides = array<i32>} : memref<8x256xi32, #tpu.memory_space<vmem>>, vector<16xi32>,
    tpu.vector_store %arg12[%swap3A_94, %swap3A_95], %broadcast_in_dim3A_5 {strides = array<i32>} : memref<8x256xi32, #tpu.memory_space<vmem>>, vector<16xi32>,
    %swap3A_97 = arith.constant 2 : i32
    %swap3A_98 = arith.index_cast %swap3A_97 : i32 to index
    %swap3A_99 = arith.constant 240 : index
    %swap3A_100 = tpu.vector_load %arg12[%swap3A_98, %swap3A_99] {strides = array<i32>} : memref<8x256xi32, #tpu.memory_space<vmem>>, vector<16xi32>,
    tpu.vector_store %arg12[%swap3A_98, %swap3A_99], %broadcast_in_dim3A_5 {strides = array<i32>} : memref<8x256xi32, #tpu.memory_space<vmem>>, vector<16xi32>,
    %swap3A_101 = arith.constant 3 : i32
    %swap3A_102 = arith.index_cast %swap3A_101 : i32 to index
    %swap3A_103 = arith.constant 128 : index
    %swap3A_104 = tpu.vector_load %arg12[%swap3A_102, %swap3A_103] {strides = array<i32>} : memref<8x256xi32, #tpu.memory_space<vmem>>, vector<16xi32>,
    tpu.vector_store %arg12[%swap3A_102, %swap3A_103], %broadcast_in_dim3A_5 {strides = array<i32>} : memref<8x256xi32, #tpu.memory_space<vmem>>, vector<16xi32>,
    %swap3A_105 = arith.constant 3 : i32
    %swap3A_106 = arith.index_cast %swap3A_105 : i32 to index
    %swap3A_107 = arith.constant 144 : index
    %swap3A_108 = tpu.vector_load %arg12[%swap3A_106, %swap3A_107] {strides = array<i32>} : memref<8x256xi32, #tpu.memory_space<vmem>>, vector<16xi32>,
    tpu.vector_store %arg12[%swap3A_106, %swap3A_107], %broadcast_in_dim3A_5 {strides = array<i32>} : memref<8x256xi32, #tpu.memory_space<vmem>>, vector<16xi32>,
    %swap3A_109 = arith.constant 3 : i32
    %swap3A_110 = arith.index_cast %swap3A_109 : i32 to index
    %swap3A_111 = arith.constant 160 : index
    %swap3A_112 = tpu.vector_load %arg12[%swap3A_110, %swap3A_111] {strides = array<i32>} : memref<8x256xi32, #tpu.memory_space<vmem>>, vector<16xi32>,
    tpu.vector_store %arg12[%swap3A_110, %swap3A_111], %broadcast_in_dim3A_5 {strides = array<i32>} : memref<8x256xi32, #tpu.memory_space<vmem>>, vector<16xi32>,
    %swap3A_113 = arith.constant 3 : i32
    %swap3A_114 = arith.index_cast %swap3A_113 : i32 to index
    %swap3A_115 = arith.constant 176 : index
    %swap3A_116 = tpu.vector_load %arg12[%swap3A_114, %swap3A_115] {strides = array<i32>} : memref<8x256xi32, #tpu.memory_space<vmem>>, vector<16xi32>,
    tpu.vector_store %arg12[%swap3A_114, %swap3A_115], %broadcast_in_dim3A_5 {strides = array<i32>} : memref<8x256xi32, #tpu.memory_space<vmem>>, vector<16xi32>,
    %swap3A_117 = arith.constant 3 : i32
    %swap3A_118 = arith.index_cast %swap3A_117 : i32 to index
    %swap3A_119 = arith.constant 192 : index
    %swap3A_120 = tpu.vector_load %arg12[%swap3A_118, %swap3A_119] {strides = array<i32>} : memref<8x256xi32, #tpu.memory_space<vmem>>, vector<16xi32>,
    tpu.vector_store %arg12[%swap3A_118, %swap3A_119], %broadcast_in_dim3A_5 {strides = array<i32>} : memref<8x256xi32, #tpu.memory_space<vmem>>, vector<16xi32>,
    %swap3A_121 = arith.constant 3 : i32
    %swap3A_122 = arith.index_cast %swap3A_121 : i32 to index
    %swap3A_123 = arith.constant 208 : index
    %swap3A_124 = tpu.vector_load %arg12[%swap3A_122, %swap3A_123] {strides = array<i32>} : memref<8x256xi32, #tpu.memory_space<vmem>>, vector<16xi32>,
    tpu.vector_store %arg12[%swap3A_122, %swap3A_123], %broadcast_in_dim3A_5 {strides = array<i32>} : memref<8x256xi32, #tpu.memory_space<vmem>>, vector<16xi32>,
    %swap3A_125 = arith.constant 3 : i32
    %swap3A_126 = arith.index_cast %swap3A_125 : i32 to index
    %swap3A_127 = arith.constant 224 : index
    %swap3A_128 = tpu.vector_load %arg12[%swap3A_126, %swap3A_127] {strides = array<i32>} : memref<8x256xi32, #tpu.memory_space<vmem>>, vector<16xi32>,
    tpu.vector_store %arg12[%swap3A_126, %swap3A_127], %broadcast_in_dim3A_5 {strides = array<i32>} : memref<8x256xi32, #tpu.memory_space<vmem>>, vector<16xi32>,
    %swap3A_129 = arith.constant 3 : i32
    %swap3A_130 = arith.index_cast %swap3A_129 : i32 to index
    %swap3A_131 = arith.constant 240 : index
    %swap3A_132 = tpu.vector_load %arg12[%swap3A_130, %swap3A_131] {strides = array<i32>} : memref<8x256xi32, #tpu.memory_space<vmem>>, vector<16xi32>,
    tpu.vector_store %arg12[%swap3A_130, %swap3A_131], %broadcast_in_dim3A_5 {strides = array<i32>} : memref<8x256xi32, #tpu.memory_space<vmem>>, vector<16xi32>,
    %swap3A_133 = arith.constant 4 : i32
    %swap3A_134 = arith.index_cast %swap3A_133 : i32 to index
    %swap3A_135 = arith.constant 128 : index
    %swap3A_136 = tpu.vector_load %arg12[%swap3A_134, %swap3A_135] {strides = array<i32>} : memref<8x256xi32, #tpu.memory_space<vmem>>, vector<16xi32>,
    tpu.vector_store %arg12[%swap3A_134, %swap3A_135], %broadcast_in_dim3A_5 {strides = array<i32>} : memref<8x256xi32, #tpu.memory_space<vmem>>, vector<16xi32>,
    %swap3A_137 = arith.constant 4 : i32
    %swap3A_138 = arith.index_cast %swap3A_137 : i32 to index
    %swap3A_139 = arith.constant 144 : index
    %swap3A_140 = tpu.vector_load %arg12[%swap3A_138, %swap3A_139] {strides = array<i32>} : memref<8x256xi32, #tpu.memory_space<vmem>>, vector<16xi32>,
    tpu.vector_store %arg12[%swap3A_138, %swap3A_139], %broadcast_in_dim3A_5 {strides = array<i32>} : memref<8x256xi32, #tpu.memory_space<vmem>>, vector<16xi32>,
    %swap3A_141 = arith.constant 4 : i32
    %swap3A_142 = arith.index_cast %swap3A_141 : i32 to index
    %swap3A_143 = arith.constant 160 : index
    %swap3A_144 = tpu.vector_load %arg12[%swap3A_142, %swap3A_143] {strides = array<i32>} : memref<8x256xi32, #tpu.memory_space<vmem>>, vector<16xi32>,
    tpu.vector_store %arg12[%swap3A_142, %swap3A_143], %broadcast_in_dim3A_5 {strides = array<i32>} : memref<8x256xi32, #tpu.memory_space<vmem>>, vector<16xi32>,
    %swap3A_145 = arith.constant 4 : i32
    %swap3A_146 = arith.index_cast %swap3A_145 : i32 to index
    %swap3A_147 = arith.constant 176 : index
    %swap3A_148 = tpu.vector_load %arg12[%swap3A_146, %swap3A_147] {strides = array<i32>} : memref<8x256xi32, #tpu.memory_space<vmem>>, vector<16xi32>,
    tpu.vector_store %arg12[%swap3A_146, %swap3A_147], %broadcast_in_dim3A_5 {strides = array<i32>} : memref<8x256xi32, #tpu.memory_space<vmem>>, vector<16xi32>,
    %swap3A_149 = arith.constant 4 : i32
    %swap3A_150 = arith.index_cast %swap3A_149 : i32 to index
    %swap3A_151 = arith.constant 192 : index
    %swap3A_152 = tpu.vector_load %arg12[%swap3A_150, %swap3A_151] {strides = array<i32>} : memref<8x256xi32, #tpu.memory_space<vmem>>, vector<16xi32>,
    tpu.vector_store %arg12[%swap3A_150, %swap3A_151], %broadcast_in_dim3A_5 {strides = array<i32>} : memref<8x256xi32, #tpu.memory_space<vmem>>, vector<16xi32>,
    %swap3A_153 = arith.constant 4 : i32
    %swap3A_154 = arith.index_cast %swap3A_153 : i32 to index
    %swap3A_155 = arith.constant 208 : index
    %swap3A_156 = tpu.vector_load %arg12[%swap3A_154, %swap3A_155] {strides = array<i32>} : memref<8x256xi32, #tpu.memory_space<vmem>>, vector<16xi32>,
    tpu.vector_store %arg12[%swap3A_154, %swap3A_155], %broadcast_in_dim3A_5 {strides = array<i32>} : memref<8x256xi32, #tpu.memory_space<vmem>>, vector<16xi32>,
    %swap3A_157 = arith.constant 4 : i32
    %swap3A_158 = arith.index_cast %swap3A_157 : i32 to index
    %swap3A_159 = arith.constant 224 : index
    %swap3A_160 = tpu.vector_load %arg12[%swap3A_158, %swap3A_159] {strides = array<i32>} : memref<8x256xi32, #tpu.memory_space<vmem>>, vector<16xi32>,
    tpu.vector_store %arg12[%swap3A_158, %swap3A_159], %broadcast_in_dim3A_5 {strides = array<i32>} : memref<8x256xi32, #tpu.memory_space<vmem>>, vector<16xi32>,
    %swap3A_161 = arith.constant 4 : i32
    %swap3A_162 = arith.index_cast %swap3A_161 : i32 to index
    %swap3A_163 = arith.constant 240 : index
    %swap3A_164 = tpu.vector_load %arg12[%swap3A_162, %swap3A_163] {strides = array<i32>} : memref<8x256xi32, #tpu.memory_space<vmem>>, vector<16xi32>,
    tpu.vector_store %arg12[%swap3A_162, %swap3A_163], %broadcast_in_dim3A_5 {strides = array<i32>} : memref<8x256xi32, #tpu.memory_space<vmem>>, vector<16xi32>,
    %swap3A_165 = arith.constant 5 : i32
    %swap3A_166 = arith.index_cast %swap3A_165 : i32 to index
    %swap3A_167 = arith.constant 128 : index
    %swap3A_168 = tpu.vector_load %arg12[%swap3A_166, %swap3A_167] {strides = array<i32>} : memref<8x256xi32, #tpu.memory_space<vmem>>, vector<16xi32>,
    tpu.vector_store %arg12[%swap3A_166, %swap3A_167], %broadcast_in_dim3A_5 {strides = array<i32>} : memref<8x256xi32, #tpu.memory_space<vmem>>, vector<16xi32>,
    %swap3A_169 = arith.constant 5 : i32
    %swap3A_170 = arith.index_cast %swap3A_169 : i32 to index
    %swap3A_171 = arith.constant 144 : index
    %swap3A_172 = tpu.vector_load %arg12[%swap3A_170, %swap3A_171] {strides = array<i32>} : memref<8x256xi32, #tpu.memory_space<vmem>>, vector<16xi32>,
    tpu.vector_store %arg12[%swap3A_170, %swap3A_171], %broadcast_in_dim3A_5 {strides = array<i32>} : memref<8x256xi32, #tpu.memory_space<vmem>>, vector<16xi32>,
    %swap3A_173 = arith.constant 5 : i32
    %swap3A_174 = arith.index_cast %swap3A_173 : i32 to index
    %swap3A_175 = arith.constant 160 : index
    %swap3A_176 = tpu.vector_load %arg12[%swap3A_174, %swap3A_175] {strides = array<i32>} : memref<8x256xi32, #tpu.memory_space<vmem>>, vector<16xi32>,
    tpu.vector_store %arg12[%swap3A_174, %swap3A_175], %broadcast_in_dim3A_5 {strides = array<i32>} : memref<8x256xi32, #tpu.memory_space<vmem>>, vector<16xi32>,
    %swap3A_177 = arith.constant 5 : i32
    %swap3A_178 = arith.index_cast %swap3A_177 : i32 to index
    %swap3A_179 = arith.constant 176 : index
    %swap3A_180 = tpu.vector_load %arg12[%swap3A_178, %swap3A_179] {strides = array<i32>} : memref<8x256xi32, #tpu.memory_space<vmem>>, vector<16xi32>,
    tpu.vector_store %arg12[%swap3A_178, %swap3A_179], %broadcast_in_dim3A_5 {strides = array<i32>} : memref<8x256xi32, #tpu.memory_space<vmem>>, vector<16xi32>,
    %swap3A_181 = arith.constant 5 : i32
    %swap3A_182 = arith.index_cast %swap3A_181 : i32 to index
    %swap3A_183 = arith.constant 192 : index
    %swap3A_184 = tpu.vector_load %arg12[%swap3A_182, %swap3A_183] {strides = array<i32>} : memref<8x256xi32, #tpu.memory_space<vmem>>, vector<16xi32>,
    tpu.vector_store %arg12[%swap3A_182, %swap3A_183], %broadcast_in_dim3A_5 {strides = array<i32>} : memref<8x256xi32, #tpu.memory_space<vmem>>, vector<16xi32>,
    %swap3A_185 = arith.constant 5 : i32
    %swap3A_186 = arith.index_cast %swap3A_185 : i32 to index
    %swap3A_187 = arith.constant 208 : index
    %swap3A_188 = tpu.vector_load %arg12[%swap3A_186, %swap3A_187] {strides = array<i32>} : memref<8x256xi32, #tpu.memory_space<vmem>>, vector<16xi32>,
    tpu.vector_store %arg12[%swap3A_186, %swap3A_187], %broadcast_in_dim3A_5 {strides = array<i32>} : memref<8x256xi32, #tpu.memory_space<vmem>>, vector<16xi32>,
    %swap3A_189 = arith.constant 5 : i32
    %swap3A_190 = arith.index_cast %swap3A_189 : i32 to index
    %swap3A_191 = arith.constant 224 : index
    %swap3A_192 = tpu.vector_load %arg12[%swap3A_190, %swap3A_191] {strides = array<i32>} : memref<8x256xi32, #tpu.memory_space<vmem>>, vector<16xi32>,
    tpu.vector_store %arg12[%swap3A_190, %swap3A_191], %broadcast_in_dim3A_5 {strides = array<i32>} : memref<8x256xi32, #tpu.memory_space<vmem>>, vector<16xi32>,
    %swap3A_193 = arith.constant 5 : i32
    %swap3A_194 = arith.index_cast %swap3A_193 : i32 to index
    %swap3A_195 = arith.constant 240 : index
    %swap3A_196 = tpu.vector_load %arg12[%swap3A_194, %swap3A_195] {strides = array<i32>} : memref<8x256xi32, #tpu.memory_space<vmem>>, vector<16xi32>,
    tpu.vector_store %arg12[%swap3A_194, %swap3A_195], %broadcast_in_dim3A_5 {strides = array<i32>} : memref<8x256xi32, #tpu.memory_space<vmem>>, vector<16xi32>,
    %swap3A_197 = arith.constant 6 : i32
    %swap3A_198 = arith.index_cast %swap3A_197 : i32 to index
    %swap3A_199 = arith.constant 128 : index
    %swap3A_200 = tpu.vector_load %arg12[%swap3A_198, %swap3A_199] {strides = array<i32>} : memref<8x256xi32, #tpu.memory_space<vmem>>, vector<16xi32>,
    tpu.vector_store %arg12[%swap3A_198, %swap3A_199], %broadcast_in_dim3A_5 {strides = array<i32>} : memref<8x256xi32, #tpu.memory_space<vmem>>, vector<16xi32>,
    %swap3A_201 = arith.constant 6 : i32
    %swap3A_202 = arith.index_cast %swap3A_201 : i32 to index
    %swap3A_203 = arith.constant 144 : index
    %swap3A_204 = tpu.vector_load %arg12[%swap3A_202, %swap3A_203] {strides = array<i32>} : memref<8x256xi32, #tpu.memory_space<vmem>>, vector<16xi32>,
    tpu.vector_store %arg12[%swap3A_202, %swap3A_203], %broadcast_in_dim3A_5 {strides = array<i32>} : memref<8x256xi32, #tpu.memory_space<vmem>>, vector<16xi32>,
    %swap3A_205 = arith.constant 6 : i32
    %swap3A_206 = arith.index_cast %swap3A_205 : i32 to index
    %swap3A_207 = arith.constant 160 : index
    %swap3A_208 = tpu.vector_load %arg12[%swap3A_206, %swap3A_207] {strides = array<i32>} : memref<8x256xi32, #tpu.memory_space<vmem>>, vector<16xi32>,
    tpu.vector_store %arg12[%swap3A_206, %swap3A_207], %broadcast_in_dim3A_5 {strides = array<i32>} : memref<8x256xi32, #tpu.memory_space<vmem>>, vector<16xi32>,
    %swap3A_209 = arith.constant 6 : i32
    %swap3A_210 = arith.index_cast %swap3A_209 : i32 to index
    %swap3A_211 = arith.constant 176 : index
    %swap3A_212 = tpu.vector_load %arg12[%swap3A_210, %swap3A_211] {strides = array<i32>} : memref<8x256xi32, #tpu.memory_space<vmem>>, vector<16xi32>,
    tpu.vector_store %arg12[%swap3A_210, %swap3A_211], %broadcast_in_dim3A_5 {strides = array<i32>} : memref<8x256xi32, #tpu.memory_space<vmem>>, vector<16xi32>,
    %swap3A_213 = arith.constant 6 : i32
    %swap3A_214 = arith.index_cast %swap3A_213 : i32 to index
    %swap3A_215 = arith.constant 192 : index
    %swap3A_216 = tpu.vector_load %arg12[%swap3A_214, %swap3A_215] {strides = array<i32>} : memref<8x256xi32, #tpu.memory_space<vmem>>, vector<16xi32>,
    tpu.vector_store %arg12[%swap3A_214, %swap3A_215], %broadcast_in_dim3A_5 {strides = array<i32>} : memref<8x256xi32, #tpu.memory_space<vmem>>, vector<16xi32>,
    %swap3A_217 = arith.constant 6 : i32
    %swap3A_218 = arith.index_cast %swap3A_217 : i32 to index
    %swap3A_219 = arith.constant 208 : index
    %swap3A_220 = tpu.vector_load %arg12[%swap3A_218, %swap3A_219] {strides = array<i32>} : memref<8x256xi32, #tpu.memory_space<vmem>>, vector<16xi32>,
    tpu.vector_store %arg12[%swap3A_218, %swap3A_219], %broadcast_in_dim3A_5 {strides = array<i32>} : memref<8x256xi32, #tpu.memory_space<vmem>>, vector<16xi32>,
    %swap3A_221 = arith.constant 6 : i32
    %swap3A_222 = arith.index_cast %swap3A_221 : i32 to index
    %swap3A_223 = arith.constant 224 : index
    %swap3A_224 = tpu.vector_load %arg12[%swap3A_222, %swap3A_223] {strides = array<i32>} : memref<8x256xi32, #tpu.memory_space<vmem>>, vector<16xi32>,
    tpu.vector_store %arg12[%swap3A_222, %swap3A_223], %broadcast_in_dim3A_5 {strides = array<i32>} : memref<8x256xi32, #tpu.memory_space<vmem>>, vector<16xi32>,
    %swap3A_225 = arith.constant 6 : i32
    %swap3A_226 = arith.index_cast %swap3A_225 : i32 to index
    %swap3A_227 = arith.constant 240 : index
    %swap3A_228 = tpu.vector_load %arg12[%swap3A_226, %swap3A_227] {strides = array<i32>} : memref<8x256xi32, #tpu.memory_space<vmem>>, vector<16xi32>,
    tpu.vector_store %arg12[%swap3A_226, %swap3A_227], %broadcast_in_dim3A_5 {strides = array<i32>} : memref<8x256xi32, #tpu.memory_space<vmem>>, vector<16xi32>,
    %swap3A_229 = arith.constant 7 : i32
    %swap3A_230 = arith.index_cast %swap3A_229 : i32 to index
    %swap3A_231 = arith.constant 128 : index
    %swap3A_232 = tpu.vector_load %arg12[%swap3A_230, %swap3A_231] {strides = array<i32>} : memref<8x256xi32, #tpu.memory_space<vmem>>, vector<16xi32>,
    tpu.vector_store %arg12[%swap3A_230, %swap3A_231], %broadcast_in_dim3A_5 {strides = array<i32>} : memref<8x256xi32, #tpu.memory_space<vmem>>, vector<16xi32>,
    %swap3A_233 = arith.constant 7 : i32
    %swap3A_234 = arith.index_cast %swap3A_233 : i32 to index
    %swap3A_235 = arith.constant 144 : index
    %swap3A_236 = tpu.vector_load %arg12[%swap3A_234, %swap3A_235] {strides = array<i32>} : memref<8x256xi32, #tpu.memory_space<vmem>>, vector<16xi32>,
    tpu.vector_store %arg12[%swap3A_234, %swap3A_235], %broadcast_in_dim3A_5 {strides = array<i32>} : memref<8x256xi32, #tpu.memory_space<vmem>>, vector<16xi32>,
    %swap3A_237 = arith.constant 7 : i32
    %swap3A_238 = arith.index_cast %swap3A_237 : i32 to index
    %swap3A_239 = arith.constant 160 : index
    %swap3A_240 = tpu.vector_load %arg12[%swap3A_238, %swap3A_239] {strides = array<i32>} : memref<8x256xi32, #tpu.memory_space<vmem>>, vector<16xi32>,
    tpu.vector_store %arg12[%swap3A_238, %swap3A_239], %broadcast_in_dim3A_5 {strides = array<i32>} : memref<8x256xi32, #tpu.memory_space<vmem>>, vector<16xi32>,
    %swap3A_241 = arith.constant 7 : i32
    %swap3A_242 = arith.index_cast %swap3A_241 : i32 to index
    %swap3A_243 = arith.constant 176 : index
    %swap3A_244 = tpu.vector_load %arg12[%swap3A_242, %swap3A_243] {strides = array<i32>} : memref<8x256xi32, #tpu.memory_space<vmem>>, vector<16xi32>,
    tpu.vector_store %arg12[%swap3A_242, %swap3A_243], %broadcast_in_dim3A_5 {strides = array<i32>} : memref<8x256xi32, #tpu.memory_space<vmem>>, vector<16xi32>,
    %swap3A_245 = arith.constant 7 : i32
    %swap3A_246 = arith.index_cast %swap3A_245 : i32 to index
    %swap3A_247 = arith.constant 192 : index
    %swap3A_248 = tpu.vector_load %arg12[%swap3A_246, %swap3A_247] {strides = array<i32>} : memref<8x256xi32, #tpu.memory_space<vmem>>, vector<16xi32>,
    tpu.vector_store %arg12[%swap3A_246, %swap3A_247], %broadcast_in_dim3A_5 {strides = array<i32>} : memref<8x256xi32, #tpu.memory_space<vmem>>, vector<16xi32>,
    %swap3A_249 = arith.constant 7 : i32
    %swap3A_250 = arith.index_cast %swap3A_249 : i32 to index
    %swap3A_251 = arith.constant 208 : index
    %swap3A_252 = tpu.vector_load %arg12[%swap3A_250, %swap3A_251] {strides = array<i32>} : memref<8x256xi32, #tpu.memory_space<vmem>>, vector<16xi32>,
    tpu.vector_store %arg12[%swap3A_250, %swap3A_251], %broadcast_in_dim3A_5 {strides = array<i32>} : memref<8x256xi32, #tpu.memory_space<vmem>>, vector<16xi32>,
    %swap3A_253 = arith.constant 7 : i32
    %swap3A_254 = arith.index_cast %swap3A_253 : i32 to index
    %swap3A_255 = arith.constant 224 : index
    %swap3A_256 = tpu.vector_load %arg12[%swap3A_254, %swap3A_255] {strides = array<i32>} : memref<8x256xi32, #tpu.memory_space<vmem>>, vector<16xi32>,
    tpu.vector_store %arg12[%swap3A_254, %swap3A_255], %broadcast_in_dim3A_5 {strides = array<i32>} : memref<8x256xi32, #tpu.memory_space<vmem>>, vector<16xi32>,
    %swap3A_257 = arith.constant 7 : i32
    %swap3A_258 = arith.index_cast %swap3A_257 : i32 to index
    %swap3A_259 = arith.constant 240 : index
    %swap3A_260 = tpu.vector_load %arg12[%swap3A_258, %swap3A_259] {strides = array<i32>} : memref<8x256xi32, #tpu.memory_space<vmem>>, vector<16xi32>,
    tpu.vector_store %arg12[%swap3A_258, %swap3A_259], %broadcast_in_dim3A_5 {strides = array<i32>} : memref<8x256xi32, #tpu.memory_space<vmem>>, vector<16xi32>,
    %lt3A = arith.constant 21 : i32
    %lt3A_261 = arith.cmpi slt, %add3A, %lt3A : i32
    %convert_element_type3A = arith.extui %lt3A_261 : i1 to i32
    %add3A_262 = arith.constant 97 : i32
    %add3A_263 = arith.addi %add3A_262, %convert_element_type3A : i32
    %while3A = arith.constant 0 : i32
    %while3A_264 = arith.constant 0 : i32
    %while3A_265 = arith.subi %add3A_263, %while3A : i32
    %while3A_266 = arith.addi %while3A, %while3A_265 : i32
    %while3A_267 = arith.constant 1 : i32
    %while3A_268 = arith.divsi %while3A_265, %while3A_267 : i32
    %while3A_269 = arith.muli %while3A_268, %while3A_267 : i32
    %while3A_270 = arith.addi %while3A, %while3A_269 : i32
    %while3A_271 = arith.constant 1 : i32
    %while3A_272 = scf.for %while3A_275 = %while3A to %while3A_270 step %while3A_271 iter_args(%while3A_276 = %while3A_264) -> (i32)  : i32 {
      %mul3A_277 = arith.constant 32 : i32
      %mul3A_278 = arith.muli %mul3A_277, %while3A_275 : i32
      %add3A_279 = arith.addi %add3A, %mul3A_278 : i32
      %mul3A_280 = arith.constant 1024 : i32
      %mul3A_281 = arith.muli %add3A_279, %mul3A_280 : i32
      %mul3A_282 = arith.constant 4 : i32
      %mul3A_283 = arith.muli %mul3A_281, %mul3A_282 : i32
      "tpu.region"() ({
        %run_scoped3A = tpu.sem_alloc : memref<!tpu.dma_semaphore, #tpu.memory_space<semaphore_mem>>
        %dma_start3A = tpu.memref_slice %arg2[%mul3A_283] : memref<12800000xf32, #tpu.memory_space<hbm>> -> memref<4096xf32, #tpu.memory_space<hbm>>
        %dma_start3A_328 = tpu.memref_slice %arg2[%mul3A_283] : memref<12800000xf32, #tpu.memory_space<hbm>> -> memref<4096xf32, #tpu.memory_space<hbm>>
        tpu.enqueue_dma source(%dma_start3A_328 : memref<4096xf32, #tpu.memory_space<hbm>>) target(%arg7 : memref<4096xf32, #tpu.memory_space<vmem>>) target_semaphore(%run_scoped3A : memref<!tpu.dma_semaphore, #tpu.memory_space<semaphore_mem>>)
        %dma_wait3A = tpu.memref_slice %arg2[%mul3A_283] : memref<12800000xf32, #tpu.memory_space<hbm>> -> memref<4096xf32, #tpu.memory_space<hbm>>
        %dma_wait3A_329 = tpu.memref_slice %arg2[%mul3A_283] : memref<12800000xf32, #tpu.memory_space<hbm>> -> memref<4096xf32, #tpu.memory_space<hbm>>
        tpu.wait_dma2 semaphore(%run_scoped3A : memref<!tpu.dma_semaphore, #tpu.memory_space<semaphore_mem>>) src(%dma_wait3A_329 : memref<4096xf32, #tpu.memory_space<hbm>>) dst(%arg7 : memref<4096xf32, #tpu.memory_space<vmem>>)
        tpu.yield
      }) : () -> ()
      %mul3A_284 = arith.constant 1024 : i32
      %mul3A_285 = arith.muli %add3A_279, %mul3A_284 : i32
      "tpu.region"() ({
        %run_scoped3A = tpu.sem_alloc : memref<!tpu.dma_semaphore, #tpu.memory_space<semaphore_mem>>
        %dma_start3A = tpu.memref_slice %arg3[%mul3A_285] : memref<3200000xi32, #tpu.memory_space<hbm>> -> memref<1024xi32, #tpu.memory_space<hbm>>
        %dma_start3A_328 = tpu.memref_slice %arg3[%mul3A_285] : memref<3200000xi32, #tpu.memory_space<hbm>> -> memref<1024xi32, #tpu.memory_space<hbm>>
        tpu.enqueue_dma source(%dma_start3A_328 : memref<1024xi32, #tpu.memory_space<hbm>>) target(%arg11 : memref<1024xi32, #tpu.memory_space<vmem>>) target_semaphore(%run_scoped3A : memref<!tpu.dma_semaphore, #tpu.memory_space<semaphore_mem>>)
        %dma_wait3A = tpu.memref_slice %arg3[%mul3A_285] : memref<3200000xi32, #tpu.memory_space<hbm>> -> memref<1024xi32, #tpu.memory_space<hbm>>
        %dma_wait3A_329 = tpu.memref_slice %arg3[%mul3A_285] : memref<3200000xi32, #tpu.memory_space<hbm>> -> memref<1024xi32, #tpu.memory_space<hbm>>
        tpu.wait_dma2 semaphore(%run_scoped3A : memref<!tpu.dma_semaphore, #tpu.memory_space<semaphore_mem>>) src(%dma_wait3A_329 : memref<1024xi32, #tpu.memory_space<hbm>>) dst(%arg11 : memref<1024xi32, #tpu.memory_space<vmem>>)
        tpu.yield
      }) : () -> ()
      %get3A = arith.constant 0 : index
      %get3A_286 = tpu.vector_load %arg11[%get3A] {strides = array<i32>} : memref<1024xi32, #tpu.memory_space<vmem>>, vector<16xi32>,
      %reduce_min3A = arith.constant true
      %reduce_min3A_287 = vector.broadcast %reduce_min3A : i1 to vector<16xi1>
      %reduce_min3A_288 = arith.constant -2147483648 : i32
      %reduce_min3A_289 = vector.broadcast %reduce_min3A_288 : i32 to vector<16xi32>
      %reduce_min3A_290 = arith.xori %get3A_286, %reduce_min3A_289 : vector<16xi32>
      %reduce_min3A_291 = tpu.scan <min>, %reduce_min3A_290 masked %reduce_min3A_287 : vector<16xi32>, vector<16xi1> -> vector<16xi32>
      %reduce_min3A_292 = arith.xori %reduce_min3A_291, %reduce_min3A_289 : vector<16xi32>
      %reduce_min3A_293 = vector.extract %reduce_min3A_292[15] : i32 from vector<16xi32>
      %get3A_294 = arith.constant 1008 : index
      %get3A_295 = tpu.vector_load %arg11[%get3A_294] {strides = array<i32>} : memref<1024xi32, #tpu.memory_space<vmem>>, vector<16xi32>,
      %reduce_max3A = arith.constant true
      %reduce_max3A_296 = vector.broadcast %reduce_max3A : i1 to vector<16xi1>
      %reduce_max3A_297 = arith.constant -2147483648 : i32
      %reduce_max3A_298 = vector.broadcast %reduce_max3A_297 : i32 to vector<16xi32>
      %reduce_max3A_299 = arith.xori %get3A_295, %reduce_max3A_298 : vector<16xi32>
      %reduce_max3A_300 = tpu.scan <max>, %reduce_max3A_299 masked %reduce_max3A_296 : vector<16xi32>, vector<16xi1> -> vector<16xi32>
      %reduce_max3A_301 = arith.xori %reduce_max3A_300, %reduce_max3A_298 : vector<16xi32>
      %reduce_max3A_302 = vector.extract %reduce_max3A_301[15] : i32 from vector<16xi32>
      %div3A_303 = arith.constant 8 : i32
      %div3A_304 = arith.divsi %reduce_min3A_293, %div3A_303 : i32
      %mul3A_305 = arith.constant 8 : i32
      %mul3A_306 = arith.muli %div3A_304, %mul3A_305 : i32
      %sub3A = arith.subi %reduce_max3A_302, %mul3A_306 : i32
      %add3A_307 = arith.constant 1 : i32
      %add3A_308 = arith.addi %sub3A, %add3A_307 : i32
      %le3A = arith.constant 256 : i32
      %le3A_309 = arith.cmpi sle, %add3A_308, %le3A : i32
      %convert_element_type3A_310 = arith.extui %le3A_309 : i1 to i32
      %cond3A = arith.constant 0 : i32
      %cond3A_311 = arith.cmpi ne, %convert_element_type3A_310, %cond3A : i32
      scf.if %cond3A_311 {
        "tpu.region"() ({
          %run_scoped3A = tpu.sem_alloc : memref<!tpu.dma_semaphore, #tpu.memory_space<semaphore_mem>>
          %dma_start3A = arith.constant 0 : i32
          %dma_start3A_334 = arith.constant 0 : i32
          %dma_start3A_335 = tpu.memref_slice %arg8[%dma_start3A, %dma_start3A_334] : memref<2064x4xf32, #tpu.memory_space<vmem>> -> memref<264x4xf32, #tpu.memory_space<vmem>>
          %dma_start3A_336 = arith.constant 0 : i32
          %dma_start3A_337 = tpu.memref_slice %arg4[%mul3A_306, %dma_start3A_336] : memref<102160x4xf32, #tpu.memory_space<hbm>> -> memref<264x4xf32, #tpu.memory_space<hbm>>
          %dma_start3A_338 = arith.constant 0 : i32
          %dma_start3A_339 = arith.constant 0 : i32
          %dma_start3A_340 = tpu.memref_slice %arg8[%dma_start3A_338, %dma_start3A_339] : memref<2064x4xf32, #tpu.memory_space<vmem>> -> memref<264x4xf32, #tpu.memory_space<vmem>>
          %dma_start3A_341 = arith.constant 0 : i32
          %dma_start3A_342 = tpu.memref_slice %arg4[%mul3A_306, %dma_start3A_341] : memref<102160x4xf32, #tpu.memory_space<hbm>> -> memref<264x4xf32, #tpu.memory_space<hbm>>
          tpu.enqueue_dma source(%dma_start3A_342 : memref<264x4xf32, #tpu.memory_space<hbm>>) target(%dma_start3A_340 : memref<264x4xf32, #tpu.memory_space<vmem>>) target_semaphore(%run_scoped3A : memref<!tpu.dma_semaphore, #tpu.memory_space<semaphore_mem>>)
          %dma_wait3A = arith.constant 0 : i32
          %dma_wait3A_343 = arith.constant 0 : i32
          %dma_wait3A_344 = tpu.memref_slice %arg8[%dma_wait3A, %dma_wait3A_343] : memref<2064x4xf32, #tpu.memory_space<vmem>> -> memref<264x4xf32, #tpu.memory_space<vmem>>
          %dma_wait3A_345 = arith.constant 0 : i32
          %dma_wait3A_346 = tpu.memref_slice %arg4[%mul3A_306, %dma_wait3A_345] : memref<102160x4xf32, #tpu.memory_space<hbm>> -> memref<264x4xf32, #tpu.memory_space<hbm>>
          %dma_wait3A_347 = arith.constant 0 : i32
          %dma_wait3A_348 = arith.constant 0 : i32
          %dma_wait3A_349 = tpu.memref_slice %arg8[%dma_wait3A_347, %dma_wait3A_348] : memref<2064x4xf32, #tpu.memory_space<vmem>> -> memref<264x4xf32, #tpu.memory_space<vmem>>
          %dma_wait3A_350 = arith.constant 0 : i32
          %dma_wait3A_351 = tpu.memref_slice %arg4[%mul3A_306, %dma_wait3A_350] : memref<102160x4xf32, #tpu.memory_space<hbm>> -> memref<264x4xf32, #tpu.memory_space<hbm>>
          tpu.wait_dma2 semaphore(%run_scoped3A : memref<!tpu.dma_semaphore, #tpu.memory_space<semaphore_mem>>) src(%dma_wait3A_351 : memref<264x4xf32, #tpu.memory_space<hbm>>) dst(%dma_wait3A_349 : memref<264x4xf32, #tpu.memory_space<vmem>>)
          tpu.yield
        }) : () -> ()
        "tpu.region"() ({
          %run_scoped3A = tpu.sem_alloc : memref<!tpu.dma_semaphore, #tpu.memory_space<semaphore_mem>>
          %dma_start3A = arith.constant 0 : i32
          %dma_start3A_334 = arith.constant 0 : i32
          %dma_start3A_335 = tpu.memref_slice %arg9[%dma_start3A, %dma_start3A_334] : memref<2064x4xf32, #tpu.memory_space<vmem>> -> memref<264x4xf32, #tpu.memory_space<vmem>>
          %dma_start3A_336 = arith.constant 0 : i32
          %dma_start3A_337 = tpu.memref_slice %arg5[%mul3A_306, %dma_start3A_336] : memref<102160x4xf32, #tpu.memory_space<hbm>> -> memref<264x4xf32, #tpu.memory_space<hbm>>
          %dma_start3A_338 = arith.constant 0 : i32
          %dma_start3A_339 = arith.constant 0 : i32
          %dma_start3A_340 = tpu.memref_slice %arg9[%dma_start3A_338, %dma_start3A_339] : memref<2064x4xf32, #tpu.memory_space<vmem>> -> memref<264x4xf32, #tpu.memory_space<vmem>>
          %dma_start3A_341 = arith.constant 0 : i32
          %dma_start3A_342 = tpu.memref_slice %arg5[%mul3A_306, %dma_start3A_341] : memref<102160x4xf32, #tpu.memory_space<hbm>> -> memref<264x4xf32, #tpu.memory_space<hbm>>
          tpu.enqueue_dma source(%dma_start3A_342 : memref<264x4xf32, #tpu.memory_space<hbm>>) target(%dma_start3A_340 : memref<264x4xf32, #tpu.memory_space<vmem>>) target_semaphore(%run_scoped3A : memref<!tpu.dma_semaphore, #tpu.memory_space<semaphore_mem>>)
          %dma_wait3A = arith.constant 0 : i32
          %dma_wait3A_343 = arith.constant 0 : i32
          %dma_wait3A_344 = tpu.memref_slice %arg9[%dma_wait3A, %dma_wait3A_343] : memref<2064x4xf32, #tpu.memory_space<vmem>> -> memref<264x4xf32, #tpu.memory_space<vmem>>
          %dma_wait3A_345 = arith.constant 0 : i32
          %dma_wait3A_346 = tpu.memref_slice %arg5[%mul3A_306, %dma_wait3A_345] : memref<102160x4xf32, #tpu.memory_space<hbm>> -> memref<264x4xf32, #tpu.memory_space<hbm>>
          %dma_wait3A_347 = arith.constant 0 : i32
          %dma_wait3A_348 = arith.constant 0 : i32
          %dma_wait3A_349 = tpu.memref_slice %arg9[%dma_wait3A_347, %dma_wait3A_348] : memref<2064x4xf32, #tpu.memory_space<vmem>> -> memref<264x4xf32, #tpu.memory_space<vmem>>
          %dma_wait3A_350 = arith.constant 0 : i32
          %dma_wait3A_351 = tpu.memref_slice %arg5[%mul3A_306, %dma_wait3A_350] : memref<102160x4xf32, #tpu.memory_space<hbm>> -> memref<264x4xf32, #tpu.memory_space<hbm>>
          tpu.wait_dma2 semaphore(%run_scoped3A : memref<!tpu.dma_semaphore, #tpu.memory_space<semaphore_mem>>) src(%dma_wait3A_351 : memref<264x4xf32, #tpu.memory_space<hbm>>) dst(%dma_wait3A_349 : memref<264x4xf32, #tpu.memory_space<vmem>>)
          tpu.yield
        }) : () -> ()
        %scan3A = arith.constant 0 : i32
        %scan3A_328 = arith.constant 0 : i32
        %scan3A_329 = arith.constant 64 : i32
        %scan3A_330 = arith.addi %scan3A_328, %scan3A_329 : i32
        %scan3A_331 = arith.constant 2 : i32
        %scan3A_332 = scf.for %scan3A_334 = %scan3A_328 to %scan3A_330 step %scan3A_331 iter_args(%scan3A_335 = %scan3A) -> (i32)  : i32 {
          %mul3A_336 = arith.constant 16 : i32
          %mul3A_337 = arith.muli %scan3A_334, %mul3A_336 : i32
          %add3A_338 = arith.constant 0 : i32
          %add3A_339 = arith.addi %mul3A_337, %add3A_338 : i32
          %add3A_340 = vector.broadcast %add3A_339 : i32 to vector<16xi32>
          %add3A_341 = arith.addi %add3A_340, %div3A_4 : vector<16xi32>
          %mul3A_342 = arith.constant 64 : i32
          %mul3A_343 = arith.muli %scan3A_334, %mul3A_342 : i32
          %add3A_344 = arith.constant 0 : i32
          %add3A_345 = arith.addi %mul3A_343, %add3A_344 : i32
          %get3A_346 = arith.index_cast %add3A_345 : i32 to index
          %get3A_347 = tpu.vector_load %arg7[%get3A_346] {strides = array<i32>} : memref<4096xf32, #tpu.memory_space<vmem>>, vector<16xf32>,
          %gather3A = tpu.vector_load_idx %arg11[%add3A_341] : memref<1024xi32, #tpu.memory_space<vmem>>[vector<16xi32>], vector<16xi32>,
          %sub3A_348 = vector.broadcast %mul3A_306 : i32 to vector<16xi32>
          %sub3A_349 = arith.subi %gather3A, %sub3A_348 : vector<16xi32>
          %gather3A_350 = tpu.vector_load_idx %arg8[%sub3A_349, %rem3A_2] : memref<2064x4xf32, #tpu.memory_space<vmem>>[vector<16xi32>, vector<16xi32>], vector<16xf32>,
          %gather3A_351 = tpu.vector_load_idx %arg9[%sub3A_349, %rem3A_2] : memref<2064x4xf32, #tpu.memory_space<vmem>>[vector<16xi32>, vector<16xi32>], vector<16xf32>,
          %mul3A_352 = arith.mulf %gather3A_350, %get3A_347 : vector<16xf32>
          %add3A_353 = arith.addf %mul3A_352, %gather3A_351 : vector<16xf32>
          %mul3A_354 = arith.constant 64 : i32
          %mul3A_355 = arith.muli %scan3A_334, %mul3A_354 : i32
          %add3A_356 = arith.constant 0 : i32
          %add3A_357 = arith.addi %mul3A_355, %add3A_356 : i32
          %swap3A_358 = arith.index_cast %add3A_357 : i32 to index
          %swap3A_359 = tpu.vector_load %arg10[%swap3A_358] {strides = array<i32>} : memref<4096xf32, #tpu.memory_space<vmem>>, vector<16xf32>,
          tpu.vector_store %arg10[%swap3A_358], %add3A_353 {strides = array<i32>} : memref<4096xf32, #tpu.memory_space<vmem>>, vector<16xf32>,
          %mul3A_360 = arith.constant 16 : i32
          %mul3A_361 = arith.muli %scan3A_334, %mul3A_360 : i32
          %add3A_362 = arith.constant 4 : i32
          %add3A_363 = arith.addi %mul3A_361, %add3A_362 : i32
          %add3A_364 = vector.broadcast %add3A_363 : i32 to vector<16xi32>
          %add3A_365 = arith.addi %add3A_364, %div3A_4 : vector<16xi32>
          %mul3A_366 = arith.constant 64 : i32
          %mul3A_367 = arith.muli %scan3A_334, %mul3A_366 : i32
          %add3A_368 = arith.constant 16 : i32
          %add3A_369 = arith.addi %mul3A_367, %add3A_368 : i32
          %get3A_370 = arith.index_cast %add3A_369 : i32 to index
          %get3A_371 = tpu.vector_load %arg7[%get3A_370] {strides = array<i32>} : memref<4096xf32, #tpu.memory_space<vmem>>, vector<16xf32>,
          %gather3A_372 = tpu.vector_load_idx %arg11[%add3A_365] : memref<1024xi32, #tpu.memory_space<vmem>>[vector<16xi32>], vector<16xi32>,
          %sub3A_373 = vector.broadcast %mul3A_306 : i32 to vector<16xi32>
          %sub3A_374 = arith.subi %gather3A_372, %sub3A_373 : vector<16xi32>
          %gather3A_375 = tpu.vector_load_idx %arg8[%sub3A_374, %rem3A_2] : memref<2064x4xf32, #tpu.memory_space<vmem>>[vector<16xi32>, vector<16xi32>], vector<16xf32>,
          %gather3A_376 = tpu.vector_load_idx %arg9[%sub3A_374, %rem3A_2] : memref<2064x4xf32, #tpu.memory_space<vmem>>[vector<16xi32>, vector<16xi32>], vector<16xf32>,
          %mul3A_377 = arith.mulf %gather3A_375, %get3A_371 : vector<16xf32>
          %add3A_378 = arith.addf %mul3A_377, %gather3A_376 : vector<16xf32>
          %mul3A_379 = arith.constant 64 : i32
          %mul3A_380 = arith.muli %scan3A_334, %mul3A_379 : i32
          %add3A_381 = arith.constant 16 : i32
          %add3A_382 = arith.addi %mul3A_380, %add3A_381 : i32
          %swap3A_383 = arith.index_cast %add3A_382 : i32 to index
          %swap3A_384 = tpu.vector_load %arg10[%swap3A_383] {strides = array<i32>} : memref<4096xf32, #tpu.memory_space<vmem>>, vector<16xf32>,
          tpu.vector_store %arg10[%swap3A_383], %add3A_378 {strides = array<i32>} : memref<4096xf32, #tpu.memory_space<vmem>>, vector<16xf32>,
          %mul3A_385 = arith.constant 16 : i32
          %mul3A_386 = arith.muli %scan3A_334, %mul3A_385 : i32
          %add3A_387 = arith.constant 8 : i32
          %add3A_388 = arith.addi %mul3A_386, %add3A_387 : i32
          %add3A_389 = vector.broadcast %add3A_388 : i32 to vector<16xi32>
          %add3A_390 = arith.addi %add3A_389, %div3A_4 : vector<16xi32>
          %mul3A_391 = arith.constant 64 : i32
          %mul3A_392 = arith.muli %scan3A_334, %mul3A_391 : i32
          %add3A_393 = arith.constant 32 : i32
          %add3A_394 = arith.addi %mul3A_392, %add3A_393 : i32
          %get3A_395 = arith.index_cast %add3A_394 : i32 to index
          %get3A_396 = tpu.vector_load %arg7[%get3A_395] {strides = array<i32>} : memref<4096xf32, #tpu.memory_space<vmem>>, vector<16xf32>,
          %gather3A_397 = tpu.vector_load_idx %arg11[%add3A_390] : memref<1024xi32, #tpu.memory_space<vmem>>[vector<16xi32>], vector<16xi32>,
          %sub3A_398 = vector.broadcast %mul3A_306 : i32 to vector<16xi32>
          %sub3A_399 = arith.subi %gather3A_397, %sub3A_398 : vector<16xi32>
          %gather3A_400 = tpu.vector_load_idx %arg8[%sub3A_399, %rem3A_2] : memref<2064x4xf32, #tpu.memory_space<vmem>>[vector<16xi32>, vector<16xi32>], vector<16xf32>,
          %gather3A_401 = tpu.vector_load_idx %arg9[%sub3A_399, %rem3A_2] : memref<2064x4xf32, #tpu.memory_space<vmem>>[vector<16xi32>, vector<16xi32>], vector<16xf32>,
          %mul3A_402 = arith.mulf %gather3A_400, %get3A_396 : vector<16xf32>
          %add3A_403 = arith.addf %mul3A_402, %gather3A_401 : vector<16xf32>
          %mul3A_404 = arith.constant 64 : i32
          %mul3A_405 = arith.muli %scan3A_334, %mul3A_404 : i32
          %add3A_406 = arith.constant 32 : i32
          %add3A_407 = arith.addi %mul3A_405, %add3A_406 : i32
          %swap3A_408 = arith.index_cast %add3A_407 : i32 to index
          %swap3A_409 = tpu.vector_load %arg10[%swap3A_408] {strides = array<i32>} : memref<4096xf32, #tpu.memory_space<vmem>>, vector<16xf32>,
          tpu.vector_store %arg10[%swap3A_408], %add3A_403 {strides = array<i32>} : memref<4096xf32, #tpu.memory_space<vmem>>, vector<16xf32>,
          %mul3A_410 = arith.constant 16 : i32
          %mul3A_411 = arith.muli %scan3A_334, %mul3A_410 : i32
          %add3A_412 = arith.constant 12 : i32
          %add3A_413 = arith.addi %mul3A_411, %add3A_412 : i32
          %add3A_414 = vector.broadcast %add3A_413 : i32 to vector<16xi32>
          %add3A_415 = arith.addi %add3A_414, %div3A_4 : vector<16xi32>
          %mul3A_416 = arith.constant 64 : i32
          %mul3A_417 = arith.muli %scan3A_334, %mul3A_416 : i32
          %add3A_418 = arith.constant 48 : i32
          %add3A_419 = arith.addi %mul3A_417, %add3A_418 : i32
          %get3A_420 = arith.index_cast %add3A_419 : i32 to index
          %get3A_421 = tpu.vector_load %arg7[%get3A_420] {strides = array<i32>} : memref<4096xf32, #tpu.memory_space<vmem>>, vector<16xf32>,
          %gather3A_422 = tpu.vector_load_idx %arg11[%add3A_415] : memref<1024xi32, #tpu.memory_space<vmem>>[vector<16xi32>], vector<16xi32>,
          %sub3A_423 = vector.broadcast %mul3A_306 : i32 to vector<16xi32>
          %sub3A_424 = arith.subi %gather3A_422, %sub3A_423 : vector<16xi32>
          %gather3A_425 = tpu.vector_load_idx %arg8[%sub3A_424, %rem3A_2] : memref<2064x4xf32, #tpu.memory_space<vmem>>[vector<16xi32>, vector<16xi32>], vector<16xf32>,
          %gather3A_426 = tpu.vector_load_idx %arg9[%sub3A_424, %rem3A_2] : memref<2064x4xf32, #tpu.memory_space<vmem>>[vector<16xi32>, vector<16xi32>], vector<16xf32>,
          %mul3A_427 = arith.mulf %gather3A_425, %get3A_421 : vector<16xf32>
          %add3A_428 = arith.addf %mul3A_427, %gather3A_426 : vector<16xf32>
          %mul3A_429 = arith.constant 64 : i32
          %mul3A_430 = arith.muli %scan3A_334, %mul3A_429 : i32
          %add3A_431 = arith.constant 48 : i32
          %add3A_432 = arith.addi %mul3A_430, %add3A_431 : i32
          %swap3A_433 = arith.index_cast %add3A_432 : i32 to index
          %swap3A_434 = tpu.vector_load %arg10[%swap3A_433] {strides = array<i32>} : memref<4096xf32, #tpu.memory_space<vmem>>, vector<16xf32>,
          tpu.vector_store %arg10[%swap3A_433], %add3A_428 {strides = array<i32>} : memref<4096xf32, #tpu.memory_space<vmem>>, vector<16xf32>,
          %scan3A_435 = arith.constant 0 : i32
          %scan3A_436 = arith.constant 1 : i32
          %scan3A_437 = arith.addi %scan3A_334, %scan3A_436 : i32
          %mul3A_438 = arith.constant 16 : i32
          %mul3A_439 = arith.muli %scan3A_437, %mul3A_438 : i32
          %add3A_440 = arith.constant 0 : i32
          %add3A_441 = arith.addi %mul3A_439, %add3A_440 : i32
          %add3A_442 = vector.broadcast %add3A_441 : i32 to vector<16xi32>
          %add3A_443 = arith.addi %add3A_442, %div3A_4 : vector<16xi32>
          %mul3A_444 = arith.constant 64 : i32
          %mul3A_445 = arith.muli %scan3A_437, %mul3A_444 : i32
          %add3A_446 = arith.constant 0 : i32
          %add3A_447 = arith.addi %mul3A_445, %add3A_446 : i32
          %get3A_448 = arith.index_cast %add3A_447 : i32 to index
          %get3A_449 = tpu.vector_load %arg7[%get3A_448] {strides = array<i32>} : memref<4096xf32, #tpu.memory_space<vmem>>, vector<16xf32>,
          %gather3A_450 = tpu.vector_load_idx %arg11[%add3A_443] : memref<1024xi32, #tpu.memory_space<vmem>>[vector<16xi32>], vector<16xi32>,
          %sub3A_451 = vector.broadcast %mul3A_306 : i32 to vector<16xi32>
          %sub3A_452 = arith.subi %gather3A_450, %sub3A_451 : vector<16xi32>
          %gather3A_453 = tpu.vector_load_idx %arg8[%sub3A_452, %rem3A_2] : memref<2064x4xf32, #tpu.memory_space<vmem>>[vector<16xi32>, vector<16xi32>], vector<16xf32>,
          %gather3A_454 = tpu.vector_load_idx %arg9[%sub3A_452, %rem3A_2] : memref<2064x4xf32, #tpu.memory_space<vmem>>[vector<16xi32>, vector<16xi32>], vector<16xf32>,
          %mul3A_455 = arith.mulf %gather3A_453, %get3A_449 : vector<16xf32>
          %add3A_456 = arith.addf %mul3A_455, %gather3A_454 : vector<16xf32>
          %mul3A_457 = arith.constant 64 : i32
          %mul3A_458 = arith.muli %scan3A_437, %mul3A_457 : i32
          %add3A_459 = arith.constant 0 : i32
          %add3A_460 = arith.addi %mul3A_458, %add3A_459 : i32
          %swap3A_461 = arith.index_cast %add3A_460 : i32 to index
          %swap3A_462 = tpu.vector_load %arg10[%swap3A_461] {strides = array<i32>} : memref<4096xf32, #tpu.memory_space<vmem>>, vector<16xf32>,
          tpu.vector_store %arg10[%swap3A_461], %add3A_456 {strides = array<i32>} : memref<4096xf32, #tpu.memory_space<vmem>>, vector<16xf32>,
          %mul3A_463 = arith.constant 16 : i32
          %mul3A_464 = arith.muli %scan3A_437, %mul3A_463 : i32
          %add3A_465 = arith.constant 4 : i32
          %add3A_466 = arith.addi %mul3A_464, %add3A_465 : i32
          %add3A_467 = vector.broadcast %add3A_466 : i32 to vector<16xi32>
          %add3A_468 = arith.addi %add3A_467, %div3A_4 : vector<16xi32>
          %mul3A_469 = arith.constant 64 : i32
          %mul3A_470 = arith.muli %scan3A_437, %mul3A_469 : i32
          %add3A_471 = arith.constant 16 : i32
          %add3A_472 = arith.addi %mul3A_470, %add3A_471 : i32
          %get3A_473 = arith.index_cast %add3A_472 : i32 to index
          %get3A_474 = tpu.vector_load %arg7[%get3A_473] {strides = array<i32>} : memref<4096xf32, #tpu.memory_space<vmem>>, vector<16xf32>,
          %gather3A_475 = tpu.vector_load_idx %arg11[%add3A_468] : memref<1024xi32, #tpu.memory_space<vmem>>[vector<16xi32>], vector<16xi32>,
          %sub3A_476 = vector.broadcast %mul3A_306 : i32 to vector<16xi32>
          %sub3A_477 = arith.subi %gather3A_475, %sub3A_476 : vector<16xi32>
          %gather3A_478 = tpu.vector_load_idx %arg8[%sub3A_477, %rem3A_2] : memref<2064x4xf32, #tpu.memory_space<vmem>>[vector<16xi32>, vector<16xi32>], vector<16xf32>,
          %gather3A_479 = tpu.vector_load_idx %arg9[%sub3A_477, %rem3A_2] : memref<2064x4xf32, #tpu.memory_space<vmem>>[vector<16xi32>, vector<16xi32>], vector<16xf32>,
          %mul3A_480 = arith.mulf %gather3A_478, %get3A_474 : vector<16xf32>
          %add3A_481 = arith.addf %mul3A_480, %gather3A_479 : vector<16xf32>
          %mul3A_482 = arith.constant 64 : i32
          %mul3A_483 = arith.muli %scan3A_437, %mul3A_482 : i32
          %add3A_484 = arith.constant 16 : i32
          %add3A_485 = arith.addi %mul3A_483, %add3A_484 : i32
          %swap3A_486 = arith.index_cast %add3A_485 : i32 to index
          %swap3A_487 = tpu.vector_load %arg10[%swap3A_486] {strides = array<i32>} : memref<4096xf32, #tpu.memory_space<vmem>>, vector<16xf32>,
          tpu.vector_store %arg10[%swap3A_486], %add3A_481 {strides = array<i32>} : memref<4096xf32, #tpu.memory_space<vmem>>, vector<16xf32>,
          %mul3A_488 = arith.constant 16 : i32
          %mul3A_489 = arith.muli %scan3A_437, %mul3A_488 : i32
          %add3A_490 = arith.constant 8 : i32
          %add3A_491 = arith.addi %mul3A_489, %add3A_490 : i32
          %add3A_492 = vector.broadcast %add3A_491 : i32 to vector<16xi32>
          %add3A_493 = arith.addi %add3A_492, %div3A_4 : vector<16xi32>
          %mul3A_494 = arith.constant 64 : i32
          %mul3A_495 = arith.muli %scan3A_437, %mul3A_494 : i32
          %add3A_496 = arith.constant 32 : i32
          %add3A_497 = arith.addi %mul3A_495, %add3A_496 : i32
          %get3A_498 = arith.index_cast %add3A_497 : i32 to index
          %get3A_499 = tpu.vector_load %arg7[%get3A_498] {strides = array<i32>} : memref<4096xf32, #tpu.memory_space<vmem>>, vector<16xf32>,
          %gather3A_500 = tpu.vector_load_idx %arg11[%add3A_493] : memref<1024xi32, #tpu.memory_space<vmem>>[vector<16xi32>], vector<16xi32>,
          %sub3A_501 = vector.broadcast %mul3A_306 : i32 to vector<16xi32>
          %sub3A_502 = arith.subi %gather3A_500, %sub3A_501 : vector<16xi32>
          %gather3A_503 = tpu.vector_load_idx %arg8[%sub3A_502, %rem3A_2] : memref<2064x4xf32, #tpu.memory_space<vmem>>[vector<16xi32>, vector<16xi32>], vector<16xf32>,
          %gather3A_504 = tpu.vector_load_idx %arg9[%sub3A_502, %rem3A_2] : memref<2064x4xf32, #tpu.memory_space<vmem>>[vector<16xi32>, vector<16xi32>], vector<16xf32>,
          %mul3A_505 = arith.mulf %gather3A_503, %get3A_499 : vector<16xf32>
          %add3A_506 = arith.addf %mul3A_505, %gather3A_504 : vector<16xf32>
          %mul3A_507 = arith.constant 64 : i32
          %mul3A_508 = arith.muli %scan3A_437, %mul3A_507 : i32
          %add3A_509 = arith.constant 32 : i32
          %add3A_510 = arith.addi %mul3A_508, %add3A_509 : i32
          %swap3A_511 = arith.index_cast %add3A_510 : i32 to index
          %swap3A_512 = tpu.vector_load %arg10[%swap3A_511] {strides = array<i32>} : memref<4096xf32, #tpu.memory_space<vmem>>, vector<16xf32>,
          tpu.vector_store %arg10[%swap3A_511], %add3A_506 {strides = array<i32>} : memref<4096xf32, #tpu.memory_space<vmem>>, vector<16xf32>,
          %mul3A_513 = arith.constant 16 : i32
          %mul3A_514 = arith.muli %scan3A_437, %mul3A_513 : i32
          %add3A_515 = arith.constant 12 : i32
          %add3A_516 = arith.addi %mul3A_514, %add3A_515 : i32
          %add3A_517 = vector.broadcast %add3A_516 : i32 to vector<16xi32>
          %add3A_518 = arith.addi %add3A_517, %div3A_4 : vector<16xi32>
          %mul3A_519 = arith.constant 64 : i32
          %mul3A_520 = arith.muli %scan3A_437, %mul3A_519 : i32
          %add3A_521 = arith.constant 48 : i32
          %add3A_522 = arith.addi %mul3A_520, %add3A_521 : i32
          %get3A_523 = arith.index_cast %add3A_522 : i32 to index
          %get3A_524 = tpu.vector_load %arg7[%get3A_523] {strides = array<i32>} : memref<4096xf32, #tpu.memory_space<vmem>>, vector<16xf32>,
          %gather3A_525 = tpu.vector_load_idx %arg11[%add3A_518] : memref<1024xi32, #tpu.memory_space<vmem>>[vector<16xi32>], vector<16xi32>,
          %sub3A_526 = vector.broadcast %mul3A_306 : i32 to vector<16xi32>
          %sub3A_527 = arith.subi %gather3A_525, %sub3A_526 : vector<16xi32>
          %gather3A_528 = tpu.vector_load_idx %arg8[%sub3A_527, %rem3A_2] : memref<2064x4xf32, #tpu.memory_space<vmem>>[vector<16xi32>, vector<16xi32>], vector<16xf32>,
          %gather3A_529 = tpu.vector_load_idx %arg9[%sub3A_527, %rem3A_2] : memref<2064x4xf32, #tpu.memory_space<vmem>>[vector<16xi32>, vector<16xi32>], vector<16xf32>,
          %mul3A_530 = arith.mulf %gather3A_528, %get3A_524 : vector<16xf32>
          %add3A_531 = arith.addf %mul3A_530, %gather3A_529 : vector<16xf32>
          %mul3A_532 = arith.constant 64 : i32
          %mul3A_533 = arith.muli %scan3A_437, %mul3A_532 : i32
          %add3A_534 = arith.constant 48 : i32
          %add3A_535 = arith.addi %mul3A_533, %add3A_534 : i32
          %swap3A_536 = arith.index_cast %add3A_535 : i32 to index
          %swap3A_537 = tpu.vector_load %arg10[%swap3A_536] {strides = array<i32>} : memref<4096xf32, #tpu.memory_space<vmem>>, vector<16xf32>,
          tpu.vector_store %arg10[%swap3A_536], %add3A_531 {strides = array<i32>} : memref<4096xf32, #tpu.memory_space<vmem>>, vector<16xf32>,
          %scan3A_538 = arith.constant 0 : i32
          scf.yield %scan3A_538 : i32
        }
        %scan3A_333 = arith.constant 64 : i32
      } else {
      }
      %gt3A = arith.constant 256 : i32
      %gt3A_312 = arith.cmpi sgt, %add3A_308, %gt3A : i32
      %le3A_313 = arith.constant 2048 : i32
      %le3A_314 = arith.cmpi sle, %add3A_308, %le3A_313 : i32
      %and3A = arith.andi %gt3A_312, %le3A_314 : i1
      %convert_element_type3A_315 = arith.extui %and3A : i1 to i32
      %cond3A_316 = arith.constant 0 : i32
      %cond3A_317 = arith.cmpi ne, %convert_element_type3A_315, %cond3A_316 : i32
      scf.if %cond3A_317 {
        "tpu.region"() ({
          %run_scoped3A = tpu.sem_alloc : memref<!tpu.dma_semaphore, #tpu.memory_space<semaphore_mem>>
          %dma_start3A = arith.constant 0 : i32
          %dma_start3A_334 = arith.constant 0 : i32
          %dma_start3A_335 = tpu.memref_slice %arg8[%dma_start3A, %dma_start3A_334] : memref<2064x4xf32, #tpu.memory_space<vmem>> -> memref<2056x4xf32, #tpu.memory_space<vmem>>
          %dma_start3A_336 = arith.constant 0 : i32
          %dma_start3A_337 = tpu.memref_slice %arg4[%mul3A_306, %dma_start3A_336] : memref<102160x4xf32, #tpu.memory_space<hbm>> -> memref<2056x4xf32, #tpu.memory_space<hbm>>
          %dma_start3A_338 = arith.constant 0 : i32
          %dma_start3A_339 = arith.constant 0 : i32
          %dma_start3A_340 = tpu.memref_slice %arg8[%dma_start3A_338, %dma_start3A_339] : memref<2064x4xf32, #tpu.memory_space<vmem>> -> memref<2056x4xf32, #tpu.memory_space<vmem>>
          %dma_start3A_341 = arith.constant 0 : i32
          %dma_start3A_342 = tpu.memref_slice %arg4[%mul3A_306, %dma_start3A_341] : memref<102160x4xf32, #tpu.memory_space<hbm>> -> memref<2056x4xf32, #tpu.memory_space<hbm>>
          tpu.enqueue_dma source(%dma_start3A_342 : memref<2056x4xf32, #tpu.memory_space<hbm>>) target(%dma_start3A_340 : memref<2056x4xf32, #tpu.memory_space<vmem>>) target_semaphore(%run_scoped3A : memref<!tpu.dma_semaphore, #tpu.memory_space<semaphore_mem>>)
          %dma_wait3A = arith.constant 0 : i32
          %dma_wait3A_343 = arith.constant 0 : i32
          %dma_wait3A_344 = tpu.memref_slice %arg8[%dma_wait3A, %dma_wait3A_343] : memref<2064x4xf32, #tpu.memory_space<vmem>> -> memref<2056x4xf32, #tpu.memory_space<vmem>>
          %dma_wait3A_345 = arith.constant 0 : i32
          %dma_wait3A_346 = tpu.memref_slice %arg4[%mul3A_306, %dma_wait3A_345] : memref<102160x4xf32, #tpu.memory_space<hbm>> -> memref<2056x4xf32, #tpu.memory_space<hbm>>
          %dma_wait3A_347 = arith.constant 0 : i32
          %dma_wait3A_348 = arith.constant 0 : i32
          %dma_wait3A_349 = tpu.memref_slice %arg8[%dma_wait3A_347, %dma_wait3A_348] : memref<2064x4xf32, #tpu.memory_space<vmem>> -> memref<2056x4xf32, #tpu.memory_space<vmem>>
          %dma_wait3A_350 = arith.constant 0 : i32
          %dma_wait3A_351 = tpu.memref_slice %arg4[%mul3A_306, %dma_wait3A_350] : memref<102160x4xf32, #tpu.memory_space<hbm>> -> memref<2056x4xf32, #tpu.memory_space<hbm>>
          tpu.wait_dma2 semaphore(%run_scoped3A : memref<!tpu.dma_semaphore, #tpu.memory_space<semaphore_mem>>) src(%dma_wait3A_351 : memref<2056x4xf32, #tpu.memory_space<hbm>>) dst(%dma_wait3A_349 : memref<2056x4xf32, #tpu.memory_space<vmem>>)
          tpu.yield
        }) : () -> ()
        "tpu.region"() ({
          %run_scoped3A = tpu.sem_alloc : memref<!tpu.dma_semaphore, #tpu.memory_space<semaphore_mem>>
          %dma_start3A = arith.constant 0 : i32
          %dma_start3A_334 = arith.constant 0 : i32
          %dma_start3A_335 = tpu.memref_slice %arg9[%dma_start3A, %dma_start3A_334] : memref<2064x4xf32, #tpu.memory_space<vmem>> -> memref<2056x4xf32, #tpu.memory_space<vmem>>
          %dma_start3A_336 = arith.constant 0 : i32
          %dma_start3A_337 = tpu.memref_slice %arg5[%mul3A_306, %dma_start3A_336] : memref<102160x4xf32, #tpu.memory_space<hbm>> -> memref<2056x4xf32, #tpu.memory_space<hbm>>
          %dma_start3A_338 = arith.constant 0 : i32
          %dma_start3A_339 = arith.constant 0 : i32
          %dma_start3A_340 = tpu.memref_slice %arg9[%dma_start3A_338, %dma_start3A_339] : memref<2064x4xf32, #tpu.memory_space<vmem>> -> memref<2056x4xf32, #tpu.memory_space<vmem>>
          %dma_start3A_341 = arith.constant 0 : i32
          %dma_start3A_342 = tpu.memref_slice %arg5[%mul3A_306, %dma_start3A_341] : memref<102160x4xf32, #tpu.memory_space<hbm>> -> memref<2056x4xf32, #tpu.memory_space<hbm>>
          tpu.enqueue_dma source(%dma_start3A_342 : memref<2056x4xf32, #tpu.memory_space<hbm>>) target(%dma_start3A_340 : memref<2056x4xf32, #tpu.memory_space<vmem>>) target_semaphore(%run_scoped3A : memref<!tpu.dma_semaphore, #tpu.memory_space<semaphore_mem>>)
          %dma_wait3A = arith.constant 0 : i32
          %dma_wait3A_343 = arith.constant 0 : i32
          %dma_wait3A_344 = tpu.memref_slice %arg9[%dma_wait3A, %dma_wait3A_343] : memref<2064x4xf32, #tpu.memory_space<vmem>> -> memref<2056x4xf32, #tpu.memory_space<vmem>>
          %dma_wait3A_345 = arith.constant 0 : i32
          %dma_wait3A_346 = tpu.memref_slice %arg5[%mul3A_306, %dma_wait3A_345] : memref<102160x4xf32, #tpu.memory_space<hbm>> -> memref<2056x4xf32, #tpu.memory_space<hbm>>
          %dma_wait3A_347 = arith.constant 0 : i32
          %dma_wait3A_348 = arith.constant 0 : i32
          %dma_wait3A_349 = tpu.memref_slice %arg9[%dma_wait3A_347, %dma_wait3A_348] : memref<2064x4xf32, #tpu.memory_space<vmem>> -> memref<2056x4xf32, #tpu.memory_space<vmem>>
          %dma_wait3A_350 = arith.constant 0 : i32
          %dma_wait3A_351 = tpu.memref_slice %arg5[%mul3A_306, %dma_wait3A_350] : memref<102160x4xf32, #tpu.memory_space<hbm>> -> memref<2056x4xf32, #tpu.memory_space<hbm>>
          tpu.wait_dma2 semaphore(%run_scoped3A : memref<!tpu.dma_semaphore, #tpu.memory_space<semaphore_mem>>) src(%dma_wait3A_351 : memref<2056x4xf32, #tpu.memory_space<hbm>>) dst(%dma_wait3A_349 : memref<2056x4xf32, #tpu.memory_space<vmem>>)
          tpu.yield
        }) : () -> ()
        %scan3A = arith.constant 0 : i32
        %scan3A_328 = arith.constant 0 : i32
        %scan3A_329 = arith.constant 64 : i32
        %scan3A_330 = arith.addi %scan3A_328, %scan3A_329 : i32
        %scan3A_331 = arith.constant 2 : i32
        %scan3A_332 = scf.for %scan3A_334 = %scan3A_328 to %scan3A_330 step %scan3A_331 iter_args(%scan3A_335 = %scan3A) -> (i32)  : i32 {
          %mul3A_336 = arith.constant 16 : i32
          %mul3A_337 = arith.muli %scan3A_334, %mul3A_336 : i32
          %add3A_338 = arith.constant 0 : i32
          %add3A_339 = arith.addi %mul3A_337, %add3A_338 : i32
          %add3A_340 = vector.broadcast %add3A_339 : i32 to vector<16xi32>
          %add3A_341 = arith.addi %add3A_340, %div3A_4 : vector<16xi32>
          %mul3A_342 = arith.constant 64 : i32
          %mul3A_343 = arith.muli %scan3A_334, %mul3A_342 : i32
          %add3A_344 = arith.constant 0 : i32
          %add3A_345 = arith.addi %mul3A_343, %add3A_344 : i32
          %get3A_346 = arith.index_cast %add3A_345 : i32 to index
          %get3A_347 = tpu.vector_load %arg7[%get3A_346] {strides = array<i32>} : memref<4096xf32, #tpu.memory_space<vmem>>, vector<16xf32>,
          %gather3A = tpu.vector_load_idx %arg11[%add3A_341] : memref<1024xi32, #tpu.memory_space<vmem>>[vector<16xi32>], vector<16xi32>,
          %sub3A_348 = vector.broadcast %mul3A_306 : i32 to vector<16xi32>
          %sub3A_349 = arith.subi %gather3A, %sub3A_348 : vector<16xi32>
          %gather3A_350 = tpu.vector_load_idx %arg8[%sub3A_349, %rem3A_2] : memref<2064x4xf32, #tpu.memory_space<vmem>>[vector<16xi32>, vector<16xi32>], vector<16xf32>,
          %gather3A_351 = tpu.vector_load_idx %arg9[%sub3A_349, %rem3A_2] : memref<2064x4xf32, #tpu.memory_space<vmem>>[vector<16xi32>, vector<16xi32>], vector<16xf32>,
          %mul3A_352 = arith.mulf %gather3A_350, %get3A_347 : vector<16xf32>
          %add3A_353 = arith.addf %mul3A_352, %gather3A_351 : vector<16xf32>
          %mul3A_354 = arith.constant 64 : i32
          %mul3A_355 = arith.muli %scan3A_334, %mul3A_354 : i32
          %add3A_356 = arith.constant 0 : i32
          %add3A_357 = arith.addi %mul3A_355, %add3A_356 : i32
          %swap3A_358 = arith.index_cast %add3A_357 : i32 to index
          %swap3A_359 = tpu.vector_load %arg10[%swap3A_358] {strides = array<i32>} : memref<4096xf32, #tpu.memory_space<vmem>>, vector<16xf32>,
          tpu.vector_store %arg10[%swap3A_358], %add3A_353 {strides = array<i32>} : memref<4096xf32, #tpu.memory_space<vmem>>, vector<16xf32>,
          %mul3A_360 = arith.constant 16 : i32
          %mul3A_361 = arith.muli %scan3A_334, %mul3A_360 : i32
          %add3A_362 = arith.constant 4 : i32
          %add3A_363 = arith.addi %mul3A_361, %add3A_362 : i32
          %add3A_364 = vector.broadcast %add3A_363 : i32 to vector<16xi32>
          %add3A_365 = arith.addi %add3A_364, %div3A_4 : vector<16xi32>
          %mul3A_366 = arith.constant 64 : i32
          %mul3A_367 = arith.muli %scan3A_334, %mul3A_366 : i32
          %add3A_368 = arith.constant 16 : i32
          %add3A_369 = arith.addi %mul3A_367, %add3A_368 : i32
          %get3A_370 = arith.index_cast %add3A_369 : i32 to index
          %get3A_371 = tpu.vector_load %arg7[%get3A_370] {strides = array<i32>} : memref<4096xf32, #tpu.memory_space<vmem>>, vector<16xf32>,
          %gather3A_372 = tpu.vector_load_idx %arg11[%add3A_365] : memref<1024xi32, #tpu.memory_space<vmem>>[vector<16xi32>], vector<16xi32>,
          %sub3A_373 = vector.broadcast %mul3A_306 : i32 to vector<16xi32>
          %sub3A_374 = arith.subi %gather3A_372, %sub3A_373 : vector<16xi32>
          %gather3A_375 = tpu.vector_load_idx %arg8[%sub3A_374, %rem3A_2] : memref<2064x4xf32, #tpu.memory_space<vmem>>[vector<16xi32>, vector<16xi32>], vector<16xf32>,
          %gather3A_376 = tpu.vector_load_idx %arg9[%sub3A_374, %rem3A_2] : memref<2064x4xf32, #tpu.memory_space<vmem>>[vector<16xi32>, vector<16xi32>], vector<16xf32>,
          %mul3A_377 = arith.mulf %gather3A_375, %get3A_371 : vector<16xf32>
          %add3A_378 = arith.addf %mul3A_377, %gather3A_376 : vector<16xf32>
          %mul3A_379 = arith.constant 64 : i32
          %mul3A_380 = arith.muli %scan3A_334, %mul3A_379 : i32
          %add3A_381 = arith.constant 16 : i32
          %add3A_382 = arith.addi %mul3A_380, %add3A_381 : i32
          %swap3A_383 = arith.index_cast %add3A_382 : i32 to index
          %swap3A_384 = tpu.vector_load %arg10[%swap3A_383] {strides = array<i32>} : memref<4096xf32, #tpu.memory_space<vmem>>, vector<16xf32>,
          tpu.vector_store %arg10[%swap3A_383], %add3A_378 {strides = array<i32>} : memref<4096xf32, #tpu.memory_space<vmem>>, vector<16xf32>,
          %mul3A_385 = arith.constant 16 : i32
          %mul3A_386 = arith.muli %scan3A_334, %mul3A_385 : i32
          %add3A_387 = arith.constant 8 : i32
          %add3A_388 = arith.addi %mul3A_386, %add3A_387 : i32
          %add3A_389 = vector.broadcast %add3A_388 : i32 to vector<16xi32>
          %add3A_390 = arith.addi %add3A_389, %div3A_4 : vector<16xi32>
          %mul3A_391 = arith.constant 64 : i32
          %mul3A_392 = arith.muli %scan3A_334, %mul3A_391 : i32
          %add3A_393 = arith.constant 32 : i32
          %add3A_394 = arith.addi %mul3A_392, %add3A_393 : i32
          %get3A_395 = arith.index_cast %add3A_394 : i32 to index
          %get3A_396 = tpu.vector_load %arg7[%get3A_395] {strides = array<i32>} : memref<4096xf32, #tpu.memory_space<vmem>>, vector<16xf32>,
          %gather3A_397 = tpu.vector_load_idx %arg11[%add3A_390] : memref<1024xi32, #tpu.memory_space<vmem>>[vector<16xi32>], vector<16xi32>,
          %sub3A_398 = vector.broadcast %mul3A_306 : i32 to vector<16xi32>
          %sub3A_399 = arith.subi %gather3A_397, %sub3A_398 : vector<16xi32>
          %gather3A_400 = tpu.vector_load_idx %arg8[%sub3A_399, %rem3A_2] : memref<2064x4xf32, #tpu.memory_space<vmem>>[vector<16xi32>, vector<16xi32>], vector<16xf32>,
          %gather3A_401 = tpu.vector_load_idx %arg9[%sub3A_399, %rem3A_2] : memref<2064x4xf32, #tpu.memory_space<vmem>>[vector<16xi32>, vector<16xi32>], vector<16xf32>,
          %mul3A_402 = arith.mulf %gather3A_400, %get3A_396 : vector<16xf32>
          %add3A_403 = arith.addf %mul3A_402, %gather3A_401 : vector<16xf32>
          %mul3A_404 = arith.constant 64 : i32
          %mul3A_405 = arith.muli %scan3A_334, %mul3A_404 : i32
          %add3A_406 = arith.constant 32 : i32
          %add3A_407 = arith.addi %mul3A_405, %add3A_406 : i32
          %swap3A_408 = arith.index_cast %add3A_407 : i32 to index
          %swap3A_409 = tpu.vector_load %arg10[%swap3A_408] {strides = array<i32>} : memref<4096xf32, #tpu.memory_space<vmem>>, vector<16xf32>,
          tpu.vector_store %arg10[%swap3A_408], %add3A_403 {strides = array<i32>} : memref<4096xf32, #tpu.memory_space<vmem>>, vector<16xf32>,
          %mul3A_410 = arith.constant 16 : i32
          %mul3A_411 = arith.muli %scan3A_334, %mul3A_410 : i32
          %add3A_412 = arith.constant 12 : i32
          %add3A_413 = arith.addi %mul3A_411, %add3A_412 : i32
          %add3A_414 = vector.broadcast %add3A_413 : i32 to vector<16xi32>
          %add3A_415 = arith.addi %add3A_414, %div3A_4 : vector<16xi32>
          %mul3A_416 = arith.constant 64 : i32
          %mul3A_417 = arith.muli %scan3A_334, %mul3A_416 : i32
          %add3A_418 = arith.constant 48 : i32
          %add3A_419 = arith.addi %mul3A_417, %add3A_418 : i32
          %get3A_420 = arith.index_cast %add3A_419 : i32 to index
          %get3A_421 = tpu.vector_load %arg7[%get3A_420] {strides = array<i32>} : memref<4096xf32, #tpu.memory_space<vmem>>, vector<16xf32>,
          %gather3A_422 = tpu.vector_load_idx %arg11[%add3A_415] : memref<1024xi32, #tpu.memory_space<vmem>>[vector<16xi32>], vector<16xi32>,
          %sub3A_423 = vector.broadcast %mul3A_306 : i32 to vector<16xi32>
          %sub3A_424 = arith.subi %gather3A_422, %sub3A_423 : vector<16xi32>
          %gather3A_425 = tpu.vector_load_idx %arg8[%sub3A_424, %rem3A_2] : memref<2064x4xf32, #tpu.memory_space<vmem>>[vector<16xi32>, vector<16xi32>], vector<16xf32>,
          %gather3A_426 = tpu.vector_load_idx %arg9[%sub3A_424, %rem3A_2] : memref<2064x4xf32, #tpu.memory_space<vmem>>[vector<16xi32>, vector<16xi32>], vector<16xf32>,
          %mul3A_427 = arith.mulf %gather3A_425, %get3A_421 : vector<16xf32>
          %add3A_428 = arith.addf %mul3A_427, %gather3A_426 : vector<16xf32>
          %mul3A_429 = arith.constant 64 : i32
          %mul3A_430 = arith.muli %scan3A_334, %mul3A_429 : i32
          %add3A_431 = arith.constant 48 : i32
          %add3A_432 = arith.addi %mul3A_430, %add3A_431 : i32
          %swap3A_433 = arith.index_cast %add3A_432 : i32 to index
          %swap3A_434 = tpu.vector_load %arg10[%swap3A_433] {strides = array<i32>} : memref<4096xf32, #tpu.memory_space<vmem>>, vector<16xf32>,
          tpu.vector_store %arg10[%swap3A_433], %add3A_428 {strides = array<i32>} : memref<4096xf32, #tpu.memory_space<vmem>>, vector<16xf32>,
          %scan3A_435 = arith.constant 0 : i32
          %scan3A_436 = arith.constant 1 : i32
          %scan3A_437 = arith.addi %scan3A_334, %scan3A_436 : i32
          %mul3A_438 = arith.constant 16 : i32
          %mul3A_439 = arith.muli %scan3A_437, %mul3A_438 : i32
          %add3A_440 = arith.constant 0 : i32
          %add3A_441 = arith.addi %mul3A_439, %add3A_440 : i32
          %add3A_442 = vector.broadcast %add3A_441 : i32 to vector<16xi32>
          %add3A_443 = arith.addi %add3A_442, %div3A_4 : vector<16xi32>
          %mul3A_444 = arith.constant 64 : i32
          %mul3A_445 = arith.muli %scan3A_437, %mul3A_444 : i32
          %add3A_446 = arith.constant 0 : i32
          %add3A_447 = arith.addi %mul3A_445, %add3A_446 : i32
          %get3A_448 = arith.index_cast %add3A_447 : i32 to index
          %get3A_449 = tpu.vector_load %arg7[%get3A_448] {strides = array<i32>} : memref<4096xf32, #tpu.memory_space<vmem>>, vector<16xf32>,
          %gather3A_450 = tpu.vector_load_idx %arg11[%add3A_443] : memref<1024xi32, #tpu.memory_space<vmem>>[vector<16xi32>], vector<16xi32>,
          %sub3A_451 = vector.broadcast %mul3A_306 : i32 to vector<16xi32>
          %sub3A_452 = arith.subi %gather3A_450, %sub3A_451 : vector<16xi32>
          %gather3A_453 = tpu.vector_load_idx %arg8[%sub3A_452, %rem3A_2] : memref<2064x4xf32, #tpu.memory_space<vmem>>[vector<16xi32>, vector<16xi32>], vector<16xf32>,
          %gather3A_454 = tpu.vector_load_idx %arg9[%sub3A_452, %rem3A_2] : memref<2064x4xf32, #tpu.memory_space<vmem>>[vector<16xi32>, vector<16xi32>], vector<16xf32>,
          %mul3A_455 = arith.mulf %gather3A_453, %get3A_449 : vector<16xf32>
          %add3A_456 = arith.addf %mul3A_455, %gather3A_454 : vector<16xf32>
          %mul3A_457 = arith.constant 64 : i32
          %mul3A_458 = arith.muli %scan3A_437, %mul3A_457 : i32
          %add3A_459 = arith.constant 0 : i32
          %add3A_460 = arith.addi %mul3A_458, %add3A_459 : i32
          %swap3A_461 = arith.index_cast %add3A_460 : i32 to index
          %swap3A_462 = tpu.vector_load %arg10[%swap3A_461] {strides = array<i32>} : memref<4096xf32, #tpu.memory_space<vmem>>, vector<16xf32>,
          tpu.vector_store %arg10[%swap3A_461], %add3A_456 {strides = array<i32>} : memref<4096xf32, #tpu.memory_space<vmem>>, vector<16xf32>,
          %mul3A_463 = arith.constant 16 : i32
          %mul3A_464 = arith.muli %scan3A_437, %mul3A_463 : i32
          %add3A_465 = arith.constant 4 : i32
          %add3A_466 = arith.addi %mul3A_464, %add3A_465 : i32
          %add3A_467 = vector.broadcast %add3A_466 : i32 to vector<16xi32>
          %add3A_468 = arith.addi %add3A_467, %div3A_4 : vector<16xi32>
          %mul3A_469 = arith.constant 64 : i32
          %mul3A_470 = arith.muli %scan3A_437, %mul3A_469 : i32
          %add3A_471 = arith.constant 16 : i32
          %add3A_472 = arith.addi %mul3A_470, %add3A_471 : i32
          %get3A_473 = arith.index_cast %add3A_472 : i32 to index
          %get3A_474 = tpu.vector_load %arg7[%get3A_473] {strides = array<i32>} : memref<4096xf32, #tpu.memory_space<vmem>>, vector<16xf32>,
          %gather3A_475 = tpu.vector_load_idx %arg11[%add3A_468] : memref<1024xi32, #tpu.memory_space<vmem>>[vector<16xi32>], vector<16xi32>,
          %sub3A_476 = vector.broadcast %mul3A_306 : i32 to vector<16xi32>
          %sub3A_477 = arith.subi %gather3A_475, %sub3A_476 : vector<16xi32>
          %gather3A_478 = tpu.vector_load_idx %arg8[%sub3A_477, %rem3A_2] : memref<2064x4xf32, #tpu.memory_space<vmem>>[vector<16xi32>, vector<16xi32>], vector<16xf32>,
          %gather3A_479 = tpu.vector_load_idx %arg9[%sub3A_477, %rem3A_2] : memref<2064x4xf32, #tpu.memory_space<vmem>>[vector<16xi32>, vector<16xi32>], vector<16xf32>,
          %mul3A_480 = arith.mulf %gather3A_478, %get3A_474 : vector<16xf32>
          %add3A_481 = arith.addf %mul3A_480, %gather3A_479 : vector<16xf32>
          %mul3A_482 = arith.constant 64 : i32
          %mul3A_483 = arith.muli %scan3A_437, %mul3A_482 : i32
          %add3A_484 = arith.constant 16 : i32
          %add3A_485 = arith.addi %mul3A_483, %add3A_484 : i32
          %swap3A_486 = arith.index_cast %add3A_485 : i32 to index
          %swap3A_487 = tpu.vector_load %arg10[%swap3A_486] {strides = array<i32>} : memref<4096xf32, #tpu.memory_space<vmem>>, vector<16xf32>,
          tpu.vector_store %arg10[%swap3A_486], %add3A_481 {strides = array<i32>} : memref<4096xf32, #tpu.memory_space<vmem>>, vector<16xf32>,
          %mul3A_488 = arith.constant 16 : i32
          %mul3A_489 = arith.muli %scan3A_437, %mul3A_488 : i32
          %add3A_490 = arith.constant 8 : i32
          %add3A_491 = arith.addi %mul3A_489, %add3A_490 : i32
          %add3A_492 = vector.broadcast %add3A_491 : i32 to vector<16xi32>
          %add3A_493 = arith.addi %add3A_492, %div3A_4 : vector<16xi32>
          %mul3A_494 = arith.constant 64 : i32
          %mul3A_495 = arith.muli %scan3A_437, %mul3A_494 : i32
          %add3A_496 = arith.constant 32 : i32
          %add3A_497 = arith.addi %mul3A_495, %add3A_496 : i32
          %get3A_498 = arith.index_cast %add3A_497 : i32 to index
          %get3A_499 = tpu.vector_load %arg7[%get3A_498] {strides = array<i32>} : memref<4096xf32, #tpu.memory_space<vmem>>, vector<16xf32>,
          %gather3A_500 = tpu.vector_load_idx %arg11[%add3A_493] : memref<1024xi32, #tpu.memory_space<vmem>>[vector<16xi32>], vector<16xi32>,
          %sub3A_501 = vector.broadcast %mul3A_306 : i32 to vector<16xi32>
          %sub3A_502 = arith.subi %gather3A_500, %sub3A_501 : vector<16xi32>
          %gather3A_503 = tpu.vector_load_idx %arg8[%sub3A_502, %rem3A_2] : memref<2064x4xf32, #tpu.memory_space<vmem>>[vector<16xi32>, vector<16xi32>], vector<16xf32>,
          %gather3A_504 = tpu.vector_load_idx %arg9[%sub3A_502, %rem3A_2] : memref<2064x4xf32, #tpu.memory_space<vmem>>[vector<16xi32>, vector<16xi32>], vector<16xf32>,
          %mul3A_505 = arith.mulf %gather3A_503, %get3A_499 : vector<16xf32>
          %add3A_506 = arith.addf %mul3A_505, %gather3A_504 : vector<16xf32>
          %mul3A_507 = arith.constant 64 : i32
          %mul3A_508 = arith.muli %scan3A_437, %mul3A_507 : i32
          %add3A_509 = arith.constant 32 : i32
          %add3A_510 = arith.addi %mul3A_508, %add3A_509 : i32
          %swap3A_511 = arith.index_cast %add3A_510 : i32 to index
          %swap3A_512 = tpu.vector_load %arg10[%swap3A_511] {strides = array<i32>} : memref<4096xf32, #tpu.memory_space<vmem>>, vector<16xf32>,
          tpu.vector_store %arg10[%swap3A_511], %add3A_506 {strides = array<i32>} : memref<4096xf32, #tpu.memory_space<vmem>>, vector<16xf32>,
          %mul3A_513 = arith.constant 16 : i32
          %mul3A_514 = arith.muli %scan3A_437, %mul3A_513 : i32
          %add3A_515 = arith.constant 12 : i32
          %add3A_516 = arith.addi %mul3A_514, %add3A_515 : i32
          %add3A_517 = vector.broadcast %add3A_516 : i32 to vector<16xi32>
          %add3A_518 = arith.addi %add3A_517, %div3A_4 : vector<16xi32>
          %mul3A_519 = arith.constant 64 : i32
          %mul3A_520 = arith.muli %scan3A_437, %mul3A_519 : i32
          %add3A_521 = arith.constant 48 : i32
          %add3A_522 = arith.addi %mul3A_520, %add3A_521 : i32
          %get3A_523 = arith.index_cast %add3A_522 : i32 to index
          %get3A_524 = tpu.vector_load %arg7[%get3A_523] {strides = array<i32>} : memref<4096xf32, #tpu.memory_space<vmem>>, vector<16xf32>,
          %gather3A_525 = tpu.vector_load_idx %arg11[%add3A_518] : memref<1024xi32, #tpu.memory_space<vmem>>[vector<16xi32>], vector<16xi32>,
          %sub3A_526 = vector.broadcast %mul3A_306 : i32 to vector<16xi32>
          %sub3A_527 = arith.subi %gather3A_525, %sub3A_526 : vector<16xi32>
          %gather3A_528 = tpu.vector_load_idx %arg8[%sub3A_527, %rem3A_2] : memref<2064x4xf32, #tpu.memory_space<vmem>>[vector<16xi32>, vector<16xi32>], vector<16xf32>,
          %gather3A_529 = tpu.vector_load_idx %arg9[%sub3A_527, %rem3A_2] : memref<2064x4xf32, #tpu.memory_space<vmem>>[vector<16xi32>, vector<16xi32>], vector<16xf32>,
          %mul3A_530 = arith.mulf %gather3A_528, %get3A_524 : vector<16xf32>
          %add3A_531 = arith.addf %mul3A_530, %gather3A_529 : vector<16xf32>
          %mul3A_532 = arith.constant 64 : i32
          %mul3A_533 = arith.muli %scan3A_437, %mul3A_532 : i32
          %add3A_534 = arith.constant 48 : i32
          %add3A_535 = arith.addi %mul3A_533, %add3A_534 : i32
          %swap3A_536 = arith.index_cast %add3A_535 : i32 to index
          %swap3A_537 = tpu.vector_load %arg10[%swap3A_536] {strides = array<i32>} : memref<4096xf32, #tpu.memory_space<vmem>>, vector<16xf32>,
          tpu.vector_store %arg10[%swap3A_536], %add3A_531 {strides = array<i32>} : memref<4096xf32, #tpu.memory_space<vmem>>, vector<16xf32>,
          %scan3A_538 = arith.constant 0 : i32
          scf.yield %scan3A_538 : i32
        }
        %scan3A_333 = arith.constant 64 : i32
      } else {
      }
      %gt3A_318 = arith.constant 2048 : i32
      %gt3A_319 = arith.cmpi sgt, %add3A_308, %gt3A_318 : i32
      %convert_element_type3A_320 = arith.extui %gt3A_319 : i1 to i32
      %cond3A_321 = arith.constant 0 : i32
      %cond3A_322 = arith.cmpi ne, %convert_element_type3A_320, %cond3A_321 : i32
      scf.if %cond3A_322 {
        %get3A_328 = arith.constant 0 : index
        %get3A_329 = tpu.vector_load %arg11[%get3A_328] {strides = array<i32>} : memref<1024xi32, #tpu.memory_space<vmem>>, vector<16xi32>,
        %swap3A_330 = arith.constant 0 : i32
        %swap3A_331 = arith.index_cast %swap3A_330 : i32 to index
        %swap3A_332 = arith.constant 0 : index
        %swap3A_333 = tpu.vector_load %arg12[%swap3A_331, %swap3A_332] {strides = array<i32>} : memref<8x256xi32, #tpu.memory_space<vmem>>, vector<16xi32>,
        tpu.vector_store %arg12[%swap3A_331, %swap3A_332], %get3A_329 {strides = array<i32>} : memref<8x256xi32, #tpu.memory_space<vmem>>, vector<16xi32>,
        %get3A_334 = arith.constant 16 : index
        %get3A_335 = tpu.vector_load %arg11[%get3A_334] {strides = array<i32>} : memref<1024xi32, #tpu.memory_space<vmem>>, vector<16xi32>,
        %swap3A_336 = arith.constant 0 : i32
        %swap3A_337 = arith.index_cast %swap3A_336 : i32 to index
        %swap3A_338 = arith.constant 16 : index
        %swap3A_339 = tpu.vector_load %arg12[%swap3A_337, %swap3A_338] {strides = array<i32>} : memref<8x256xi32, #tpu.memory_space<vmem>>, vector<16xi32>,
        tpu.vector_store %arg12[%swap3A_337, %swap3A_338], %get3A_335 {strides = array<i32>} : memref<8x256xi32, #tpu.memory_space<vmem>>, vector<16xi32>,
        %get3A_340 = arith.constant 32 : index
        %get3A_341 = tpu.vector_load %arg11[%get3A_340] {strides = array<i32>} : memref<1024xi32, #tpu.memory_space<vmem>>, vector<16xi32>,
        %swap3A_342 = arith.constant 0 : i32
        %swap3A_343 = arith.index_cast %swap3A_342 : i32 to index
        %swap3A_344 = arith.constant 32 : index
        %swap3A_345 = tpu.vector_load %arg12[%swap3A_343, %swap3A_344] {strides = array<i32>} : memref<8x256xi32, #tpu.memory_space<vmem>>, vector<16xi32>,
        tpu.vector_store %arg12[%swap3A_343, %swap3A_344], %get3A_341 {strides = array<i32>} : memref<8x256xi32, #tpu.memory_space<vmem>>, vector<16xi32>,
        %get3A_346 = arith.constant 48 : index
        %get3A_347 = tpu.vector_load %arg11[%get3A_346] {strides = array<i32>} : memref<1024xi32, #tpu.memory_space<vmem>>, vector<16xi32>,
        %swap3A_348 = arith.constant 0 : i32
        %swap3A_349 = arith.index_cast %swap3A_348 : i32 to index
        %swap3A_350 = arith.constant 48 : index
        %swap3A_351 = tpu.vector_load %arg12[%swap3A_349, %swap3A_350] {strides = array<i32>} : memref<8x256xi32, #tpu.memory_space<vmem>>, vector<16xi32>,
        tpu.vector_store %arg12[%swap3A_349, %swap3A_350], %get3A_347 {strides = array<i32>} : memref<8x256xi32, #tpu.memory_space<vmem>>, vector<16xi32>,
        %get3A_352 = arith.constant 64 : index
        %get3A_353 = tpu.vector_load %arg11[%get3A_352] {strides = array<i32>} : memref<1024xi32, #tpu.memory_space<vmem>>, vector<16xi32>,
        %swap3A_354 = arith.constant 0 : i32
        %swap3A_355 = arith.index_cast %swap3A_354 : i32 to index
        %swap3A_356 = arith.constant 64 : index
        %swap3A_357 = tpu.vector_load %arg12[%swap3A_355, %swap3A_356] {strides = array<i32>} : memref<8x256xi32, #tpu.memory_space<vmem>>, vector<16xi32>,
        tpu.vector_store %arg12[%swap3A_355, %swap3A_356], %get3A_353 {strides = array<i32>} : memref<8x256xi32, #tpu.memory_space<vmem>>, vector<16xi32>,
        %get3A_358 = arith.constant 80 : index
        %get3A_359 = tpu.vector_load %arg11[%get3A_358] {strides = array<i32>} : memref<1024xi32, #tpu.memory_space<vmem>>, vector<16xi32>,
        %swap3A_360 = arith.constant 0 : i32
        %swap3A_361 = arith.index_cast %swap3A_360 : i32 to index
        %swap3A_362 = arith.constant 80 : index
        %swap3A_363 = tpu.vector_load %arg12[%swap3A_361, %swap3A_362] {strides = array<i32>} : memref<8x256xi32, #tpu.memory_space<vmem>>, vector<16xi32>,
        tpu.vector_store %arg12[%swap3A_361, %swap3A_362], %get3A_359 {strides = array<i32>} : memref<8x256xi32, #tpu.memory_space<vmem>>, vector<16xi32>,
        %get3A_364 = arith.constant 96 : index
        %get3A_365 = tpu.vector_load %arg11[%get3A_364] {strides = array<i32>} : memref<1024xi32, #tpu.memory_space<vmem>>, vector<16xi32>,
        %swap3A_366 = arith.constant 0 : i32
        %swap3A_367 = arith.index_cast %swap3A_366 : i32 to index
        %swap3A_368 = arith.constant 96 : index
        %swap3A_369 = tpu.vector_load %arg12[%swap3A_367, %swap3A_368] {strides = array<i32>} : memref<8x256xi32, #tpu.memory_space<vmem>>, vector<16xi32>,
        tpu.vector_store %arg12[%swap3A_367, %swap3A_368], %get3A_365 {strides = array<i32>} : memref<8x256xi32, #tpu.memory_space<vmem>>, vector<16xi32>,
        %get3A_370 = arith.constant 112 : index
        %get3A_371 = tpu.vector_load %arg11[%get3A_370] {strides = array<i32>} : memref<1024xi32, #tpu.memory_space<vmem>>, vector<16xi32>,
        %swap3A_372 = arith.constant 0 : i32
        %swap3A_373 = arith.index_cast %swap3A_372 : i32 to index
        %swap3A_374 = arith.constant 112 : index
        %swap3A_375 = tpu.vector_load %arg12[%swap3A_373, %swap3A_374] {strides = array<i32>} : memref<8x256xi32, #tpu.memory_space<vmem>>, vector<16xi32>,
        tpu.vector_store %arg12[%swap3A_373, %swap3A_374], %get3A_371 {strides = array<i32>} : memref<8x256xi32, #tpu.memory_space<vmem>>, vector<16xi32>,
        %get3A_376 = arith.constant 128 : index
        %get3A_377 = tpu.vector_load %arg11[%get3A_376] {strides = array<i32>} : memref<1024xi32, #tpu.memory_space<vmem>>, vector<16xi32>,
        %swap3A_378 = arith.constant 1 : i32
        %swap3A_379 = arith.index_cast %swap3A_378 : i32 to index
        %swap3A_380 = arith.constant 0 : index
        %swap3A_381 = tpu.vector_load %arg12[%swap3A_379, %swap3A_380] {strides = array<i32>} : memref<8x256xi32, #tpu.memory_space<vmem>>, vector<16xi32>,
        tpu.vector_store %arg12[%swap3A_379, %swap3A_380], %get3A_377 {strides = array<i32>} : memref<8x256xi32, #tpu.memory_space<vmem>>, vector<16xi32>,
        %get3A_382 = arith.constant 144 : index
        %get3A_383 = tpu.vector_load %arg11[%get3A_382] {strides = array<i32>} : memref<1024xi32, #tpu.memory_space<vmem>>, vector<16xi32>,
        %swap3A_384 = arith.constant 1 : i32
        %swap3A_385 = arith.index_cast %swap3A_384 : i32 to index
        %swap3A_386 = arith.constant 16 : index
        %swap3A_387 = tpu.vector_load %arg12[%swap3A_385, %swap3A_386] {strides = array<i32>} : memref<8x256xi32, #tpu.memory_space<vmem>>, vector<16xi32>,
        tpu.vector_store %arg12[%swap3A_385, %swap3A_386], %get3A_383 {strides = array<i32>} : memref<8x256xi32, #tpu.memory_space<vmem>>, vector<16xi32>,
        %get3A_388 = arith.constant 160 : index
        %get3A_389 = tpu.vector_load %arg11[%get3A_388] {strides = array<i32>} : memref<1024xi32, #tpu.memory_space<vmem>>, vector<16xi32>,
        %swap3A_390 = arith.constant 1 : i32
        %swap3A_391 = arith.index_cast %swap3A_390 : i32 to index
        %swap3A_392 = arith.constant 32 : index
        %swap3A_393 = tpu.vector_load %arg12[%swap3A_391, %swap3A_392] {strides = array<i32>} : memref<8x256xi32, #tpu.memory_space<vmem>>, vector<16xi32>,
        tpu.vector_store %arg12[%swap3A_391, %swap3A_392], %get3A_389 {strides = array<i32>} : memref<8x256xi32, #tpu.memory_space<vmem>>, vector<16xi32>,
        %get3A_394 = arith.constant 176 : index
        %get3A_395 = tpu.vector_load %arg11[%get3A_394] {strides = array<i32>} : memref<1024xi32, #tpu.memory_space<vmem>>, vector<16xi32>,
        %swap3A_396 = arith.constant 1 : i32
        %swap3A_397 = arith.index_cast %swap3A_396 : i32 to index
        %swap3A_398 = arith.constant 48 : index
        %swap3A_399 = tpu.vector_load %arg12[%swap3A_397, %swap3A_398] {strides = array<i32>} : memref<8x256xi32, #tpu.memory_space<vmem>>, vector<16xi32>,
        tpu.vector_store %arg12[%swap3A_397, %swap3A_398], %get3A_395 {strides = array<i32>} : memref<8x256xi32, #tpu.memory_space<vmem>>, vector<16xi32>,
        %get3A_400 = arith.constant 192 : index
        %get3A_401 = tpu.vector_load %arg11[%get3A_400] {strides = array<i32>} : memref<1024xi32, #tpu.memory_space<vmem>>, vector<16xi32>,
        %swap3A_402 = arith.constant 1 : i32
        %swap3A_403 = arith.index_cast %swap3A_402 : i32 to index
        %swap3A_404 = arith.constant 64 : index
        %swap3A_405 = tpu.vector_load %arg12[%swap3A_403, %swap3A_404] {strides = array<i32>} : memref<8x256xi32, #tpu.memory_space<vmem>>, vector<16xi32>,
        tpu.vector_store %arg12[%swap3A_403, %swap3A_404], %get3A_401 {strides = array<i32>} : memref<8x256xi32, #tpu.memory_space<vmem>>, vector<16xi32>,
        %get3A_406 = arith.constant 208 : index
        %get3A_407 = tpu.vector_load %arg11[%get3A_406] {strides = array<i32>} : memref<1024xi32, #tpu.memory_space<vmem>>, vector<16xi32>,
        %swap3A_408 = arith.constant 1 : i32
        %swap3A_409 = arith.index_cast %swap3A_408 : i32 to index
        %swap3A_410 = arith.constant 80 : index
        %swap3A_411 = tpu.vector_load %arg12[%swap3A_409, %swap3A_410] {strides = array<i32>} : memref<8x256xi32, #tpu.memory_space<vmem>>, vector<16xi32>,
        tpu.vector_store %arg12[%swap3A_409, %swap3A_410], %get3A_407 {strides = array<i32>} : memref<8x256xi32, #tpu.memory_space<vmem>>, vector<16xi32>,
        %get3A_412 = arith.constant 224 : index
        %get3A_413 = tpu.vector_load %arg11[%get3A_412] {strides = array<i32>} : memref<1024xi32, #tpu.memory_space<vmem>>, vector<16xi32>,
        %swap3A_414 = arith.constant 1 : i32
        %swap3A_415 = arith.index_cast %swap3A_414 : i32 to index
        %swap3A_416 = arith.constant 96 : index
        %swap3A_417 = tpu.vector_load %arg12[%swap3A_415, %swap3A_416] {strides = array<i32>} : memref<8x256xi32, #tpu.memory_space<vmem>>, vector<16xi32>,
        tpu.vector_store %arg12[%swap3A_415, %swap3A_416], %get3A_413 {strides = array<i32>} : memref<8x256xi32, #tpu.memory_space<vmem>>, vector<16xi32>,
        %get3A_418 = arith.constant 240 : index
        %get3A_419 = tpu.vector_load %arg11[%get3A_418] {strides = array<i32>} : memref<1024xi32, #tpu.memory_space<vmem>>, vector<16xi32>,
        %swap3A_420 = arith.constant 1 : i32
        %swap3A_421 = arith.index_cast %swap3A_420 : i32 to index
        %swap3A_422 = arith.constant 112 : index
        %swap3A_423 = tpu.vector_load %arg12[%swap3A_421, %swap3A_422] {strides = array<i32>} : memref<8x256xi32, #tpu.memory_space<vmem>>, vector<16xi32>,
        tpu.vector_store %arg12[%swap3A_421, %swap3A_422], %get3A_419 {strides = array<i32>} : memref<8x256xi32, #tpu.memory_space<vmem>>, vector<16xi32>,
        %get3A_424 = arith.constant 256 : index
        %get3A_425 = tpu.vector_load %arg11[%get3A_424] {strides = array<i32>} : memref<1024xi32, #tpu.memory_space<vmem>>, vector<16xi32>,
        %swap3A_426 = arith.constant 2 : i32
        %swap3A_427 = arith.index_cast %swap3A_426 : i32 to index
        %swap3A_428 = arith.constant 0 : index
        %swap3A_429 = tpu.vector_load %arg12[%swap3A_427, %swap3A_428] {strides = array<i32>} : memref<8x256xi32, #tpu.memory_space<vmem>>, vector<16xi32>,
        tpu.vector_store %arg12[%swap3A_427, %swap3A_428], %get3A_425 {strides = array<i32>} : memref<8x256xi32, #tpu.memory_space<vmem>>, vector<16xi32>,
        %get3A_430 = arith.constant 272 : index
        %get3A_431 = tpu.vector_load %arg11[%get3A_430] {strides = array<i32>} : memref<1024xi32, #tpu.memory_space<vmem>>, vector<16xi32>,
        %swap3A_432 = arith.constant 2 : i32
        %swap3A_433 = arith.index_cast %swap3A_432 : i32 to index
        %swap3A_434 = arith.constant 16 : index
        %swap3A_435 = tpu.vector_load %arg12[%swap3A_433, %swap3A_434] {strides = array<i32>} : memref<8x256xi32, #tpu.memory_space<vmem>>, vector<16xi32>,
        tpu.vector_store %arg12[%swap3A_433, %swap3A_434], %get3A_431 {strides = array<i32>} : memref<8x256xi32, #tpu.memory_space<vmem>>, vector<16xi32>,
        %get3A_436 = arith.constant 288 : index
        %get3A_437 = tpu.vector_load %arg11[%get3A_436] {strides = array<i32>} : memref<1024xi32, #tpu.memory_space<vmem>>, vector<16xi32>,
        %swap3A_438 = arith.constant 2 : i32
        %swap3A_439 = arith.index_cast %swap3A_438 : i32 to index
        %swap3A_440 = arith.constant 32 : index
        %swap3A_441 = tpu.vector_load %arg12[%swap3A_439, %swap3A_440] {strides = array<i32>} : memref<8x256xi32, #tpu.memory_space<vmem>>, vector<16xi32>,
        tpu.vector_store %arg12[%swap3A_439, %swap3A_440], %get3A_437 {strides = array<i32>} : memref<8x256xi32, #tpu.memory_space<vmem>>, vector<16xi32>,
        %get3A_442 = arith.constant 304 : index
        %get3A_443 = tpu.vector_load %arg11[%get3A_442] {strides = array<i32>} : memref<1024xi32, #tpu.memory_space<vmem>>, vector<16xi32>,
        %swap3A_444 = arith.constant 2 : i32
        %swap3A_445 = arith.index_cast %swap3A_444 : i32 to index
        %swap3A_446 = arith.constant 48 : index
        %swap3A_447 = tpu.vector_load %arg12[%swap3A_445, %swap3A_446] {strides = array<i32>} : memref<8x256xi32, #tpu.memory_space<vmem>>, vector<16xi32>,
        tpu.vector_store %arg12[%swap3A_445, %swap3A_446], %get3A_443 {strides = array<i32>} : memref<8x256xi32, #tpu.memory_space<vmem>>, vector<16xi32>,
        %get3A_448 = arith.constant 320 : index
        %get3A_449 = tpu.vector_load %arg11[%get3A_448] {strides = array<i32>} : memref<1024xi32, #tpu.memory_space<vmem>>, vector<16xi32>,
        %swap3A_450 = arith.constant 2 : i32
        %swap3A_451 = arith.index_cast %swap3A_450 : i32 to index
        %swap3A_452 = arith.constant 64 : index
        %swap3A_453 = tpu.vector_load %arg12[%swap3A_451, %swap3A_452] {strides = array<i32>} : memref<8x256xi32, #tpu.memory_space<vmem>>, vector<16xi32>,
        tpu.vector_store %arg12[%swap3A_451, %swap3A_452], %get3A_449 {strides = array<i32>} : memref<8x256xi32, #tpu.memory_space<vmem>>, vector<16xi32>,
        %get3A_454 = arith.constant 336 : index
        %get3A_455 = tpu.vector_load %arg11[%get3A_454] {strides = array<i32>} : memref<1024xi32, #tpu.memory_space<vmem>>, vector<16xi32>,
        %swap3A_456 = arith.constant 2 : i32
        %swap3A_457 = arith.index_cast %swap3A_456 : i32 to index
        %swap3A_458 = arith.constant 80 : index
        %swap3A_459 = tpu.vector_load %arg12[%swap3A_457, %swap3A_458] {strides = array<i32>} : memref<8x256xi32, #tpu.memory_space<vmem>>, vector<16xi32>,
        tpu.vector_store %arg12[%swap3A_457, %swap3A_458], %get3A_455 {strides = array<i32>} : memref<8x256xi32, #tpu.memory_space<vmem>>, vector<16xi32>,
        %get3A_460 = arith.constant 352 : index
        %get3A_461 = tpu.vector_load %arg11[%get3A_460] {strides = array<i32>} : memref<1024xi32, #tpu.memory_space<vmem>>, vector<16xi32>,
        %swap3A_462 = arith.constant 2 : i32
        %swap3A_463 = arith.index_cast %swap3A_462 : i32 to index
        %swap3A_464 = arith.constant 96 : index
        %swap3A_465 = tpu.vector_load %arg12[%swap3A_463, %swap3A_464] {strides = array<i32>} : memref<8x256xi32, #tpu.memory_space<vmem>>, vector<16xi32>,
        tpu.vector_store %arg12[%swap3A_463, %swap3A_464], %get3A_461 {strides = array<i32>} : memref<8x256xi32, #tpu.memory_space<vmem>>, vector<16xi32>,
        %get3A_466 = arith.constant 368 : index
        %get3A_467 = tpu.vector_load %arg11[%get3A_466] {strides = array<i32>} : memref<1024xi32, #tpu.memory_space<vmem>>, vector<16xi32>,
        %swap3A_468 = arith.constant 2 : i32
        %swap3A_469 = arith.index_cast %swap3A_468 : i32 to index
        %swap3A_470 = arith.constant 112 : index
        %swap3A_471 = tpu.vector_load %arg12[%swap3A_469, %swap3A_470] {strides = array<i32>} : memref<8x256xi32, #tpu.memory_space<vmem>>, vector<16xi32>,
        tpu.vector_store %arg12[%swap3A_469, %swap3A_470], %get3A_467 {strides = array<i32>} : memref<8x256xi32, #tpu.memory_space<vmem>>, vector<16xi32>,
        %get3A_472 = arith.constant 384 : index
        %get3A_473 = tpu.vector_load %arg11[%get3A_472] {strides = array<i32>} : memref<1024xi32, #tpu.memory_space<vmem>>, vector<16xi32>,
        %swap3A_474 = arith.constant 3 : i32
        %swap3A_475 = arith.index_cast %swap3A_474 : i32 to index
        %swap3A_476 = arith.constant 0 : index
        %swap3A_477 = tpu.vector_load %arg12[%swap3A_475, %swap3A_476] {strides = array<i32>} : memref<8x256xi32, #tpu.memory_space<vmem>>, vector<16xi32>,
        tpu.vector_store %arg12[%swap3A_475, %swap3A_476], %get3A_473 {strides = array<i32>} : memref<8x256xi32, #tpu.memory_space<vmem>>, vector<16xi32>,
        %get3A_478 = arith.constant 400 : index
        %get3A_479 = tpu.vector_load %arg11[%get3A_478] {strides = array<i32>} : memref<1024xi32, #tpu.memory_space<vmem>>, vector<16xi32>,
        %swap3A_480 = arith.constant 3 : i32
        %swap3A_481 = arith.index_cast %swap3A_480 : i32 to index
        %swap3A_482 = arith.constant 16 : index
        %swap3A_483 = tpu.vector_load %arg12[%swap3A_481, %swap3A_482] {strides = array<i32>} : memref<8x256xi32, #tpu.memory_space<vmem>>, vector<16xi32>,
        tpu.vector_store %arg12[%swap3A_481, %swap3A_482], %get3A_479 {strides = array<i32>} : memref<8x256xi32, #tpu.memory_space<vmem>>, vector<16xi32>,
        %get3A_484 = arith.constant 416 : index
        %get3A_485 = tpu.vector_load %arg11[%get3A_484] {strides = array<i32>} : memref<1024xi32, #tpu.memory_space<vmem>>, vector<16xi32>,
        %swap3A_486 = arith.constant 3 : i32
        %swap3A_487 = arith.index_cast %swap3A_486 : i32 to index
        %swap3A_488 = arith.constant 32 : index
        %swap3A_489 = tpu.vector_load %arg12[%swap3A_487, %swap3A_488] {strides = array<i32>} : memref<8x256xi32, #tpu.memory_space<vmem>>, vector<16xi32>,
        tpu.vector_store %arg12[%swap3A_487, %swap3A_488], %get3A_485 {strides = array<i32>} : memref<8x256xi32, #tpu.memory_space<vmem>>, vector<16xi32>,
        %get3A_490 = arith.constant 432 : index
        %get3A_491 = tpu.vector_load %arg11[%get3A_490] {strides = array<i32>} : memref<1024xi32, #tpu.memory_space<vmem>>, vector<16xi32>,
        %swap3A_492 = arith.constant 3 : i32
        %swap3A_493 = arith.index_cast %swap3A_492 : i32 to index
        %swap3A_494 = arith.constant 48 : index
        %swap3A_495 = tpu.vector_load %arg12[%swap3A_493, %swap3A_494] {strides = array<i32>} : memref<8x256xi32, #tpu.memory_space<vmem>>, vector<16xi32>,
        tpu.vector_store %arg12[%swap3A_493, %swap3A_494], %get3A_491 {strides = array<i32>} : memref<8x256xi32, #tpu.memory_space<vmem>>, vector<16xi32>,
        %get3A_496 = arith.constant 448 : index
        %get3A_497 = tpu.vector_load %arg11[%get3A_496] {strides = array<i32>} : memref<1024xi32, #tpu.memory_space<vmem>>, vector<16xi32>,
        %swap3A_498 = arith.constant 3 : i32
        %swap3A_499 = arith.index_cast %swap3A_498 : i32 to index
        %swap3A_500 = arith.constant 64 : index
        %swap3A_501 = tpu.vector_load %arg12[%swap3A_499, %swap3A_500] {strides = array<i32>} : memref<8x256xi32, #tpu.memory_space<vmem>>, vector<16xi32>,
        tpu.vector_store %arg12[%swap3A_499, %swap3A_500], %get3A_497 {strides = array<i32>} : memref<8x256xi32, #tpu.memory_space<vmem>>, vector<16xi32>,
        %get3A_502 = arith.constant 464 : index
        %get3A_503 = tpu.vector_load %arg11[%get3A_502] {strides = array<i32>} : memref<1024xi32, #tpu.memory_space<vmem>>, vector<16xi32>,
        %swap3A_504 = arith.constant 3 : i32
        %swap3A_505 = arith.index_cast %swap3A_504 : i32 to index
        %swap3A_506 = arith.constant 80 : index
        %swap3A_507 = tpu.vector_load %arg12[%swap3A_505, %swap3A_506] {strides = array<i32>} : memref<8x256xi32, #tpu.memory_space<vmem>>, vector<16xi32>,
        tpu.vector_store %arg12[%swap3A_505, %swap3A_506], %get3A_503 {strides = array<i32>} : memref<8x256xi32, #tpu.memory_space<vmem>>, vector<16xi32>,
        %get3A_508 = arith.constant 480 : index
        %get3A_509 = tpu.vector_load %arg11[%get3A_508] {strides = array<i32>} : memref<1024xi32, #tpu.memory_space<vmem>>, vector<16xi32>,
        %swap3A_510 = arith.constant 3 : i32
        %swap3A_511 = arith.index_cast %swap3A_510 : i32 to index
        %swap3A_512 = arith.constant 96 : index
        %swap3A_513 = tpu.vector_load %arg12[%swap3A_511, %swap3A_512] {strides = array<i32>} : memref<8x256xi32, #tpu.memory_space<vmem>>, vector<16xi32>,
        tpu.vector_store %arg12[%swap3A_511, %swap3A_512], %get3A_509 {strides = array<i32>} : memref<8x256xi32, #tpu.memory_space<vmem>>, vector<16xi32>,
        %get3A_514 = arith.constant 496 : index
        %get3A_515 = tpu.vector_load %arg11[%get3A_514] {strides = array<i32>} : memref<1024xi32, #tpu.memory_space<vmem>>, vector<16xi32>,
        %swap3A_516 = arith.constant 3 : i32
        %swap3A_517 = arith.index_cast %swap3A_516 : i32 to index
        %swap3A_518 = arith.constant 112 : index
        %swap3A_519 = tpu.vector_load %arg12[%swap3A_517, %swap3A_518] {strides = array<i32>} : memref<8x256xi32, #tpu.memory_space<vmem>>, vector<16xi32>,
        tpu.vector_store %arg12[%swap3A_517, %swap3A_518], %get3A_515 {strides = array<i32>} : memref<8x256xi32, #tpu.memory_space<vmem>>, vector<16xi32>,
        %get3A_520 = arith.constant 512 : index
        %get3A_521 = tpu.vector_load %arg11[%get3A_520] {strides = array<i32>} : memref<1024xi32, #tpu.memory_space<vmem>>, vector<16xi32>,
        %swap3A_522 = arith.constant 4 : i32
        %swap3A_523 = arith.index_cast %swap3A_522 : i32 to index
        %swap3A_524 = arith.constant 0 : index
        %swap3A_525 = tpu.vector_load %arg12[%swap3A_523, %swap3A_524] {strides = array<i32>} : memref<8x256xi32, #tpu.memory_space<vmem>>, vector<16xi32>,
        tpu.vector_store %arg12[%swap3A_523, %swap3A_524], %get3A_521 {strides = array<i32>} : memref<8x256xi32, #tpu.memory_space<vmem>>, vector<16xi32>,
        %get3A_526 = arith.constant 528 : index
        %get3A_527 = tpu.vector_load %arg11[%get3A_526] {strides = array<i32>} : memref<1024xi32, #tpu.memory_space<vmem>>, vector<16xi32>,
        %swap3A_528 = arith.constant 4 : i32
        %swap3A_529 = arith.index_cast %swap3A_528 : i32 to index
        %swap3A_530 = arith.constant 16 : index
        %swap3A_531 = tpu.vector_load %arg12[%swap3A_529, %swap3A_530] {strides = array<i32>} : memref<8x256xi32, #tpu.memory_space<vmem>>, vector<16xi32>,
        tpu.vector_store %arg12[%swap3A_529, %swap3A_530], %get3A_527 {strides = array<i32>} : memref<8x256xi32, #tpu.memory_space<vmem>>, vector<16xi32>,
        %get3A_532 = arith.constant 544 : index
        %get3A_533 = tpu.vector_load %arg11[%get3A_532] {strides = array<i32>} : memref<1024xi32, #tpu.memory_space<vmem>>, vector<16xi32>,
        %swap3A_534 = arith.constant 4 : i32
        %swap3A_535 = arith.index_cast %swap3A_534 : i32 to index
        %swap3A_536 = arith.constant 32 : index
        %swap3A_537 = tpu.vector_load %arg12[%swap3A_535, %swap3A_536] {strides = array<i32>} : memref<8x256xi32, #tpu.memory_space<vmem>>, vector<16xi32>,
        tpu.vector_store %arg12[%swap3A_535, %swap3A_536], %get3A_533 {strides = array<i32>} : memref<8x256xi32, #tpu.memory_space<vmem>>, vector<16xi32>,
        %get3A_538 = arith.constant 560 : index
        %get3A_539 = tpu.vector_load %arg11[%get3A_538] {strides = array<i32>} : memref<1024xi32, #tpu.memory_space<vmem>>, vector<16xi32>,
        %swap3A_540 = arith.constant 4 : i32
        %swap3A_541 = arith.index_cast %swap3A_540 : i32 to index
        %swap3A_542 = arith.constant 48 : index
        %swap3A_543 = tpu.vector_load %arg12[%swap3A_541, %swap3A_542] {strides = array<i32>} : memref<8x256xi32, #tpu.memory_space<vmem>>, vector<16xi32>,
        tpu.vector_store %arg12[%swap3A_541, %swap3A_542], %get3A_539 {strides = array<i32>} : memref<8x256xi32, #tpu.memory_space<vmem>>, vector<16xi32>,
        %get3A_544 = arith.constant 576 : index
        %get3A_545 = tpu.vector_load %arg11[%get3A_544] {strides = array<i32>} : memref<1024xi32, #tpu.memory_space<vmem>>, vector<16xi32>,
        %swap3A_546 = arith.constant 4 : i32
        %swap3A_547 = arith.index_cast %swap3A_546 : i32 to index
        %swap3A_548 = arith.constant 64 : index
        %swap3A_549 = tpu.vector_load %arg12[%swap3A_547, %swap3A_548] {strides = array<i32>} : memref<8x256xi32, #tpu.memory_space<vmem>>, vector<16xi32>,
        tpu.vector_store %arg12[%swap3A_547, %swap3A_548], %get3A_545 {strides = array<i32>} : memref<8x256xi32, #tpu.memory_space<vmem>>, vector<16xi32>,
        %get3A_550 = arith.constant 592 : index
        %get3A_551 = tpu.vector_load %arg11[%get3A_550] {strides = array<i32>} : memref<1024xi32, #tpu.memory_space<vmem>>, vector<16xi32>,
        %swap3A_552 = arith.constant 4 : i32
        %swap3A_553 = arith.index_cast %swap3A_552 : i32 to index
        %swap3A_554 = arith.constant 80 : index
        %swap3A_555 = tpu.vector_load %arg12[%swap3A_553, %swap3A_554] {strides = array<i32>} : memref<8x256xi32, #tpu.memory_space<vmem>>, vector<16xi32>,
        tpu.vector_store %arg12[%swap3A_553, %swap3A_554], %get3A_551 {strides = array<i32>} : memref<8x256xi32, #tpu.memory_space<vmem>>, vector<16xi32>,
        %get3A_556 = arith.constant 608 : index
        %get3A_557 = tpu.vector_load %arg11[%get3A_556] {strides = array<i32>} : memref<1024xi32, #tpu.memory_space<vmem>>, vector<16xi32>,
        %swap3A_558 = arith.constant 4 : i32
        %swap3A_559 = arith.index_cast %swap3A_558 : i32 to index
        %swap3A_560 = arith.constant 96 : index
        %swap3A_561 = tpu.vector_load %arg12[%swap3A_559, %swap3A_560] {strides = array<i32>} : memref<8x256xi32, #tpu.memory_space<vmem>>, vector<16xi32>,
        tpu.vector_store %arg12[%swap3A_559, %swap3A_560], %get3A_557 {strides = array<i32>} : memref<8x256xi32, #tpu.memory_space<vmem>>, vector<16xi32>,
        %get3A_562 = arith.constant 624 : index
        %get3A_563 = tpu.vector_load %arg11[%get3A_562] {strides = array<i32>} : memref<1024xi32, #tpu.memory_space<vmem>>, vector<16xi32>,
        %swap3A_564 = arith.constant 4 : i32
        %swap3A_565 = arith.index_cast %swap3A_564 : i32 to index
        %swap3A_566 = arith.constant 112 : index
        %swap3A_567 = tpu.vector_load %arg12[%swap3A_565, %swap3A_566] {strides = array<i32>} : memref<8x256xi32, #tpu.memory_space<vmem>>, vector<16xi32>,
        tpu.vector_store %arg12[%swap3A_565, %swap3A_566], %get3A_563 {strides = array<i32>} : memref<8x256xi32, #tpu.memory_space<vmem>>, vector<16xi32>,
        %get3A_568 = arith.constant 640 : index
        %get3A_569 = tpu.vector_load %arg11[%get3A_568] {strides = array<i32>} : memref<1024xi32, #tpu.memory_space<vmem>>, vector<16xi32>,
        %swap3A_570 = arith.constant 5 : i32
        %swap3A_571 = arith.index_cast %swap3A_570 : i32 to index
        %swap3A_572 = arith.constant 0 : index
        %swap3A_573 = tpu.vector_load %arg12[%swap3A_571, %swap3A_572] {strides = array<i32>} : memref<8x256xi32, #tpu.memory_space<vmem>>, vector<16xi32>,
        tpu.vector_store %arg12[%swap3A_571, %swap3A_572], %get3A_569 {strides = array<i32>} : memref<8x256xi32, #tpu.memory_space<vmem>>, vector<16xi32>,
        %get3A_574 = arith.constant 656 : index
        %get3A_575 = tpu.vector_load %arg11[%get3A_574] {strides = array<i32>} : memref<1024xi32, #tpu.memory_space<vmem>>, vector<16xi32>,
        %swap3A_576 = arith.constant 5 : i32
        %swap3A_577 = arith.index_cast %swap3A_576 : i32 to index
        %swap3A_578 = arith.constant 16 : index
        %swap3A_579 = tpu.vector_load %arg12[%swap3A_577, %swap3A_578] {strides = array<i32>} : memref<8x256xi32, #tpu.memory_space<vmem>>, vector<16xi32>,
        tpu.vector_store %arg12[%swap3A_577, %swap3A_578], %get3A_575 {strides = array<i32>} : memref<8x256xi32, #tpu.memory_space<vmem>>, vector<16xi32>,
        %get3A_580 = arith.constant 672 : index
        %get3A_581 = tpu.vector_load %arg11[%get3A_580] {strides = array<i32>} : memref<1024xi32, #tpu.memory_space<vmem>>, vector<16xi32>,
        %swap3A_582 = arith.constant 5 : i32
        %swap3A_583 = arith.index_cast %swap3A_582 : i32 to index
        %swap3A_584 = arith.constant 32 : index
        %swap3A_585 = tpu.vector_load %arg12[%swap3A_583, %swap3A_584] {strides = array<i32>} : memref<8x256xi32, #tpu.memory_space<vmem>>, vector<16xi32>,
        tpu.vector_store %arg12[%swap3A_583, %swap3A_584], %get3A_581 {strides = array<i32>} : memref<8x256xi32, #tpu.memory_space<vmem>>, vector<16xi32>,
        %get3A_586 = arith.constant 688 : index
        %get3A_587 = tpu.vector_load %arg11[%get3A_586] {strides = array<i32>} : memref<1024xi32, #tpu.memory_space<vmem>>, vector<16xi32>,
        %swap3A_588 = arith.constant 5 : i32
        %swap3A_589 = arith.index_cast %swap3A_588 : i32 to index
        %swap3A_590 = arith.constant 48 : index
        %swap3A_591 = tpu.vector_load %arg12[%swap3A_589, %swap3A_590] {strides = array<i32>} : memref<8x256xi32, #tpu.memory_space<vmem>>, vector<16xi32>,
        tpu.vector_store %arg12[%swap3A_589, %swap3A_590], %get3A_587 {strides = array<i32>} : memref<8x256xi32, #tpu.memory_space<vmem>>, vector<16xi32>,
        %get3A_592 = arith.constant 704 : index
        %get3A_593 = tpu.vector_load %arg11[%get3A_592] {strides = array<i32>} : memref<1024xi32, #tpu.memory_space<vmem>>, vector<16xi32>,
        %swap3A_594 = arith.constant 5 : i32
        %swap3A_595 = arith.index_cast %swap3A_594 : i32 to index
        %swap3A_596 = arith.constant 64 : index
        %swap3A_597 = tpu.vector_load %arg12[%swap3A_595, %swap3A_596] {strides = array<i32>} : memref<8x256xi32, #tpu.memory_space<vmem>>, vector<16xi32>,
        tpu.vector_store %arg12[%swap3A_595, %swap3A_596], %get3A_593 {strides = array<i32>} : memref<8x256xi32, #tpu.memory_space<vmem>>, vector<16xi32>,
        %get3A_598 = arith.constant 720 : index
        %get3A_599 = tpu.vector_load %arg11[%get3A_598] {strides = array<i32>} : memref<1024xi32, #tpu.memory_space<vmem>>, vector<16xi32>,
        %swap3A_600 = arith.constant 5 : i32
        %swap3A_601 = arith.index_cast %swap3A_600 : i32 to index
        %swap3A_602 = arith.constant 80 : index
        %swap3A_603 = tpu.vector_load %arg12[%swap3A_601, %swap3A_602] {strides = array<i32>} : memref<8x256xi32, #tpu.memory_space<vmem>>, vector<16xi32>,
        tpu.vector_store %arg12[%swap3A_601, %swap3A_602], %get3A_599 {strides = array<i32>} : memref<8x256xi32, #tpu.memory_space<vmem>>, vector<16xi32>,
        %get3A_604 = arith.constant 736 : index
        %get3A_605 = tpu.vector_load %arg11[%get3A_604] {strides = array<i32>} : memref<1024xi32, #tpu.memory_space<vmem>>, vector<16xi32>,
        %swap3A_606 = arith.constant 5 : i32
        %swap3A_607 = arith.index_cast %swap3A_606 : i32 to index
        %swap3A_608 = arith.constant 96 : index
        %swap3A_609 = tpu.vector_load %arg12[%swap3A_607, %swap3A_608] {strides = array<i32>} : memref<8x256xi32, #tpu.memory_space<vmem>>, vector<16xi32>,
        tpu.vector_store %arg12[%swap3A_607, %swap3A_608], %get3A_605 {strides = array<i32>} : memref<8x256xi32, #tpu.memory_space<vmem>>, vector<16xi32>,
        %get3A_610 = arith.constant 752 : index
        %get3A_611 = tpu.vector_load %arg11[%get3A_610] {strides = array<i32>} : memref<1024xi32, #tpu.memory_space<vmem>>, vector<16xi32>,
        %swap3A_612 = arith.constant 5 : i32
        %swap3A_613 = arith.index_cast %swap3A_612 : i32 to index
        %swap3A_614 = arith.constant 112 : index
        %swap3A_615 = tpu.vector_load %arg12[%swap3A_613, %swap3A_614] {strides = array<i32>} : memref<8x256xi32, #tpu.memory_space<vmem>>, vector<16xi32>,
        tpu.vector_store %arg12[%swap3A_613, %swap3A_614], %get3A_611 {strides = array<i32>} : memref<8x256xi32, #tpu.memory_space<vmem>>, vector<16xi32>,
        %get3A_616 = arith.constant 768 : index
        %get3A_617 = tpu.vector_load %arg11[%get3A_616] {strides = array<i32>} : memref<1024xi32, #tpu.memory_space<vmem>>, vector<16xi32>,
        %swap3A_618 = arith.constant 6 : i32
        %swap3A_619 = arith.index_cast %swap3A_618 : i32 to index
        %swap3A_620 = arith.constant 0 : index
        %swap3A_621 = tpu.vector_load %arg12[%swap3A_619, %swap3A_620] {strides = array<i32>} : memref<8x256xi32, #tpu.memory_space<vmem>>, vector<16xi32>,
        tpu.vector_store %arg12[%swap3A_619, %swap3A_620], %get3A_617 {strides = array<i32>} : memref<8x256xi32, #tpu.memory_space<vmem>>, vector<16xi32>,
        %get3A_622 = arith.constant 784 : index
        %get3A_623 = tpu.vector_load %arg11[%get3A_622] {strides = array<i32>} : memref<1024xi32, #tpu.memory_space<vmem>>, vector<16xi32>,
        %swap3A_624 = arith.constant 6 : i32
        %swap3A_625 = arith.index_cast %swap3A_624 : i32 to index
        %swap3A_626 = arith.constant 16 : index
        %swap3A_627 = tpu.vector_load %arg12[%swap3A_625, %swap3A_626] {strides = array<i32>} : memref<8x256xi32, #tpu.memory_space<vmem>>, vector<16xi32>,
        tpu.vector_store %arg12[%swap3A_625, %swap3A_626], %get3A_623 {strides = array<i32>} : memref<8x256xi32, #tpu.memory_space<vmem>>, vector<16xi32>,
        %get3A_628 = arith.constant 800 : index
        %get3A_629 = tpu.vector_load %arg11[%get3A_628] {strides = array<i32>} : memref<1024xi32, #tpu.memory_space<vmem>>, vector<16xi32>,
        %swap3A_630 = arith.constant 6 : i32
        %swap3A_631 = arith.index_cast %swap3A_630 : i32 to index
        %swap3A_632 = arith.constant 32 : index
        %swap3A_633 = tpu.vector_load %arg12[%swap3A_631, %swap3A_632] {strides = array<i32>} : memref<8x256xi32, #tpu.memory_space<vmem>>, vector<16xi32>,
        tpu.vector_store %arg12[%swap3A_631, %swap3A_632], %get3A_629 {strides = array<i32>} : memref<8x256xi32, #tpu.memory_space<vmem>>, vector<16xi32>,
        %get3A_634 = arith.constant 816 : index
        %get3A_635 = tpu.vector_load %arg11[%get3A_634] {strides = array<i32>} : memref<1024xi32, #tpu.memory_space<vmem>>, vector<16xi32>,
        %swap3A_636 = arith.constant 6 : i32
        %swap3A_637 = arith.index_cast %swap3A_636 : i32 to index
        %swap3A_638 = arith.constant 48 : index
        %swap3A_639 = tpu.vector_load %arg12[%swap3A_637, %swap3A_638] {strides = array<i32>} : memref<8x256xi32, #tpu.memory_space<vmem>>, vector<16xi32>,
        tpu.vector_store %arg12[%swap3A_637, %swap3A_638], %get3A_635 {strides = array<i32>} : memref<8x256xi32, #tpu.memory_space<vmem>>, vector<16xi32>,
        %get3A_640 = arith.constant 832 : index
        %get3A_641 = tpu.vector_load %arg11[%get3A_640] {strides = array<i32>} : memref<1024xi32, #tpu.memory_space<vmem>>, vector<16xi32>,
        %swap3A_642 = arith.constant 6 : i32
        %swap3A_643 = arith.index_cast %swap3A_642 : i32 to index
        %swap3A_644 = arith.constant 64 : index
        %swap3A_645 = tpu.vector_load %arg12[%swap3A_643, %swap3A_644] {strides = array<i32>} : memref<8x256xi32, #tpu.memory_space<vmem>>, vector<16xi32>,
        tpu.vector_store %arg12[%swap3A_643, %swap3A_644], %get3A_641 {strides = array<i32>} : memref<8x256xi32, #tpu.memory_space<vmem>>, vector<16xi32>,
        %get3A_646 = arith.constant 848 : index
        %get3A_647 = tpu.vector_load %arg11[%get3A_646] {strides = array<i32>} : memref<1024xi32, #tpu.memory_space<vmem>>, vector<16xi32>,
        %swap3A_648 = arith.constant 6 : i32
        %swap3A_649 = arith.index_cast %swap3A_648 : i32 to index
        %swap3A_650 = arith.constant 80 : index
        %swap3A_651 = tpu.vector_load %arg12[%swap3A_649, %swap3A_650] {strides = array<i32>} : memref<8x256xi32, #tpu.memory_space<vmem>>, vector<16xi32>,
        tpu.vector_store %arg12[%swap3A_649, %swap3A_650], %get3A_647 {strides = array<i32>} : memref<8x256xi32, #tpu.memory_space<vmem>>, vector<16xi32>,
        %get3A_652 = arith.constant 864 : index
        %get3A_653 = tpu.vector_load %arg11[%get3A_652] {strides = array<i32>} : memref<1024xi32, #tpu.memory_space<vmem>>, vector<16xi32>,
        %swap3A_654 = arith.constant 6 : i32
        %swap3A_655 = arith.index_cast %swap3A_654 : i32 to index
        %swap3A_656 = arith.constant 96 : index
        %swap3A_657 = tpu.vector_load %arg12[%swap3A_655, %swap3A_656] {strides = array<i32>} : memref<8x256xi32, #tpu.memory_space<vmem>>, vector<16xi32>,
        tpu.vector_store %arg12[%swap3A_655, %swap3A_656], %get3A_653 {strides = array<i32>} : memref<8x256xi32, #tpu.memory_space<vmem>>, vector<16xi32>,
        %get3A_658 = arith.constant 880 : index
        %get3A_659 = tpu.vector_load %arg11[%get3A_658] {strides = array<i32>} : memref<1024xi32, #tpu.memory_space<vmem>>, vector<16xi32>,
        %swap3A_660 = arith.constant 6 : i32
        %swap3A_661 = arith.index_cast %swap3A_660 : i32 to index
        %swap3A_662 = arith.constant 112 : index
        %swap3A_663 = tpu.vector_load %arg12[%swap3A_661, %swap3A_662] {strides = array<i32>} : memref<8x256xi32, #tpu.memory_space<vmem>>, vector<16xi32>,
        tpu.vector_store %arg12[%swap3A_661, %swap3A_662], %get3A_659 {strides = array<i32>} : memref<8x256xi32, #tpu.memory_space<vmem>>, vector<16xi32>,
        %get3A_664 = arith.constant 896 : index
        %get3A_665 = tpu.vector_load %arg11[%get3A_664] {strides = array<i32>} : memref<1024xi32, #tpu.memory_space<vmem>>, vector<16xi32>,
        %swap3A_666 = arith.constant 7 : i32
        %swap3A_667 = arith.index_cast %swap3A_666 : i32 to index
        %swap3A_668 = arith.constant 0 : index
        %swap3A_669 = tpu.vector_load %arg12[%swap3A_667, %swap3A_668] {strides = array<i32>} : memref<8x256xi32, #tpu.memory_space<vmem>>, vector<16xi32>,
        tpu.vector_store %arg12[%swap3A_667, %swap3A_668], %get3A_665 {strides = array<i32>} : memref<8x256xi32, #tpu.memory_space<vmem>>, vector<16xi32>,
        %get3A_670 = arith.constant 912 : index
        %get3A_671 = tpu.vector_load %arg11[%get3A_670] {strides = array<i32>} : memref<1024xi32, #tpu.memory_space<vmem>>, vector<16xi32>,
        %swap3A_672 = arith.constant 7 : i32
        %swap3A_673 = arith.index_cast %swap3A_672 : i32 to index
        %swap3A_674 = arith.constant 16 : index
        %swap3A_675 = tpu.vector_load %arg12[%swap3A_673, %swap3A_674] {strides = array<i32>} : memref<8x256xi32, #tpu.memory_space<vmem>>, vector<16xi32>,
        tpu.vector_store %arg12[%swap3A_673, %swap3A_674], %get3A_671 {strides = array<i32>} : memref<8x256xi32, #tpu.memory_space<vmem>>, vector<16xi32>,
        %get3A_676 = arith.constant 928 : index
        %get3A_677 = tpu.vector_load %arg11[%get3A_676] {strides = array<i32>} : memref<1024xi32, #tpu.memory_space<vmem>>, vector<16xi32>,
        %swap3A_678 = arith.constant 7 : i32
        %swap3A_679 = arith.index_cast %swap3A_678 : i32 to index
        %swap3A_680 = arith.constant 32 : index
        %swap3A_681 = tpu.vector_load %arg12[%swap3A_679, %swap3A_680] {strides = array<i32>} : memref<8x256xi32, #tpu.memory_space<vmem>>, vector<16xi32>,
        tpu.vector_store %arg12[%swap3A_679, %swap3A_680], %get3A_677 {strides = array<i32>} : memref<8x256xi32, #tpu.memory_space<vmem>>, vector<16xi32>,
        %get3A_682 = arith.constant 944 : index
        %get3A_683 = tpu.vector_load %arg11[%get3A_682] {strides = array<i32>} : memref<1024xi32, #tpu.memory_space<vmem>>, vector<16xi32>,
        %swap3A_684 = arith.constant 7 : i32
        %swap3A_685 = arith.index_cast %swap3A_684 : i32 to index
        %swap3A_686 = arith.constant 48 : index
        %swap3A_687 = tpu.vector_load %arg12[%swap3A_685, %swap3A_686] {strides = array<i32>} : memref<8x256xi32, #tpu.memory_space<vmem>>, vector<16xi32>,
        tpu.vector_store %arg12[%swap3A_685, %swap3A_686], %get3A_683 {strides = array<i32>} : memref<8x256xi32, #tpu.memory_space<vmem>>, vector<16xi32>,
        %get3A_688 = arith.constant 960 : index
        %get3A_689 = tpu.vector_load %arg11[%get3A_688] {strides = array<i32>} : memref<1024xi32, #tpu.memory_space<vmem>>, vector<16xi32>,
        %swap3A_690 = arith.constant 7 : i32
        %swap3A_691 = arith.index_cast %swap3A_690 : i32 to index
        %swap3A_692 = arith.constant 64 : index
        %swap3A_693 = tpu.vector_load %arg12[%swap3A_691, %swap3A_692] {strides = array<i32>} : memref<8x256xi32, #tpu.memory_space<vmem>>, vector<16xi32>,
        tpu.vector_store %arg12[%swap3A_691, %swap3A_692], %get3A_689 {strides = array<i32>} : memref<8x256xi32, #tpu.memory_space<vmem>>, vector<16xi32>,
        %get3A_694 = arith.constant 976 : index
        %get3A_695 = tpu.vector_load %arg11[%get3A_694] {strides = array<i32>} : memref<1024xi32, #tpu.memory_space<vmem>>, vector<16xi32>,
        %swap3A_696 = arith.constant 7 : i32
        %swap3A_697 = arith.index_cast %swap3A_696 : i32 to index
        %swap3A_698 = arith.constant 80 : index
        %swap3A_699 = tpu.vector_load %arg12[%swap3A_697, %swap3A_698] {strides = array<i32>} : memref<8x256xi32, #tpu.memory_space<vmem>>, vector<16xi32>,
        tpu.vector_store %arg12[%swap3A_697, %swap3A_698], %get3A_695 {strides = array<i32>} : memref<8x256xi32, #tpu.memory_space<vmem>>, vector<16xi32>,
        %get3A_700 = arith.constant 992 : index
        %get3A_701 = tpu.vector_load %arg11[%get3A_700] {strides = array<i32>} : memref<1024xi32, #tpu.memory_space<vmem>>, vector<16xi32>,
        %swap3A_702 = arith.constant 7 : i32
        %swap3A_703 = arith.index_cast %swap3A_702 : i32 to index
        %swap3A_704 = arith.constant 96 : index
        %swap3A_705 = tpu.vector_load %arg12[%swap3A_703, %swap3A_704] {strides = array<i32>} : memref<8x256xi32, #tpu.memory_space<vmem>>, vector<16xi32>,
        tpu.vector_store %arg12[%swap3A_703, %swap3A_704], %get3A_701 {strides = array<i32>} : memref<8x256xi32, #tpu.memory_space<vmem>>, vector<16xi32>,
        %get3A_706 = arith.constant 1008 : index
        %get3A_707 = tpu.vector_load %arg11[%get3A_706] {strides = array<i32>} : memref<1024xi32, #tpu.memory_space<vmem>>, vector<16xi32>,
        %swap3A_708 = arith.constant 7 : i32
        %swap3A_709 = arith.index_cast %swap3A_708 : i32 to index
        %swap3A_710 = arith.constant 112 : index
        %swap3A_711 = tpu.vector_load %arg12[%swap3A_709, %swap3A_710] {strides = array<i32>} : memref<8x256xi32, #tpu.memory_space<vmem>>, vector<16xi32>,
        tpu.vector_store %arg12[%swap3A_709, %swap3A_710], %get3A_707 {strides = array<i32>} : memref<8x256xi32, #tpu.memory_space<vmem>>, vector<16xi32>,
        %run_scoped3A = arith.constant 0 : i32
        "tpu.region"() ({
          %run_scoped3A_733 = tpu.sem_alloc : memref<!tpu.dma_semaphore, #tpu.memory_space<semaphore_mem>>
          %dma_start3A = arith.constant 0 : i32
          %dma_start3A_734 = arith.constant 0 : i32
          %dma_start3A_735 = tpu.memref_slice %arg8[%dma_start3A, %dma_start3A_734] : memref<2064x4xf32, #tpu.memory_space<vmem>> -> memref<256x4xf32, #tpu.memory_space<vmem>>
          %dma_start3A_736 = arith.constant 0 : i32
          %dma_start3A_737 = tpu.memref_slice %arg12[%run_scoped3A, %dma_start3A_736] : memref<8x256xi32, #tpu.memory_space<vmem>> -> memref<1x256xi32, #tpu.memory_space<vmem>>
          %dma_start3A_738 = tpu.memref_squeeze %dma_start3A_737 : memref<1x256xi32, #tpu.memory_space<vmem>> -> memref<256xi32, #tpu.memory_space<vmem>>
          %dma_start3A_739 = arith.constant 0 : i32
          %dma_start3A_740 = arith.constant 0 : i32
          %dma_start3A_741 = tpu.memref_slice %arg4[%dma_start3A_739, %dma_start3A_740] : memref<102160x4xf32, #tpu.memory_space<hbm>> -> memref<102160x4xf32, #tpu.memory_space<hbm>>
          tpu.enqueue_indirect_dma source(%dma_start3A_741 : memref<102160x4xf32, #tpu.memory_space<hbm>>) target(%dma_start3A_735 : memref<256x4xf32, #tpu.memory_space<vmem>>) offsets(%dma_start3A_738 : memref<256xi32, #tpu.memory_space<vmem>>) semaphore(%run_scoped3A_733 : memref<!tpu.dma_semaphore, #tpu.memory_space<semaphore_mem>>)
          %dma_wait3A = arith.constant 0 : i32
          %dma_wait3A_742 = arith.constant 0 : i32
          %dma_wait3A_743 = tpu.memref_slice %arg8[%dma_wait3A, %dma_wait3A_742] : memref<2064x4xf32, #tpu.memory_space<vmem>> -> memref<256x4xf32, #tpu.memory_space<vmem>>
          %dma_wait3A_744 = arith.constant 0 : i32
          %dma_wait3A_745 = tpu.memref_slice %arg12[%run_scoped3A, %dma_wait3A_744] : memref<8x256xi32, #tpu.memory_space<vmem>> -> memref<1x256xi32, #tpu.memory_space<vmem>>
          %dma_wait3A_746 = tpu.memref_squeeze %dma_wait3A_745 : memref<1x256xi32, #tpu.memory_space<vmem>> -> memref<256xi32, #tpu.memory_space<vmem>>
          %dma_wait3A_747 = arith.constant 0 : i32
          %dma_wait3A_748 = arith.constant 0 : i32
          %dma_wait3A_749 = tpu.memref_slice %arg4[%dma_wait3A_747, %dma_wait3A_748] : memref<102160x4xf32, #tpu.memory_space<hbm>> -> memref<102160x4xf32, #tpu.memory_space<hbm>>
          tpu.wait_indirect_dma semaphore(%run_scoped3A_733 : memref<!tpu.dma_semaphore, #tpu.memory_space<semaphore_mem>>) src(%dma_wait3A_749 : memref<102160x4xf32, #tpu.memory_space<hbm>>) dst(%dma_wait3A_743 : memref<256x4xf32, #tpu.memory_space<vmem>>)
          tpu.yield
        }) : () -> ()
        %run_scoped3A_712 = arith.constant 0 : i32
        "tpu.region"() ({
          %run_scoped3A_733 = tpu.sem_alloc : memref<!tpu.dma_semaphore, #tpu.memory_space<semaphore_mem>>
          %dma_start3A = arith.constant 0 : i32
          %dma_start3A_734 = arith.constant 0 : i32
          %dma_start3A_735 = tpu.memref_slice %arg9[%dma_start3A, %dma_start3A_734] : memref<2064x4xf32, #tpu.memory_space<vmem>> -> memref<256x4xf32, #tpu.memory_space<vmem>>
          %dma_start3A_736 = arith.constant 0 : i32
          %dma_start3A_737 = tpu.memref_slice %arg12[%run_scoped3A_712, %dma_start3A_736] : memref<8x256xi32, #tpu.memory_space<vmem>> -> memref<1x256xi32, #tpu.memory_space<vmem>>
          %dma_start3A_738 = tpu.memref_squeeze %dma_start3A_737 : memref<1x256xi32, #tpu.memory_space<vmem>> -> memref<256xi32, #tpu.memory_space<vmem>>
          %dma_start3A_739 = arith.constant 0 : i32
          %dma_start3A_740 = arith.constant 0 : i32
          %dma_start3A_741 = tpu.memref_slice %arg5[%dma_start3A_739, %dma_start3A_740] : memref<102160x4xf32, #tpu.memory_space<hbm>> -> memref<102160x4xf32, #tpu.memory_space<hbm>>
          tpu.enqueue_indirect_dma source(%dma_start3A_741 : memref<102160x4xf32, #tpu.memory_space<hbm>>) target(%dma_start3A_735 : memref<256x4xf32, #tpu.memory_space<vmem>>) offsets(%dma_start3A_738 : memref<256xi32, #tpu.memory_space<vmem>>) semaphore(%run_scoped3A_733 : memref<!tpu.dma_semaphore, #tpu.memory_space<semaphore_mem>>)
          %dma_wait3A = arith.constant 0 : i32
          %dma_wait3A_742 = arith.constant 0 : i32
          %dma_wait3A_743 = tpu.memref_slice %arg9[%dma_wait3A, %dma_wait3A_742] : memref<2064x4xf32, #tpu.memory_space<vmem>> -> memref<256x4xf32, #tpu.memory_space<vmem>>
          %dma_wait3A_744 = arith.constant 0 : i32
          %dma_wait3A_745 = tpu.memref_slice %arg12[%run_scoped3A_712, %dma_wait3A_744] : memref<8x256xi32, #tpu.memory_space<vmem>> -> memref<1x256xi32, #tpu.memory_space<vmem>>
          %dma_wait3A_746 = tpu.memref_squeeze %dma_wait3A_745 : memref<1x256xi32, #tpu.memory_space<vmem>> -> memref<256xi32, #tpu.memory_space<vmem>>
          %dma_wait3A_747 = arith.constant 0 : i32
          %dma_wait3A_748 = arith.constant 0 : i32
          %dma_wait3A_749 = tpu.memref_slice %arg5[%dma_wait3A_747, %dma_wait3A_748] : memref<102160x4xf32, #tpu.memory_space<hbm>> -> memref<102160x4xf32, #tpu.memory_space<hbm>>
          tpu.wait_indirect_dma semaphore(%run_scoped3A_733 : memref<!tpu.dma_semaphore, #tpu.memory_space<semaphore_mem>>) src(%dma_wait3A_749 : memref<102160x4xf32, #tpu.memory_space<hbm>>) dst(%dma_wait3A_743 : memref<256x4xf32, #tpu.memory_space<vmem>>)
          tpu.yield
        }) : () -> ()
        %run_scoped3A_713 = arith.constant 1 : i32
        "tpu.region"() ({
          %run_scoped3A_733 = tpu.sem_alloc : memref<!tpu.dma_semaphore, #tpu.memory_space<semaphore_mem>>
          %dma_start3A = arith.constant 256 : i32
          %dma_start3A_734 = arith.constant 0 : i32
          %dma_start3A_735 = tpu.memref_slice %arg8[%dma_start3A, %dma_start3A_734] : memref<2064x4xf32, #tpu.memory_space<vmem>> -> memref<256x4xf32, #tpu.memory_space<vmem>>
          %dma_start3A_736 = arith.constant 0 : i32
          %dma_start3A_737 = tpu.memref_slice %arg12[%run_scoped3A_713, %dma_start3A_736] : memref<8x256xi32, #tpu.memory_space<vmem>> -> memref<1x256xi32, #tpu.memory_space<vmem>>
          %dma_start3A_738 = tpu.memref_squeeze %dma_start3A_737 : memref<1x256xi32, #tpu.memory_space<vmem>> -> memref<256xi32, #tpu.memory_space<vmem>>
          %dma_start3A_739 = arith.constant 0 : i32
          %dma_start3A_740 = arith.constant 0 : i32
          %dma_start3A_741 = tpu.memref_slice %arg4[%dma_start3A_739, %dma_start3A_740] : memref<102160x4xf32, #tpu.memory_space<hbm>> -> memref<102160x4xf32, #tpu.memory_space<hbm>>
          tpu.enqueue_indirect_dma source(%dma_start3A_741 : memref<102160x4xf32, #tpu.memory_space<hbm>>) target(%dma_start3A_735 : memref<256x4xf32, #tpu.memory_space<vmem>>) offsets(%dma_start3A_738 : memref<256xi32, #tpu.memory_space<vmem>>) semaphore(%run_scoped3A_733 : memref<!tpu.dma_semaphore, #tpu.memory_space<semaphore_mem>>)
          %dma_wait3A = arith.constant 256 : i32
          %dma_wait3A_742 = arith.constant 0 : i32
          %dma_wait3A_743 = tpu.memref_slice %arg8[%dma_wait3A, %dma_wait3A_742] : memref<2064x4xf32, #tpu.memory_space<vmem>> -> memref<256x4xf32, #tpu.memory_space<vmem>>
          %dma_wait3A_744 = arith.constant 0 : i32
          %dma_wait3A_745 = tpu.memref_slice %arg12[%run_scoped3A_713, %dma_wait3A_744] : memref<8x256xi32, #tpu.memory_space<vmem>> -> memref<1x256xi32, #tpu.memory_space<vmem>>
          %dma_wait3A_746 = tpu.memref_squeeze %dma_wait3A_745 : memref<1x256xi32, #tpu.memory_space<vmem>> -> memref<256xi32, #tpu.memory_space<vmem>>
          %dma_wait3A_747 = arith.constant 0 : i32
          %dma_wait3A_748 = arith.constant 0 : i32
          %dma_wait3A_749 = tpu.memref_slice %arg4[%dma_wait3A_747, %dma_wait3A_748] : memref<102160x4xf32, #tpu.memory_space<hbm>> -> memref<102160x4xf32, #tpu.memory_space<hbm>>
          tpu.wait_indirect_dma semaphore(%run_scoped3A_733 : memref<!tpu.dma_semaphore, #tpu.memory_space<semaphore_mem>>) src(%dma_wait3A_749 : memref<102160x4xf32, #tpu.memory_space<hbm>>) dst(%dma_wait3A_743 : memref<256x4xf32, #tpu.memory_space<vmem>>)
          tpu.yield
        }) : () -> ()
        %run_scoped3A_714 = arith.constant 1 : i32
        "tpu.region"() ({
          %run_scoped3A_733 = tpu.sem_alloc : memref<!tpu.dma_semaphore, #tpu.memory_space<semaphore_mem>>
          %dma_start3A = arith.constant 256 : i32
          %dma_start3A_734 = arith.constant 0 : i32
          %dma_start3A_735 = tpu.memref_slice %arg9[%dma_start3A, %dma_start3A_734] : memref<2064x4xf32, #tpu.memory_space<vmem>> -> memref<256x4xf32, #tpu.memory_space<vmem>>
          %dma_start3A_736 = arith.constant 0 : i32
          %dma_start3A_737 = tpu.memref_slice %arg12[%run_scoped3A_714, %dma_start3A_736] : memref<8x256xi32, #tpu.memory_space<vmem>> -> memref<1x256xi32, #tpu.memory_space<vmem>>
          %dma_start3A_738 = tpu.memref_squeeze %dma_start3A_737 : memref<1x256xi32, #tpu.memory_space<vmem>> -> memref<256xi32, #tpu.memory_space<vmem>>
          %dma_start3A_739 = arith.constant 0 : i32
          %dma_start3A_740 = arith.constant 0 : i32
          %dma_start3A_741 = tpu.memref_slice %arg5[%dma_start3A_739, %dma_start3A_740] : memref<102160x4xf32, #tpu.memory_space<hbm>> -> memref<102160x4xf32, #tpu.memory_space<hbm>>
          tpu.enqueue_indirect_dma source(%dma_start3A_741 : memref<102160x4xf32, #tpu.memory_space<hbm>>) target(%dma_start3A_735 : memref<256x4xf32, #tpu.memory_space<vmem>>) offsets(%dma_start3A_738 : memref<256xi32, #tpu.memory_space<vmem>>) semaphore(%run_scoped3A_733 : memref<!tpu.dma_semaphore, #tpu.memory_space<semaphore_mem>>)
          %dma_wait3A = arith.constant 256 : i32
          %dma_wait3A_742 = arith.constant 0 : i32
          %dma_wait3A_743 = tpu.memref_slice %arg9[%dma_wait3A, %dma_wait3A_742] : memref<2064x4xf32, #tpu.memory_space<vmem>> -> memref<256x4xf32, #tpu.memory_space<vmem>>
          %dma_wait3A_744 = arith.constant 0 : i32
          %dma_wait3A_745 = tpu.memref_slice %arg12[%run_scoped3A_714, %dma_wait3A_744] : memref<8x256xi32, #tpu.memory_space<vmem>> -> memref<1x256xi32, #tpu.memory_space<vmem>>
          %dma_wait3A_746 = tpu.memref_squeeze %dma_wait3A_745 : memref<1x256xi32, #tpu.memory_space<vmem>> -> memref<256xi32, #tpu.memory_space<vmem>>
          %dma_wait3A_747 = arith.constant 0 : i32
          %dma_wait3A_748 = arith.constant 0 : i32
          %dma_wait3A_749 = tpu.memref_slice %arg5[%dma_wait3A_747, %dma_wait3A_748] : memref<102160x4xf32, #tpu.memory_space<hbm>> -> memref<102160x4xf32, #tpu.memory_space<hbm>>
          tpu.wait_indirect_dma semaphore(%run_scoped3A_733 : memref<!tpu.dma_semaphore, #tpu.memory_space<semaphore_mem>>) src(%dma_wait3A_749 : memref<102160x4xf32, #tpu.memory_space<hbm>>) dst(%dma_wait3A_743 : memref<256x4xf32, #tpu.memory_space<vmem>>)
          tpu.yield
        }) : () -> ()
        %run_scoped3A_715 = arith.constant 2 : i32
        "tpu.region"() ({
          %run_scoped3A_733 = tpu.sem_alloc : memref<!tpu.dma_semaphore, #tpu.memory_space<semaphore_mem>>
          %dma_start3A = arith.constant 512 : i32
          %dma_start3A_734 = arith.constant 0 : i32
          %dma_start3A_735 = tpu.memref_slice %arg8[%dma_start3A, %dma_start3A_734] : memref<2064x4xf32, #tpu.memory_space<vmem>> -> memref<256x4xf32, #tpu.memory_space<vmem>>
          %dma_start3A_736 = arith.constant 0 : i32
          %dma_start3A_737 = tpu.memref_slice %arg12[%run_scoped3A_715, %dma_start3A_736] : memref<8x256xi32, #tpu.memory_space<vmem>> -> memref<1x256xi32, #tpu.memory_space<vmem>>
          %dma_start3A_738 = tpu.memref_squeeze %dma_start3A_737 : memref<1x256xi32, #tpu.memory_space<vmem>> -> memref<256xi32, #tpu.memory_space<vmem>>
          %dma_start3A_739 = arith.constant 0 : i32
          %dma_start3A_740 = arith.constant 0 : i32
          %dma_start3A_741 = tpu.memref_slice %arg4[%dma_start3A_739, %dma_start3A_740] : memref<102160x4xf32, #tpu.memory_space<hbm>> -> memref<102160x4xf32, #tpu.memory_space<hbm>>
          tpu.enqueue_indirect_dma source(%dma_start3A_741 : memref<102160x4xf32, #tpu.memory_space<hbm>>) target(%dma_start3A_735 : memref<256x4xf32, #tpu.memory_space<vmem>>) offsets(%dma_start3A_738 : memref<256xi32, #tpu.memory_space<vmem>>) semaphore(%run_scoped3A_733 : memref<!tpu.dma_semaphore, #tpu.memory_space<semaphore_mem>>)
          %dma_wait3A = arith.constant 512 : i32
          %dma_wait3A_742 = arith.constant 0 : i32
          %dma_wait3A_743 = tpu.memref_slice %arg8[%dma_wait3A, %dma_wait3A_742] : memref<2064x4xf32, #tpu.memory_space<vmem>> -> memref<256x4xf32, #tpu.memory_space<vmem>>
          %dma_wait3A_744 = arith.constant 0 : i32
          %dma_wait3A_745 = tpu.memref_slice %arg12[%run_scoped3A_715, %dma_wait3A_744] : memref<8x256xi32, #tpu.memory_space<vmem>> -> memref<1x256xi32, #tpu.memory_space<vmem>>
          %dma_wait3A_746 = tpu.memref_squeeze %dma_wait3A_745 : memref<1x256xi32, #tpu.memory_space<vmem>> -> memref<256xi32, #tpu.memory_space<vmem>>
          %dma_wait3A_747 = arith.constant 0 : i32
          %dma_wait3A_748 = arith.constant 0 : i32
          %dma_wait3A_749 = tpu.memref_slice %arg4[%dma_wait3A_747, %dma_wait3A_748] : memref<102160x4xf32, #tpu.memory_space<hbm>> -> memref<102160x4xf32, #tpu.memory_space<hbm>>
          tpu.wait_indirect_dma semaphore(%run_scoped3A_733 : memref<!tpu.dma_semaphore, #tpu.memory_space<semaphore_mem>>) src(%dma_wait3A_749 : memref<102160x4xf32, #tpu.memory_space<hbm>>) dst(%dma_wait3A_743 : memref<256x4xf32, #tpu.memory_space<vmem>>)
          tpu.yield
        }) : () -> ()
        %run_scoped3A_716 = arith.constant 2 : i32
        "tpu.region"() ({
          %run_scoped3A_733 = tpu.sem_alloc : memref<!tpu.dma_semaphore, #tpu.memory_space<semaphore_mem>>
          %dma_start3A = arith.constant 512 : i32
          %dma_start3A_734 = arith.constant 0 : i32
          %dma_start3A_735 = tpu.memref_slice %arg9[%dma_start3A, %dma_start3A_734] : memref<2064x4xf32, #tpu.memory_space<vmem>> -> memref<256x4xf32, #tpu.memory_space<vmem>>
          %dma_start3A_736 = arith.constant 0 : i32
          %dma_start3A_737 = tpu.memref_slice %arg12[%run_scoped3A_716, %dma_start3A_736] : memref<8x256xi32, #tpu.memory_space<vmem>> -> memref<1x256xi32, #tpu.memory_space<vmem>>
          %dma_start3A_738 = tpu.memref_squeeze %dma_start3A_737 : memref<1x256xi32, #tpu.memory_space<vmem>> -> memref<256xi32, #tpu.memory_space<vmem>>
          %dma_start3A_739 = arith.constant 0 : i32
          %dma_start3A_740 = arith.constant 0 : i32
          %dma_start3A_741 = tpu.memref_slice %arg5[%dma_start3A_739, %dma_start3A_740] : memref<102160x4xf32, #tpu.memory_space<hbm>> -> memref<102160x4xf32, #tpu.memory_space<hbm>>
          tpu.enqueue_indirect_dma source(%dma_start3A_741 : memref<102160x4xf32, #tpu.memory_space<hbm>>) target(%dma_start3A_735 : memref<256x4xf32, #tpu.memory_space<vmem>>) offsets(%dma_start3A_738 : memref<256xi32, #tpu.memory_space<vmem>>) semaphore(%run_scoped3A_733 : memref<!tpu.dma_semaphore, #tpu.memory_space<semaphore_mem>>)
          %dma_wait3A = arith.constant 512 : i32
          %dma_wait3A_742 = arith.constant 0 : i32
          %dma_wait3A_743 = tpu.memref_slice %arg9[%dma_wait3A, %dma_wait3A_742] : memref<2064x4xf32, #tpu.memory_space<vmem>> -> memref<256x4xf32, #tpu.memory_space<vmem>>
          %dma_wait3A_744 = arith.constant 0 : i32
          %dma_wait3A_745 = tpu.memref_slice %arg12[%run_scoped3A_716, %dma_wait3A_744] : memref<8x256xi32, #tpu.memory_space<vmem>> -> memref<1x256xi32, #tpu.memory_space<vmem>>
          %dma_wait3A_746 = tpu.memref_squeeze %dma_wait3A_745 : memref<1x256xi32, #tpu.memory_space<vmem>> -> memref<256xi32, #tpu.memory_space<vmem>>
          %dma_wait3A_747 = arith.constant 0 : i32
          %dma_wait3A_748 = arith.constant 0 : i32
          %dma_wait3A_749 = tpu.memref_slice %arg5[%dma_wait3A_747, %dma_wait3A_748] : memref<102160x4xf32, #tpu.memory_space<hbm>> -> memref<102160x4xf32, #tpu.memory_space<hbm>>
          tpu.wait_indirect_dma semaphore(%run_scoped3A_733 : memref<!tpu.dma_semaphore, #tpu.memory_space<semaphore_mem>>) src(%dma_wait3A_749 : memref<102160x4xf32, #tpu.memory_space<hbm>>) dst(%dma_wait3A_743 : memref<256x4xf32, #tpu.memory_space<vmem>>)
          tpu.yield
        }) : () -> ()
        %run_scoped3A_717 = arith.constant 3 : i32
        "tpu.region"() ({
          %run_scoped3A_733 = tpu.sem_alloc : memref<!tpu.dma_semaphore, #tpu.memory_space<semaphore_mem>>
          %dma_start3A = arith.constant 768 : i32
          %dma_start3A_734 = arith.constant 0 : i32
          %dma_start3A_735 = tpu.memref_slice %arg8[%dma_start3A, %dma_start3A_734] : memref<2064x4xf32, #tpu.memory_space<vmem>> -> memref<256x4xf32, #tpu.memory_space<vmem>>
          %dma_start3A_736 = arith.constant 0 : i32
          %dma_start3A_737 = tpu.memref_slice %arg12[%run_scoped3A_717, %dma_start3A_736] : memref<8x256xi32, #tpu.memory_space<vmem>> -> memref<1x256xi32, #tpu.memory_space<vmem>>
          %dma_start3A_738 = tpu.memref_squeeze %dma_start3A_737 : memref<1x256xi32, #tpu.memory_space<vmem>> -> memref<256xi32, #tpu.memory_space<vmem>>
          %dma_start3A_739 = arith.constant 0 : i32
          %dma_start3A_740 = arith.constant 0 : i32
          %dma_start3A_741 = tpu.memref_slice %arg4[%dma_start3A_739, %dma_start3A_740] : memref<102160x4xf32, #tpu.memory_space<hbm>> -> memref<102160x4xf32, #tpu.memory_space<hbm>>
          tpu.enqueue_indirect_dma source(%dma_start3A_741 : memref<102160x4xf32, #tpu.memory_space<hbm>>) target(%dma_start3A_735 : memref<256x4xf32, #tpu.memory_space<vmem>>) offsets(%dma_start3A_738 : memref<256xi32, #tpu.memory_space<vmem>>) semaphore(%run_scoped3A_733 : memref<!tpu.dma_semaphore, #tpu.memory_space<semaphore_mem>>)
          %dma_wait3A = arith.constant 768 : i32
          %dma_wait3A_742 = arith.constant 0 : i32
          %dma_wait3A_743 = tpu.memref_slice %arg8[%dma_wait3A, %dma_wait3A_742] : memref<2064x4xf32, #tpu.memory_space<vmem>> -> memref<256x4xf32, #tpu.memory_space<vmem>>
          %dma_wait3A_744 = arith.constant 0 : i32
          %dma_wait3A_745 = tpu.memref_slice %arg12[%run_scoped3A_717, %dma_wait3A_744] : memref<8x256xi32, #tpu.memory_space<vmem>> -> memref<1x256xi32, #tpu.memory_space<vmem>>
          %dma_wait3A_746 = tpu.memref_squeeze %dma_wait3A_745 : memref<1x256xi32, #tpu.memory_space<vmem>> -> memref<256xi32, #tpu.memory_space<vmem>>
          %dma_wait3A_747 = arith.constant 0 : i32
          %dma_wait3A_748 = arith.constant 0 : i32
          %dma_wait3A_749 = tpu.memref_slice %arg4[%dma_wait3A_747, %dma_wait3A_748] : memref<102160x4xf32, #tpu.memory_space<hbm>> -> memref<102160x4xf32, #tpu.memory_space<hbm>>
          tpu.wait_indirect_dma semaphore(%run_scoped3A_733 : memref<!tpu.dma_semaphore, #tpu.memory_space<semaphore_mem>>) src(%dma_wait3A_749 : memref<102160x4xf32, #tpu.memory_space<hbm>>) dst(%dma_wait3A_743 : memref<256x4xf32, #tpu.memory_space<vmem>>)
          tpu.yield
        }) : () -> ()
        %run_scoped3A_718 = arith.constant 3 : i32
        "tpu.region"() ({
          %run_scoped3A_733 = tpu.sem_alloc : memref<!tpu.dma_semaphore, #tpu.memory_space<semaphore_mem>>
          %dma_start3A = arith.constant 768 : i32
          %dma_start3A_734 = arith.constant 0 : i32
          %dma_start3A_735 = tpu.memref_slice %arg9[%dma_start3A, %dma_start3A_734] : memref<2064x4xf32, #tpu.memory_space<vmem>> -> memref<256x4xf32, #tpu.memory_space<vmem>>
          %dma_start3A_736 = arith.constant 0 : i32
          %dma_start3A_737 = tpu.memref_slice %arg12[%run_scoped3A_718, %dma_start3A_736] : memref<8x256xi32, #tpu.memory_space<vmem>> -> memref<1x256xi32, #tpu.memory_space<vmem>>
          %dma_start3A_738 = tpu.memref_squeeze %dma_start3A_737 : memref<1x256xi32, #tpu.memory_space<vmem>> -> memref<256xi32, #tpu.memory_space<vmem>>
          %dma_start3A_739 = arith.constant 0 : i32
          %dma_start3A_740 = arith.constant 0 : i32
          %dma_start3A_741 = tpu.memref_slice %arg5[%dma_start3A_739, %dma_start3A_740] : memref<102160x4xf32, #tpu.memory_space<hbm>> -> memref<102160x4xf32, #tpu.memory_space<hbm>>
          tpu.enqueue_indirect_dma source(%dma_start3A_741 : memref<102160x4xf32, #tpu.memory_space<hbm>>) target(%dma_start3A_735 : memref<256x4xf32, #tpu.memory_space<vmem>>) offsets(%dma_start3A_738 : memref<256xi32, #tpu.memory_space<vmem>>) semaphore(%run_scoped3A_733 : memref<!tpu.dma_semaphore, #tpu.memory_space<semaphore_mem>>)
          %dma_wait3A = arith.constant 768 : i32
          %dma_wait3A_742 = arith.constant 0 : i32
          %dma_wait3A_743 = tpu.memref_slice %arg9[%dma_wait3A, %dma_wait3A_742] : memref<2064x4xf32, #tpu.memory_space<vmem>> -> memref<256x4xf32, #tpu.memory_space<vmem>>
          %dma_wait3A_744 = arith.constant 0 : i32
          %dma_wait3A_745 = tpu.memref_slice %arg12[%run_scoped3A_718, %dma_wait3A_744] : memref<8x256xi32, #tpu.memory_space<vmem>> -> memref<1x256xi32, #tpu.memory_space<vmem>>
          %dma_wait3A_746 = tpu.memref_squeeze %dma_wait3A_745 : memref<1x256xi32, #tpu.memory_space<vmem>> -> memref<256xi32, #tpu.memory_space<vmem>>
          %dma_wait3A_747 = arith.constant 0 : i32
          %dma_wait3A_748 = arith.constant 0 : i32
          %dma_wait3A_749 = tpu.memref_slice %arg5[%dma_wait3A_747, %dma_wait3A_748] : memref<102160x4xf32, #tpu.memory_space<hbm>> -> memref<102160x4xf32, #tpu.memory_space<hbm>>
          tpu.wait_indirect_dma semaphore(%run_scoped3A_733 : memref<!tpu.dma_semaphore, #tpu.memory_space<semaphore_mem>>) src(%dma_wait3A_749 : memref<102160x4xf32, #tpu.memory_space<hbm>>) dst(%dma_wait3A_743 : memref<256x4xf32, #tpu.memory_space<vmem>>)
          tpu.yield
        }) : () -> ()
        %run_scoped3A_719 = arith.constant 4 : i32
        "tpu.region"() ({
          %run_scoped3A_733 = tpu.sem_alloc : memref<!tpu.dma_semaphore, #tpu.memory_space<semaphore_mem>>
          %dma_start3A = arith.constant 1024 : i32
          %dma_start3A_734 = arith.constant 0 : i32
          %dma_start3A_735 = tpu.memref_slice %arg8[%dma_start3A, %dma_start3A_734] : memref<2064x4xf32, #tpu.memory_space<vmem>> -> memref<256x4xf32, #tpu.memory_space<vmem>>
          %dma_start3A_736 = arith.constant 0 : i32
          %dma_start3A_737 = tpu.memref_slice %arg12[%run_scoped3A_719, %dma_start3A_736] : memref<8x256xi32, #tpu.memory_space<vmem>> -> memref<1x256xi32, #tpu.memory_space<vmem>>
          %dma_start3A_738 = tpu.memref_squeeze %dma_start3A_737 : memref<1x256xi32, #tpu.memory_space<vmem>> -> memref<256xi32, #tpu.memory_space<vmem>>
          %dma_start3A_739 = arith.constant 0 : i32
          %dma_start3A_740 = arith.constant 0 : i32
          %dma_start3A_741 = tpu.memref_slice %arg4[%dma_start3A_739, %dma_start3A_740] : memref<102160x4xf32, #tpu.memory_space<hbm>> -> memref<102160x4xf32, #tpu.memory_space<hbm>>
          tpu.enqueue_indirect_dma source(%dma_start3A_741 : memref<102160x4xf32, #tpu.memory_space<hbm>>) target(%dma_start3A_735 : memref<256x4xf32, #tpu.memory_space<vmem>>) offsets(%dma_start3A_738 : memref<256xi32, #tpu.memory_space<vmem>>) semaphore(%run_scoped3A_733 : memref<!tpu.dma_semaphore, #tpu.memory_space<semaphore_mem>>)
          %dma_wait3A = arith.constant 1024 : i32
          %dma_wait3A_742 = arith.constant 0 : i32
          %dma_wait3A_743 = tpu.memref_slice %arg8[%dma_wait3A, %dma_wait3A_742] : memref<2064x4xf32, #tpu.memory_space<vmem>> -> memref<256x4xf32, #tpu.memory_space<vmem>>
          %dma_wait3A_744 = arith.constant 0 : i32
          %dma_wait3A_745 = tpu.memref_slice %arg12[%run_scoped3A_719, %dma_wait3A_744] : memref<8x256xi32, #tpu.memory_space<vmem>> -> memref<1x256xi32, #tpu.memory_space<vmem>>
          %dma_wait3A_746 = tpu.memref_squeeze %dma_wait3A_745 : memref<1x256xi32, #tpu.memory_space<vmem>> -> memref<256xi32, #tpu.memory_space<vmem>>
          %dma_wait3A_747 = arith.constant 0 : i32
          %dma_wait3A_748 = arith.constant 0 : i32
          %dma_wait3A_749 = tpu.memref_slice %arg4[%dma_wait3A_747, %dma_wait3A_748] : memref<102160x4xf32, #tpu.memory_space<hbm>> -> memref<102160x4xf32, #tpu.memory_space<hbm>>
          tpu.wait_indirect_dma semaphore(%run_scoped3A_733 : memref<!tpu.dma_semaphore, #tpu.memory_space<semaphore_mem>>) src(%dma_wait3A_749 : memref<102160x4xf32, #tpu.memory_space<hbm>>) dst(%dma_wait3A_743 : memref<256x4xf32, #tpu.memory_space<vmem>>)
          tpu.yield
        }) : () -> ()
        %run_scoped3A_720 = arith.constant 4 : i32
        "tpu.region"() ({
          %run_scoped3A_733 = tpu.sem_alloc : memref<!tpu.dma_semaphore, #tpu.memory_space<semaphore_mem>>
          %dma_start3A = arith.constant 1024 : i32
          %dma_start3A_734 = arith.constant 0 : i32
          %dma_start3A_735 = tpu.memref_slice %arg9[%dma_start3A, %dma_start3A_734] : memref<2064x4xf32, #tpu.memory_space<vmem>> -> memref<256x4xf32, #tpu.memory_space<vmem>>
          %dma_start3A_736 = arith.constant 0 : i32
          %dma_start3A_737 = tpu.memref_slice %arg12[%run_scoped3A_720, %dma_start3A_736] : memref<8x256xi32, #tpu.memory_space<vmem>> -> memref<1x256xi32, #tpu.memory_space<vmem>>
          %dma_start3A_738 = tpu.memref_squeeze %dma_start3A_737 : memref<1x256xi32, #tpu.memory_space<vmem>> -> memref<256xi32, #tpu.memory_space<vmem>>
          %dma_start3A_739 = arith.constant 0 : i32
          %dma_start3A_740 = arith.constant 0 : i32
          %dma_start3A_741 = tpu.memref_slice %arg5[%dma_start3A_739, %dma_start3A_740] : memref<102160x4xf32, #tpu.memory_space<hbm>> -> memref<102160x4xf32, #tpu.memory_space<hbm>>
          tpu.enqueue_indirect_dma source(%dma_start3A_741 : memref<102160x4xf32, #tpu.memory_space<hbm>>) target(%dma_start3A_735 : memref<256x4xf32, #tpu.memory_space<vmem>>) offsets(%dma_start3A_738 : memref<256xi32, #tpu.memory_space<vmem>>) semaphore(%run_scoped3A_733 : memref<!tpu.dma_semaphore, #tpu.memory_space<semaphore_mem>>)
          %dma_wait3A = arith.constant 1024 : i32
          %dma_wait3A_742 = arith.constant 0 : i32
          %dma_wait3A_743 = tpu.memref_slice %arg9[%dma_wait3A, %dma_wait3A_742] : memref<2064x4xf32, #tpu.memory_space<vmem>> -> memref<256x4xf32, #tpu.memory_space<vmem>>
          %dma_wait3A_744 = arith.constant 0 : i32
          %dma_wait3A_745 = tpu.memref_slice %arg12[%run_scoped3A_720, %dma_wait3A_744] : memref<8x256xi32, #tpu.memory_space<vmem>> -> memref<1x256xi32, #tpu.memory_space<vmem>>
          %dma_wait3A_746 = tpu.memref_squeeze %dma_wait3A_745 : memref<1x256xi32, #tpu.memory_space<vmem>> -> memref<256xi32, #tpu.memory_space<vmem>>
          %dma_wait3A_747 = arith.constant 0 : i32
          %dma_wait3A_748 = arith.constant 0 : i32
          %dma_wait3A_749 = tpu.memref_slice %arg5[%dma_wait3A_747, %dma_wait3A_748] : memref<102160x4xf32, #tpu.memory_space<hbm>> -> memref<102160x4xf32, #tpu.memory_space<hbm>>
          tpu.wait_indirect_dma semaphore(%run_scoped3A_733 : memref<!tpu.dma_semaphore, #tpu.memory_space<semaphore_mem>>) src(%dma_wait3A_749 : memref<102160x4xf32, #tpu.memory_space<hbm>>) dst(%dma_wait3A_743 : memref<256x4xf32, #tpu.memory_space<vmem>>)
          tpu.yield
        }) : () -> ()
        %run_scoped3A_721 = arith.constant 5 : i32
        "tpu.region"() ({
          %run_scoped3A_733 = tpu.sem_alloc : memref<!tpu.dma_semaphore, #tpu.memory_space<semaphore_mem>>
          %dma_start3A = arith.constant 1280 : i32
          %dma_start3A_734 = arith.constant 0 : i32
          %dma_start3A_735 = tpu.memref_slice %arg8[%dma_start3A, %dma_start3A_734] : memref<2064x4xf32, #tpu.memory_space<vmem>> -> memref<256x4xf32, #tpu.memory_space<vmem>>
          %dma_start3A_736 = arith.constant 0 : i32
          %dma_start3A_737 = tpu.memref_slice %arg12[%run_scoped3A_721, %dma_start3A_736] : memref<8x256xi32, #tpu.memory_space<vmem>> -> memref<1x256xi32, #tpu.memory_space<vmem>>
          %dma_start3A_738 = tpu.memref_squeeze %dma_start3A_737 : memref<1x256xi32, #tpu.memory_space<vmem>> -> memref<256xi32, #tpu.memory_space<vmem>>
          %dma_start3A_739 = arith.constant 0 : i32
          %dma_start3A_740 = arith.constant 0 : i32
          %dma_start3A_741 = tpu.memref_slice %arg4[%dma_start3A_739, %dma_start3A_740] : memref<102160x4xf32, #tpu.memory_space<hbm>> -> memref<102160x4xf32, #tpu.memory_space<hbm>>
          tpu.enqueue_indirect_dma source(%dma_start3A_741 : memref<102160x4xf32, #tpu.memory_space<hbm>>) target(%dma_start3A_735 : memref<256x4xf32, #tpu.memory_space<vmem>>) offsets(%dma_start3A_738 : memref<256xi32, #tpu.memory_space<vmem>>) semaphore(%run_scoped3A_733 : memref<!tpu.dma_semaphore, #tpu.memory_space<semaphore_mem>>)
          %dma_wait3A = arith.constant 1280 : i32
          %dma_wait3A_742 = arith.constant 0 : i32
          %dma_wait3A_743 = tpu.memref_slice %arg8[%dma_wait3A, %dma_wait3A_742] : memref<2064x4xf32, #tpu.memory_space<vmem>> -> memref<256x4xf32, #tpu.memory_space<vmem>>
          %dma_wait3A_744 = arith.constant 0 : i32
          %dma_wait3A_745 = tpu.memref_slice %arg12[%run_scoped3A_721, %dma_wait3A_744] : memref<8x256xi32, #tpu.memory_space<vmem>> -> memref<1x256xi32, #tpu.memory_space<vmem>>
          %dma_wait3A_746 = tpu.memref_squeeze %dma_wait3A_745 : memref<1x256xi32, #tpu.memory_space<vmem>> -> memref<256xi32, #tpu.memory_space<vmem>>
          %dma_wait3A_747 = arith.constant 0 : i32
          %dma_wait3A_748 = arith.constant 0 : i32
          %dma_wait3A_749 = tpu.memref_slice %arg4[%dma_wait3A_747, %dma_wait3A_748] : memref<102160x4xf32, #tpu.memory_space<hbm>> -> memref<102160x4xf32, #tpu.memory_space<hbm>>
          tpu.wait_indirect_dma semaphore(%run_scoped3A_733 : memref<!tpu.dma_semaphore, #tpu.memory_space<semaphore_mem>>) src(%dma_wait3A_749 : memref<102160x4xf32, #tpu.memory_space<hbm>>) dst(%dma_wait3A_743 : memref<256x4xf32, #tpu.memory_space<vmem>>)
          tpu.yield
        }) : () -> ()
        %run_scoped3A_722 = arith.constant 5 : i32
        "tpu.region"() ({
          %run_scoped3A_733 = tpu.sem_alloc : memref<!tpu.dma_semaphore, #tpu.memory_space<semaphore_mem>>
          %dma_start3A = arith.constant 1280 : i32
          %dma_start3A_734 = arith.constant 0 : i32
          %dma_start3A_735 = tpu.memref_slice %arg9[%dma_start3A, %dma_start3A_734] : memref<2064x4xf32, #tpu.memory_space<vmem>> -> memref<256x4xf32, #tpu.memory_space<vmem>>
          %dma_start3A_736 = arith.constant 0 : i32
          %dma_start3A_737 = tpu.memref_slice %arg12[%run_scoped3A_722, %dma_start3A_736] : memref<8x256xi32, #tpu.memory_space<vmem>> -> memref<1x256xi32, #tpu.memory_space<vmem>>
          %dma_start3A_738 = tpu.memref_squeeze %dma_start3A_737 : memref<1x256xi32, #tpu.memory_space<vmem>> -> memref<256xi32, #tpu.memory_space<vmem>>
          %dma_start3A_739 = arith.constant 0 : i32
          %dma_start3A_740 = arith.constant 0 : i32
          %dma_start3A_741 = tpu.memref_slice %arg5[%dma_start3A_739, %dma_start3A_740] : memref<102160x4xf32, #tpu.memory_space<hbm>> -> memref<102160x4xf32, #tpu.memory_space<hbm>>
          tpu.enqueue_indirect_dma source(%dma_start3A_741 : memref<102160x4xf32, #tpu.memory_space<hbm>>) target(%dma_start3A_735 : memref<256x4xf32, #tpu.memory_space<vmem>>) offsets(%dma_start3A_738 : memref<256xi32, #tpu.memory_space<vmem>>) semaphore(%run_scoped3A_733 : memref<!tpu.dma_semaphore, #tpu.memory_space<semaphore_mem>>)
          %dma_wait3A = arith.constant 1280 : i32
          %dma_wait3A_742 = arith.constant 0 : i32
          %dma_wait3A_743 = tpu.memref_slice %arg9[%dma_wait3A, %dma_wait3A_742] : memref<2064x4xf32, #tpu.memory_space<vmem>> -> memref<256x4xf32, #tpu.memory_space<vmem>>
          %dma_wait3A_744 = arith.constant 0 : i32
          %dma_wait3A_745 = tpu.memref_slice %arg12[%run_scoped3A_722, %dma_wait3A_744] : memref<8x256xi32, #tpu.memory_space<vmem>> -> memref<1x256xi32, #tpu.memory_space<vmem>>
          %dma_wait3A_746 = tpu.memref_squeeze %dma_wait3A_745 : memref<1x256xi32, #tpu.memory_space<vmem>> -> memref<256xi32, #tpu.memory_space<vmem>>
          %dma_wait3A_747 = arith.constant 0 : i32
          %dma_wait3A_748 = arith.constant 0 : i32
          %dma_wait3A_749 = tpu.memref_slice %arg5[%dma_wait3A_747, %dma_wait3A_748] : memref<102160x4xf32, #tpu.memory_space<hbm>> -> memref<102160x4xf32, #tpu.memory_space<hbm>>
          tpu.wait_indirect_dma semaphore(%run_scoped3A_733 : memref<!tpu.dma_semaphore, #tpu.memory_space<semaphore_mem>>) src(%dma_wait3A_749 : memref<102160x4xf32, #tpu.memory_space<hbm>>) dst(%dma_wait3A_743 : memref<256x4xf32, #tpu.memory_space<vmem>>)
          tpu.yield
        }) : () -> ()
        %run_scoped3A_723 = arith.constant 6 : i32
        "tpu.region"() ({
          %run_scoped3A_733 = tpu.sem_alloc : memref<!tpu.dma_semaphore, #tpu.memory_space<semaphore_mem>>
          %dma_start3A = arith.constant 1536 : i32
          %dma_start3A_734 = arith.constant 0 : i32
          %dma_start3A_735 = tpu.memref_slice %arg8[%dma_start3A, %dma_start3A_734] : memref<2064x4xf32, #tpu.memory_space<vmem>> -> memref<256x4xf32, #tpu.memory_space<vmem>>
          %dma_start3A_736 = arith.constant 0 : i32
          %dma_start3A_737 = tpu.memref_slice %arg12[%run_scoped3A_723, %dma_start3A_736] : memref<8x256xi32, #tpu.memory_space<vmem>> -> memref<1x256xi32, #tpu.memory_space<vmem>>
          %dma_start3A_738 = tpu.memref_squeeze %dma_start3A_737 : memref<1x256xi32, #tpu.memory_space<vmem>> -> memref<256xi32, #tpu.memory_space<vmem>>
          %dma_start3A_739 = arith.constant 0 : i32
          %dma_start3A_740 = arith.constant 0 : i32
          %dma_start3A_741 = tpu.memref_slice %arg4[%dma_start3A_739, %dma_start3A_740] : memref<102160x4xf32, #tpu.memory_space<hbm>> -> memref<102160x4xf32, #tpu.memory_space<hbm>>
          tpu.enqueue_indirect_dma source(%dma_start3A_741 : memref<102160x4xf32, #tpu.memory_space<hbm>>) target(%dma_start3A_735 : memref<256x4xf32, #tpu.memory_space<vmem>>) offsets(%dma_start3A_738 : memref<256xi32, #tpu.memory_space<vmem>>) semaphore(%run_scoped3A_733 : memref<!tpu.dma_semaphore, #tpu.memory_space<semaphore_mem>>)
          %dma_wait3A = arith.constant 1536 : i32
          %dma_wait3A_742 = arith.constant 0 : i32
          %dma_wait3A_743 = tpu.memref_slice %arg8[%dma_wait3A, %dma_wait3A_742] : memref<2064x4xf32, #tpu.memory_space<vmem>> -> memref<256x4xf32, #tpu.memory_space<vmem>>
          %dma_wait3A_744 = arith.constant 0 : i32
          %dma_wait3A_745 = tpu.memref_slice %arg12[%run_scoped3A_723, %dma_wait3A_744] : memref<8x256xi32, #tpu.memory_space<vmem>> -> memref<1x256xi32, #tpu.memory_space<vmem>>
          %dma_wait3A_746 = tpu.memref_squeeze %dma_wait3A_745 : memref<1x256xi32, #tpu.memory_space<vmem>> -> memref<256xi32, #tpu.memory_space<vmem>>
          %dma_wait3A_747 = arith.constant 0 : i32
          %dma_wait3A_748 = arith.constant 0 : i32
          %dma_wait3A_749 = tpu.memref_slice %arg4[%dma_wait3A_747, %dma_wait3A_748] : memref<102160x4xf32, #tpu.memory_space<hbm>> -> memref<102160x4xf32, #tpu.memory_space<hbm>>
          tpu.wait_indirect_dma semaphore(%run_scoped3A_733 : memref<!tpu.dma_semaphore, #tpu.memory_space<semaphore_mem>>) src(%dma_wait3A_749 : memref<102160x4xf32, #tpu.memory_space<hbm>>) dst(%dma_wait3A_743 : memref<256x4xf32, #tpu.memory_space<vmem>>)
          tpu.yield
        }) : () -> ()
        %run_scoped3A_724 = arith.constant 6 : i32
        "tpu.region"() ({
          %run_scoped3A_733 = tpu.sem_alloc : memref<!tpu.dma_semaphore, #tpu.memory_space<semaphore_mem>>
          %dma_start3A = arith.constant 1536 : i32
          %dma_start3A_734 = arith.constant 0 : i32
          %dma_start3A_735 = tpu.memref_slice %arg9[%dma_start3A, %dma_start3A_734] : memref<2064x4xf32, #tpu.memory_space<vmem>> -> memref<256x4xf32, #tpu.memory_space<vmem>>
          %dma_start3A_736 = arith.constant 0 : i32
          %dma_start3A_737 = tpu.memref_slice %arg12[%run_scoped3A_724, %dma_start3A_736] : memref<8x256xi32, #tpu.memory_space<vmem>> -> memref<1x256xi32, #tpu.memory_space<vmem>>
          %dma_start3A_738 = tpu.memref_squeeze %dma_start3A_737 : memref<1x256xi32, #tpu.memory_space<vmem>> -> memref<256xi32, #tpu.memory_space<vmem>>
          %dma_start3A_739 = arith.constant 0 : i32
          %dma_start3A_740 = arith.constant 0 : i32
          %dma_start3A_741 = tpu.memref_slice %arg5[%dma_start3A_739, %dma_start3A_740] : memref<102160x4xf32, #tpu.memory_space<hbm>> -> memref<102160x4xf32, #tpu.memory_space<hbm>>
          tpu.enqueue_indirect_dma source(%dma_start3A_741 : memref<102160x4xf32, #tpu.memory_space<hbm>>) target(%dma_start3A_735 : memref<256x4xf32, #tpu.memory_space<vmem>>) offsets(%dma_start3A_738 : memref<256xi32, #tpu.memory_space<vmem>>) semaphore(%run_scoped3A_733 : memref<!tpu.dma_semaphore, #tpu.memory_space<semaphore_mem>>)
          %dma_wait3A = arith.constant 1536 : i32
          %dma_wait3A_742 = arith.constant 0 : i32
          %dma_wait3A_743 = tpu.memref_slice %arg9[%dma_wait3A, %dma_wait3A_742] : memref<2064x4xf32, #tpu.memory_space<vmem>> -> memref<256x4xf32, #tpu.memory_space<vmem>>
          %dma_wait3A_744 = arith.constant 0 : i32
          %dma_wait3A_745 = tpu.memref_slice %arg12[%run_scoped3A_724, %dma_wait3A_744] : memref<8x256xi32, #tpu.memory_space<vmem>> -> memref<1x256xi32, #tpu.memory_space<vmem>>
          %dma_wait3A_746 = tpu.memref_squeeze %dma_wait3A_745 : memref<1x256xi32, #tpu.memory_space<vmem>> -> memref<256xi32, #tpu.memory_space<vmem>>
          %dma_wait3A_747 = arith.constant 0 : i32
          %dma_wait3A_748 = arith.constant 0 : i32
          %dma_wait3A_749 = tpu.memref_slice %arg5[%dma_wait3A_747, %dma_wait3A_748] : memref<102160x4xf32, #tpu.memory_space<hbm>> -> memref<102160x4xf32, #tpu.memory_space<hbm>>
          tpu.wait_indirect_dma semaphore(%run_scoped3A_733 : memref<!tpu.dma_semaphore, #tpu.memory_space<semaphore_mem>>) src(%dma_wait3A_749 : memref<102160x4xf32, #tpu.memory_space<hbm>>) dst(%dma_wait3A_743 : memref<256x4xf32, #tpu.memory_space<vmem>>)
          tpu.yield
        }) : () -> ()
        %run_scoped3A_725 = arith.constant 7 : i32
        "tpu.region"() ({
          %run_scoped3A_733 = tpu.sem_alloc : memref<!tpu.dma_semaphore, #tpu.memory_space<semaphore_mem>>
          %dma_start3A = arith.constant 1792 : i32
          %dma_start3A_734 = arith.constant 0 : i32
          %dma_start3A_735 = tpu.memref_slice %arg8[%dma_start3A, %dma_start3A_734] : memref<2064x4xf32, #tpu.memory_space<vmem>> -> memref<256x4xf32, #tpu.memory_space<vmem>>
          %dma_start3A_736 = arith.constant 0 : i32
          %dma_start3A_737 = tpu.memref_slice %arg12[%run_scoped3A_725, %dma_start3A_736] : memref<8x256xi32, #tpu.memory_space<vmem>> -> memref<1x256xi32, #tpu.memory_space<vmem>>
          %dma_start3A_738 = tpu.memref_squeeze %dma_start3A_737 : memref<1x256xi32, #tpu.memory_space<vmem>> -> memref<256xi32, #tpu.memory_space<vmem>>
          %dma_start3A_739 = arith.constant 0 : i32
          %dma_start3A_740 = arith.constant 0 : i32
          %dma_start3A_741 = tpu.memref_slice %arg4[%dma_start3A_739, %dma_start3A_740] : memref<102160x4xf32, #tpu.memory_space<hbm>> -> memref<102160x4xf32, #tpu.memory_space<hbm>>
          tpu.enqueue_indirect_dma source(%dma_start3A_741 : memref<102160x4xf32, #tpu.memory_space<hbm>>) target(%dma_start3A_735 : memref<256x4xf32, #tpu.memory_space<vmem>>) offsets(%dma_start3A_738 : memref<256xi32, #tpu.memory_space<vmem>>) semaphore(%run_scoped3A_733 : memref<!tpu.dma_semaphore, #tpu.memory_space<semaphore_mem>>)
          %dma_wait3A = arith.constant 1792 : i32
          %dma_wait3A_742 = arith.constant 0 : i32
          %dma_wait3A_743 = tpu.memref_slice %arg8[%dma_wait3A, %dma_wait3A_742] : memref<2064x4xf32, #tpu.memory_space<vmem>> -> memref<256x4xf32, #tpu.memory_space<vmem>>
          %dma_wait3A_744 = arith.constant 0 : i32
          %dma_wait3A_745 = tpu.memref_slice %arg12[%run_scoped3A_725, %dma_wait3A_744] : memref<8x256xi32, #tpu.memory_space<vmem>> -> memref<1x256xi32, #tpu.memory_space<vmem>>
          %dma_wait3A_746 = tpu.memref_squeeze %dma_wait3A_745 : memref<1x256xi32, #tpu.memory_space<vmem>> -> memref<256xi32, #tpu.memory_space<vmem>>
          %dma_wait3A_747 = arith.constant 0 : i32
          %dma_wait3A_748 = arith.constant 0 : i32
          %dma_wait3A_749 = tpu.memref_slice %arg4[%dma_wait3A_747, %dma_wait3A_748] : memref<102160x4xf32, #tpu.memory_space<hbm>> -> memref<102160x4xf32, #tpu.memory_space<hbm>>
          tpu.wait_indirect_dma semaphore(%run_scoped3A_733 : memref<!tpu.dma_semaphore, #tpu.memory_space<semaphore_mem>>) src(%dma_wait3A_749 : memref<102160x4xf32, #tpu.memory_space<hbm>>) dst(%dma_wait3A_743 : memref<256x4xf32, #tpu.memory_space<vmem>>)
          tpu.yield
        }) : () -> ()
        %run_scoped3A_726 = arith.constant 7 : i32
        "tpu.region"() ({
          %run_scoped3A_733 = tpu.sem_alloc : memref<!tpu.dma_semaphore, #tpu.memory_space<semaphore_mem>>
          %dma_start3A = arith.constant 1792 : i32
          %dma_start3A_734 = arith.constant 0 : i32
          %dma_start3A_735 = tpu.memref_slice %arg9[%dma_start3A, %dma_start3A_734] : memref<2064x4xf32, #tpu.memory_space<vmem>> -> memref<256x4xf32, #tpu.memory_space<vmem>>
          %dma_start3A_736 = arith.constant 0 : i32
          %dma_start3A_737 = tpu.memref_slice %arg12[%run_scoped3A_726, %dma_start3A_736] : memref<8x256xi32, #tpu.memory_space<vmem>> -> memref<1x256xi32, #tpu.memory_space<vmem>>
          %dma_start3A_738 = tpu.memref_squeeze %dma_start3A_737 : memref<1x256xi32, #tpu.memory_space<vmem>> -> memref<256xi32, #tpu.memory_space<vmem>>
          %dma_start3A_739 = arith.constant 0 : i32
          %dma_start3A_740 = arith.constant 0 : i32
          %dma_start3A_741 = tpu.memref_slice %arg5[%dma_start3A_739, %dma_start3A_740] : memref<102160x4xf32, #tpu.memory_space<hbm>> -> memref<102160x4xf32, #tpu.memory_space<hbm>>
          tpu.enqueue_indirect_dma source(%dma_start3A_741 : memref<102160x4xf32, #tpu.memory_space<hbm>>) target(%dma_start3A_735 : memref<256x4xf32, #tpu.memory_space<vmem>>) offsets(%dma_start3A_738 : memref<256xi32, #tpu.memory_space<vmem>>) semaphore(%run_scoped3A_733 : memref<!tpu.dma_semaphore, #tpu.memory_space<semaphore_mem>>)
          %dma_wait3A = arith.constant 1792 : i32
          %dma_wait3A_742 = arith.constant 0 : i32
          %dma_wait3A_743 = tpu.memref_slice %arg9[%dma_wait3A, %dma_wait3A_742] : memref<2064x4xf32, #tpu.memory_space<vmem>> -> memref<256x4xf32, #tpu.memory_space<vmem>>
          %dma_wait3A_744 = arith.constant 0 : i32
          %dma_wait3A_745 = tpu.memref_slice %arg12[%run_scoped3A_726, %dma_wait3A_744] : memref<8x256xi32, #tpu.memory_space<vmem>> -> memref<1x256xi32, #tpu.memory_space<vmem>>
          %dma_wait3A_746 = tpu.memref_squeeze %dma_wait3A_745 : memref<1x256xi32, #tpu.memory_space<vmem>> -> memref<256xi32, #tpu.memory_space<vmem>>
          %dma_wait3A_747 = arith.constant 0 : i32
          %dma_wait3A_748 = arith.constant 0 : i32
          %dma_wait3A_749 = tpu.memref_slice %arg5[%dma_wait3A_747, %dma_wait3A_748] : memref<102160x4xf32, #tpu.memory_space<hbm>> -> memref<102160x4xf32, #tpu.memory_space<hbm>>
          tpu.wait_indirect_dma semaphore(%run_scoped3A_733 : memref<!tpu.dma_semaphore, #tpu.memory_space<semaphore_mem>>) src(%dma_wait3A_749 : memref<102160x4xf32, #tpu.memory_space<hbm>>) dst(%dma_wait3A_743 : memref<256x4xf32, #tpu.memory_space<vmem>>)
          tpu.yield
        }) : () -> ()
        %scan3A = arith.constant 0 : i32
        %scan3A_727 = arith.constant 0 : i32
        %scan3A_728 = arith.constant 64 : i32
        %scan3A_729 = arith.addi %scan3A_727, %scan3A_728 : i32
        %scan3A_730 = arith.constant 2 : i32
        %scan3A_731 = scf.for %scan3A_733 = %scan3A_727 to %scan3A_729 step %scan3A_730 iter_args(%scan3A_734 = %scan3A) -> (i32)  : i32 {
          %mul3A_735 = arith.constant 16 : i32
          %mul3A_736 = arith.muli %scan3A_733, %mul3A_735 : i32
          %add3A_737 = arith.constant 0 : i32
          %add3A_738 = arith.addi %mul3A_736, %add3A_737 : i32
          %add3A_739 = vector.broadcast %add3A_738 : i32 to vector<16xi32>
          %add3A_740 = arith.addi %add3A_739, %div3A_4 : vector<16xi32>
          %mul3A_741 = arith.constant 64 : i32
          %mul3A_742 = arith.muli %scan3A_733, %mul3A_741 : i32
          %add3A_743 = arith.constant 0 : i32
          %add3A_744 = arith.addi %mul3A_742, %add3A_743 : i32
          %get3A_745 = arith.index_cast %add3A_744 : i32 to index
          %get3A_746 = tpu.vector_load %arg7[%get3A_745] {strides = array<i32>} : memref<4096xf32, #tpu.memory_space<vmem>>, vector<16xf32>,
          %div3A_747 = arith.constant 128 : i32
          %div3A_748 = vector.broadcast %div3A_747 : i32 to vector<16xi32>
          %div3A_749 = arith.divsi %add3A_740, %div3A_748 : vector<16xi32>
          %mul3A_750 = arith.constant 128 : i32
          %mul3A_751 = vector.broadcast %mul3A_750 : i32 to vector<16xi32>
          %mul3A_752 = arith.muli %div3A_749, %mul3A_751 : vector<16xi32>
          %add3A_753 = arith.addi %add3A_740, %mul3A_752 : vector<16xi32>
          %gather3A = tpu.vector_load_idx %arg8[%add3A_753, %rem3A_2] : memref<2064x4xf32, #tpu.memory_space<vmem>>[vector<16xi32>, vector<16xi32>], vector<16xf32>,
          %gather3A_754 = tpu.vector_load_idx %arg9[%add3A_753, %rem3A_2] : memref<2064x4xf32, #tpu.memory_space<vmem>>[vector<16xi32>, vector<16xi32>], vector<16xf32>,
          %mul3A_755 = arith.mulf %gather3A, %get3A_746 : vector<16xf32>
          %add3A_756 = arith.addf %mul3A_755, %gather3A_754 : vector<16xf32>
          %mul3A_757 = arith.constant 64 : i32
          %mul3A_758 = arith.muli %scan3A_733, %mul3A_757 : i32
          %add3A_759 = arith.constant 0 : i32
          %add3A_760 = arith.addi %mul3A_758, %add3A_759 : i32
          %swap3A_761 = arith.index_cast %add3A_760 : i32 to index
          %swap3A_762 = tpu.vector_load %arg10[%swap3A_761] {strides = array<i32>} : memref<4096xf32, #tpu.memory_space<vmem>>, vector<16xf32>,
          tpu.vector_store %arg10[%swap3A_761], %add3A_756 {strides = array<i32>} : memref<4096xf32, #tpu.memory_space<vmem>>, vector<16xf32>,
          %mul3A_763 = arith.constant 16 : i32
          %mul3A_764 = arith.muli %scan3A_733, %mul3A_763 : i32
          %add3A_765 = arith.constant 4 : i32
          %add3A_766 = arith.addi %mul3A_764, %add3A_765 : i32
          %add3A_767 = vector.broadcast %add3A_766 : i32 to vector<16xi32>
          %add3A_768 = arith.addi %add3A_767, %div3A_4 : vector<16xi32>
          %mul3A_769 = arith.constant 64 : i32
          %mul3A_770 = arith.muli %scan3A_733, %mul3A_769 : i32
          %add3A_771 = arith.constant 16 : i32
          %add3A_772 = arith.addi %mul3A_770, %add3A_771 : i32
          %get3A_773 = arith.index_cast %add3A_772 : i32 to index
          %get3A_774 = tpu.vector_load %arg7[%get3A_773] {strides = array<i32>} : memref<4096xf32, #tpu.memory_space<vmem>>, vector<16xf32>,
          %div3A_775 = arith.constant 128 : i32
          %div3A_776 = vector.broadcast %div3A_775 : i32 to vector<16xi32>
          %div3A_777 = arith.divsi %add3A_768, %div3A_776 : vector<16xi32>
          %mul3A_778 = arith.constant 128 : i32
          %mul3A_779 = vector.broadcast %mul3A_778 : i32 to vector<16xi32>
          %mul3A_780 = arith.muli %div3A_777, %mul3A_779 : vector<16xi32>
          %add3A_781 = arith.addi %add3A_768, %mul3A_780 : vector<16xi32>
          %gather3A_782 = tpu.vector_load_idx %arg8[%add3A_781, %rem3A_2] : memref<2064x4xf32, #tpu.memory_space<vmem>>[vector<16xi32>, vector<16xi32>], vector<16xf32>,
          %gather3A_783 = tpu.vector_load_idx %arg9[%add3A_781, %rem3A_2] : memref<2064x4xf32, #tpu.memory_space<vmem>>[vector<16xi32>, vector<16xi32>], vector<16xf32>,
          %mul3A_784 = arith.mulf %gather3A_782, %get3A_774 : vector<16xf32>
          %add3A_785 = arith.addf %mul3A_784, %gather3A_783 : vector<16xf32>
          %mul3A_786 = arith.constant 64 : i32
          %mul3A_787 = arith.muli %scan3A_733, %mul3A_786 : i32
          %add3A_788 = arith.constant 16 : i32
          %add3A_789 = arith.addi %mul3A_787, %add3A_788 : i32
          %swap3A_790 = arith.index_cast %add3A_789 : i32 to index
          %swap3A_791 = tpu.vector_load %arg10[%swap3A_790] {strides = array<i32>} : memref<4096xf32, #tpu.memory_space<vmem>>, vector<16xf32>,
          tpu.vector_store %arg10[%swap3A_790], %add3A_785 {strides = array<i32>} : memref<4096xf32, #tpu.memory_space<vmem>>, vector<16xf32>,
          %mul3A_792 = arith.constant 16 : i32
          %mul3A_793 = arith.muli %scan3A_733, %mul3A_792 : i32
          %add3A_794 = arith.constant 8 : i32
          %add3A_795 = arith.addi %mul3A_793, %add3A_794 : i32
          %add3A_796 = vector.broadcast %add3A_795 : i32 to vector<16xi32>
          %add3A_797 = arith.addi %add3A_796, %div3A_4 : vector<16xi32>
          %mul3A_798 = arith.constant 64 : i32
          %mul3A_799 = arith.muli %scan3A_733, %mul3A_798 : i32
          %add3A_800 = arith.constant 32 : i32
          %add3A_801 = arith.addi %mul3A_799, %add3A_800 : i32
          %get3A_802 = arith.index_cast %add3A_801 : i32 to index
          %get3A_803 = tpu.vector_load %arg7[%get3A_802] {strides = array<i32>} : memref<4096xf32, #tpu.memory_space<vmem>>, vector<16xf32>,
          %div3A_804 = arith.constant 128 : i32
          %div3A_805 = vector.broadcast %div3A_804 : i32 to vector<16xi32>
          %div3A_806 = arith.divsi %add3A_797, %div3A_805 : vector<16xi32>
          %mul3A_807 = arith.constant 128 : i32
          %mul3A_808 = vector.broadcast %mul3A_807 : i32 to vector<16xi32>
          %mul3A_809 = arith.muli %div3A_806, %mul3A_808 : vector<16xi32>
          %add3A_810 = arith.addi %add3A_797, %mul3A_809 : vector<16xi32>
          %gather3A_811 = tpu.vector_load_idx %arg8[%add3A_810, %rem3A_2] : memref<2064x4xf32, #tpu.memory_space<vmem>>[vector<16xi32>, vector<16xi32>], vector<16xf32>,
          %gather3A_812 = tpu.vector_load_idx %arg9[%add3A_810, %rem3A_2] : memref<2064x4xf32, #tpu.memory_space<vmem>>[vector<16xi32>, vector<16xi32>], vector<16xf32>,
          %mul3A_813 = arith.mulf %gather3A_811, %get3A_803 : vector<16xf32>
          %add3A_814 = arith.addf %mul3A_813, %gather3A_812 : vector<16xf32>
          %mul3A_815 = arith.constant 64 : i32
          %mul3A_816 = arith.muli %scan3A_733, %mul3A_815 : i32
          %add3A_817 = arith.constant 32 : i32
          %add3A_818 = arith.addi %mul3A_816, %add3A_817 : i32
          %swap3A_819 = arith.index_cast %add3A_818 : i32 to index
          %swap3A_820 = tpu.vector_load %arg10[%swap3A_819] {strides = array<i32>} : memref<4096xf32, #tpu.memory_space<vmem>>, vector<16xf32>,
          tpu.vector_store %arg10[%swap3A_819], %add3A_814 {strides = array<i32>} : memref<4096xf32, #tpu.memory_space<vmem>>, vector<16xf32>,
          %mul3A_821 = arith.constant 16 : i32
          %mul3A_822 = arith.muli %scan3A_733, %mul3A_821 : i32
          %add3A_823 = arith.constant 12 : i32
          %add3A_824 = arith.addi %mul3A_822, %add3A_823 : i32
          %add3A_825 = vector.broadcast %add3A_824 : i32 to vector<16xi32>
          %add3A_826 = arith.addi %add3A_825, %div3A_4 : vector<16xi32>
          %mul3A_827 = arith.constant 64 : i32
          %mul3A_828 = arith.muli %scan3A_733, %mul3A_827 : i32
          %add3A_829 = arith.constant 48 : i32
          %add3A_830 = arith.addi %mul3A_828, %add3A_829 : i32
          %get3A_831 = arith.index_cast %add3A_830 : i32 to index
          %get3A_832 = tpu.vector_load %arg7[%get3A_831] {strides = array<i32>} : memref<4096xf32, #tpu.memory_space<vmem>>, vector<16xf32>,
          %div3A_833 = arith.constant 128 : i32
          %div3A_834 = vector.broadcast %div3A_833 : i32 to vector<16xi32>
          %div3A_835 = arith.divsi %add3A_826, %div3A_834 : vector<16xi32>
          %mul3A_836 = arith.constant 128 : i32
          %mul3A_837 = vector.broadcast %mul3A_836 : i32 to vector<16xi32>
          %mul3A_838 = arith.muli %div3A_835, %mul3A_837 : vector<16xi32>
          %add3A_839 = arith.addi %add3A_826, %mul3A_838 : vector<16xi32>
          %gather3A_840 = tpu.vector_load_idx %arg8[%add3A_839, %rem3A_2] : memref<2064x4xf32, #tpu.memory_space<vmem>>[vector<16xi32>, vector<16xi32>], vector<16xf32>,
          %gather3A_841 = tpu.vector_load_idx %arg9[%add3A_839, %rem3A_2] : memref<2064x4xf32, #tpu.memory_space<vmem>>[vector<16xi32>, vector<16xi32>], vector<16xf32>,
          %mul3A_842 = arith.mulf %gather3A_840, %get3A_832 : vector<16xf32>
          %add3A_843 = arith.addf %mul3A_842, %gather3A_841 : vector<16xf32>
          %mul3A_844 = arith.constant 64 : i32
          %mul3A_845 = arith.muli %scan3A_733, %mul3A_844 : i32
          %add3A_846 = arith.constant 48 : i32
          %add3A_847 = arith.addi %mul3A_845, %add3A_846 : i32
          %swap3A_848 = arith.index_cast %add3A_847 : i32 to index
          %swap3A_849 = tpu.vector_load %arg10[%swap3A_848] {strides = array<i32>} : memref<4096xf32, #tpu.memory_space<vmem>>, vector<16xf32>,
          tpu.vector_store %arg10[%swap3A_848], %add3A_843 {strides = array<i32>} : memref<4096xf32, #tpu.memory_space<vmem>>, vector<16xf32>,
          %scan3A_850 = arith.constant 0 : i32
          %scan3A_851 = arith.constant 1 : i32
          %scan3A_852 = arith.addi %scan3A_733, %scan3A_851 : i32
          %mul3A_853 = arith.constant 16 : i32
          %mul3A_854 = arith.muli %scan3A_852, %mul3A_853 : i32
          %add3A_855 = arith.constant 0 : i32
          %add3A_856 = arith.addi %mul3A_854, %add3A_855 : i32
          %add3A_857 = vector.broadcast %add3A_856 : i32 to vector<16xi32>
          %add3A_858 = arith.addi %add3A_857, %div3A_4 : vector<16xi32>
          %mul3A_859 = arith.constant 64 : i32
          %mul3A_860 = arith.muli %scan3A_852, %mul3A_859 : i32
          %add3A_861 = arith.constant 0 : i32
          %add3A_862 = arith.addi %mul3A_860, %add3A_861 : i32
          %get3A_863 = arith.index_cast %add3A_862 : i32 to index
          %get3A_864 = tpu.vector_load %arg7[%get3A_863] {strides = array<i32>} : memref<4096xf32, #tpu.memory_space<vmem>>, vector<16xf32>,
          %div3A_865 = arith.constant 128 : i32
          %div3A_866 = vector.broadcast %div3A_865 : i32 to vector<16xi32>
          %div3A_867 = arith.divsi %add3A_858, %div3A_866 : vector<16xi32>
          %mul3A_868 = arith.constant 128 : i32
          %mul3A_869 = vector.broadcast %mul3A_868 : i32 to vector<16xi32>
          %mul3A_870 = arith.muli %div3A_867, %mul3A_869 : vector<16xi32>
          %add3A_871 = arith.addi %add3A_858, %mul3A_870 : vector<16xi32>
          %gather3A_872 = tpu.vector_load_idx %arg8[%add3A_871, %rem3A_2] : memref<2064x4xf32, #tpu.memory_space<vmem>>[vector<16xi32>, vector<16xi32>], vector<16xf32>,
          %gather3A_873 = tpu.vector_load_idx %arg9[%add3A_871, %rem3A_2] : memref<2064x4xf32, #tpu.memory_space<vmem>>[vector<16xi32>, vector<16xi32>], vector<16xf32>,
          %mul3A_874 = arith.mulf %gather3A_872, %get3A_864 : vector<16xf32>
          %add3A_875 = arith.addf %mul3A_874, %gather3A_873 : vector<16xf32>
          %mul3A_876 = arith.constant 64 : i32
          %mul3A_877 = arith.muli %scan3A_852, %mul3A_876 : i32
          %add3A_878 = arith.constant 0 : i32
          %add3A_879 = arith.addi %mul3A_877, %add3A_878 : i32
          %swap3A_880 = arith.index_cast %add3A_879 : i32 to index
          %swap3A_881 = tpu.vector_load %arg10[%swap3A_880] {strides = array<i32>} : memref<4096xf32, #tpu.memory_space<vmem>>, vector<16xf32>,
          tpu.vector_store %arg10[%swap3A_880], %add3A_875 {strides = array<i32>} : memref<4096xf32, #tpu.memory_space<vmem>>, vector<16xf32>,
          %mul3A_882 = arith.constant 16 : i32
          %mul3A_883 = arith.muli %scan3A_852, %mul3A_882 : i32
          %add3A_884 = arith.constant 4 : i32
          %add3A_885 = arith.addi %mul3A_883, %add3A_884 : i32
          %add3A_886 = vector.broadcast %add3A_885 : i32 to vector<16xi32>
          %add3A_887 = arith.addi %add3A_886, %div3A_4 : vector<16xi32>
          %mul3A_888 = arith.constant 64 : i32
          %mul3A_889 = arith.muli %scan3A_852, %mul3A_888 : i32
          %add3A_890 = arith.constant 16 : i32
          %add3A_891 = arith.addi %mul3A_889, %add3A_890 : i32
          %get3A_892 = arith.index_cast %add3A_891 : i32 to index
          %get3A_893 = tpu.vector_load %arg7[%get3A_892] {strides = array<i32>} : memref<4096xf32, #tpu.memory_space<vmem>>, vector<16xf32>,
          %div3A_894 = arith.constant 128 : i32
          %div3A_895 = vector.broadcast %div3A_894 : i32 to vector<16xi32>
          %div3A_896 = arith.divsi %add3A_887, %div3A_895 : vector<16xi32>
          %mul3A_897 = arith.constant 128 : i32
          %mul3A_898 = vector.broadcast %mul3A_897 : i32 to vector<16xi32>
          %mul3A_899 = arith.muli %div3A_896, %mul3A_898 : vector<16xi32>
          %add3A_900 = arith.addi %add3A_887, %mul3A_899 : vector<16xi32>
          %gather3A_901 = tpu.vector_load_idx %arg8[%add3A_900, %rem3A_2] : memref<2064x4xf32, #tpu.memory_space<vmem>>[vector<16xi32>, vector<16xi32>], vector<16xf32>,
          %gather3A_902 = tpu.vector_load_idx %arg9[%add3A_900, %rem3A_2] : memref<2064x4xf32, #tpu.memory_space<vmem>>[vector<16xi32>, vector<16xi32>], vector<16xf32>,
          %mul3A_903 = arith.mulf %gather3A_901, %get3A_893 : vector<16xf32>
          %add3A_904 = arith.addf %mul3A_903, %gather3A_902 : vector<16xf32>
          %mul3A_905 = arith.constant 64 : i32
          %mul3A_906 = arith.muli %scan3A_852, %mul3A_905 : i32
          %add3A_907 = arith.constant 16 : i32
          %add3A_908 = arith.addi %mul3A_906, %add3A_907 : i32
          %swap3A_909 = arith.index_cast %add3A_908 : i32 to index
          %swap3A_910 = tpu.vector_load %arg10[%swap3A_909] {strides = array<i32>} : memref<4096xf32, #tpu.memory_space<vmem>>, vector<16xf32>,
          tpu.vector_store %arg10[%swap3A_909], %add3A_904 {strides = array<i32>} : memref<4096xf32, #tpu.memory_space<vmem>>, vector<16xf32>,
          %mul3A_911 = arith.constant 16 : i32
          %mul3A_912 = arith.muli %scan3A_852, %mul3A_911 : i32
          %add3A_913 = arith.constant 8 : i32
          %add3A_914 = arith.addi %mul3A_912, %add3A_913 : i32
          %add3A_915 = vector.broadcast %add3A_914 : i32 to vector<16xi32>
          %add3A_916 = arith.addi %add3A_915, %div3A_4 : vector<16xi32>
          %mul3A_917 = arith.constant 64 : i32
          %mul3A_918 = arith.muli %scan3A_852, %mul3A_917 : i32
          %add3A_919 = arith.constant 32 : i32
          %add3A_920 = arith.addi %mul3A_918, %add3A_919 : i32
          %get3A_921 = arith.index_cast %add3A_920 : i32 to index
          %get3A_922 = tpu.vector_load %arg7[%get3A_921] {strides = array<i32>} : memref<4096xf32, #tpu.memory_space<vmem>>, vector<16xf32>,
          %div3A_923 = arith.constant 128 : i32
          %div3A_924 = vector.broadcast %div3A_923 : i32 to vector<16xi32>
          %div3A_925 = arith.divsi %add3A_916, %div3A_924 : vector<16xi32>
          %mul3A_926 = arith.constant 128 : i32
          %mul3A_927 = vector.broadcast %mul3A_926 : i32 to vector<16xi32>
          %mul3A_928 = arith.muli %div3A_925, %mul3A_927 : vector<16xi32>
          %add3A_929 = arith.addi %add3A_916, %mul3A_928 : vector<16xi32>
          %gather3A_930 = tpu.vector_load_idx %arg8[%add3A_929, %rem3A_2] : memref<2064x4xf32, #tpu.memory_space<vmem>>[vector<16xi32>, vector<16xi32>], vector<16xf32>,
          %gather3A_931 = tpu.vector_load_idx %arg9[%add3A_929, %rem3A_2] : memref<2064x4xf32, #tpu.memory_space<vmem>>[vector<16xi32>, vector<16xi32>], vector<16xf32>,
          %mul3A_932 = arith.mulf %gather3A_930, %get3A_922 : vector<16xf32>
          %add3A_933 = arith.addf %mul3A_932, %gather3A_931 : vector<16xf32>
          %mul3A_934 = arith.constant 64 : i32
          %mul3A_935 = arith.muli %scan3A_852, %mul3A_934 : i32
          %add3A_936 = arith.constant 32 : i32
          %add3A_937 = arith.addi %mul3A_935, %add3A_936 : i32
          %swap3A_938 = arith.index_cast %add3A_937 : i32 to index
          %swap3A_939 = tpu.vector_load %arg10[%swap3A_938] {strides = array<i32>} : memref<4096xf32, #tpu.memory_space<vmem>>, vector<16xf32>,
          tpu.vector_store %arg10[%swap3A_938], %add3A_933 {strides = array<i32>} : memref<4096xf32, #tpu.memory_space<vmem>>, vector<16xf32>,
          %mul3A_940 = arith.constant 16 : i32
          %mul3A_941 = arith.muli %scan3A_852, %mul3A_940 : i32
          %add3A_942 = arith.constant 12 : i32
          %add3A_943 = arith.addi %mul3A_941, %add3A_942 : i32
          %add3A_944 = vector.broadcast %add3A_943 : i32 to vector<16xi32>
          %add3A_945 = arith.addi %add3A_944, %div3A_4 : vector<16xi32>
          %mul3A_946 = arith.constant 64 : i32
          %mul3A_947 = arith.muli %scan3A_852, %mul3A_946 : i32
          %add3A_948 = arith.constant 48 : i32
          %add3A_949 = arith.addi %mul3A_947, %add3A_948 : i32
          %get3A_950 = arith.index_cast %add3A_949 : i32 to index
          %get3A_951 = tpu.vector_load %arg7[%get3A_950] {strides = array<i32>} : memref<4096xf32, #tpu.memory_space<vmem>>, vector<16xf32>,
          %div3A_952 = arith.constant 128 : i32
          %div3A_953 = vector.broadcast %div3A_952 : i32 to vector<16xi32>
          %div3A_954 = arith.divsi %add3A_945, %div3A_953 : vector<16xi32>
          %mul3A_955 = arith.constant 128 : i32
          %mul3A_956 = vector.broadcast %mul3A_955 : i32 to vector<16xi32>
          %mul3A_957 = arith.muli %div3A_954, %mul3A_956 : vector<16xi32>
          %add3A_958 = arith.addi %add3A_945, %mul3A_957 : vector<16xi32>
          %gather3A_959 = tpu.vector_load_idx %arg8[%add3A_958, %rem3A_2] : memref<2064x4xf32, #tpu.memory_space<vmem>>[vector<16xi32>, vector<16xi32>], vector<16xf32>,
          %gather3A_960 = tpu.vector_load_idx %arg9[%add3A_958, %rem3A_2] : memref<2064x4xf32, #tpu.memory_space<vmem>>[vector<16xi32>, vector<16xi32>], vector<16xf32>,
          %mul3A_961 = arith.mulf %gather3A_959, %get3A_951 : vector<16xf32>
          %add3A_962 = arith.addf %mul3A_961, %gather3A_960 : vector<16xf32>
          %mul3A_963 = arith.constant 64 : i32
          %mul3A_964 = arith.muli %scan3A_852, %mul3A_963 : i32
          %add3A_965 = arith.constant 48 : i32
          %add3A_966 = arith.addi %mul3A_964, %add3A_965 : i32
          %swap3A_967 = arith.index_cast %add3A_966 : i32 to index
          %swap3A_968 = tpu.vector_load %arg10[%swap3A_967] {strides = array<i32>} : memref<4096xf32, #tpu.memory_space<vmem>>, vector<16xf32>,
          tpu.vector_store %arg10[%swap3A_967], %add3A_962 {strides = array<i32>} : memref<4096xf32, #tpu.memory_space<vmem>>, vector<16xf32>,
          %scan3A_969 = arith.constant 0 : i32
          scf.yield %scan3A_969 : i32
        }
        %scan3A_732 = arith.constant 64 : i32
      } else {
      }
      %mul3A_323 = arith.constant 1024 : i32
      %mul3A_324 = arith.muli %add3A_279, %mul3A_323 : i32
      %mul3A_325 = arith.constant 4 : i32
      %mul3A_326 = arith.muli %mul3A_324, %mul3A_325 : i32
      "tpu.region"() ({
        %run_scoped3A = tpu.sem_alloc : memref<!tpu.dma_semaphore, #tpu.memory_space<semaphore_mem>>
        %dma_start3A = tpu.memref_slice %arg6[%mul3A_326] : memref<12800000xf32, #tpu.memory_space<hbm>> -> memref<4096xf32, #tpu.memory_space<hbm>>
        %dma_start3A_328 = tpu.memref_slice %arg6[%mul3A_326] : memref<12800000xf32, #tpu.memory_space<hbm>> -> memref<4096xf32, #tpu.memory_space<hbm>>
        tpu.enqueue_dma source(%arg10 : memref<4096xf32, #tpu.memory_space<vmem>>) target(%dma_start3A_328 : memref<4096xf32, #tpu.memory_space<hbm>>) target_semaphore(%run_scoped3A : memref<!tpu.dma_semaphore, #tpu.memory_space<semaphore_mem>>)
        %dma_wait3A = tpu.memref_slice %arg6[%mul3A_326] : memref<12800000xf32, #tpu.memory_space<hbm>> -> memref<4096xf32, #tpu.memory_space<hbm>>
        %dma_wait3A_329 = tpu.memref_slice %arg6[%mul3A_326] : memref<12800000xf32, #tpu.memory_space<hbm>> -> memref<4096xf32, #tpu.memory_space<hbm>>
        tpu.wait_dma2 semaphore(%run_scoped3A : memref<!tpu.dma_semaphore, #tpu.memory_space<semaphore_mem>>) src(%arg10 : memref<4096xf32, #tpu.memory_space<vmem>>) dst(%dma_wait3A_329 : memref<4096xf32, #tpu.memory_space<hbm>>)
        tpu.yield
      }) : () -> ()
      %while3A_327 = arith.constant 0 : i32
      scf.yield %while3A_327 : i32
    }
    %while3A_273 = arith.constant 1 : i32
    %while3A_274 = scf.for %while3A_275 = %while3A_270 to %while3A_266 step %while3A_273 iter_args(%while3A_276 = %while3A_272) -> (i32)  : i32 {
      %mul3A_277 = arith.constant 32 : i32
      %mul3A_278 = arith.muli %mul3A_277, %while3A_275 : i32
      %add3A_279 = arith.addi %add3A, %mul3A_278 : i32
      %mul3A_280 = arith.constant 1024 : i32
      %mul3A_281 = arith.muli %add3A_279, %mul3A_280 : i32
      %mul3A_282 = arith.constant 4 : i32
      %mul3A_283 = arith.muli %mul3A_281, %mul3A_282 : i32
      "tpu.region"() ({
        %run_scoped3A = tpu.sem_alloc : memref<!tpu.dma_semaphore, #tpu.memory_space<semaphore_mem>>
        %dma_start3A = tpu.memref_slice %arg2[%mul3A_283] : memref<12800000xf32, #tpu.memory_space<hbm>> -> memref<4096xf32, #tpu.memory_space<hbm>>
        %dma_start3A_328 = tpu.memref_slice %arg2[%mul3A_283] : memref<12800000xf32, #tpu.memory_space<hbm>> -> memref<4096xf32, #tpu.memory_space<hbm>>
        tpu.enqueue_dma source(%dma_start3A_328 : memref<4096xf32, #tpu.memory_space<hbm>>) target(%arg7 : memref<4096xf32, #tpu.memory_space<vmem>>) target_semaphore(%run_scoped3A : memref<!tpu.dma_semaphore, #tpu.memory_space<semaphore_mem>>)
        %dma_wait3A = tpu.memref_slice %arg2[%mul3A_283] : memref<12800000xf32, #tpu.memory_space<hbm>> -> memref<4096xf32, #tpu.memory_space<hbm>>
        %dma_wait3A_329 = tpu.memref_slice %arg2[%mul3A_283] : memref<12800000xf32, #tpu.memory_space<hbm>> -> memref<4096xf32, #tpu.memory_space<hbm>>
        tpu.wait_dma2 semaphore(%run_scoped3A : memref<!tpu.dma_semaphore, #tpu.memory_space<semaphore_mem>>) src(%dma_wait3A_329 : memref<4096xf32, #tpu.memory_space<hbm>>) dst(%arg7 : memref<4096xf32, #tpu.memory_space<vmem>>)
        tpu.yield
      }) : () -> ()
      %mul3A_284 = arith.constant 1024 : i32
      %mul3A_285 = arith.muli %add3A_279, %mul3A_284 : i32
      "tpu.region"() ({
        %run_scoped3A = tpu.sem_alloc : memref<!tpu.dma_semaphore, #tpu.memory_space<semaphore_mem>>
        %dma_start3A = tpu.memref_slice %arg3[%mul3A_285] : memref<3200000xi32, #tpu.memory_space<hbm>> -> memref<1024xi32, #tpu.memory_space<hbm>>
        %dma_start3A_328 = tpu.memref_slice %arg3[%mul3A_285] : memref<3200000xi32, #tpu.memory_space<hbm>> -> memref<1024xi32, #tpu.memory_space<hbm>>
        tpu.enqueue_dma source(%dma_start3A_328 : memref<1024xi32, #tpu.memory_space<hbm>>) target(%arg11 : memref<1024xi32, #tpu.memory_space<vmem>>) target_semaphore(%run_scoped3A : memref<!tpu.dma_semaphore, #tpu.memory_space<semaphore_mem>>)
        %dma_wait3A = tpu.memref_slice %arg3[%mul3A_285] : memref<3200000xi32, #tpu.memory_space<hbm>> -> memref<1024xi32, #tpu.memory_space<hbm>>
        %dma_wait3A_329 = tpu.memref_slice %arg3[%mul3A_285] : memref<3200000xi32, #tpu.memory_space<hbm>> -> memref<1024xi32, #tpu.memory_space<hbm>>
        tpu.wait_dma2 semaphore(%run_scoped3A : memref<!tpu.dma_semaphore, #tpu.memory_space<semaphore_mem>>) src(%dma_wait3A_329 : memref<1024xi32, #tpu.memory_space<hbm>>) dst(%arg11 : memref<1024xi32, #tpu.memory_space<vmem>>)
        tpu.yield
      }) : () -> ()
      %get3A = arith.constant 0 : index
      %get3A_286 = tpu.vector_load %arg11[%get3A] {strides = array<i32>} : memref<1024xi32, #tpu.memory_space<vmem>>, vector<16xi32>,
      %reduce_min3A = arith.constant true
      %reduce_min3A_287 = vector.broadcast %reduce_min3A : i1 to vector<16xi1>
      %reduce_min3A_288 = arith.constant -2147483648 : i32
      %reduce_min3A_289 = vector.broadcast %reduce_min3A_288 : i32 to vector<16xi32>
      %reduce_min3A_290 = arith.xori %get3A_286, %reduce_min3A_289 : vector<16xi32>
      %reduce_min3A_291 = tpu.scan <min>, %reduce_min3A_290 masked %reduce_min3A_287 : vector<16xi32>, vector<16xi1> -> vector<16xi32>
      %reduce_min3A_292 = arith.xori %reduce_min3A_291, %reduce_min3A_289 : vector<16xi32>
      %reduce_min3A_293 = vector.extract %reduce_min3A_292[15] : i32 from vector<16xi32>
      %get3A_294 = arith.constant 1008 : index
      %get3A_295 = tpu.vector_load %arg11[%get3A_294] {strides = array<i32>} : memref<1024xi32, #tpu.memory_space<vmem>>, vector<16xi32>,
      %reduce_max3A = arith.constant true
      %reduce_max3A_296 = vector.broadcast %reduce_max3A : i1 to vector<16xi1>
      %reduce_max3A_297 = arith.constant -2147483648 : i32
      %reduce_max3A_298 = vector.broadcast %reduce_max3A_297 : i32 to vector<16xi32>
      %reduce_max3A_299 = arith.xori %get3A_295, %reduce_max3A_298 : vector<16xi32>
      %reduce_max3A_300 = tpu.scan <max>, %reduce_max3A_299 masked %reduce_max3A_296 : vector<16xi32>, vector<16xi1> -> vector<16xi32>
      %reduce_max3A_301 = arith.xori %reduce_max3A_300, %reduce_max3A_298 : vector<16xi32>
      %reduce_max3A_302 = vector.extract %reduce_max3A_301[15] : i32 from vector<16xi32>
      %div3A_303 = arith.constant 8 : i32
      %div3A_304 = arith.divsi %reduce_min3A_293, %div3A_303 : i32
      %mul3A_305 = arith.constant 8 : i32
      %mul3A_306 = arith.muli %div3A_304, %mul3A_305 : i32
      %sub3A = arith.subi %reduce_max3A_302, %mul3A_306 : i32
      %add3A_307 = arith.constant 1 : i32
      %add3A_308 = arith.addi %sub3A, %add3A_307 : i32
      %le3A = arith.constant 256 : i32
      %le3A_309 = arith.cmpi sle, %add3A_308, %le3A : i32
      %convert_element_type3A_310 = arith.extui %le3A_309 : i1 to i32
      %cond3A = arith.constant 0 : i32
      %cond3A_311 = arith.cmpi ne, %convert_element_type3A_310, %cond3A : i32
      scf.if %cond3A_311 {
        "tpu.region"() ({
          %run_scoped3A = tpu.sem_alloc : memref<!tpu.dma_semaphore, #tpu.memory_space<semaphore_mem>>
          %dma_start3A = arith.constant 0 : i32
          %dma_start3A_334 = arith.constant 0 : i32
          %dma_start3A_335 = tpu.memref_slice %arg8[%dma_start3A, %dma_start3A_334] : memref<2064x4xf32, #tpu.memory_space<vmem>> -> memref<264x4xf32, #tpu.memory_space<vmem>>
          %dma_start3A_336 = arith.constant 0 : i32
          %dma_start3A_337 = tpu.memref_slice %arg4[%mul3A_306, %dma_start3A_336] : memref<102160x4xf32, #tpu.memory_space<hbm>> -> memref<264x4xf32, #tpu.memory_space<hbm>>
          %dma_start3A_338 = arith.constant 0 : i32
          %dma_start3A_339 = arith.constant 0 : i32
          %dma_start3A_340 = tpu.memref_slice %arg8[%dma_start3A_338, %dma_start3A_339] : memref<2064x4xf32, #tpu.memory_space<vmem>> -> memref<264x4xf32, #tpu.memory_space<vmem>>
          %dma_start3A_341 = arith.constant 0 : i32
          %dma_start3A_342 = tpu.memref_slice %arg4[%mul3A_306, %dma_start3A_341] : memref<102160x4xf32, #tpu.memory_space<hbm>> -> memref<264x4xf32, #tpu.memory_space<hbm>>
          tpu.enqueue_dma source(%dma_start3A_342 : memref<264x4xf32, #tpu.memory_space<hbm>>) target(%dma_start3A_340 : memref<264x4xf32, #tpu.memory_space<vmem>>) target_semaphore(%run_scoped3A : memref<!tpu.dma_semaphore, #tpu.memory_space<semaphore_mem>>)
          %dma_wait3A = arith.constant 0 : i32
          %dma_wait3A_343 = arith.constant 0 : i32
          %dma_wait3A_344 = tpu.memref_slice %arg8[%dma_wait3A, %dma_wait3A_343] : memref<2064x4xf32, #tpu.memory_space<vmem>> -> memref<264x4xf32, #tpu.memory_space<vmem>>
          %dma_wait3A_345 = arith.constant 0 : i32
          %dma_wait3A_346 = tpu.memref_slice %arg4[%mul3A_306, %dma_wait3A_345] : memref<102160x4xf32, #tpu.memory_space<hbm>> -> memref<264x4xf32, #tpu.memory_space<hbm>>
          %dma_wait3A_347 = arith.constant 0 : i32
          %dma_wait3A_348 = arith.constant 0 : i32
          %dma_wait3A_349 = tpu.memref_slice %arg8[%dma_wait3A_347, %dma_wait3A_348] : memref<2064x4xf32, #tpu.memory_space<vmem>> -> memref<264x4xf32, #tpu.memory_space<vmem>>
          %dma_wait3A_350 = arith.constant 0 : i32
          %dma_wait3A_351 = tpu.memref_slice %arg4[%mul3A_306, %dma_wait3A_350] : memref<102160x4xf32, #tpu.memory_space<hbm>> -> memref<264x4xf32, #tpu.memory_space<hbm>>
          tpu.wait_dma2 semaphore(%run_scoped3A : memref<!tpu.dma_semaphore, #tpu.memory_space<semaphore_mem>>) src(%dma_wait3A_351 : memref<264x4xf32, #tpu.memory_space<hbm>>) dst(%dma_wait3A_349 : memref<264x4xf32, #tpu.memory_space<vmem>>)
          tpu.yield
        }) : () -> ()
        "tpu.region"() ({
          %run_scoped3A = tpu.sem_alloc : memref<!tpu.dma_semaphore, #tpu.memory_space<semaphore_mem>>
          %dma_start3A = arith.constant 0 : i32
          %dma_start3A_334 = arith.constant 0 : i32
          %dma_start3A_335 = tpu.memref_slice %arg9[%dma_start3A, %dma_start3A_334] : memref<2064x4xf32, #tpu.memory_space<vmem>> -> memref<264x4xf32, #tpu.memory_space<vmem>>
          %dma_start3A_336 = arith.constant 0 : i32
          %dma_start3A_337 = tpu.memref_slice %arg5[%mul3A_306, %dma_start3A_336] : memref<102160x4xf32, #tpu.memory_space<hbm>> -> memref<264x4xf32, #tpu.memory_space<hbm>>
          %dma_start3A_338 = arith.constant 0 : i32
          %dma_start3A_339 = arith.constant 0 : i32
          %dma_start3A_340 = tpu.memref_slice %arg9[%dma_start3A_338, %dma_start3A_339] : memref<2064x4xf32, #tpu.memory_space<vmem>> -> memref<264x4xf32, #tpu.memory_space<vmem>>
          %dma_start3A_341 = arith.constant 0 : i32
          %dma_start3A_342 = tpu.memref_slice %arg5[%mul3A_306, %dma_start3A_341] : memref<102160x4xf32, #tpu.memory_space<hbm>> -> memref<264x4xf32, #tpu.memory_space<hbm>>
          tpu.enqueue_dma source(%dma_start3A_342 : memref<264x4xf32, #tpu.memory_space<hbm>>) target(%dma_start3A_340 : memref<264x4xf32, #tpu.memory_space<vmem>>) target_semaphore(%run_scoped3A : memref<!tpu.dma_semaphore, #tpu.memory_space<semaphore_mem>>)
          %dma_wait3A = arith.constant 0 : i32
          %dma_wait3A_343 = arith.constant 0 : i32
          %dma_wait3A_344 = tpu.memref_slice %arg9[%dma_wait3A, %dma_wait3A_343] : memref<2064x4xf32, #tpu.memory_space<vmem>> -> memref<264x4xf32, #tpu.memory_space<vmem>>
          %dma_wait3A_345 = arith.constant 0 : i32
          %dma_wait3A_346 = tpu.memref_slice %arg5[%mul3A_306, %dma_wait3A_345] : memref<102160x4xf32, #tpu.memory_space<hbm>> -> memref<264x4xf32, #tpu.memory_space<hbm>>
          %dma_wait3A_347 = arith.constant 0 : i32
          %dma_wait3A_348 = arith.constant 0 : i32
          %dma_wait3A_349 = tpu.memref_slice %arg9[%dma_wait3A_347, %dma_wait3A_348] : memref<2064x4xf32, #tpu.memory_space<vmem>> -> memref<264x4xf32, #tpu.memory_space<vmem>>
          %dma_wait3A_350 = arith.constant 0 : i32
          %dma_wait3A_351 = tpu.memref_slice %arg5[%mul3A_306, %dma_wait3A_350] : memref<102160x4xf32, #tpu.memory_space<hbm>> -> memref<264x4xf32, #tpu.memory_space<hbm>>
          tpu.wait_dma2 semaphore(%run_scoped3A : memref<!tpu.dma_semaphore, #tpu.memory_space<semaphore_mem>>) src(%dma_wait3A_351 : memref<264x4xf32, #tpu.memory_space<hbm>>) dst(%dma_wait3A_349 : memref<264x4xf32, #tpu.memory_space<vmem>>)
          tpu.yield
        }) : () -> ()
        %scan3A = arith.constant 0 : i32
        %scan3A_328 = arith.constant 0 : i32
        %scan3A_329 = arith.constant 64 : i32
        %scan3A_330 = arith.addi %scan3A_328, %scan3A_329 : i32
        %scan3A_331 = arith.constant 2 : i32
        %scan3A_332 = scf.for %scan3A_334 = %scan3A_328 to %scan3A_330 step %scan3A_331 iter_args(%scan3A_335 = %scan3A) -> (i32)  : i32 {
          %mul3A_336 = arith.constant 16 : i32
          %mul3A_337 = arith.muli %scan3A_334, %mul3A_336 : i32
          %add3A_338 = arith.constant 0 : i32
          %add3A_339 = arith.addi %mul3A_337, %add3A_338 : i32
          %add3A_340 = vector.broadcast %add3A_339 : i32 to vector<16xi32>
          %add3A_341 = arith.addi %add3A_340, %div3A_4 : vector<16xi32>
          %mul3A_342 = arith.constant 64 : i32
          %mul3A_343 = arith.muli %scan3A_334, %mul3A_342 : i32
          %add3A_344 = arith.constant 0 : i32
          %add3A_345 = arith.addi %mul3A_343, %add3A_344 : i32
          %get3A_346 = arith.index_cast %add3A_345 : i32 to index
          %get3A_347 = tpu.vector_load %arg7[%get3A_346] {strides = array<i32>} : memref<4096xf32, #tpu.memory_space<vmem>>, vector<16xf32>,
          %gather3A = tpu.vector_load_idx %arg11[%add3A_341] : memref<1024xi32, #tpu.memory_space<vmem>>[vector<16xi32>], vector<16xi32>,
          %sub3A_348 = vector.broadcast %mul3A_306 : i32 to vector<16xi32>
          %sub3A_349 = arith.subi %gather3A, %sub3A_348 : vector<16xi32>
          %gather3A_350 = tpu.vector_load_idx %arg8[%sub3A_349, %rem3A_2] : memref<2064x4xf32, #tpu.memory_space<vmem>>[vector<16xi32>, vector<16xi32>], vector<16xf32>,
          %gather3A_351 = tpu.vector_load_idx %arg9[%sub3A_349, %rem3A_2] : memref<2064x4xf32, #tpu.memory_space<vmem>>[vector<16xi32>, vector<16xi32>], vector<16xf32>,
          %mul3A_352 = arith.mulf %gather3A_350, %get3A_347 : vector<16xf32>
          %add3A_353 = arith.addf %mul3A_352, %gather3A_351 : vector<16xf32>
          %mul3A_354 = arith.constant 64 : i32
          %mul3A_355 = arith.muli %scan3A_334, %mul3A_354 : i32
          %add3A_356 = arith.constant 0 : i32
          %add3A_357 = arith.addi %mul3A_355, %add3A_356 : i32
          %swap3A_358 = arith.index_cast %add3A_357 : i32 to index
          %swap3A_359 = tpu.vector_load %arg10[%swap3A_358] {strides = array<i32>} : memref<4096xf32, #tpu.memory_space<vmem>>, vector<16xf32>,
          tpu.vector_store %arg10[%swap3A_358], %add3A_353 {strides = array<i32>} : memref<4096xf32, #tpu.memory_space<vmem>>, vector<16xf32>,
          %mul3A_360 = arith.constant 16 : i32
          %mul3A_361 = arith.muli %scan3A_334, %mul3A_360 : i32
          %add3A_362 = arith.constant 4 : i32
          %add3A_363 = arith.addi %mul3A_361, %add3A_362 : i32
          %add3A_364 = vector.broadcast %add3A_363 : i32 to vector<16xi32>
          %add3A_365 = arith.addi %add3A_364, %div3A_4 : vector<16xi32>
          %mul3A_366 = arith.constant 64 : i32
          %mul3A_367 = arith.muli %scan3A_334, %mul3A_366 : i32
          %add3A_368 = arith.constant 16 : i32
          %add3A_369 = arith.addi %mul3A_367, %add3A_368 : i32
          %get3A_370 = arith.index_cast %add3A_369 : i32 to index
          %get3A_371 = tpu.vector_load %arg7[%get3A_370] {strides = array<i32>} : memref<4096xf32, #tpu.memory_space<vmem>>, vector<16xf32>,
          %gather3A_372 = tpu.vector_load_idx %arg11[%add3A_365] : memref<1024xi32, #tpu.memory_space<vmem>>[vector<16xi32>], vector<16xi32>,
          %sub3A_373 = vector.broadcast %mul3A_306 : i32 to vector<16xi32>
          %sub3A_374 = arith.subi %gather3A_372, %sub3A_373 : vector<16xi32>
          %gather3A_375 = tpu.vector_load_idx %arg8[%sub3A_374, %rem3A_2] : memref<2064x4xf32, #tpu.memory_space<vmem>>[vector<16xi32>, vector<16xi32>], vector<16xf32>,
          %gather3A_376 = tpu.vector_load_idx %arg9[%sub3A_374, %rem3A_2] : memref<2064x4xf32, #tpu.memory_space<vmem>>[vector<16xi32>, vector<16xi32>], vector<16xf32>,
          %mul3A_377 = arith.mulf %gather3A_375, %get3A_371 : vector<16xf32>
          %add3A_378 = arith.addf %mul3A_377, %gather3A_376 : vector<16xf32>
          %mul3A_379 = arith.constant 64 : i32
          %mul3A_380 = arith.muli %scan3A_334, %mul3A_379 : i32
          %add3A_381 = arith.constant 16 : i32
          %add3A_382 = arith.addi %mul3A_380, %add3A_381 : i32
          %swap3A_383 = arith.index_cast %add3A_382 : i32 to index
          %swap3A_384 = tpu.vector_load %arg10[%swap3A_383] {strides = array<i32>} : memref<4096xf32, #tpu.memory_space<vmem>>, vector<16xf32>,
          tpu.vector_store %arg10[%swap3A_383], %add3A_378 {strides = array<i32>} : memref<4096xf32, #tpu.memory_space<vmem>>, vector<16xf32>,
          %mul3A_385 = arith.constant 16 : i32
          %mul3A_386 = arith.muli %scan3A_334, %mul3A_385 : i32
          %add3A_387 = arith.constant 8 : i32
          %add3A_388 = arith.addi %mul3A_386, %add3A_387 : i32
          %add3A_389 = vector.broadcast %add3A_388 : i32 to vector<16xi32>
          %add3A_390 = arith.addi %add3A_389, %div3A_4 : vector<16xi32>
          %mul3A_391 = arith.constant 64 : i32
          %mul3A_392 = arith.muli %scan3A_334, %mul3A_391 : i32
          %add3A_393 = arith.constant 32 : i32
          %add3A_394 = arith.addi %mul3A_392, %add3A_393 : i32
          %get3A_395 = arith.index_cast %add3A_394 : i32 to index
          %get3A_396 = tpu.vector_load %arg7[%get3A_395] {strides = array<i32>} : memref<4096xf32, #tpu.memory_space<vmem>>, vector<16xf32>,
          %gather3A_397 = tpu.vector_load_idx %arg11[%add3A_390] : memref<1024xi32, #tpu.memory_space<vmem>>[vector<16xi32>], vector<16xi32>,
          %sub3A_398 = vector.broadcast %mul3A_306 : i32 to vector<16xi32>
          %sub3A_399 = arith.subi %gather3A_397, %sub3A_398 : vector<16xi32>
          %gather3A_400 = tpu.vector_load_idx %arg8[%sub3A_399, %rem3A_2] : memref<2064x4xf32, #tpu.memory_space<vmem>>[vector<16xi32>, vector<16xi32>], vector<16xf32>,
          %gather3A_401 = tpu.vector_load_idx %arg9[%sub3A_399, %rem3A_2] : memref<2064x4xf32, #tpu.memory_space<vmem>>[vector<16xi32>, vector<16xi32>], vector<16xf32>,
          %mul3A_402 = arith.mulf %gather3A_400, %get3A_396 : vector<16xf32>
          %add3A_403 = arith.addf %mul3A_402, %gather3A_401 : vector<16xf32>
          %mul3A_404 = arith.constant 64 : i32
          %mul3A_405 = arith.muli %scan3A_334, %mul3A_404 : i32
          %add3A_406 = arith.constant 32 : i32
          %add3A_407 = arith.addi %mul3A_405, %add3A_406 : i32
          %swap3A_408 = arith.index_cast %add3A_407 : i32 to index
          %swap3A_409 = tpu.vector_load %arg10[%swap3A_408] {strides = array<i32>} : memref<4096xf32, #tpu.memory_space<vmem>>, vector<16xf32>,
          tpu.vector_store %arg10[%swap3A_408], %add3A_403 {strides = array<i32>} : memref<4096xf32, #tpu.memory_space<vmem>>, vector<16xf32>,
          %mul3A_410 = arith.constant 16 : i32
          %mul3A_411 = arith.muli %scan3A_334, %mul3A_410 : i32
          %add3A_412 = arith.constant 12 : i32
          %add3A_413 = arith.addi %mul3A_411, %add3A_412 : i32
          %add3A_414 = vector.broadcast %add3A_413 : i32 to vector<16xi32>
          %add3A_415 = arith.addi %add3A_414, %div3A_4 : vector<16xi32>
          %mul3A_416 = arith.constant 64 : i32
          %mul3A_417 = arith.muli %scan3A_334, %mul3A_416 : i32
          %add3A_418 = arith.constant 48 : i32
          %add3A_419 = arith.addi %mul3A_417, %add3A_418 : i32
          %get3A_420 = arith.index_cast %add3A_419 : i32 to index
          %get3A_421 = tpu.vector_load %arg7[%get3A_420] {strides = array<i32>} : memref<4096xf32, #tpu.memory_space<vmem>>, vector<16xf32>,
          %gather3A_422 = tpu.vector_load_idx %arg11[%add3A_415] : memref<1024xi32, #tpu.memory_space<vmem>>[vector<16xi32>], vector<16xi32>,
          %sub3A_423 = vector.broadcast %mul3A_306 : i32 to vector<16xi32>
          %sub3A_424 = arith.subi %gather3A_422, %sub3A_423 : vector<16xi32>
          %gather3A_425 = tpu.vector_load_idx %arg8[%sub3A_424, %rem3A_2] : memref<2064x4xf32, #tpu.memory_space<vmem>>[vector<16xi32>, vector<16xi32>], vector<16xf32>,
          %gather3A_426 = tpu.vector_load_idx %arg9[%sub3A_424, %rem3A_2] : memref<2064x4xf32, #tpu.memory_space<vmem>>[vector<16xi32>, vector<16xi32>], vector<16xf32>,
          %mul3A_427 = arith.mulf %gather3A_425, %get3A_421 : vector<16xf32>
          %add3A_428 = arith.addf %mul3A_427, %gather3A_426 : vector<16xf32>
          %mul3A_429 = arith.constant 64 : i32
          %mul3A_430 = arith.muli %scan3A_334, %mul3A_429 : i32
          %add3A_431 = arith.constant 48 : i32
          %add3A_432 = arith.addi %mul3A_430, %add3A_431 : i32
          %swap3A_433 = arith.index_cast %add3A_432 : i32 to index
          %swap3A_434 = tpu.vector_load %arg10[%swap3A_433] {strides = array<i32>} : memref<4096xf32, #tpu.memory_space<vmem>>, vector<16xf32>,
          tpu.vector_store %arg10[%swap3A_433], %add3A_428 {strides = array<i32>} : memref<4096xf32, #tpu.memory_space<vmem>>, vector<16xf32>,
          %scan3A_435 = arith.constant 0 : i32
          %scan3A_436 = arith.constant 1 : i32
          %scan3A_437 = arith.addi %scan3A_334, %scan3A_436 : i32
          %mul3A_438 = arith.constant 16 : i32
          %mul3A_439 = arith.muli %scan3A_437, %mul3A_438 : i32
          %add3A_440 = arith.constant 0 : i32
          %add3A_441 = arith.addi %mul3A_439, %add3A_440 : i32
          %add3A_442 = vector.broadcast %add3A_441 : i32 to vector<16xi32>
          %add3A_443 = arith.addi %add3A_442, %div3A_4 : vector<16xi32>
          %mul3A_444 = arith.constant 64 : i32
          %mul3A_445 = arith.muli %scan3A_437, %mul3A_444 : i32
          %add3A_446 = arith.constant 0 : i32
          %add3A_447 = arith.addi %mul3A_445, %add3A_446 : i32
          %get3A_448 = arith.index_cast %add3A_447 : i32 to index
          %get3A_449 = tpu.vector_load %arg7[%get3A_448] {strides = array<i32>} : memref<4096xf32, #tpu.memory_space<vmem>>, vector<16xf32>,
          %gather3A_450 = tpu.vector_load_idx %arg11[%add3A_443] : memref<1024xi32, #tpu.memory_space<vmem>>[vector<16xi32>], vector<16xi32>,
          %sub3A_451 = vector.broadcast %mul3A_306 : i32 to vector<16xi32>
          %sub3A_452 = arith.subi %gather3A_450, %sub3A_451 : vector<16xi32>
          %gather3A_453 = tpu.vector_load_idx %arg8[%sub3A_452, %rem3A_2] : memref<2064x4xf32, #tpu.memory_space<vmem>>[vector<16xi32>, vector<16xi32>], vector<16xf32>,
          %gather3A_454 = tpu.vector_load_idx %arg9[%sub3A_452, %rem3A_2] : memref<2064x4xf32, #tpu.memory_space<vmem>>[vector<16xi32>, vector<16xi32>], vector<16xf32>,
          %mul3A_455 = arith.mulf %gather3A_453, %get3A_449 : vector<16xf32>
          %add3A_456 = arith.addf %mul3A_455, %gather3A_454 : vector<16xf32>
          %mul3A_457 = arith.constant 64 : i32
          %mul3A_458 = arith.muli %scan3A_437, %mul3A_457 : i32
          %add3A_459 = arith.constant 0 : i32
          %add3A_460 = arith.addi %mul3A_458, %add3A_459 : i32
          %swap3A_461 = arith.index_cast %add3A_460 : i32 to index
          %swap3A_462 = tpu.vector_load %arg10[%swap3A_461] {strides = array<i32>} : memref<4096xf32, #tpu.memory_space<vmem>>, vector<16xf32>,
          tpu.vector_store %arg10[%swap3A_461], %add3A_456 {strides = array<i32>} : memref<4096xf32, #tpu.memory_space<vmem>>, vector<16xf32>,
          %mul3A_463 = arith.constant 16 : i32
          %mul3A_464 = arith.muli %scan3A_437, %mul3A_463 : i32
          %add3A_465 = arith.constant 4 : i32
          %add3A_466 = arith.addi %mul3A_464, %add3A_465 : i32
          %add3A_467 = vector.broadcast %add3A_466 : i32 to vector<16xi32>
          %add3A_468 = arith.addi %add3A_467, %div3A_4 : vector<16xi32>
          %mul3A_469 = arith.constant 64 : i32
          %mul3A_470 = arith.muli %scan3A_437, %mul3A_469 : i32
          %add3A_471 = arith.constant 16 : i32
          %add3A_472 = arith.addi %mul3A_470, %add3A_471 : i32
          %get3A_473 = arith.index_cast %add3A_472 : i32 to index
          %get3A_474 = tpu.vector_load %arg7[%get3A_473] {strides = array<i32>} : memref<4096xf32, #tpu.memory_space<vmem>>, vector<16xf32>,
          %gather3A_475 = tpu.vector_load_idx %arg11[%add3A_468] : memref<1024xi32, #tpu.memory_space<vmem>>[vector<16xi32>], vector<16xi32>,
          %sub3A_476 = vector.broadcast %mul3A_306 : i32 to vector<16xi32>
          %sub3A_477 = arith.subi %gather3A_475, %sub3A_476 : vector<16xi32>
          %gather3A_478 = tpu.vector_load_idx %arg8[%sub3A_477, %rem3A_2] : memref<2064x4xf32, #tpu.memory_space<vmem>>[vector<16xi32>, vector<16xi32>], vector<16xf32>,
          %gather3A_479 = tpu.vector_load_idx %arg9[%sub3A_477, %rem3A_2] : memref<2064x4xf32, #tpu.memory_space<vmem>>[vector<16xi32>, vector<16xi32>], vector<16xf32>,
          %mul3A_480 = arith.mulf %gather3A_478, %get3A_474 : vector<16xf32>
          %add3A_481 = arith.addf %mul3A_480, %gather3A_479 : vector<16xf32>
          %mul3A_482 = arith.constant 64 : i32
          %mul3A_483 = arith.muli %scan3A_437, %mul3A_482 : i32
          %add3A_484 = arith.constant 16 : i32
          %add3A_485 = arith.addi %mul3A_483, %add3A_484 : i32
          %swap3A_486 = arith.index_cast %add3A_485 : i32 to index
          %swap3A_487 = tpu.vector_load %arg10[%swap3A_486] {strides = array<i32>} : memref<4096xf32, #tpu.memory_space<vmem>>, vector<16xf32>,
          tpu.vector_store %arg10[%swap3A_486], %add3A_481 {strides = array<i32>} : memref<4096xf32, #tpu.memory_space<vmem>>, vector<16xf32>,
          %mul3A_488 = arith.constant 16 : i32
          %mul3A_489 = arith.muli %scan3A_437, %mul3A_488 : i32
          %add3A_490 = arith.constant 8 : i32
          %add3A_491 = arith.addi %mul3A_489, %add3A_490 : i32
          %add3A_492 = vector.broadcast %add3A_491 : i32 to vector<16xi32>
          %add3A_493 = arith.addi %add3A_492, %div3A_4 : vector<16xi32>
          %mul3A_494 = arith.constant 64 : i32
          %mul3A_495 = arith.muli %scan3A_437, %mul3A_494 : i32
          %add3A_496 = arith.constant 32 : i32
          %add3A_497 = arith.addi %mul3A_495, %add3A_496 : i32
          %get3A_498 = arith.index_cast %add3A_497 : i32 to index
          %get3A_499 = tpu.vector_load %arg7[%get3A_498] {strides = array<i32>} : memref<4096xf32, #tpu.memory_space<vmem>>, vector<16xf32>,
          %gather3A_500 = tpu.vector_load_idx %arg11[%add3A_493] : memref<1024xi32, #tpu.memory_space<vmem>>[vector<16xi32>], vector<16xi32>,
          %sub3A_501 = vector.broadcast %mul3A_306 : i32 to vector<16xi32>
          %sub3A_502 = arith.subi %gather3A_500, %sub3A_501 : vector<16xi32>
          %gather3A_503 = tpu.vector_load_idx %arg8[%sub3A_502, %rem3A_2] : memref<2064x4xf32, #tpu.memory_space<vmem>>[vector<16xi32>, vector<16xi32>], vector<16xf32>,
          %gather3A_504 = tpu.vector_load_idx %arg9[%sub3A_502, %rem3A_2] : memref<2064x4xf32, #tpu.memory_space<vmem>>[vector<16xi32>, vector<16xi32>], vector<16xf32>,
          %mul3A_505 = arith.mulf %gather3A_503, %get3A_499 : vector<16xf32>
          %add3A_506 = arith.addf %mul3A_505, %gather3A_504 : vector<16xf32>
          %mul3A_507 = arith.constant 64 : i32
          %mul3A_508 = arith.muli %scan3A_437, %mul3A_507 : i32
          %add3A_509 = arith.constant 32 : i32
          %add3A_510 = arith.addi %mul3A_508, %add3A_509 : i32
          %swap3A_511 = arith.index_cast %add3A_510 : i32 to index
          %swap3A_512 = tpu.vector_load %arg10[%swap3A_511] {strides = array<i32>} : memref<4096xf32, #tpu.memory_space<vmem>>, vector<16xf32>,
          tpu.vector_store %arg10[%swap3A_511], %add3A_506 {strides = array<i32>} : memref<4096xf32, #tpu.memory_space<vmem>>, vector<16xf32>,
          %mul3A_513 = arith.constant 16 : i32
          %mul3A_514 = arith.muli %scan3A_437, %mul3A_513 : i32
          %add3A_515 = arith.constant 12 : i32
          %add3A_516 = arith.addi %mul3A_514, %add3A_515 : i32
          %add3A_517 = vector.broadcast %add3A_516 : i32 to vector<16xi32>
          %add3A_518 = arith.addi %add3A_517, %div3A_4 : vector<16xi32>
          %mul3A_519 = arith.constant 64 : i32
          %mul3A_520 = arith.muli %scan3A_437, %mul3A_519 : i32
          %add3A_521 = arith.constant 48 : i32
          %add3A_522 = arith.addi %mul3A_520, %add3A_521 : i32
          %get3A_523 = arith.index_cast %add3A_522 : i32 to index
          %get3A_524 = tpu.vector_load %arg7[%get3A_523] {strides = array<i32>} : memref<4096xf32, #tpu.memory_space<vmem>>, vector<16xf32>,
          %gather3A_525 = tpu.vector_load_idx %arg11[%add3A_518] : memref<1024xi32, #tpu.memory_space<vmem>>[vector<16xi32>], vector<16xi32>,
          %sub3A_526 = vector.broadcast %mul3A_306 : i32 to vector<16xi32>
          %sub3A_527 = arith.subi %gather3A_525, %sub3A_526 : vector<16xi32>
          %gather3A_528 = tpu.vector_load_idx %arg8[%sub3A_527, %rem3A_2] : memref<2064x4xf32, #tpu.memory_space<vmem>>[vector<16xi32>, vector<16xi32>], vector<16xf32>,
          %gather3A_529 = tpu.vector_load_idx %arg9[%sub3A_527, %rem3A_2] : memref<2064x4xf32, #tpu.memory_space<vmem>>[vector<16xi32>, vector<16xi32>], vector<16xf32>,
          %mul3A_530 = arith.mulf %gather3A_528, %get3A_524 : vector<16xf32>
          %add3A_531 = arith.addf %mul3A_530, %gather3A_529 : vector<16xf32>
          %mul3A_532 = arith.constant 64 : i32
          %mul3A_533 = arith.muli %scan3A_437, %mul3A_532 : i32
          %add3A_534 = arith.constant 48 : i32
          %add3A_535 = arith.addi %mul3A_533, %add3A_534 : i32
          %swap3A_536 = arith.index_cast %add3A_535 : i32 to index
          %swap3A_537 = tpu.vector_load %arg10[%swap3A_536] {strides = array<i32>} : memref<4096xf32, #tpu.memory_space<vmem>>, vector<16xf32>,
          tpu.vector_store %arg10[%swap3A_536], %add3A_531 {strides = array<i32>} : memref<4096xf32, #tpu.memory_space<vmem>>, vector<16xf32>,
          %scan3A_538 = arith.constant 0 : i32
          scf.yield %scan3A_538 : i32
        }
        %scan3A_333 = arith.constant 64 : i32
      } else {
      }
      %gt3A = arith.constant 256 : i32
      %gt3A_312 = arith.cmpi sgt, %add3A_308, %gt3A : i32
      %le3A_313 = arith.constant 2048 : i32
      %le3A_314 = arith.cmpi sle, %add3A_308, %le3A_313 : i32
      %and3A = arith.andi %gt3A_312, %le3A_314 : i1
      %convert_element_type3A_315 = arith.extui %and3A : i1 to i32
      %cond3A_316 = arith.constant 0 : i32
      %cond3A_317 = arith.cmpi ne, %convert_element_type3A_315, %cond3A_316 : i32
      scf.if %cond3A_317 {
        "tpu.region"() ({
          %run_scoped3A = tpu.sem_alloc : memref<!tpu.dma_semaphore, #tpu.memory_space<semaphore_mem>>
          %dma_start3A = arith.constant 0 : i32
          %dma_start3A_334 = arith.constant 0 : i32
          %dma_start3A_335 = tpu.memref_slice %arg8[%dma_start3A, %dma_start3A_334] : memref<2064x4xf32, #tpu.memory_space<vmem>> -> memref<2056x4xf32, #tpu.memory_space<vmem>>
          %dma_start3A_336 = arith.constant 0 : i32
          %dma_start3A_337 = tpu.memref_slice %arg4[%mul3A_306, %dma_start3A_336] : memref<102160x4xf32, #tpu.memory_space<hbm>> -> memref<2056x4xf32, #tpu.memory_space<hbm>>
          %dma_start3A_338 = arith.constant 0 : i32
          %dma_start3A_339 = arith.constant 0 : i32
          %dma_start3A_340 = tpu.memref_slice %arg8[%dma_start3A_338, %dma_start3A_339] : memref<2064x4xf32, #tpu.memory_space<vmem>> -> memref<2056x4xf32, #tpu.memory_space<vmem>>
          %dma_start3A_341 = arith.constant 0 : i32
          %dma_start3A_342 = tpu.memref_slice %arg4[%mul3A_306, %dma_start3A_341] : memref<102160x4xf32, #tpu.memory_space<hbm>> -> memref<2056x4xf32, #tpu.memory_space<hbm>>
          tpu.enqueue_dma source(%dma_start3A_342 : memref<2056x4xf32, #tpu.memory_space<hbm>>) target(%dma_start3A_340 : memref<2056x4xf32, #tpu.memory_space<vmem>>) target_semaphore(%run_scoped3A : memref<!tpu.dma_semaphore, #tpu.memory_space<semaphore_mem>>)
          %dma_wait3A = arith.constant 0 : i32
          %dma_wait3A_343 = arith.constant 0 : i32
          %dma_wait3A_344 = tpu.memref_slice %arg8[%dma_wait3A, %dma_wait3A_343] : memref<2064x4xf32, #tpu.memory_space<vmem>> -> memref<2056x4xf32, #tpu.memory_space<vmem>>
          %dma_wait3A_345 = arith.constant 0 : i32
          %dma_wait3A_346 = tpu.memref_slice %arg4[%mul3A_306, %dma_wait3A_345] : memref<102160x4xf32, #tpu.memory_space<hbm>> -> memref<2056x4xf32, #tpu.memory_space<hbm>>
          %dma_wait3A_347 = arith.constant 0 : i32
          %dma_wait3A_348 = arith.constant 0 : i32
          %dma_wait3A_349 = tpu.memref_slice %arg8[%dma_wait3A_347, %dma_wait3A_348] : memref<2064x4xf32, #tpu.memory_space<vmem>> -> memref<2056x4xf32, #tpu.memory_space<vmem>>
          %dma_wait3A_350 = arith.constant 0 : i32
          %dma_wait3A_351 = tpu.memref_slice %arg4[%mul3A_306, %dma_wait3A_350] : memref<102160x4xf32, #tpu.memory_space<hbm>> -> memref<2056x4xf32, #tpu.memory_space<hbm>>
          tpu.wait_dma2 semaphore(%run_scoped3A : memref<!tpu.dma_semaphore, #tpu.memory_space<semaphore_mem>>) src(%dma_wait3A_351 : memref<2056x4xf32, #tpu.memory_space<hbm>>) dst(%dma_wait3A_349 : memref<2056x4xf32, #tpu.memory_space<vmem>>)
          tpu.yield
        }) : () -> ()
        "tpu.region"() ({
          %run_scoped3A = tpu.sem_alloc : memref<!tpu.dma_semaphore, #tpu.memory_space<semaphore_mem>>
          %dma_start3A = arith.constant 0 : i32
          %dma_start3A_334 = arith.constant 0 : i32
          %dma_start3A_335 = tpu.memref_slice %arg9[%dma_start3A, %dma_start3A_334] : memref<2064x4xf32, #tpu.memory_space<vmem>> -> memref<2056x4xf32, #tpu.memory_space<vmem>>
          %dma_start3A_336 = arith.constant 0 : i32
          %dma_start3A_337 = tpu.memref_slice %arg5[%mul3A_306, %dma_start3A_336] : memref<102160x4xf32, #tpu.memory_space<hbm>> -> memref<2056x4xf32, #tpu.memory_space<hbm>>
          %dma_start3A_338 = arith.constant 0 : i32
          %dma_start3A_339 = arith.constant 0 : i32
          %dma_start3A_340 = tpu.memref_slice %arg9[%dma_start3A_338, %dma_start3A_339] : memref<2064x4xf32, #tpu.memory_space<vmem>> -> memref<2056x4xf32, #tpu.memory_space<vmem>>
          %dma_start3A_341 = arith.constant 0 : i32
          %dma_start3A_342 = tpu.memref_slice %arg5[%mul3A_306, %dma_start3A_341] : memref<102160x4xf32, #tpu.memory_space<hbm>> -> memref<2056x4xf32, #tpu.memory_space<hbm>>
          tpu.enqueue_dma source(%dma_start3A_342 : memref<2056x4xf32, #tpu.memory_space<hbm>>) target(%dma_start3A_340 : memref<2056x4xf32, #tpu.memory_space<vmem>>) target_semaphore(%run_scoped3A : memref<!tpu.dma_semaphore, #tpu.memory_space<semaphore_mem>>)
          %dma_wait3A = arith.constant 0 : i32
          %dma_wait3A_343 = arith.constant 0 : i32
          %dma_wait3A_344 = tpu.memref_slice %arg9[%dma_wait3A, %dma_wait3A_343] : memref<2064x4xf32, #tpu.memory_space<vmem>> -> memref<2056x4xf32, #tpu.memory_space<vmem>>
          %dma_wait3A_345 = arith.constant 0 : i32
          %dma_wait3A_346 = tpu.memref_slice %arg5[%mul3A_306, %dma_wait3A_345] : memref<102160x4xf32, #tpu.memory_space<hbm>> -> memref<2056x4xf32, #tpu.memory_space<hbm>>
          %dma_wait3A_347 = arith.constant 0 : i32
          %dma_wait3A_348 = arith.constant 0 : i32
          %dma_wait3A_349 = tpu.memref_slice %arg9[%dma_wait3A_347, %dma_wait3A_348] : memref<2064x4xf32, #tpu.memory_space<vmem>> -> memref<2056x4xf32, #tpu.memory_space<vmem>>
          %dma_wait3A_350 = arith.constant 0 : i32
          %dma_wait3A_351 = tpu.memref_slice %arg5[%mul3A_306, %dma_wait3A_350] : memref<102160x4xf32, #tpu.memory_space<hbm>> -> memref<2056x4xf32, #tpu.memory_space<hbm>>
          tpu.wait_dma2 semaphore(%run_scoped3A : memref<!tpu.dma_semaphore, #tpu.memory_space<semaphore_mem>>) src(%dma_wait3A_351 : memref<2056x4xf32, #tpu.memory_space<hbm>>) dst(%dma_wait3A_349 : memref<2056x4xf32, #tpu.memory_space<vmem>>)
          tpu.yield
        }) : () -> ()
        %scan3A = arith.constant 0 : i32
        %scan3A_328 = arith.constant 0 : i32
        %scan3A_329 = arith.constant 64 : i32
        %scan3A_330 = arith.addi %scan3A_328, %scan3A_329 : i32
        %scan3A_331 = arith.constant 2 : i32
        %scan3A_332 = scf.for %scan3A_334 = %scan3A_328 to %scan3A_330 step %scan3A_331 iter_args(%scan3A_335 = %scan3A) -> (i32)  : i32 {
          %mul3A_336 = arith.constant 16 : i32
          %mul3A_337 = arith.muli %scan3A_334, %mul3A_336 : i32
          %add3A_338 = arith.constant 0 : i32
          %add3A_339 = arith.addi %mul3A_337, %add3A_338 : i32
          %add3A_340 = vector.broadcast %add3A_339 : i32 to vector<16xi32>
          %add3A_341 = arith.addi %add3A_340, %div3A_4 : vector<16xi32>
          %mul3A_342 = arith.constant 64 : i32
          %mul3A_343 = arith.muli %scan3A_334, %mul3A_342 : i32
          %add3A_344 = arith.constant 0 : i32
          %add3A_345 = arith.addi %mul3A_343, %add3A_344 : i32
          %get3A_346 = arith.index_cast %add3A_345 : i32 to index
          %get3A_347 = tpu.vector_load %arg7[%get3A_346] {strides = array<i32>} : memref<4096xf32, #tpu.memory_space<vmem>>, vector<16xf32>,
          %gather3A = tpu.vector_load_idx %arg11[%add3A_341] : memref<1024xi32, #tpu.memory_space<vmem>>[vector<16xi32>], vector<16xi32>,
          %sub3A_348 = vector.broadcast %mul3A_306 : i32 to vector<16xi32>
          %sub3A_349 = arith.subi %gather3A, %sub3A_348 : vector<16xi32>
          %gather3A_350 = tpu.vector_load_idx %arg8[%sub3A_349, %rem3A_2] : memref<2064x4xf32, #tpu.memory_space<vmem>>[vector<16xi32>, vector<16xi32>], vector<16xf32>,
          %gather3A_351 = tpu.vector_load_idx %arg9[%sub3A_349, %rem3A_2] : memref<2064x4xf32, #tpu.memory_space<vmem>>[vector<16xi32>, vector<16xi32>], vector<16xf32>,
          %mul3A_352 = arith.mulf %gather3A_350, %get3A_347 : vector<16xf32>
          %add3A_353 = arith.addf %mul3A_352, %gather3A_351 : vector<16xf32>
          %mul3A_354 = arith.constant 64 : i32
          %mul3A_355 = arith.muli %scan3A_334, %mul3A_354 : i32
          %add3A_356 = arith.constant 0 : i32
          %add3A_357 = arith.addi %mul3A_355, %add3A_356 : i32
          %swap3A_358 = arith.index_cast %add3A_357 : i32 to index
          %swap3A_359 = tpu.vector_load %arg10[%swap3A_358] {strides = array<i32>} : memref<4096xf32, #tpu.memory_space<vmem>>, vector<16xf32>,
          tpu.vector_store %arg10[%swap3A_358], %add3A_353 {strides = array<i32>} : memref<4096xf32, #tpu.memory_space<vmem>>, vector<16xf32>,
          %mul3A_360 = arith.constant 16 : i32
          %mul3A_361 = arith.muli %scan3A_334, %mul3A_360 : i32
          %add3A_362 = arith.constant 4 : i32
          %add3A_363 = arith.addi %mul3A_361, %add3A_362 : i32
          %add3A_364 = vector.broadcast %add3A_363 : i32 to vector<16xi32>
          %add3A_365 = arith.addi %add3A_364, %div3A_4 : vector<16xi32>
          %mul3A_366 = arith.constant 64 : i32
          %mul3A_367 = arith.muli %scan3A_334, %mul3A_366 : i32
          %add3A_368 = arith.constant 16 : i32
          %add3A_369 = arith.addi %mul3A_367, %add3A_368 : i32
          %get3A_370 = arith.index_cast %add3A_369 : i32 to index
          %get3A_371 = tpu.vector_load %arg7[%get3A_370] {strides = array<i32>} : memref<4096xf32, #tpu.memory_space<vmem>>, vector<16xf32>,
          %gather3A_372 = tpu.vector_load_idx %arg11[%add3A_365] : memref<1024xi32, #tpu.memory_space<vmem>>[vector<16xi32>], vector<16xi32>,
          %sub3A_373 = vector.broadcast %mul3A_306 : i32 to vector<16xi32>
          %sub3A_374 = arith.subi %gather3A_372, %sub3A_373 : vector<16xi32>
          %gather3A_375 = tpu.vector_load_idx %arg8[%sub3A_374, %rem3A_2] : memref<2064x4xf32, #tpu.memory_space<vmem>>[vector<16xi32>, vector<16xi32>], vector<16xf32>,
          %gather3A_376 = tpu.vector_load_idx %arg9[%sub3A_374, %rem3A_2] : memref<2064x4xf32, #tpu.memory_space<vmem>>[vector<16xi32>, vector<16xi32>], vector<16xf32>,
          %mul3A_377 = arith.mulf %gather3A_375, %get3A_371 : vector<16xf32>
          %add3A_378 = arith.addf %mul3A_377, %gather3A_376 : vector<16xf32>
          %mul3A_379 = arith.constant 64 : i32
          %mul3A_380 = arith.muli %scan3A_334, %mul3A_379 : i32
          %add3A_381 = arith.constant 16 : i32
          %add3A_382 = arith.addi %mul3A_380, %add3A_381 : i32
          %swap3A_383 = arith.index_cast %add3A_382 : i32 to index
          %swap3A_384 = tpu.vector_load %arg10[%swap3A_383] {strides = array<i32>} : memref<4096xf32, #tpu.memory_space<vmem>>, vector<16xf32>,
          tpu.vector_store %arg10[%swap3A_383], %add3A_378 {strides = array<i32>} : memref<4096xf32, #tpu.memory_space<vmem>>, vector<16xf32>,
          %mul3A_385 = arith.constant 16 : i32
          %mul3A_386 = arith.muli %scan3A_334, %mul3A_385 : i32
          %add3A_387 = arith.constant 8 : i32
          %add3A_388 = arith.addi %mul3A_386, %add3A_387 : i32
          %add3A_389 = vector.broadcast %add3A_388 : i32 to vector<16xi32>
          %add3A_390 = arith.addi %add3A_389, %div3A_4 : vector<16xi32>
          %mul3A_391 = arith.constant 64 : i32
          %mul3A_392 = arith.muli %scan3A_334, %mul3A_391 : i32
          %add3A_393 = arith.constant 32 : i32
          %add3A_394 = arith.addi %mul3A_392, %add3A_393 : i32
          %get3A_395 = arith.index_cast %add3A_394 : i32 to index
          %get3A_396 = tpu.vector_load %arg7[%get3A_395] {strides = array<i32>} : memref<4096xf32, #tpu.memory_space<vmem>>, vector<16xf32>,
          %gather3A_397 = tpu.vector_load_idx %arg11[%add3A_390] : memref<1024xi32, #tpu.memory_space<vmem>>[vector<16xi32>], vector<16xi32>,
          %sub3A_398 = vector.broadcast %mul3A_306 : i32 to vector<16xi32>
          %sub3A_399 = arith.subi %gather3A_397, %sub3A_398 : vector<16xi32>
          %gather3A_400 = tpu.vector_load_idx %arg8[%sub3A_399, %rem3A_2] : memref<2064x4xf32, #tpu.memory_space<vmem>>[vector<16xi32>, vector<16xi32>], vector<16xf32>,
          %gather3A_401 = tpu.vector_load_idx %arg9[%sub3A_399, %rem3A_2] : memref<2064x4xf32, #tpu.memory_space<vmem>>[vector<16xi32>, vector<16xi32>], vector<16xf32>,
          %mul3A_402 = arith.mulf %gather3A_400, %get3A_396 : vector<16xf32>
          %add3A_403 = arith.addf %mul3A_402, %gather3A_401 : vector<16xf32>
          %mul3A_404 = arith.constant 64 : i32
          %mul3A_405 = arith.muli %scan3A_334, %mul3A_404 : i32
          %add3A_406 = arith.constant 32 : i32
          %add3A_407 = arith.addi %mul3A_405, %add3A_406 : i32
          %swap3A_408 = arith.index_cast %add3A_407 : i32 to index
          %swap3A_409 = tpu.vector_load %arg10[%swap3A_408] {strides = array<i32>} : memref<4096xf32, #tpu.memory_space<vmem>>, vector<16xf32>,
          tpu.vector_store %arg10[%swap3A_408], %add3A_403 {strides = array<i32>} : memref<4096xf32, #tpu.memory_space<vmem>>, vector<16xf32>,
          %mul3A_410 = arith.constant 16 : i32
          %mul3A_411 = arith.muli %scan3A_334, %mul3A_410 : i32
          %add3A_412 = arith.constant 12 : i32
          %add3A_413 = arith.addi %mul3A_411, %add3A_412 : i32
          %add3A_414 = vector.broadcast %add3A_413 : i32 to vector<16xi32>
          %add3A_415 = arith.addi %add3A_414, %div3A_4 : vector<16xi32>
          %mul3A_416 = arith.constant 64 : i32
          %mul3A_417 = arith.muli %scan3A_334, %mul3A_416 : i32
          %add3A_418 = arith.constant 48 : i32
          %add3A_419 = arith.addi %mul3A_417, %add3A_418 : i32
          %get3A_420 = arith.index_cast %add3A_419 : i32 to index
          %get3A_421 = tpu.vector_load %arg7[%get3A_420] {strides = array<i32>} : memref<4096xf32, #tpu.memory_space<vmem>>, vector<16xf32>,
          %gather3A_422 = tpu.vector_load_idx %arg11[%add3A_415] : memref<1024xi32, #tpu.memory_space<vmem>>[vector<16xi32>], vector<16xi32>,
          %sub3A_423 = vector.broadcast %mul3A_306 : i32 to vector<16xi32>
          %sub3A_424 = arith.subi %gather3A_422, %sub3A_423 : vector<16xi32>
          %gather3A_425 = tpu.vector_load_idx %arg8[%sub3A_424, %rem3A_2] : memref<2064x4xf32, #tpu.memory_space<vmem>>[vector<16xi32>, vector<16xi32>], vector<16xf32>,
          %gather3A_426 = tpu.vector_load_idx %arg9[%sub3A_424, %rem3A_2] : memref<2064x4xf32, #tpu.memory_space<vmem>>[vector<16xi32>, vector<16xi32>], vector<16xf32>,
          %mul3A_427 = arith.mulf %gather3A_425, %get3A_421 : vector<16xf32>
          %add3A_428 = arith.addf %mul3A_427, %gather3A_426 : vector<16xf32>
          %mul3A_429 = arith.constant 64 : i32
          %mul3A_430 = arith.muli %scan3A_334, %mul3A_429 : i32
          %add3A_431 = arith.constant 48 : i32
          %add3A_432 = arith.addi %mul3A_430, %add3A_431 : i32
          %swap3A_433 = arith.index_cast %add3A_432 : i32 to index
          %swap3A_434 = tpu.vector_load %arg10[%swap3A_433] {strides = array<i32>} : memref<4096xf32, #tpu.memory_space<vmem>>, vector<16xf32>,
          tpu.vector_store %arg10[%swap3A_433], %add3A_428 {strides = array<i32>} : memref<4096xf32, #tpu.memory_space<vmem>>, vector<16xf32>,
          %scan3A_435 = arith.constant 0 : i32
          %scan3A_436 = arith.constant 1 : i32
          %scan3A_437 = arith.addi %scan3A_334, %scan3A_436 : i32
          %mul3A_438 = arith.constant 16 : i32
          %mul3A_439 = arith.muli %scan3A_437, %mul3A_438 : i32
          %add3A_440 = arith.constant 0 : i32
          %add3A_441 = arith.addi %mul3A_439, %add3A_440 : i32
          %add3A_442 = vector.broadcast %add3A_441 : i32 to vector<16xi32>
          %add3A_443 = arith.addi %add3A_442, %div3A_4 : vector<16xi32>
          %mul3A_444 = arith.constant 64 : i32
          %mul3A_445 = arith.muli %scan3A_437, %mul3A_444 : i32
          %add3A_446 = arith.constant 0 : i32
          %add3A_447 = arith.addi %mul3A_445, %add3A_446 : i32
          %get3A_448 = arith.index_cast %add3A_447 : i32 to index
          %get3A_449 = tpu.vector_load %arg7[%get3A_448] {strides = array<i32>} : memref<4096xf32, #tpu.memory_space<vmem>>, vector<16xf32>,
          %gather3A_450 = tpu.vector_load_idx %arg11[%add3A_443] : memref<1024xi32, #tpu.memory_space<vmem>>[vector<16xi32>], vector<16xi32>,
          %sub3A_451 = vector.broadcast %mul3A_306 : i32 to vector<16xi32>
          %sub3A_452 = arith.subi %gather3A_450, %sub3A_451 : vector<16xi32>
          %gather3A_453 = tpu.vector_load_idx %arg8[%sub3A_452, %rem3A_2] : memref<2064x4xf32, #tpu.memory_space<vmem>>[vector<16xi32>, vector<16xi32>], vector<16xf32>,
          %gather3A_454 = tpu.vector_load_idx %arg9[%sub3A_452, %rem3A_2] : memref<2064x4xf32, #tpu.memory_space<vmem>>[vector<16xi32>, vector<16xi32>], vector<16xf32>,
          %mul3A_455 = arith.mulf %gather3A_453, %get3A_449 : vector<16xf32>
          %add3A_456 = arith.addf %mul3A_455, %gather3A_454 : vector<16xf32>
          %mul3A_457 = arith.constant 64 : i32
          %mul3A_458 = arith.muli %scan3A_437, %mul3A_457 : i32
          %add3A_459 = arith.constant 0 : i32
          %add3A_460 = arith.addi %mul3A_458, %add3A_459 : i32
          %swap3A_461 = arith.index_cast %add3A_460 : i32 to index
          %swap3A_462 = tpu.vector_load %arg10[%swap3A_461] {strides = array<i32>} : memref<4096xf32, #tpu.memory_space<vmem>>, vector<16xf32>,
          tpu.vector_store %arg10[%swap3A_461], %add3A_456 {strides = array<i32>} : memref<4096xf32, #tpu.memory_space<vmem>>, vector<16xf32>,
          %mul3A_463 = arith.constant 16 : i32
          %mul3A_464 = arith.muli %scan3A_437, %mul3A_463 : i32
          %add3A_465 = arith.constant 4 : i32
          %add3A_466 = arith.addi %mul3A_464, %add3A_465 : i32
          %add3A_467 = vector.broadcast %add3A_466 : i32 to vector<16xi32>
          %add3A_468 = arith.addi %add3A_467, %div3A_4 : vector<16xi32>
          %mul3A_469 = arith.constant 64 : i32
          %mul3A_470 = arith.muli %scan3A_437, %mul3A_469 : i32
          %add3A_471 = arith.constant 16 : i32
          %add3A_472 = arith.addi %mul3A_470, %add3A_471 : i32
          %get3A_473 = arith.index_cast %add3A_472 : i32 to index
          %get3A_474 = tpu.vector_load %arg7[%get3A_473] {strides = array<i32>} : memref<4096xf32, #tpu.memory_space<vmem>>, vector<16xf32>,
          %gather3A_475 = tpu.vector_load_idx %arg11[%add3A_468] : memref<1024xi32, #tpu.memory_space<vmem>>[vector<16xi32>], vector<16xi32>,
          %sub3A_476 = vector.broadcast %mul3A_306 : i32 to vector<16xi32>
          %sub3A_477 = arith.subi %gather3A_475, %sub3A_476 : vector<16xi32>
          %gather3A_478 = tpu.vector_load_idx %arg8[%sub3A_477, %rem3A_2] : memref<2064x4xf32, #tpu.memory_space<vmem>>[vector<16xi32>, vector<16xi32>], vector<16xf32>,
          %gather3A_479 = tpu.vector_load_idx %arg9[%sub3A_477, %rem3A_2] : memref<2064x4xf32, #tpu.memory_space<vmem>>[vector<16xi32>, vector<16xi32>], vector<16xf32>,
          %mul3A_480 = arith.mulf %gather3A_478, %get3A_474 : vector<16xf32>
          %add3A_481 = arith.addf %mul3A_480, %gather3A_479 : vector<16xf32>
          %mul3A_482 = arith.constant 64 : i32
          %mul3A_483 = arith.muli %scan3A_437, %mul3A_482 : i32
          %add3A_484 = arith.constant 16 : i32
          %add3A_485 = arith.addi %mul3A_483, %add3A_484 : i32
          %swap3A_486 = arith.index_cast %add3A_485 : i32 to index
          %swap3A_487 = tpu.vector_load %arg10[%swap3A_486] {strides = array<i32>} : memref<4096xf32, #tpu.memory_space<vmem>>, vector<16xf32>,
          tpu.vector_store %arg10[%swap3A_486], %add3A_481 {strides = array<i32>} : memref<4096xf32, #tpu.memory_space<vmem>>, vector<16xf32>,
          %mul3A_488 = arith.constant 16 : i32
          %mul3A_489 = arith.muli %scan3A_437, %mul3A_488 : i32
          %add3A_490 = arith.constant 8 : i32
          %add3A_491 = arith.addi %mul3A_489, %add3A_490 : i32
          %add3A_492 = vector.broadcast %add3A_491 : i32 to vector<16xi32>
          %add3A_493 = arith.addi %add3A_492, %div3A_4 : vector<16xi32>
          %mul3A_494 = arith.constant 64 : i32
          %mul3A_495 = arith.muli %scan3A_437, %mul3A_494 : i32
          %add3A_496 = arith.constant 32 : i32
          %add3A_497 = arith.addi %mul3A_495, %add3A_496 : i32
          %get3A_498 = arith.index_cast %add3A_497 : i32 to index
          %get3A_499 = tpu.vector_load %arg7[%get3A_498] {strides = array<i32>} : memref<4096xf32, #tpu.memory_space<vmem>>, vector<16xf32>,
          %gather3A_500 = tpu.vector_load_idx %arg11[%add3A_493] : memref<1024xi32, #tpu.memory_space<vmem>>[vector<16xi32>], vector<16xi32>,
          %sub3A_501 = vector.broadcast %mul3A_306 : i32 to vector<16xi32>
          %sub3A_502 = arith.subi %gather3A_500, %sub3A_501 : vector<16xi32>
          %gather3A_503 = tpu.vector_load_idx %arg8[%sub3A_502, %rem3A_2] : memref<2064x4xf32, #tpu.memory_space<vmem>>[vector<16xi32>, vector<16xi32>], vector<16xf32>,
          %gather3A_504 = tpu.vector_load_idx %arg9[%sub3A_502, %rem3A_2] : memref<2064x4xf32, #tpu.memory_space<vmem>>[vector<16xi32>, vector<16xi32>], vector<16xf32>,
          %mul3A_505 = arith.mulf %gather3A_503, %get3A_499 : vector<16xf32>
          %add3A_506 = arith.addf %mul3A_505, %gather3A_504 : vector<16xf32>
          %mul3A_507 = arith.constant 64 : i32
          %mul3A_508 = arith.muli %scan3A_437, %mul3A_507 : i32
          %add3A_509 = arith.constant 32 : i32
          %add3A_510 = arith.addi %mul3A_508, %add3A_509 : i32
          %swap3A_511 = arith.index_cast %add3A_510 : i32 to index
          %swap3A_512 = tpu.vector_load %arg10[%swap3A_511] {strides = array<i32>} : memref<4096xf32, #tpu.memory_space<vmem>>, vector<16xf32>,
          tpu.vector_store %arg10[%swap3A_511], %add3A_506 {strides = array<i32>} : memref<4096xf32, #tpu.memory_space<vmem>>, vector<16xf32>,
          %mul3A_513 = arith.constant 16 : i32
          %mul3A_514 = arith.muli %scan3A_437, %mul3A_513 : i32
          %add3A_515 = arith.constant 12 : i32
          %add3A_516 = arith.addi %mul3A_514, %add3A_515 : i32
          %add3A_517 = vector.broadcast %add3A_516 : i32 to vector<16xi32>
          %add3A_518 = arith.addi %add3A_517, %div3A_4 : vector<16xi32>
          %mul3A_519 = arith.constant 64 : i32
          %mul3A_520 = arith.muli %scan3A_437, %mul3A_519 : i32
          %add3A_521 = arith.constant 48 : i32
          %add3A_522 = arith.addi %mul3A_520, %add3A_521 : i32
          %get3A_523 = arith.index_cast %add3A_522 : i32 to index
          %get3A_524 = tpu.vector_load %arg7[%get3A_523] {strides = array<i32>} : memref<4096xf32, #tpu.memory_space<vmem>>, vector<16xf32>,
          %gather3A_525 = tpu.vector_load_idx %arg11[%add3A_518] : memref<1024xi32, #tpu.memory_space<vmem>>[vector<16xi32>], vector<16xi32>,
          %sub3A_526 = vector.broadcast %mul3A_306 : i32 to vector<16xi32>
          %sub3A_527 = arith.subi %gather3A_525, %sub3A_526 : vector<16xi32>
          %gather3A_528 = tpu.vector_load_idx %arg8[%sub3A_527, %rem3A_2] : memref<2064x4xf32, #tpu.memory_space<vmem>>[vector<16xi32>, vector<16xi32>], vector<16xf32>,
          %gather3A_529 = tpu.vector_load_idx %arg9[%sub3A_527, %rem3A_2] : memref<2064x4xf32, #tpu.memory_space<vmem>>[vector<16xi32>, vector<16xi32>], vector<16xf32>,
          %mul3A_530 = arith.mulf %gather3A_528, %get3A_524 : vector<16xf32>
          %add3A_531 = arith.addf %mul3A_530, %gather3A_529 : vector<16xf32>
          %mul3A_532 = arith.constant 64 : i32
          %mul3A_533 = arith.muli %scan3A_437, %mul3A_532 : i32
          %add3A_534 = arith.constant 48 : i32
          %add3A_535 = arith.addi %mul3A_533, %add3A_534 : i32
          %swap3A_536 = arith.index_cast %add3A_535 : i32 to index
          %swap3A_537 = tpu.vector_load %arg10[%swap3A_536] {strides = array<i32>} : memref<4096xf32, #tpu.memory_space<vmem>>, vector<16xf32>,
          tpu.vector_store %arg10[%swap3A_536], %add3A_531 {strides = array<i32>} : memref<4096xf32, #tpu.memory_space<vmem>>, vector<16xf32>,
          %scan3A_538 = arith.constant 0 : i32
          scf.yield %scan3A_538 : i32
        }
        %scan3A_333 = arith.constant 64 : i32
      } else {
      }
      %gt3A_318 = arith.constant 2048 : i32
      %gt3A_319 = arith.cmpi sgt, %add3A_308, %gt3A_318 : i32
      %convert_element_type3A_320 = arith.extui %gt3A_319 : i1 to i32
      %cond3A_321 = arith.constant 0 : i32
      %cond3A_322 = arith.cmpi ne, %convert_element_type3A_320, %cond3A_321 : i32
      scf.if %cond3A_322 {
        %get3A_328 = arith.constant 0 : index
        %get3A_329 = tpu.vector_load %arg11[%get3A_328] {strides = array<i32>} : memref<1024xi32, #tpu.memory_space<vmem>>, vector<16xi32>,
        %swap3A_330 = arith.constant 0 : i32
        %swap3A_331 = arith.index_cast %swap3A_330 : i32 to index
        %swap3A_332 = arith.constant 0 : index
        %swap3A_333 = tpu.vector_load %arg12[%swap3A_331, %swap3A_332] {strides = array<i32>} : memref<8x256xi32, #tpu.memory_space<vmem>>, vector<16xi32>,
        tpu.vector_store %arg12[%swap3A_331, %swap3A_332], %get3A_329 {strides = array<i32>} : memref<8x256xi32, #tpu.memory_space<vmem>>, vector<16xi32>,
        %get3A_334 = arith.constant 16 : index
        %get3A_335 = tpu.vector_load %arg11[%get3A_334] {strides = array<i32>} : memref<1024xi32, #tpu.memory_space<vmem>>, vector<16xi32>,
        %swap3A_336 = arith.constant 0 : i32
        %swap3A_337 = arith.index_cast %swap3A_336 : i32 to index
        %swap3A_338 = arith.constant 16 : index
        %swap3A_339 = tpu.vector_load %arg12[%swap3A_337, %swap3A_338] {strides = array<i32>} : memref<8x256xi32, #tpu.memory_space<vmem>>, vector<16xi32>,
        tpu.vector_store %arg12[%swap3A_337, %swap3A_338], %get3A_335 {strides = array<i32>} : memref<8x256xi32, #tpu.memory_space<vmem>>, vector<16xi32>,
        %get3A_340 = arith.constant 32 : index
        %get3A_341 = tpu.vector_load %arg11[%get3A_340] {strides = array<i32>} : memref<1024xi32, #tpu.memory_space<vmem>>, vector<16xi32>,
        %swap3A_342 = arith.constant 0 : i32
        %swap3A_343 = arith.index_cast %swap3A_342 : i32 to index
        %swap3A_344 = arith.constant 32 : index
        %swap3A_345 = tpu.vector_load %arg12[%swap3A_343, %swap3A_344] {strides = array<i32>} : memref<8x256xi32, #tpu.memory_space<vmem>>, vector<16xi32>,
        tpu.vector_store %arg12[%swap3A_343, %swap3A_344], %get3A_341 {strides = array<i32>} : memref<8x256xi32, #tpu.memory_space<vmem>>, vector<16xi32>,
        %get3A_346 = arith.constant 48 : index
        %get3A_347 = tpu.vector_load %arg11[%get3A_346] {strides = array<i32>} : memref<1024xi32, #tpu.memory_space<vmem>>, vector<16xi32>,
        %swap3A_348 = arith.constant 0 : i32
        %swap3A_349 = arith.index_cast %swap3A_348 : i32 to index
        %swap3A_350 = arith.constant 48 : index
        %swap3A_351 = tpu.vector_load %arg12[%swap3A_349, %swap3A_350] {strides = array<i32>} : memref<8x256xi32, #tpu.memory_space<vmem>>, vector<16xi32>,
        tpu.vector_store %arg12[%swap3A_349, %swap3A_350], %get3A_347 {strides = array<i32>} : memref<8x256xi32, #tpu.memory_space<vmem>>, vector<16xi32>,
        %get3A_352 = arith.constant 64 : index
        %get3A_353 = tpu.vector_load %arg11[%get3A_352] {strides = array<i32>} : memref<1024xi32, #tpu.memory_space<vmem>>, vector<16xi32>,
        %swap3A_354 = arith.constant 0 : i32
        %swap3A_355 = arith.index_cast %swap3A_354 : i32 to index
        %swap3A_356 = arith.constant 64 : index
        %swap3A_357 = tpu.vector_load %arg12[%swap3A_355, %swap3A_356] {strides = array<i32>} : memref<8x256xi32, #tpu.memory_space<vmem>>, vector<16xi32>,
        tpu.vector_store %arg12[%swap3A_355, %swap3A_356], %get3A_353 {strides = array<i32>} : memref<8x256xi32, #tpu.memory_space<vmem>>, vector<16xi32>,
        %get3A_358 = arith.constant 80 : index
        %get3A_359 = tpu.vector_load %arg11[%get3A_358] {strides = array<i32>} : memref<1024xi32, #tpu.memory_space<vmem>>, vector<16xi32>,
        %swap3A_360 = arith.constant 0 : i32
        %swap3A_361 = arith.index_cast %swap3A_360 : i32 to index
        %swap3A_362 = arith.constant 80 : index
        %swap3A_363 = tpu.vector_load %arg12[%swap3A_361, %swap3A_362] {strides = array<i32>} : memref<8x256xi32, #tpu.memory_space<vmem>>, vector<16xi32>,
        tpu.vector_store %arg12[%swap3A_361, %swap3A_362], %get3A_359 {strides = array<i32>} : memref<8x256xi32, #tpu.memory_space<vmem>>, vector<16xi32>,
        %get3A_364 = arith.constant 96 : index
        %get3A_365 = tpu.vector_load %arg11[%get3A_364] {strides = array<i32>} : memref<1024xi32, #tpu.memory_space<vmem>>, vector<16xi32>,
        %swap3A_366 = arith.constant 0 : i32
        %swap3A_367 = arith.index_cast %swap3A_366 : i32 to index
        %swap3A_368 = arith.constant 96 : index
        %swap3A_369 = tpu.vector_load %arg12[%swap3A_367, %swap3A_368] {strides = array<i32>} : memref<8x256xi32, #tpu.memory_space<vmem>>, vector<16xi32>,
        tpu.vector_store %arg12[%swap3A_367, %swap3A_368], %get3A_365 {strides = array<i32>} : memref<8x256xi32, #tpu.memory_space<vmem>>, vector<16xi32>,
        %get3A_370 = arith.constant 112 : index
        %get3A_371 = tpu.vector_load %arg11[%get3A_370] {strides = array<i32>} : memref<1024xi32, #tpu.memory_space<vmem>>, vector<16xi32>,
        %swap3A_372 = arith.constant 0 : i32
        %swap3A_373 = arith.index_cast %swap3A_372 : i32 to index
        %swap3A_374 = arith.constant 112 : index
        %swap3A_375 = tpu.vector_load %arg12[%swap3A_373, %swap3A_374] {strides = array<i32>} : memref<8x256xi32, #tpu.memory_space<vmem>>, vector<16xi32>,
        tpu.vector_store %arg12[%swap3A_373, %swap3A_374], %get3A_371 {strides = array<i32>} : memref<8x256xi32, #tpu.memory_space<vmem>>, vector<16xi32>,
        %get3A_376 = arith.constant 128 : index
        %get3A_377 = tpu.vector_load %arg11[%get3A_376] {strides = array<i32>} : memref<1024xi32, #tpu.memory_space<vmem>>, vector<16xi32>,
        %swap3A_378 = arith.constant 1 : i32
        %swap3A_379 = arith.index_cast %swap3A_378 : i32 to index
        %swap3A_380 = arith.constant 0 : index
        %swap3A_381 = tpu.vector_load %arg12[%swap3A_379, %swap3A_380] {strides = array<i32>} : memref<8x256xi32, #tpu.memory_space<vmem>>, vector<16xi32>,
        tpu.vector_store %arg12[%swap3A_379, %swap3A_380], %get3A_377 {strides = array<i32>} : memref<8x256xi32, #tpu.memory_space<vmem>>, vector<16xi32>,
        %get3A_382 = arith.constant 144 : index
        %get3A_383 = tpu.vector_load %arg11[%get3A_382] {strides = array<i32>} : memref<1024xi32, #tpu.memory_space<vmem>>, vector<16xi32>,
        %swap3A_384 = arith.constant 1 : i32
        %swap3A_385 = arith.index_cast %swap3A_384 : i32 to index
        %swap3A_386 = arith.constant 16 : index
        %swap3A_387 = tpu.vector_load %arg12[%swap3A_385, %swap3A_386] {strides = array<i32>} : memref<8x256xi32, #tpu.memory_space<vmem>>, vector<16xi32>,
        tpu.vector_store %arg12[%swap3A_385, %swap3A_386], %get3A_383 {strides = array<i32>} : memref<8x256xi32, #tpu.memory_space<vmem>>, vector<16xi32>,
        %get3A_388 = arith.constant 160 : index
        %get3A_389 = tpu.vector_load %arg11[%get3A_388] {strides = array<i32>} : memref<1024xi32, #tpu.memory_space<vmem>>, vector<16xi32>,
        %swap3A_390 = arith.constant 1 : i32
        %swap3A_391 = arith.index_cast %swap3A_390 : i32 to index
        %swap3A_392 = arith.constant 32 : index
        %swap3A_393 = tpu.vector_load %arg12[%swap3A_391, %swap3A_392] {strides = array<i32>} : memref<8x256xi32, #tpu.memory_space<vmem>>, vector<16xi32>,
        tpu.vector_store %arg12[%swap3A_391, %swap3A_392], %get3A_389 {strides = array<i32>} : memref<8x256xi32, #tpu.memory_space<vmem>>, vector<16xi32>,
        %get3A_394 = arith.constant 176 : index
        %get3A_395 = tpu.vector_load %arg11[%get3A_394] {strides = array<i32>} : memref<1024xi32, #tpu.memory_space<vmem>>, vector<16xi32>,
        %swap3A_396 = arith.constant 1 : i32
        %swap3A_397 = arith.index_cast %swap3A_396 : i32 to index
        %swap3A_398 = arith.constant 48 : index
        %swap3A_399 = tpu.vector_load %arg12[%swap3A_397, %swap3A_398] {strides = array<i32>} : memref<8x256xi32, #tpu.memory_space<vmem>>, vector<16xi32>,
        tpu.vector_store %arg12[%swap3A_397, %swap3A_398], %get3A_395 {strides = array<i32>} : memref<8x256xi32, #tpu.memory_space<vmem>>, vector<16xi32>,
        %get3A_400 = arith.constant 192 : index
        %get3A_401 = tpu.vector_load %arg11[%get3A_400] {strides = array<i32>} : memref<1024xi32, #tpu.memory_space<vmem>>, vector<16xi32>,
        %swap3A_402 = arith.constant 1 : i32
        %swap3A_403 = arith.index_cast %swap3A_402 : i32 to index
        %swap3A_404 = arith.constant 64 : index
        %swap3A_405 = tpu.vector_load %arg12[%swap3A_403, %swap3A_404] {strides = array<i32>} : memref<8x256xi32, #tpu.memory_space<vmem>>, vector<16xi32>,
        tpu.vector_store %arg12[%swap3A_403, %swap3A_404], %get3A_401 {strides = array<i32>} : memref<8x256xi32, #tpu.memory_space<vmem>>, vector<16xi32>,
        %get3A_406 = arith.constant 208 : index
        %get3A_407 = tpu.vector_load %arg11[%get3A_406] {strides = array<i32>} : memref<1024xi32, #tpu.memory_space<vmem>>, vector<16xi32>,
        %swap3A_408 = arith.constant 1 : i32
        %swap3A_409 = arith.index_cast %swap3A_408 : i32 to index
        %swap3A_410 = arith.constant 80 : index
        %swap3A_411 = tpu.vector_load %arg12[%swap3A_409, %swap3A_410] {strides = array<i32>} : memref<8x256xi32, #tpu.memory_space<vmem>>, vector<16xi32>,
        tpu.vector_store %arg12[%swap3A_409, %swap3A_410], %get3A_407 {strides = array<i32>} : memref<8x256xi32, #tpu.memory_space<vmem>>, vector<16xi32>,
        %get3A_412 = arith.constant 224 : index
        %get3A_413 = tpu.vector_load %arg11[%get3A_412] {strides = array<i32>} : memref<1024xi32, #tpu.memory_space<vmem>>, vector<16xi32>,
        %swap3A_414 = arith.constant 1 : i32
        %swap3A_415 = arith.index_cast %swap3A_414 : i32 to index
        %swap3A_416 = arith.constant 96 : index
        %swap3A_417 = tpu.vector_load %arg12[%swap3A_415, %swap3A_416] {strides = array<i32>} : memref<8x256xi32, #tpu.memory_space<vmem>>, vector<16xi32>,
        tpu.vector_store %arg12[%swap3A_415, %swap3A_416], %get3A_413 {strides = array<i32>} : memref<8x256xi32, #tpu.memory_space<vmem>>, vector<16xi32>,
        %get3A_418 = arith.constant 240 : index
        %get3A_419 = tpu.vector_load %arg11[%get3A_418] {strides = array<i32>} : memref<1024xi32, #tpu.memory_space<vmem>>, vector<16xi32>,
        %swap3A_420 = arith.constant 1 : i32
        %swap3A_421 = arith.index_cast %swap3A_420 : i32 to index
        %swap3A_422 = arith.constant 112 : index
        %swap3A_423 = tpu.vector_load %arg12[%swap3A_421, %swap3A_422] {strides = array<i32>} : memref<8x256xi32, #tpu.memory_space<vmem>>, vector<16xi32>,
        tpu.vector_store %arg12[%swap3A_421, %swap3A_422], %get3A_419 {strides = array<i32>} : memref<8x256xi32, #tpu.memory_space<vmem>>, vector<16xi32>,
        %get3A_424 = arith.constant 256 : index
        %get3A_425 = tpu.vector_load %arg11[%get3A_424] {strides = array<i32>} : memref<1024xi32, #tpu.memory_space<vmem>>, vector<16xi32>,
        %swap3A_426 = arith.constant 2 : i32
        %swap3A_427 = arith.index_cast %swap3A_426 : i32 to index
        %swap3A_428 = arith.constant 0 : index
        %swap3A_429 = tpu.vector_load %arg12[%swap3A_427, %swap3A_428] {strides = array<i32>} : memref<8x256xi32, #tpu.memory_space<vmem>>, vector<16xi32>,
        tpu.vector_store %arg12[%swap3A_427, %swap3A_428], %get3A_425 {strides = array<i32>} : memref<8x256xi32, #tpu.memory_space<vmem>>, vector<16xi32>,
        %get3A_430 = arith.constant 272 : index
        %get3A_431 = tpu.vector_load %arg11[%get3A_430] {strides = array<i32>} : memref<1024xi32, #tpu.memory_space<vmem>>, vector<16xi32>,
        %swap3A_432 = arith.constant 2 : i32
        %swap3A_433 = arith.index_cast %swap3A_432 : i32 to index
        %swap3A_434 = arith.constant 16 : index
        %swap3A_435 = tpu.vector_load %arg12[%swap3A_433, %swap3A_434] {strides = array<i32>} : memref<8x256xi32, #tpu.memory_space<vmem>>, vector<16xi32>,
        tpu.vector_store %arg12[%swap3A_433, %swap3A_434], %get3A_431 {strides = array<i32>} : memref<8x256xi32, #tpu.memory_space<vmem>>, vector<16xi32>,
        %get3A_436 = arith.constant 288 : index
        %get3A_437 = tpu.vector_load %arg11[%get3A_436] {strides = array<i32>} : memref<1024xi32, #tpu.memory_space<vmem>>, vector<16xi32>,
        %swap3A_438 = arith.constant 2 : i32
        %swap3A_439 = arith.index_cast %swap3A_438 : i32 to index
        %swap3A_440 = arith.constant 32 : index
        %swap3A_441 = tpu.vector_load %arg12[%swap3A_439, %swap3A_440] {strides = array<i32>} : memref<8x256xi32, #tpu.memory_space<vmem>>, vector<16xi32>,
        tpu.vector_store %arg12[%swap3A_439, %swap3A_440], %get3A_437 {strides = array<i32>} : memref<8x256xi32, #tpu.memory_space<vmem>>, vector<16xi32>,
        %get3A_442 = arith.constant 304 : index
        %get3A_443 = tpu.vector_load %arg11[%get3A_442] {strides = array<i32>} : memref<1024xi32, #tpu.memory_space<vmem>>, vector<16xi32>,
        %swap3A_444 = arith.constant 2 : i32
        %swap3A_445 = arith.index_cast %swap3A_444 : i32 to index
        %swap3A_446 = arith.constant 48 : index
        %swap3A_447 = tpu.vector_load %arg12[%swap3A_445, %swap3A_446] {strides = array<i32>} : memref<8x256xi32, #tpu.memory_space<vmem>>, vector<16xi32>,
        tpu.vector_store %arg12[%swap3A_445, %swap3A_446], %get3A_443 {strides = array<i32>} : memref<8x256xi32, #tpu.memory_space<vmem>>, vector<16xi32>,
        %get3A_448 = arith.constant 320 : index
        %get3A_449 = tpu.vector_load %arg11[%get3A_448] {strides = array<i32>} : memref<1024xi32, #tpu.memory_space<vmem>>, vector<16xi32>,
        %swap3A_450 = arith.constant 2 : i32
        %swap3A_451 = arith.index_cast %swap3A_450 : i32 to index
        %swap3A_452 = arith.constant 64 : index
        %swap3A_453 = tpu.vector_load %arg12[%swap3A_451, %swap3A_452] {strides = array<i32>} : memref<8x256xi32, #tpu.memory_space<vmem>>, vector<16xi32>,
        tpu.vector_store %arg12[%swap3A_451, %swap3A_452], %get3A_449 {strides = array<i32>} : memref<8x256xi32, #tpu.memory_space<vmem>>, vector<16xi32>,
        %get3A_454 = arith.constant 336 : index
        %get3A_455 = tpu.vector_load %arg11[%get3A_454] {strides = array<i32>} : memref<1024xi32, #tpu.memory_space<vmem>>, vector<16xi32>,
        %swap3A_456 = arith.constant 2 : i32
        %swap3A_457 = arith.index_cast %swap3A_456 : i32 to index
        %swap3A_458 = arith.constant 80 : index
        %swap3A_459 = tpu.vector_load %arg12[%swap3A_457, %swap3A_458] {strides = array<i32>} : memref<8x256xi32, #tpu.memory_space<vmem>>, vector<16xi32>,
        tpu.vector_store %arg12[%swap3A_457, %swap3A_458], %get3A_455 {strides = array<i32>} : memref<8x256xi32, #tpu.memory_space<vmem>>, vector<16xi32>,
        %get3A_460 = arith.constant 352 : index
        %get3A_461 = tpu.vector_load %arg11[%get3A_460] {strides = array<i32>} : memref<1024xi32, #tpu.memory_space<vmem>>, vector<16xi32>,
        %swap3A_462 = arith.constant 2 : i32
        %swap3A_463 = arith.index_cast %swap3A_462 : i32 to index
        %swap3A_464 = arith.constant 96 : index
        %swap3A_465 = tpu.vector_load %arg12[%swap3A_463, %swap3A_464] {strides = array<i32>} : memref<8x256xi32, #tpu.memory_space<vmem>>, vector<16xi32>,
        tpu.vector_store %arg12[%swap3A_463, %swap3A_464], %get3A_461 {strides = array<i32>} : memref<8x256xi32, #tpu.memory_space<vmem>>, vector<16xi32>,
        %get3A_466 = arith.constant 368 : index
        %get3A_467 = tpu.vector_load %arg11[%get3A_466] {strides = array<i32>} : memref<1024xi32, #tpu.memory_space<vmem>>, vector<16xi32>,
        %swap3A_468 = arith.constant 2 : i32
        %swap3A_469 = arith.index_cast %swap3A_468 : i32 to index
        %swap3A_470 = arith.constant 112 : index
        %swap3A_471 = tpu.vector_load %arg12[%swap3A_469, %swap3A_470] {strides = array<i32>} : memref<8x256xi32, #tpu.memory_space<vmem>>, vector<16xi32>,
        tpu.vector_store %arg12[%swap3A_469, %swap3A_470], %get3A_467 {strides = array<i32>} : memref<8x256xi32, #tpu.memory_space<vmem>>, vector<16xi32>,
        %get3A_472 = arith.constant 384 : index
        %get3A_473 = tpu.vector_load %arg11[%get3A_472] {strides = array<i32>} : memref<1024xi32, #tpu.memory_space<vmem>>, vector<16xi32>,
        %swap3A_474 = arith.constant 3 : i32
        %swap3A_475 = arith.index_cast %swap3A_474 : i32 to index
        %swap3A_476 = arith.constant 0 : index
        %swap3A_477 = tpu.vector_load %arg12[%swap3A_475, %swap3A_476] {strides = array<i32>} : memref<8x256xi32, #tpu.memory_space<vmem>>, vector<16xi32>,
        tpu.vector_store %arg12[%swap3A_475, %swap3A_476], %get3A_473 {strides = array<i32>} : memref<8x256xi32, #tpu.memory_space<vmem>>, vector<16xi32>,
        %get3A_478 = arith.constant 400 : index
        %get3A_479 = tpu.vector_load %arg11[%get3A_478] {strides = array<i32>} : memref<1024xi32, #tpu.memory_space<vmem>>, vector<16xi32>,
        %swap3A_480 = arith.constant 3 : i32
        %swap3A_481 = arith.index_cast %swap3A_480 : i32 to index
        %swap3A_482 = arith.constant 16 : index
        %swap3A_483 = tpu.vector_load %arg12[%swap3A_481, %swap3A_482] {strides = array<i32>} : memref<8x256xi32, #tpu.memory_space<vmem>>, vector<16xi32>,
        tpu.vector_store %arg12[%swap3A_481, %swap3A_482], %get3A_479 {strides = array<i32>} : memref<8x256xi32, #tpu.memory_space<vmem>>, vector<16xi32>,
        %get3A_484 = arith.constant 416 : index
        %get3A_485 = tpu.vector_load %arg11[%get3A_484] {strides = array<i32>} : memref<1024xi32, #tpu.memory_space<vmem>>, vector<16xi32>,
        %swap3A_486 = arith.constant 3 : i32
        %swap3A_487 = arith.index_cast %swap3A_486 : i32 to index
        %swap3A_488 = arith.constant 32 : index
        %swap3A_489 = tpu.vector_load %arg12[%swap3A_487, %swap3A_488] {strides = array<i32>} : memref<8x256xi32, #tpu.memory_space<vmem>>, vector<16xi32>,
        tpu.vector_store %arg12[%swap3A_487, %swap3A_488], %get3A_485 {strides = array<i32>} : memref<8x256xi32, #tpu.memory_space<vmem>>, vector<16xi32>,
        %get3A_490 = arith.constant 432 : index
        %get3A_491 = tpu.vector_load %arg11[%get3A_490] {strides = array<i32>} : memref<1024xi32, #tpu.memory_space<vmem>>, vector<16xi32>,
        %swap3A_492 = arith.constant 3 : i32
        %swap3A_493 = arith.index_cast %swap3A_492 : i32 to index
        %swap3A_494 = arith.constant 48 : index
        %swap3A_495 = tpu.vector_load %arg12[%swap3A_493, %swap3A_494] {strides = array<i32>} : memref<8x256xi32, #tpu.memory_space<vmem>>, vector<16xi32>,
        tpu.vector_store %arg12[%swap3A_493, %swap3A_494], %get3A_491 {strides = array<i32>} : memref<8x256xi32, #tpu.memory_space<vmem>>, vector<16xi32>,
        %get3A_496 = arith.constant 448 : index
        %get3A_497 = tpu.vector_load %arg11[%get3A_496] {strides = array<i32>} : memref<1024xi32, #tpu.memory_space<vmem>>, vector<16xi32>,
        %swap3A_498 = arith.constant 3 : i32
        %swap3A_499 = arith.index_cast %swap3A_498 : i32 to index
        %swap3A_500 = arith.constant 64 : index
        %swap3A_501 = tpu.vector_load %arg12[%swap3A_499, %swap3A_500] {strides = array<i32>} : memref<8x256xi32, #tpu.memory_space<vmem>>, vector<16xi32>,
        tpu.vector_store %arg12[%swap3A_499, %swap3A_500], %get3A_497 {strides = array<i32>} : memref<8x256xi32, #tpu.memory_space<vmem>>, vector<16xi32>,
        %get3A_502 = arith.constant 464 : index
        %get3A_503 = tpu.vector_load %arg11[%get3A_502] {strides = array<i32>} : memref<1024xi32, #tpu.memory_space<vmem>>, vector<16xi32>,
        %swap3A_504 = arith.constant 3 : i32
        %swap3A_505 = arith.index_cast %swap3A_504 : i32 to index
        %swap3A_506 = arith.constant 80 : index
        %swap3A_507 = tpu.vector_load %arg12[%swap3A_505, %swap3A_506] {strides = array<i32>} : memref<8x256xi32, #tpu.memory_space<vmem>>, vector<16xi32>,
        tpu.vector_store %arg12[%swap3A_505, %swap3A_506], %get3A_503 {strides = array<i32>} : memref<8x256xi32, #tpu.memory_space<vmem>>, vector<16xi32>,
        %get3A_508 = arith.constant 480 : index
        %get3A_509 = tpu.vector_load %arg11[%get3A_508] {strides = array<i32>} : memref<1024xi32, #tpu.memory_space<vmem>>, vector<16xi32>,
        %swap3A_510 = arith.constant 3 : i32
        %swap3A_511 = arith.index_cast %swap3A_510 : i32 to index
        %swap3A_512 = arith.constant 96 : index
        %swap3A_513 = tpu.vector_load %arg12[%swap3A_511, %swap3A_512] {strides = array<i32>} : memref<8x256xi32, #tpu.memory_space<vmem>>, vector<16xi32>,
        tpu.vector_store %arg12[%swap3A_511, %swap3A_512], %get3A_509 {strides = array<i32>} : memref<8x256xi32, #tpu.memory_space<vmem>>, vector<16xi32>,
        %get3A_514 = arith.constant 496 : index
        %get3A_515 = tpu.vector_load %arg11[%get3A_514] {strides = array<i32>} : memref<1024xi32, #tpu.memory_space<vmem>>, vector<16xi32>,
        %swap3A_516 = arith.constant 3 : i32
        %swap3A_517 = arith.index_cast %swap3A_516 : i32 to index
        %swap3A_518 = arith.constant 112 : index
        %swap3A_519 = tpu.vector_load %arg12[%swap3A_517, %swap3A_518] {strides = array<i32>} : memref<8x256xi32, #tpu.memory_space<vmem>>, vector<16xi32>,
        tpu.vector_store %arg12[%swap3A_517, %swap3A_518], %get3A_515 {strides = array<i32>} : memref<8x256xi32, #tpu.memory_space<vmem>>, vector<16xi32>,
        %get3A_520 = arith.constant 512 : index
        %get3A_521 = tpu.vector_load %arg11[%get3A_520] {strides = array<i32>} : memref<1024xi32, #tpu.memory_space<vmem>>, vector<16xi32>,
        %swap3A_522 = arith.constant 4 : i32
        %swap3A_523 = arith.index_cast %swap3A_522 : i32 to index
        %swap3A_524 = arith.constant 0 : index
        %swap3A_525 = tpu.vector_load %arg12[%swap3A_523, %swap3A_524] {strides = array<i32>} : memref<8x256xi32, #tpu.memory_space<vmem>>, vector<16xi32>,
        tpu.vector_store %arg12[%swap3A_523, %swap3A_524], %get3A_521 {strides = array<i32>} : memref<8x256xi32, #tpu.memory_space<vmem>>, vector<16xi32>,
        %get3A_526 = arith.constant 528 : index
        %get3A_527 = tpu.vector_load %arg11[%get3A_526] {strides = array<i32>} : memref<1024xi32, #tpu.memory_space<vmem>>, vector<16xi32>,
        %swap3A_528 = arith.constant 4 : i32
        %swap3A_529 = arith.index_cast %swap3A_528 : i32 to index
        %swap3A_530 = arith.constant 16 : index
        %swap3A_531 = tpu.vector_load %arg12[%swap3A_529, %swap3A_530] {strides = array<i32>} : memref<8x256xi32, #tpu.memory_space<vmem>>, vector<16xi32>,
        tpu.vector_store %arg12[%swap3A_529, %swap3A_530], %get3A_527 {strides = array<i32>} : memref<8x256xi32, #tpu.memory_space<vmem>>, vector<16xi32>,
        %get3A_532 = arith.constant 544 : index
        %get3A_533 = tpu.vector_load %arg11[%get3A_532] {strides = array<i32>} : memref<1024xi32, #tpu.memory_space<vmem>>, vector<16xi32>,
        %swap3A_534 = arith.constant 4 : i32
        %swap3A_535 = arith.index_cast %swap3A_534 : i32 to index
        %swap3A_536 = arith.constant 32 : index
        %swap3A_537 = tpu.vector_load %arg12[%swap3A_535, %swap3A_536] {strides = array<i32>} : memref<8x256xi32, #tpu.memory_space<vmem>>, vector<16xi32>,
        tpu.vector_store %arg12[%swap3A_535, %swap3A_536], %get3A_533 {strides = array<i32>} : memref<8x256xi32, #tpu.memory_space<vmem>>, vector<16xi32>,
        %get3A_538 = arith.constant 560 : index
        %get3A_539 = tpu.vector_load %arg11[%get3A_538] {strides = array<i32>} : memref<1024xi32, #tpu.memory_space<vmem>>, vector<16xi32>,
        %swap3A_540 = arith.constant 4 : i32
        %swap3A_541 = arith.index_cast %swap3A_540 : i32 to index
        %swap3A_542 = arith.constant 48 : index
        %swap3A_543 = tpu.vector_load %arg12[%swap3A_541, %swap3A_542] {strides = array<i32>} : memref<8x256xi32, #tpu.memory_space<vmem>>, vector<16xi32>,
        tpu.vector_store %arg12[%swap3A_541, %swap3A_542], %get3A_539 {strides = array<i32>} : memref<8x256xi32, #tpu.memory_space<vmem>>, vector<16xi32>,
        %get3A_544 = arith.constant 576 : index
        %get3A_545 = tpu.vector_load %arg11[%get3A_544] {strides = array<i32>} : memref<1024xi32, #tpu.memory_space<vmem>>, vector<16xi32>,
        %swap3A_546 = arith.constant 4 : i32
        %swap3A_547 = arith.index_cast %swap3A_546 : i32 to index
        %swap3A_548 = arith.constant 64 : index
        %swap3A_549 = tpu.vector_load %arg12[%swap3A_547, %swap3A_548] {strides = array<i32>} : memref<8x256xi32, #tpu.memory_space<vmem>>, vector<16xi32>,
        tpu.vector_store %arg12[%swap3A_547, %swap3A_548], %get3A_545 {strides = array<i32>} : memref<8x256xi32, #tpu.memory_space<vmem>>, vector<16xi32>,
        %get3A_550 = arith.constant 592 : index
        %get3A_551 = tpu.vector_load %arg11[%get3A_550] {strides = array<i32>} : memref<1024xi32, #tpu.memory_space<vmem>>, vector<16xi32>,
        %swap3A_552 = arith.constant 4 : i32
        %swap3A_553 = arith.index_cast %swap3A_552 : i32 to index
        %swap3A_554 = arith.constant 80 : index
        %swap3A_555 = tpu.vector_load %arg12[%swap3A_553, %swap3A_554] {strides = array<i32>} : memref<8x256xi32, #tpu.memory_space<vmem>>, vector<16xi32>,
        tpu.vector_store %arg12[%swap3A_553, %swap3A_554], %get3A_551 {strides = array<i32>} : memref<8x256xi32, #tpu.memory_space<vmem>>, vector<16xi32>,
        %get3A_556 = arith.constant 608 : index
        %get3A_557 = tpu.vector_load %arg11[%get3A_556] {strides = array<i32>} : memref<1024xi32, #tpu.memory_space<vmem>>, vector<16xi32>,
        %swap3A_558 = arith.constant 4 : i32
        %swap3A_559 = arith.index_cast %swap3A_558 : i32 to index
        %swap3A_560 = arith.constant 96 : index
        %swap3A_561 = tpu.vector_load %arg12[%swap3A_559, %swap3A_560] {strides = array<i32>} : memref<8x256xi32, #tpu.memory_space<vmem>>, vector<16xi32>,
        tpu.vector_store %arg12[%swap3A_559, %swap3A_560], %get3A_557 {strides = array<i32>} : memref<8x256xi32, #tpu.memory_space<vmem>>, vector<16xi32>,
        %get3A_562 = arith.constant 624 : index
        %get3A_563 = tpu.vector_load %arg11[%get3A_562] {strides = array<i32>} : memref<1024xi32, #tpu.memory_space<vmem>>, vector<16xi32>,
        %swap3A_564 = arith.constant 4 : i32
        %swap3A_565 = arith.index_cast %swap3A_564 : i32 to index
        %swap3A_566 = arith.constant 112 : index
        %swap3A_567 = tpu.vector_load %arg12[%swap3A_565, %swap3A_566] {strides = array<i32>} : memref<8x256xi32, #tpu.memory_space<vmem>>, vector<16xi32>,
        tpu.vector_store %arg12[%swap3A_565, %swap3A_566], %get3A_563 {strides = array<i32>} : memref<8x256xi32, #tpu.memory_space<vmem>>, vector<16xi32>,
        %get3A_568 = arith.constant 640 : index
        %get3A_569 = tpu.vector_load %arg11[%get3A_568] {strides = array<i32>} : memref<1024xi32, #tpu.memory_space<vmem>>, vector<16xi32>,
        %swap3A_570 = arith.constant 5 : i32
        %swap3A_571 = arith.index_cast %swap3A_570 : i32 to index
        %swap3A_572 = arith.constant 0 : index
        %swap3A_573 = tpu.vector_load %arg12[%swap3A_571, %swap3A_572] {strides = array<i32>} : memref<8x256xi32, #tpu.memory_space<vmem>>, vector<16xi32>,
        tpu.vector_store %arg12[%swap3A_571, %swap3A_572], %get3A_569 {strides = array<i32>} : memref<8x256xi32, #tpu.memory_space<vmem>>, vector<16xi32>,
        %get3A_574 = arith.constant 656 : index
        %get3A_575 = tpu.vector_load %arg11[%get3A_574] {strides = array<i32>} : memref<1024xi32, #tpu.memory_space<vmem>>, vector<16xi32>,
        %swap3A_576 = arith.constant 5 : i32
        %swap3A_577 = arith.index_cast %swap3A_576 : i32 to index
        %swap3A_578 = arith.constant 16 : index
        %swap3A_579 = tpu.vector_load %arg12[%swap3A_577, %swap3A_578] {strides = array<i32>} : memref<8x256xi32, #tpu.memory_space<vmem>>, vector<16xi32>,
        tpu.vector_store %arg12[%swap3A_577, %swap3A_578], %get3A_575 {strides = array<i32>} : memref<8x256xi32, #tpu.memory_space<vmem>>, vector<16xi32>,
        %get3A_580 = arith.constant 672 : index
        %get3A_581 = tpu.vector_load %arg11[%get3A_580] {strides = array<i32>} : memref<1024xi32, #tpu.memory_space<vmem>>, vector<16xi32>,
        %swap3A_582 = arith.constant 5 : i32
        %swap3A_583 = arith.index_cast %swap3A_582 : i32 to index
        %swap3A_584 = arith.constant 32 : index
        %swap3A_585 = tpu.vector_load %arg12[%swap3A_583, %swap3A_584] {strides = array<i32>} : memref<8x256xi32, #tpu.memory_space<vmem>>, vector<16xi32>,
        tpu.vector_store %arg12[%swap3A_583, %swap3A_584], %get3A_581 {strides = array<i32>} : memref<8x256xi32, #tpu.memory_space<vmem>>, vector<16xi32>,
        %get3A_586 = arith.constant 688 : index
        %get3A_587 = tpu.vector_load %arg11[%get3A_586] {strides = array<i32>} : memref<1024xi32, #tpu.memory_space<vmem>>, vector<16xi32>,
        %swap3A_588 = arith.constant 5 : i32
        %swap3A_589 = arith.index_cast %swap3A_588 : i32 to index
        %swap3A_590 = arith.constant 48 : index
        %swap3A_591 = tpu.vector_load %arg12[%swap3A_589, %swap3A_590] {strides = array<i32>} : memref<8x256xi32, #tpu.memory_space<vmem>>, vector<16xi32>,
        tpu.vector_store %arg12[%swap3A_589, %swap3A_590], %get3A_587 {strides = array<i32>} : memref<8x256xi32, #tpu.memory_space<vmem>>, vector<16xi32>,
        %get3A_592 = arith.constant 704 : index
        %get3A_593 = tpu.vector_load %arg11[%get3A_592] {strides = array<i32>} : memref<1024xi32, #tpu.memory_space<vmem>>, vector<16xi32>,
        %swap3A_594 = arith.constant 5 : i32
        %swap3A_595 = arith.index_cast %swap3A_594 : i32 to index
        %swap3A_596 = arith.constant 64 : index
        %swap3A_597 = tpu.vector_load %arg12[%swap3A_595, %swap3A_596] {strides = array<i32>} : memref<8x256xi32, #tpu.memory_space<vmem>>, vector<16xi32>,
        tpu.vector_store %arg12[%swap3A_595, %swap3A_596], %get3A_593 {strides = array<i32>} : memref<8x256xi32, #tpu.memory_space<vmem>>, vector<16xi32>,
        %get3A_598 = arith.constant 720 : index
        %get3A_599 = tpu.vector_load %arg11[%get3A_598] {strides = array<i32>} : memref<1024xi32, #tpu.memory_space<vmem>>, vector<16xi32>,
        %swap3A_600 = arith.constant 5 : i32
        %swap3A_601 = arith.index_cast %swap3A_600 : i32 to index
        %swap3A_602 = arith.constant 80 : index
        %swap3A_603 = tpu.vector_load %arg12[%swap3A_601, %swap3A_602] {strides = array<i32>} : memref<8x256xi32, #tpu.memory_space<vmem>>, vector<16xi32>,
        tpu.vector_store %arg12[%swap3A_601, %swap3A_602], %get3A_599 {strides = array<i32>} : memref<8x256xi32, #tpu.memory_space<vmem>>, vector<16xi32>,
        %get3A_604 = arith.constant 736 : index
        %get3A_605 = tpu.vector_load %arg11[%get3A_604] {strides = array<i32>} : memref<1024xi32, #tpu.memory_space<vmem>>, vector<16xi32>,
        %swap3A_606 = arith.constant 5 : i32
        %swap3A_607 = arith.index_cast %swap3A_606 : i32 to index
        %swap3A_608 = arith.constant 96 : index
        %swap3A_609 = tpu.vector_load %arg12[%swap3A_607, %swap3A_608] {strides = array<i32>} : memref<8x256xi32, #tpu.memory_space<vmem>>, vector<16xi32>,
        tpu.vector_store %arg12[%swap3A_607, %swap3A_608], %get3A_605 {strides = array<i32>} : memref<8x256xi32, #tpu.memory_space<vmem>>, vector<16xi32>,
        %get3A_610 = arith.constant 752 : index
        %get3A_611 = tpu.vector_load %arg11[%get3A_610] {strides = array<i32>} : memref<1024xi32, #tpu.memory_space<vmem>>, vector<16xi32>,
        %swap3A_612 = arith.constant 5 : i32
        %swap3A_613 = arith.index_cast %swap3A_612 : i32 to index
        %swap3A_614 = arith.constant 112 : index
        %swap3A_615 = tpu.vector_load %arg12[%swap3A_613, %swap3A_614] {strides = array<i32>} : memref<8x256xi32, #tpu.memory_space<vmem>>, vector<16xi32>,
        tpu.vector_store %arg12[%swap3A_613, %swap3A_614], %get3A_611 {strides = array<i32>} : memref<8x256xi32, #tpu.memory_space<vmem>>, vector<16xi32>,
        %get3A_616 = arith.constant 768 : index
        %get3A_617 = tpu.vector_load %arg11[%get3A_616] {strides = array<i32>} : memref<1024xi32, #tpu.memory_space<vmem>>, vector<16xi32>,
        %swap3A_618 = arith.constant 6 : i32
        %swap3A_619 = arith.index_cast %swap3A_618 : i32 to index
        %swap3A_620 = arith.constant 0 : index
        %swap3A_621 = tpu.vector_load %arg12[%swap3A_619, %swap3A_620] {strides = array<i32>} : memref<8x256xi32, #tpu.memory_space<vmem>>, vector<16xi32>,
        tpu.vector_store %arg12[%swap3A_619, %swap3A_620], %get3A_617 {strides = array<i32>} : memref<8x256xi32, #tpu.memory_space<vmem>>, vector<16xi32>,
        %get3A_622 = arith.constant 784 : index
        %get3A_623 = tpu.vector_load %arg11[%get3A_622] {strides = array<i32>} : memref<1024xi32, #tpu.memory_space<vmem>>, vector<16xi32>,
        %swap3A_624 = arith.constant 6 : i32
        %swap3A_625 = arith.index_cast %swap3A_624 : i32 to index
        %swap3A_626 = arith.constant 16 : index
        %swap3A_627 = tpu.vector_load %arg12[%swap3A_625, %swap3A_626] {strides = array<i32>} : memref<8x256xi32, #tpu.memory_space<vmem>>, vector<16xi32>,
        tpu.vector_store %arg12[%swap3A_625, %swap3A_626], %get3A_623 {strides = array<i32>} : memref<8x256xi32, #tpu.memory_space<vmem>>, vector<16xi32>,
        %get3A_628 = arith.constant 800 : index
        %get3A_629 = tpu.vector_load %arg11[%get3A_628] {strides = array<i32>} : memref<1024xi32, #tpu.memory_space<vmem>>, vector<16xi32>,
        %swap3A_630 = arith.constant 6 : i32
        %swap3A_631 = arith.index_cast %swap3A_630 : i32 to index
        %swap3A_632 = arith.constant 32 : index
        %swap3A_633 = tpu.vector_load %arg12[%swap3A_631, %swap3A_632] {strides = array<i32>} : memref<8x256xi32, #tpu.memory_space<vmem>>, vector<16xi32>,
        tpu.vector_store %arg12[%swap3A_631, %swap3A_632], %get3A_629 {strides = array<i32>} : memref<8x256xi32, #tpu.memory_space<vmem>>, vector<16xi32>,
        %get3A_634 = arith.constant 816 : index
        %get3A_635 = tpu.vector_load %arg11[%get3A_634] {strides = array<i32>} : memref<1024xi32, #tpu.memory_space<vmem>>, vector<16xi32>,
        %swap3A_636 = arith.constant 6 : i32
        %swap3A_637 = arith.index_cast %swap3A_636 : i32 to index
        %swap3A_638 = arith.constant 48 : index
        %swap3A_639 = tpu.vector_load %arg12[%swap3A_637, %swap3A_638] {strides = array<i32>} : memref<8x256xi32, #tpu.memory_space<vmem>>, vector<16xi32>,
        tpu.vector_store %arg12[%swap3A_637, %swap3A_638], %get3A_635 {strides = array<i32>} : memref<8x256xi32, #tpu.memory_space<vmem>>, vector<16xi32>,
        %get3A_640 = arith.constant 832 : index
        %get3A_641 = tpu.vector_load %arg11[%get3A_640] {strides = array<i32>} : memref<1024xi32, #tpu.memory_space<vmem>>, vector<16xi32>,
        %swap3A_642 = arith.constant 6 : i32
        %swap3A_643 = arith.index_cast %swap3A_642 : i32 to index
        %swap3A_644 = arith.constant 64 : index
        %swap3A_645 = tpu.vector_load %arg12[%swap3A_643, %swap3A_644] {strides = array<i32>} : memref<8x256xi32, #tpu.memory_space<vmem>>, vector<16xi32>,
        tpu.vector_store %arg12[%swap3A_643, %swap3A_644], %get3A_641 {strides = array<i32>} : memref<8x256xi32, #tpu.memory_space<vmem>>, vector<16xi32>,
        %get3A_646 = arith.constant 848 : index
        %get3A_647 = tpu.vector_load %arg11[%get3A_646] {strides = array<i32>} : memref<1024xi32, #tpu.memory_space<vmem>>, vector<16xi32>,
        %swap3A_648 = arith.constant 6 : i32
        %swap3A_649 = arith.index_cast %swap3A_648 : i32 to index
        %swap3A_650 = arith.constant 80 : index
        %swap3A_651 = tpu.vector_load %arg12[%swap3A_649, %swap3A_650] {strides = array<i32>} : memref<8x256xi32, #tpu.memory_space<vmem>>, vector<16xi32>,
        tpu.vector_store %arg12[%swap3A_649, %swap3A_650], %get3A_647 {strides = array<i32>} : memref<8x256xi32, #tpu.memory_space<vmem>>, vector<16xi32>,
        %get3A_652 = arith.constant 864 : index
        %get3A_653 = tpu.vector_load %arg11[%get3A_652] {strides = array<i32>} : memref<1024xi32, #tpu.memory_space<vmem>>, vector<16xi32>,
        %swap3A_654 = arith.constant 6 : i32
        %swap3A_655 = arith.index_cast %swap3A_654 : i32 to index
        %swap3A_656 = arith.constant 96 : index
        %swap3A_657 = tpu.vector_load %arg12[%swap3A_655, %swap3A_656] {strides = array<i32>} : memref<8x256xi32, #tpu.memory_space<vmem>>, vector<16xi32>,
        tpu.vector_store %arg12[%swap3A_655, %swap3A_656], %get3A_653 {strides = array<i32>} : memref<8x256xi32, #tpu.memory_space<vmem>>, vector<16xi32>,
        %get3A_658 = arith.constant 880 : index
        %get3A_659 = tpu.vector_load %arg11[%get3A_658] {strides = array<i32>} : memref<1024xi32, #tpu.memory_space<vmem>>, vector<16xi32>,
        %swap3A_660 = arith.constant 6 : i32
        %swap3A_661 = arith.index_cast %swap3A_660 : i32 to index
        %swap3A_662 = arith.constant 112 : index
        %swap3A_663 = tpu.vector_load %arg12[%swap3A_661, %swap3A_662] {strides = array<i32>} : memref<8x256xi32, #tpu.memory_space<vmem>>, vector<16xi32>,
        tpu.vector_store %arg12[%swap3A_661, %swap3A_662], %get3A_659 {strides = array<i32>} : memref<8x256xi32, #tpu.memory_space<vmem>>, vector<16xi32>,
        %get3A_664 = arith.constant 896 : index
        %get3A_665 = tpu.vector_load %arg11[%get3A_664] {strides = array<i32>} : memref<1024xi32, #tpu.memory_space<vmem>>, vector<16xi32>,
        %swap3A_666 = arith.constant 7 : i32
        %swap3A_667 = arith.index_cast %swap3A_666 : i32 to index
        %swap3A_668 = arith.constant 0 : index
        %swap3A_669 = tpu.vector_load %arg12[%swap3A_667, %swap3A_668] {strides = array<i32>} : memref<8x256xi32, #tpu.memory_space<vmem>>, vector<16xi32>,
        tpu.vector_store %arg12[%swap3A_667, %swap3A_668], %get3A_665 {strides = array<i32>} : memref<8x256xi32, #tpu.memory_space<vmem>>, vector<16xi32>,
        %get3A_670 = arith.constant 912 : index
        %get3A_671 = tpu.vector_load %arg11[%get3A_670] {strides = array<i32>} : memref<1024xi32, #tpu.memory_space<vmem>>, vector<16xi32>,
        %swap3A_672 = arith.constant 7 : i32
        %swap3A_673 = arith.index_cast %swap3A_672 : i32 to index
        %swap3A_674 = arith.constant 16 : index
        %swap3A_675 = tpu.vector_load %arg12[%swap3A_673, %swap3A_674] {strides = array<i32>} : memref<8x256xi32, #tpu.memory_space<vmem>>, vector<16xi32>,
        tpu.vector_store %arg12[%swap3A_673, %swap3A_674], %get3A_671 {strides = array<i32>} : memref<8x256xi32, #tpu.memory_space<vmem>>, vector<16xi32>,
        %get3A_676 = arith.constant 928 : index
        %get3A_677 = tpu.vector_load %arg11[%get3A_676] {strides = array<i32>} : memref<1024xi32, #tpu.memory_space<vmem>>, vector<16xi32>,
        %swap3A_678 = arith.constant 7 : i32
        %swap3A_679 = arith.index_cast %swap3A_678 : i32 to index
        %swap3A_680 = arith.constant 32 : index
        %swap3A_681 = tpu.vector_load %arg12[%swap3A_679, %swap3A_680] {strides = array<i32>} : memref<8x256xi32, #tpu.memory_space<vmem>>, vector<16xi32>,
        tpu.vector_store %arg12[%swap3A_679, %swap3A_680], %get3A_677 {strides = array<i32>} : memref<8x256xi32, #tpu.memory_space<vmem>>, vector<16xi32>,
        %get3A_682 = arith.constant 944 : index
        %get3A_683 = tpu.vector_load %arg11[%get3A_682] {strides = array<i32>} : memref<1024xi32, #tpu.memory_space<vmem>>, vector<16xi32>,
        %swap3A_684 = arith.constant 7 : i32
        %swap3A_685 = arith.index_cast %swap3A_684 : i32 to index
        %swap3A_686 = arith.constant 48 : index
        %swap3A_687 = tpu.vector_load %arg12[%swap3A_685, %swap3A_686] {strides = array<i32>} : memref<8x256xi32, #tpu.memory_space<vmem>>, vector<16xi32>,
        tpu.vector_store %arg12[%swap3A_685, %swap3A_686], %get3A_683 {strides = array<i32>} : memref<8x256xi32, #tpu.memory_space<vmem>>, vector<16xi32>,
        %get3A_688 = arith.constant 960 : index
        %get3A_689 = tpu.vector_load %arg11[%get3A_688] {strides = array<i32>} : memref<1024xi32, #tpu.memory_space<vmem>>, vector<16xi32>,
        %swap3A_690 = arith.constant 7 : i32
        %swap3A_691 = arith.index_cast %swap3A_690 : i32 to index
        %swap3A_692 = arith.constant 64 : index
        %swap3A_693 = tpu.vector_load %arg12[%swap3A_691, %swap3A_692] {strides = array<i32>} : memref<8x256xi32, #tpu.memory_space<vmem>>, vector<16xi32>,
        tpu.vector_store %arg12[%swap3A_691, %swap3A_692], %get3A_689 {strides = array<i32>} : memref<8x256xi32, #tpu.memory_space<vmem>>, vector<16xi32>,
        %get3A_694 = arith.constant 976 : index
        %get3A_695 = tpu.vector_load %arg11[%get3A_694] {strides = array<i32>} : memref<1024xi32, #tpu.memory_space<vmem>>, vector<16xi32>,
        %swap3A_696 = arith.constant 7 : i32
        %swap3A_697 = arith.index_cast %swap3A_696 : i32 to index
        %swap3A_698 = arith.constant 80 : index
        %swap3A_699 = tpu.vector_load %arg12[%swap3A_697, %swap3A_698] {strides = array<i32>} : memref<8x256xi32, #tpu.memory_space<vmem>>, vector<16xi32>,
        tpu.vector_store %arg12[%swap3A_697, %swap3A_698], %get3A_695 {strides = array<i32>} : memref<8x256xi32, #tpu.memory_space<vmem>>, vector<16xi32>,
        %get3A_700 = arith.constant 992 : index
        %get3A_701 = tpu.vector_load %arg11[%get3A_700] {strides = array<i32>} : memref<1024xi32, #tpu.memory_space<vmem>>, vector<16xi32>,
        %swap3A_702 = arith.constant 7 : i32
        %swap3A_703 = arith.index_cast %swap3A_702 : i32 to index
        %swap3A_704 = arith.constant 96 : index
        %swap3A_705 = tpu.vector_load %arg12[%swap3A_703, %swap3A_704] {strides = array<i32>} : memref<8x256xi32, #tpu.memory_space<vmem>>, vector<16xi32>,
        tpu.vector_store %arg12[%swap3A_703, %swap3A_704], %get3A_701 {strides = array<i32>} : memref<8x256xi32, #tpu.memory_space<vmem>>, vector<16xi32>,
        %get3A_706 = arith.constant 1008 : index
        %get3A_707 = tpu.vector_load %arg11[%get3A_706] {strides = array<i32>} : memref<1024xi32, #tpu.memory_space<vmem>>, vector<16xi32>,
        %swap3A_708 = arith.constant 7 : i32
        %swap3A_709 = arith.index_cast %swap3A_708 : i32 to index
        %swap3A_710 = arith.constant 112 : index
        %swap3A_711 = tpu.vector_load %arg12[%swap3A_709, %swap3A_710] {strides = array<i32>} : memref<8x256xi32, #tpu.memory_space<vmem>>, vector<16xi32>,
        tpu.vector_store %arg12[%swap3A_709, %swap3A_710], %get3A_707 {strides = array<i32>} : memref<8x256xi32, #tpu.memory_space<vmem>>, vector<16xi32>,
        %run_scoped3A = arith.constant 0 : i32
        "tpu.region"() ({
          %run_scoped3A_733 = tpu.sem_alloc : memref<!tpu.dma_semaphore, #tpu.memory_space<semaphore_mem>>
          %dma_start3A = arith.constant 0 : i32
          %dma_start3A_734 = arith.constant 0 : i32
          %dma_start3A_735 = tpu.memref_slice %arg8[%dma_start3A, %dma_start3A_734] : memref<2064x4xf32, #tpu.memory_space<vmem>> -> memref<256x4xf32, #tpu.memory_space<vmem>>
          %dma_start3A_736 = arith.constant 0 : i32
          %dma_start3A_737 = tpu.memref_slice %arg12[%run_scoped3A, %dma_start3A_736] : memref<8x256xi32, #tpu.memory_space<vmem>> -> memref<1x256xi32, #tpu.memory_space<vmem>>
          %dma_start3A_738 = tpu.memref_squeeze %dma_start3A_737 : memref<1x256xi32, #tpu.memory_space<vmem>> -> memref<256xi32, #tpu.memory_space<vmem>>
          %dma_start3A_739 = arith.constant 0 : i32
          %dma_start3A_740 = arith.constant 0 : i32
          %dma_start3A_741 = tpu.memref_slice %arg4[%dma_start3A_739, %dma_start3A_740] : memref<102160x4xf32, #tpu.memory_space<hbm>> -> memref<102160x4xf32, #tpu.memory_space<hbm>>
          tpu.enqueue_indirect_dma source(%dma_start3A_741 : memref<102160x4xf32, #tpu.memory_space<hbm>>) target(%dma_start3A_735 : memref<256x4xf32, #tpu.memory_space<vmem>>) offsets(%dma_start3A_738 : memref<256xi32, #tpu.memory_space<vmem>>) semaphore(%run_scoped3A_733 : memref<!tpu.dma_semaphore, #tpu.memory_space<semaphore_mem>>)
          %dma_wait3A = arith.constant 0 : i32
          %dma_wait3A_742 = arith.constant 0 : i32
          %dma_wait3A_743 = tpu.memref_slice %arg8[%dma_wait3A, %dma_wait3A_742] : memref<2064x4xf32, #tpu.memory_space<vmem>> -> memref<256x4xf32, #tpu.memory_space<vmem>>
          %dma_wait3A_744 = arith.constant 0 : i32
          %dma_wait3A_745 = tpu.memref_slice %arg12[%run_scoped3A, %dma_wait3A_744] : memref<8x256xi32, #tpu.memory_space<vmem>> -> memref<1x256xi32, #tpu.memory_space<vmem>>
          %dma_wait3A_746 = tpu.memref_squeeze %dma_wait3A_745 : memref<1x256xi32, #tpu.memory_space<vmem>> -> memref<256xi32, #tpu.memory_space<vmem>>
          %dma_wait3A_747 = arith.constant 0 : i32
          %dma_wait3A_748 = arith.constant 0 : i32
          %dma_wait3A_749 = tpu.memref_slice %arg4[%dma_wait3A_747, %dma_wait3A_748] : memref<102160x4xf32, #tpu.memory_space<hbm>> -> memref<102160x4xf32, #tpu.memory_space<hbm>>
          tpu.wait_indirect_dma semaphore(%run_scoped3A_733 : memref<!tpu.dma_semaphore, #tpu.memory_space<semaphore_mem>>) src(%dma_wait3A_749 : memref<102160x4xf32, #tpu.memory_space<hbm>>) dst(%dma_wait3A_743 : memref<256x4xf32, #tpu.memory_space<vmem>>)
          tpu.yield
        }) : () -> ()
        %run_scoped3A_712 = arith.constant 0 : i32
        "tpu.region"() ({
          %run_scoped3A_733 = tpu.sem_alloc : memref<!tpu.dma_semaphore, #tpu.memory_space<semaphore_mem>>
          %dma_start3A = arith.constant 0 : i32
          %dma_start3A_734 = arith.constant 0 : i32
          %dma_start3A_735 = tpu.memref_slice %arg9[%dma_start3A, %dma_start3A_734] : memref<2064x4xf32, #tpu.memory_space<vmem>> -> memref<256x4xf32, #tpu.memory_space<vmem>>
          %dma_start3A_736 = arith.constant 0 : i32
          %dma_start3A_737 = tpu.memref_slice %arg12[%run_scoped3A_712, %dma_start3A_736] : memref<8x256xi32, #tpu.memory_space<vmem>> -> memref<1x256xi32, #tpu.memory_space<vmem>>
          %dma_start3A_738 = tpu.memref_squeeze %dma_start3A_737 : memref<1x256xi32, #tpu.memory_space<vmem>> -> memref<256xi32, #tpu.memory_space<vmem>>
          %dma_start3A_739 = arith.constant 0 : i32
          %dma_start3A_740 = arith.constant 0 : i32
          %dma_start3A_741 = tpu.memref_slice %arg5[%dma_start3A_739, %dma_start3A_740] : memref<102160x4xf32, #tpu.memory_space<hbm>> -> memref<102160x4xf32, #tpu.memory_space<hbm>>
          tpu.enqueue_indirect_dma source(%dma_start3A_741 : memref<102160x4xf32, #tpu.memory_space<hbm>>) target(%dma_start3A_735 : memref<256x4xf32, #tpu.memory_space<vmem>>) offsets(%dma_start3A_738 : memref<256xi32, #tpu.memory_space<vmem>>) semaphore(%run_scoped3A_733 : memref<!tpu.dma_semaphore, #tpu.memory_space<semaphore_mem>>)
          %dma_wait3A = arith.constant 0 : i32
          %dma_wait3A_742 = arith.constant 0 : i32
          %dma_wait3A_743 = tpu.memref_slice %arg9[%dma_wait3A, %dma_wait3A_742] : memref<2064x4xf32, #tpu.memory_space<vmem>> -> memref<256x4xf32, #tpu.memory_space<vmem>>
          %dma_wait3A_744 = arith.constant 0 : i32
          %dma_wait3A_745 = tpu.memref_slice %arg12[%run_scoped3A_712, %dma_wait3A_744] : memref<8x256xi32, #tpu.memory_space<vmem>> -> memref<1x256xi32, #tpu.memory_space<vmem>>
          %dma_wait3A_746 = tpu.memref_squeeze %dma_wait3A_745 : memref<1x256xi32, #tpu.memory_space<vmem>> -> memref<256xi32, #tpu.memory_space<vmem>>
          %dma_wait3A_747 = arith.constant 0 : i32
          %dma_wait3A_748 = arith.constant 0 : i32
          %dma_wait3A_749 = tpu.memref_slice %arg5[%dma_wait3A_747, %dma_wait3A_748] : memref<102160x4xf32, #tpu.memory_space<hbm>> -> memref<102160x4xf32, #tpu.memory_space<hbm>>
          tpu.wait_indirect_dma semaphore(%run_scoped3A_733 : memref<!tpu.dma_semaphore, #tpu.memory_space<semaphore_mem>>) src(%dma_wait3A_749 : memref<102160x4xf32, #tpu.memory_space<hbm>>) dst(%dma_wait3A_743 : memref<256x4xf32, #tpu.memory_space<vmem>>)
          tpu.yield
        }) : () -> ()
        %run_scoped3A_713 = arith.constant 1 : i32
        "tpu.region"() ({
          %run_scoped3A_733 = tpu.sem_alloc : memref<!tpu.dma_semaphore, #tpu.memory_space<semaphore_mem>>
          %dma_start3A = arith.constant 256 : i32
          %dma_start3A_734 = arith.constant 0 : i32
          %dma_start3A_735 = tpu.memref_slice %arg8[%dma_start3A, %dma_start3A_734] : memref<2064x4xf32, #tpu.memory_space<vmem>> -> memref<256x4xf32, #tpu.memory_space<vmem>>
          %dma_start3A_736 = arith.constant 0 : i32
          %dma_start3A_737 = tpu.memref_slice %arg12[%run_scoped3A_713, %dma_start3A_736] : memref<8x256xi32, #tpu.memory_space<vmem>> -> memref<1x256xi32, #tpu.memory_space<vmem>>
          %dma_start3A_738 = tpu.memref_squeeze %dma_start3A_737 : memref<1x256xi32, #tpu.memory_space<vmem>> -> memref<256xi32, #tpu.memory_space<vmem>>
          %dma_start3A_739 = arith.constant 0 : i32
          %dma_start3A_740 = arith.constant 0 : i32
          %dma_start3A_741 = tpu.memref_slice %arg4[%dma_start3A_739, %dma_start3A_740] : memref<102160x4xf32, #tpu.memory_space<hbm>> -> memref<102160x4xf32, #tpu.memory_space<hbm>>
          tpu.enqueue_indirect_dma source(%dma_start3A_741 : memref<102160x4xf32, #tpu.memory_space<hbm>>) target(%dma_start3A_735 : memref<256x4xf32, #tpu.memory_space<vmem>>) offsets(%dma_start3A_738 : memref<256xi32, #tpu.memory_space<vmem>>) semaphore(%run_scoped3A_733 : memref<!tpu.dma_semaphore, #tpu.memory_space<semaphore_mem>>)
          %dma_wait3A = arith.constant 256 : i32
          %dma_wait3A_742 = arith.constant 0 : i32
          %dma_wait3A_743 = tpu.memref_slice %arg8[%dma_wait3A, %dma_wait3A_742] : memref<2064x4xf32, #tpu.memory_space<vmem>> -> memref<256x4xf32, #tpu.memory_space<vmem>>
          %dma_wait3A_744 = arith.constant 0 : i32
          %dma_wait3A_745 = tpu.memref_slice %arg12[%run_scoped3A_713, %dma_wait3A_744] : memref<8x256xi32, #tpu.memory_space<vmem>> -> memref<1x256xi32, #tpu.memory_space<vmem>>
          %dma_wait3A_746 = tpu.memref_squeeze %dma_wait3A_745 : memref<1x256xi32, #tpu.memory_space<vmem>> -> memref<256xi32, #tpu.memory_space<vmem>>
          %dma_wait3A_747 = arith.constant 0 : i32
          %dma_wait3A_748 = arith.constant 0 : i32
          %dma_wait3A_749 = tpu.memref_slice %arg4[%dma_wait3A_747, %dma_wait3A_748] : memref<102160x4xf32, #tpu.memory_space<hbm>> -> memref<102160x4xf32, #tpu.memory_space<hbm>>
          tpu.wait_indirect_dma semaphore(%run_scoped3A_733 : memref<!tpu.dma_semaphore, #tpu.memory_space<semaphore_mem>>) src(%dma_wait3A_749 : memref<102160x4xf32, #tpu.memory_space<hbm>>) dst(%dma_wait3A_743 : memref<256x4xf32, #tpu.memory_space<vmem>>)
          tpu.yield
        }) : () -> ()
        %run_scoped3A_714 = arith.constant 1 : i32
        "tpu.region"() ({
          %run_scoped3A_733 = tpu.sem_alloc : memref<!tpu.dma_semaphore, #tpu.memory_space<semaphore_mem>>
          %dma_start3A = arith.constant 256 : i32
          %dma_start3A_734 = arith.constant 0 : i32
          %dma_start3A_735 = tpu.memref_slice %arg9[%dma_start3A, %dma_start3A_734] : memref<2064x4xf32, #tpu.memory_space<vmem>> -> memref<256x4xf32, #tpu.memory_space<vmem>>
          %dma_start3A_736 = arith.constant 0 : i32
          %dma_start3A_737 = tpu.memref_slice %arg12[%run_scoped3A_714, %dma_start3A_736] : memref<8x256xi32, #tpu.memory_space<vmem>> -> memref<1x256xi32, #tpu.memory_space<vmem>>
          %dma_start3A_738 = tpu.memref_squeeze %dma_start3A_737 : memref<1x256xi32, #tpu.memory_space<vmem>> -> memref<256xi32, #tpu.memory_space<vmem>>
          %dma_start3A_739 = arith.constant 0 : i32
          %dma_start3A_740 = arith.constant 0 : i32
          %dma_start3A_741 = tpu.memref_slice %arg5[%dma_start3A_739, %dma_start3A_740] : memref<102160x4xf32, #tpu.memory_space<hbm>> -> memref<102160x4xf32, #tpu.memory_space<hbm>>
          tpu.enqueue_indirect_dma source(%dma_start3A_741 : memref<102160x4xf32, #tpu.memory_space<hbm>>) target(%dma_start3A_735 : memref<256x4xf32, #tpu.memory_space<vmem>>) offsets(%dma_start3A_738 : memref<256xi32, #tpu.memory_space<vmem>>) semaphore(%run_scoped3A_733 : memref<!tpu.dma_semaphore, #tpu.memory_space<semaphore_mem>>)
          %dma_wait3A = arith.constant 256 : i32
          %dma_wait3A_742 = arith.constant 0 : i32
          %dma_wait3A_743 = tpu.memref_slice %arg9[%dma_wait3A, %dma_wait3A_742] : memref<2064x4xf32, #tpu.memory_space<vmem>> -> memref<256x4xf32, #tpu.memory_space<vmem>>
          %dma_wait3A_744 = arith.constant 0 : i32
          %dma_wait3A_745 = tpu.memref_slice %arg12[%run_scoped3A_714, %dma_wait3A_744] : memref<8x256xi32, #tpu.memory_space<vmem>> -> memref<1x256xi32, #tpu.memory_space<vmem>>
          %dma_wait3A_746 = tpu.memref_squeeze %dma_wait3A_745 : memref<1x256xi32, #tpu.memory_space<vmem>> -> memref<256xi32, #tpu.memory_space<vmem>>
          %dma_wait3A_747 = arith.constant 0 : i32
          %dma_wait3A_748 = arith.constant 0 : i32
          %dma_wait3A_749 = tpu.memref_slice %arg5[%dma_wait3A_747, %dma_wait3A_748] : memref<102160x4xf32, #tpu.memory_space<hbm>> -> memref<102160x4xf32, #tpu.memory_space<hbm>>
          tpu.wait_indirect_dma semaphore(%run_scoped3A_733 : memref<!tpu.dma_semaphore, #tpu.memory_space<semaphore_mem>>) src(%dma_wait3A_749 : memref<102160x4xf32, #tpu.memory_space<hbm>>) dst(%dma_wait3A_743 : memref<256x4xf32, #tpu.memory_space<vmem>>)
          tpu.yield
        }) : () -> ()
        %run_scoped3A_715 = arith.constant 2 : i32
        "tpu.region"() ({
          %run_scoped3A_733 = tpu.sem_alloc : memref<!tpu.dma_semaphore, #tpu.memory_space<semaphore_mem>>
          %dma_start3A = arith.constant 512 : i32
          %dma_start3A_734 = arith.constant 0 : i32
          %dma_start3A_735 = tpu.memref_slice %arg8[%dma_start3A, %dma_start3A_734] : memref<2064x4xf32, #tpu.memory_space<vmem>> -> memref<256x4xf32, #tpu.memory_space<vmem>>
          %dma_start3A_736 = arith.constant 0 : i32
          %dma_start3A_737 = tpu.memref_slice %arg12[%run_scoped3A_715, %dma_start3A_736] : memref<8x256xi32, #tpu.memory_space<vmem>> -> memref<1x256xi32, #tpu.memory_space<vmem>>
          %dma_start3A_738 = tpu.memref_squeeze %dma_start3A_737 : memref<1x256xi32, #tpu.memory_space<vmem>> -> memref<256xi32, #tpu.memory_space<vmem>>
          %dma_start3A_739 = arith.constant 0 : i32
          %dma_start3A_740 = arith.constant 0 : i32
          %dma_start3A_741 = tpu.memref_slice %arg4[%dma_start3A_739, %dma_start3A_740] : memref<102160x4xf32, #tpu.memory_space<hbm>> -> memref<102160x4xf32, #tpu.memory_space<hbm>>
          tpu.enqueue_indirect_dma source(%dma_start3A_741 : memref<102160x4xf32, #tpu.memory_space<hbm>>) target(%dma_start3A_735 : memref<256x4xf32, #tpu.memory_space<vmem>>) offsets(%dma_start3A_738 : memref<256xi32, #tpu.memory_space<vmem>>) semaphore(%run_scoped3A_733 : memref<!tpu.dma_semaphore, #tpu.memory_space<semaphore_mem>>)
          %dma_wait3A = arith.constant 512 : i32
          %dma_wait3A_742 = arith.constant 0 : i32
          %dma_wait3A_743 = tpu.memref_slice %arg8[%dma_wait3A, %dma_wait3A_742] : memref<2064x4xf32, #tpu.memory_space<vmem>> -> memref<256x4xf32, #tpu.memory_space<vmem>>
          %dma_wait3A_744 = arith.constant 0 : i32
          %dma_wait3A_745 = tpu.memref_slice %arg12[%run_scoped3A_715, %dma_wait3A_744] : memref<8x256xi32, #tpu.memory_space<vmem>> -> memref<1x256xi32, #tpu.memory_space<vmem>>
          %dma_wait3A_746 = tpu.memref_squeeze %dma_wait3A_745 : memref<1x256xi32, #tpu.memory_space<vmem>> -> memref<256xi32, #tpu.memory_space<vmem>>
          %dma_wait3A_747 = arith.constant 0 : i32
          %dma_wait3A_748 = arith.constant 0 : i32
          %dma_wait3A_749 = tpu.memref_slice %arg4[%dma_wait3A_747, %dma_wait3A_748] : memref<102160x4xf32, #tpu.memory_space<hbm>> -> memref<102160x4xf32, #tpu.memory_space<hbm>>
          tpu.wait_indirect_dma semaphore(%run_scoped3A_733 : memref<!tpu.dma_semaphore, #tpu.memory_space<semaphore_mem>>) src(%dma_wait3A_749 : memref<102160x4xf32, #tpu.memory_space<hbm>>) dst(%dma_wait3A_743 : memref<256x4xf32, #tpu.memory_space<vmem>>)
          tpu.yield
        }) : () -> ()
        %run_scoped3A_716 = arith.constant 2 : i32
        "tpu.region"() ({
          %run_scoped3A_733 = tpu.sem_alloc : memref<!tpu.dma_semaphore, #tpu.memory_space<semaphore_mem>>
          %dma_start3A = arith.constant 512 : i32
          %dma_start3A_734 = arith.constant 0 : i32
          %dma_start3A_735 = tpu.memref_slice %arg9[%dma_start3A, %dma_start3A_734] : memref<2064x4xf32, #tpu.memory_space<vmem>> -> memref<256x4xf32, #tpu.memory_space<vmem>>
          %dma_start3A_736 = arith.constant 0 : i32
          %dma_start3A_737 = tpu.memref_slice %arg12[%run_scoped3A_716, %dma_start3A_736] : memref<8x256xi32, #tpu.memory_space<vmem>> -> memref<1x256xi32, #tpu.memory_space<vmem>>
          %dma_start3A_738 = tpu.memref_squeeze %dma_start3A_737 : memref<1x256xi32, #tpu.memory_space<vmem>> -> memref<256xi32, #tpu.memory_space<vmem>>
          %dma_start3A_739 = arith.constant 0 : i32
          %dma_start3A_740 = arith.constant 0 : i32
          %dma_start3A_741 = tpu.memref_slice %arg5[%dma_start3A_739, %dma_start3A_740] : memref<102160x4xf32, #tpu.memory_space<hbm>> -> memref<102160x4xf32, #tpu.memory_space<hbm>>
          tpu.enqueue_indirect_dma source(%dma_start3A_741 : memref<102160x4xf32, #tpu.memory_space<hbm>>) target(%dma_start3A_735 : memref<256x4xf32, #tpu.memory_space<vmem>>) offsets(%dma_start3A_738 : memref<256xi32, #tpu.memory_space<vmem>>) semaphore(%run_scoped3A_733 : memref<!tpu.dma_semaphore, #tpu.memory_space<semaphore_mem>>)
          %dma_wait3A = arith.constant 512 : i32
          %dma_wait3A_742 = arith.constant 0 : i32
          %dma_wait3A_743 = tpu.memref_slice %arg9[%dma_wait3A, %dma_wait3A_742] : memref<2064x4xf32, #tpu.memory_space<vmem>> -> memref<256x4xf32, #tpu.memory_space<vmem>>
          %dma_wait3A_744 = arith.constant 0 : i32
          %dma_wait3A_745 = tpu.memref_slice %arg12[%run_scoped3A_716, %dma_wait3A_744] : memref<8x256xi32, #tpu.memory_space<vmem>> -> memref<1x256xi32, #tpu.memory_space<vmem>>
          %dma_wait3A_746 = tpu.memref_squeeze %dma_wait3A_745 : memref<1x256xi32, #tpu.memory_space<vmem>> -> memref<256xi32, #tpu.memory_space<vmem>>
          %dma_wait3A_747 = arith.constant 0 : i32
          %dma_wait3A_748 = arith.constant 0 : i32
          %dma_wait3A_749 = tpu.memref_slice %arg5[%dma_wait3A_747, %dma_wait3A_748] : memref<102160x4xf32, #tpu.memory_space<hbm>> -> memref<102160x4xf32, #tpu.memory_space<hbm>>
          tpu.wait_indirect_dma semaphore(%run_scoped3A_733 : memref<!tpu.dma_semaphore, #tpu.memory_space<semaphore_mem>>) src(%dma_wait3A_749 : memref<102160x4xf32, #tpu.memory_space<hbm>>) dst(%dma_wait3A_743 : memref<256x4xf32, #tpu.memory_space<vmem>>)
          tpu.yield
        }) : () -> ()
        %run_scoped3A_717 = arith.constant 3 : i32
        "tpu.region"() ({
          %run_scoped3A_733 = tpu.sem_alloc : memref<!tpu.dma_semaphore, #tpu.memory_space<semaphore_mem>>
          %dma_start3A = arith.constant 768 : i32
          %dma_start3A_734 = arith.constant 0 : i32
          %dma_start3A_735 = tpu.memref_slice %arg8[%dma_start3A, %dma_start3A_734] : memref<2064x4xf32, #tpu.memory_space<vmem>> -> memref<256x4xf32, #tpu.memory_space<vmem>>
          %dma_start3A_736 = arith.constant 0 : i32
          %dma_start3A_737 = tpu.memref_slice %arg12[%run_scoped3A_717, %dma_start3A_736] : memref<8x256xi32, #tpu.memory_space<vmem>> -> memref<1x256xi32, #tpu.memory_space<vmem>>
          %dma_start3A_738 = tpu.memref_squeeze %dma_start3A_737 : memref<1x256xi32, #tpu.memory_space<vmem>> -> memref<256xi32, #tpu.memory_space<vmem>>
          %dma_start3A_739 = arith.constant 0 : i32
          %dma_start3A_740 = arith.constant 0 : i32
          %dma_start3A_741 = tpu.memref_slice %arg4[%dma_start3A_739, %dma_start3A_740] : memref<102160x4xf32, #tpu.memory_space<hbm>> -> memref<102160x4xf32, #tpu.memory_space<hbm>>
          tpu.enqueue_indirect_dma source(%dma_start3A_741 : memref<102160x4xf32, #tpu.memory_space<hbm>>) target(%dma_start3A_735 : memref<256x4xf32, #tpu.memory_space<vmem>>) offsets(%dma_start3A_738 : memref<256xi32, #tpu.memory_space<vmem>>) semaphore(%run_scoped3A_733 : memref<!tpu.dma_semaphore, #tpu.memory_space<semaphore_mem>>)
          %dma_wait3A = arith.constant 768 : i32
          %dma_wait3A_742 = arith.constant 0 : i32
          %dma_wait3A_743 = tpu.memref_slice %arg8[%dma_wait3A, %dma_wait3A_742] : memref<2064x4xf32, #tpu.memory_space<vmem>> -> memref<256x4xf32, #tpu.memory_space<vmem>>
          %dma_wait3A_744 = arith.constant 0 : i32
          %dma_wait3A_745 = tpu.memref_slice %arg12[%run_scoped3A_717, %dma_wait3A_744] : memref<8x256xi32, #tpu.memory_space<vmem>> -> memref<1x256xi32, #tpu.memory_space<vmem>>
          %dma_wait3A_746 = tpu.memref_squeeze %dma_wait3A_745 : memref<1x256xi32, #tpu.memory_space<vmem>> -> memref<256xi32, #tpu.memory_space<vmem>>
          %dma_wait3A_747 = arith.constant 0 : i32
          %dma_wait3A_748 = arith.constant 0 : i32
          %dma_wait3A_749 = tpu.memref_slice %arg4[%dma_wait3A_747, %dma_wait3A_748] : memref<102160x4xf32, #tpu.memory_space<hbm>> -> memref<102160x4xf32, #tpu.memory_space<hbm>>
          tpu.wait_indirect_dma semaphore(%run_scoped3A_733 : memref<!tpu.dma_semaphore, #tpu.memory_space<semaphore_mem>>) src(%dma_wait3A_749 : memref<102160x4xf32, #tpu.memory_space<hbm>>) dst(%dma_wait3A_743 : memref<256x4xf32, #tpu.memory_space<vmem>>)
          tpu.yield
        }) : () -> ()
        %run_scoped3A_718 = arith.constant 3 : i32
        "tpu.region"() ({
          %run_scoped3A_733 = tpu.sem_alloc : memref<!tpu.dma_semaphore, #tpu.memory_space<semaphore_mem>>
          %dma_start3A = arith.constant 768 : i32
          %dma_start3A_734 = arith.constant 0 : i32
          %dma_start3A_735 = tpu.memref_slice %arg9[%dma_start3A, %dma_start3A_734] : memref<2064x4xf32, #tpu.memory_space<vmem>> -> memref<256x4xf32, #tpu.memory_space<vmem>>
          %dma_start3A_736 = arith.constant 0 : i32
          %dma_start3A_737 = tpu.memref_slice %arg12[%run_scoped3A_718, %dma_start3A_736] : memref<8x256xi32, #tpu.memory_space<vmem>> -> memref<1x256xi32, #tpu.memory_space<vmem>>
          %dma_start3A_738 = tpu.memref_squeeze %dma_start3A_737 : memref<1x256xi32, #tpu.memory_space<vmem>> -> memref<256xi32, #tpu.memory_space<vmem>>
          %dma_start3A_739 = arith.constant 0 : i32
          %dma_start3A_740 = arith.constant 0 : i32
          %dma_start3A_741 = tpu.memref_slice %arg5[%dma_start3A_739, %dma_start3A_740] : memref<102160x4xf32, #tpu.memory_space<hbm>> -> memref<102160x4xf32, #tpu.memory_space<hbm>>
          tpu.enqueue_indirect_dma source(%dma_start3A_741 : memref<102160x4xf32, #tpu.memory_space<hbm>>) target(%dma_start3A_735 : memref<256x4xf32, #tpu.memory_space<vmem>>) offsets(%dma_start3A_738 : memref<256xi32, #tpu.memory_space<vmem>>) semaphore(%run_scoped3A_733 : memref<!tpu.dma_semaphore, #tpu.memory_space<semaphore_mem>>)
          %dma_wait3A = arith.constant 768 : i32
          %dma_wait3A_742 = arith.constant 0 : i32
          %dma_wait3A_743 = tpu.memref_slice %arg9[%dma_wait3A, %dma_wait3A_742] : memref<2064x4xf32, #tpu.memory_space<vmem>> -> memref<256x4xf32, #tpu.memory_space<vmem>>
          %dma_wait3A_744 = arith.constant 0 : i32
          %dma_wait3A_745 = tpu.memref_slice %arg12[%run_scoped3A_718, %dma_wait3A_744] : memref<8x256xi32, #tpu.memory_space<vmem>> -> memref<1x256xi32, #tpu.memory_space<vmem>>
          %dma_wait3A_746 = tpu.memref_squeeze %dma_wait3A_745 : memref<1x256xi32, #tpu.memory_space<vmem>> -> memref<256xi32, #tpu.memory_space<vmem>>
          %dma_wait3A_747 = arith.constant 0 : i32
          %dma_wait3A_748 = arith.constant 0 : i32
          %dma_wait3A_749 = tpu.memref_slice %arg5[%dma_wait3A_747, %dma_wait3A_748] : memref<102160x4xf32, #tpu.memory_space<hbm>> -> memref<102160x4xf32, #tpu.memory_space<hbm>>
          tpu.wait_indirect_dma semaphore(%run_scoped3A_733 : memref<!tpu.dma_semaphore, #tpu.memory_space<semaphore_mem>>) src(%dma_wait3A_749 : memref<102160x4xf32, #tpu.memory_space<hbm>>) dst(%dma_wait3A_743 : memref<256x4xf32, #tpu.memory_space<vmem>>)
          tpu.yield
        }) : () -> ()
        %run_scoped3A_719 = arith.constant 4 : i32
        "tpu.region"() ({
          %run_scoped3A_733 = tpu.sem_alloc : memref<!tpu.dma_semaphore, #tpu.memory_space<semaphore_mem>>
          %dma_start3A = arith.constant 1024 : i32
          %dma_start3A_734 = arith.constant 0 : i32
          %dma_start3A_735 = tpu.memref_slice %arg8[%dma_start3A, %dma_start3A_734] : memref<2064x4xf32, #tpu.memory_space<vmem>> -> memref<256x4xf32, #tpu.memory_space<vmem>>
          %dma_start3A_736 = arith.constant 0 : i32
          %dma_start3A_737 = tpu.memref_slice %arg12[%run_scoped3A_719, %dma_start3A_736] : memref<8x256xi32, #tpu.memory_space<vmem>> -> memref<1x256xi32, #tpu.memory_space<vmem>>
          %dma_start3A_738 = tpu.memref_squeeze %dma_start3A_737 : memref<1x256xi32, #tpu.memory_space<vmem>> -> memref<256xi32, #tpu.memory_space<vmem>>
          %dma_start3A_739 = arith.constant 0 : i32
          %dma_start3A_740 = arith.constant 0 : i32
          %dma_start3A_741 = tpu.memref_slice %arg4[%dma_start3A_739, %dma_start3A_740] : memref<102160x4xf32, #tpu.memory_space<hbm>> -> memref<102160x4xf32, #tpu.memory_space<hbm>>
          tpu.enqueue_indirect_dma source(%dma_start3A_741 : memref<102160x4xf32, #tpu.memory_space<hbm>>) target(%dma_start3A_735 : memref<256x4xf32, #tpu.memory_space<vmem>>) offsets(%dma_start3A_738 : memref<256xi32, #tpu.memory_space<vmem>>) semaphore(%run_scoped3A_733 : memref<!tpu.dma_semaphore, #tpu.memory_space<semaphore_mem>>)
          %dma_wait3A = arith.constant 1024 : i32
          %dma_wait3A_742 = arith.constant 0 : i32
          %dma_wait3A_743 = tpu.memref_slice %arg8[%dma_wait3A, %dma_wait3A_742] : memref<2064x4xf32, #tpu.memory_space<vmem>> -> memref<256x4xf32, #tpu.memory_space<vmem>>
          %dma_wait3A_744 = arith.constant 0 : i32
          %dma_wait3A_745 = tpu.memref_slice %arg12[%run_scoped3A_719, %dma_wait3A_744] : memref<8x256xi32, #tpu.memory_space<vmem>> -> memref<1x256xi32, #tpu.memory_space<vmem>>
          %dma_wait3A_746 = tpu.memref_squeeze %dma_wait3A_745 : memref<1x256xi32, #tpu.memory_space<vmem>> -> memref<256xi32, #tpu.memory_space<vmem>>
          %dma_wait3A_747 = arith.constant 0 : i32
          %dma_wait3A_748 = arith.constant 0 : i32
          %dma_wait3A_749 = tpu.memref_slice %arg4[%dma_wait3A_747, %dma_wait3A_748] : memref<102160x4xf32, #tpu.memory_space<hbm>> -> memref<102160x4xf32, #tpu.memory_space<hbm>>
          tpu.wait_indirect_dma semaphore(%run_scoped3A_733 : memref<!tpu.dma_semaphore, #tpu.memory_space<semaphore_mem>>) src(%dma_wait3A_749 : memref<102160x4xf32, #tpu.memory_space<hbm>>) dst(%dma_wait3A_743 : memref<256x4xf32, #tpu.memory_space<vmem>>)
          tpu.yield
        }) : () -> ()
        %run_scoped3A_720 = arith.constant 4 : i32
        "tpu.region"() ({
          %run_scoped3A_733 = tpu.sem_alloc : memref<!tpu.dma_semaphore, #tpu.memory_space<semaphore_mem>>
          %dma_start3A = arith.constant 1024 : i32
          %dma_start3A_734 = arith.constant 0 : i32
          %dma_start3A_735 = tpu.memref_slice %arg9[%dma_start3A, %dma_start3A_734] : memref<2064x4xf32, #tpu.memory_space<vmem>> -> memref<256x4xf32, #tpu.memory_space<vmem>>
          %dma_start3A_736 = arith.constant 0 : i32
          %dma_start3A_737 = tpu.memref_slice %arg12[%run_scoped3A_720, %dma_start3A_736] : memref<8x256xi32, #tpu.memory_space<vmem>> -> memref<1x256xi32, #tpu.memory_space<vmem>>
          %dma_start3A_738 = tpu.memref_squeeze %dma_start3A_737 : memref<1x256xi32, #tpu.memory_space<vmem>> -> memref<256xi32, #tpu.memory_space<vmem>>
          %dma_start3A_739 = arith.constant 0 : i32
          %dma_start3A_740 = arith.constant 0 : i32
          %dma_start3A_741 = tpu.memref_slice %arg5[%dma_start3A_739, %dma_start3A_740] : memref<102160x4xf32, #tpu.memory_space<hbm>> -> memref<102160x4xf32, #tpu.memory_space<hbm>>
          tpu.enqueue_indirect_dma source(%dma_start3A_741 : memref<102160x4xf32, #tpu.memory_space<hbm>>) target(%dma_start3A_735 : memref<256x4xf32, #tpu.memory_space<vmem>>) offsets(%dma_start3A_738 : memref<256xi32, #tpu.memory_space<vmem>>) semaphore(%run_scoped3A_733 : memref<!tpu.dma_semaphore, #tpu.memory_space<semaphore_mem>>)
          %dma_wait3A = arith.constant 1024 : i32
          %dma_wait3A_742 = arith.constant 0 : i32
          %dma_wait3A_743 = tpu.memref_slice %arg9[%dma_wait3A, %dma_wait3A_742] : memref<2064x4xf32, #tpu.memory_space<vmem>> -> memref<256x4xf32, #tpu.memory_space<vmem>>
          %dma_wait3A_744 = arith.constant 0 : i32
          %dma_wait3A_745 = tpu.memref_slice %arg12[%run_scoped3A_720, %dma_wait3A_744] : memref<8x256xi32, #tpu.memory_space<vmem>> -> memref<1x256xi32, #tpu.memory_space<vmem>>
          %dma_wait3A_746 = tpu.memref_squeeze %dma_wait3A_745 : memref<1x256xi32, #tpu.memory_space<vmem>> -> memref<256xi32, #tpu.memory_space<vmem>>
          %dma_wait3A_747 = arith.constant 0 : i32
          %dma_wait3A_748 = arith.constant 0 : i32
          %dma_wait3A_749 = tpu.memref_slice %arg5[%dma_wait3A_747, %dma_wait3A_748] : memref<102160x4xf32, #tpu.memory_space<hbm>> -> memref<102160x4xf32, #tpu.memory_space<hbm>>
          tpu.wait_indirect_dma semaphore(%run_scoped3A_733 : memref<!tpu.dma_semaphore, #tpu.memory_space<semaphore_mem>>) src(%dma_wait3A_749 : memref<102160x4xf32, #tpu.memory_space<hbm>>) dst(%dma_wait3A_743 : memref<256x4xf32, #tpu.memory_space<vmem>>)
          tpu.yield
        }) : () -> ()
        %run_scoped3A_721 = arith.constant 5 : i32
        "tpu.region"() ({
          %run_scoped3A_733 = tpu.sem_alloc : memref<!tpu.dma_semaphore, #tpu.memory_space<semaphore_mem>>
          %dma_start3A = arith.constant 1280 : i32
          %dma_start3A_734 = arith.constant 0 : i32
          %dma_start3A_735 = tpu.memref_slice %arg8[%dma_start3A, %dma_start3A_734] : memref<2064x4xf32, #tpu.memory_space<vmem>> -> memref<256x4xf32, #tpu.memory_space<vmem>>
          %dma_start3A_736 = arith.constant 0 : i32
          %dma_start3A_737 = tpu.memref_slice %arg12[%run_scoped3A_721, %dma_start3A_736] : memref<8x256xi32, #tpu.memory_space<vmem>> -> memref<1x256xi32, #tpu.memory_space<vmem>>
          %dma_start3A_738 = tpu.memref_squeeze %dma_start3A_737 : memref<1x256xi32, #tpu.memory_space<vmem>> -> memref<256xi32, #tpu.memory_space<vmem>>
          %dma_start3A_739 = arith.constant 0 : i32
          %dma_start3A_740 = arith.constant 0 : i32
          %dma_start3A_741 = tpu.memref_slice %arg4[%dma_start3A_739, %dma_start3A_740] : memref<102160x4xf32, #tpu.memory_space<hbm>> -> memref<102160x4xf32, #tpu.memory_space<hbm>>
          tpu.enqueue_indirect_dma source(%dma_start3A_741 : memref<102160x4xf32, #tpu.memory_space<hbm>>) target(%dma_start3A_735 : memref<256x4xf32, #tpu.memory_space<vmem>>) offsets(%dma_start3A_738 : memref<256xi32, #tpu.memory_space<vmem>>) semaphore(%run_scoped3A_733 : memref<!tpu.dma_semaphore, #tpu.memory_space<semaphore_mem>>)
          %dma_wait3A = arith.constant 1280 : i32
          %dma_wait3A_742 = arith.constant 0 : i32
          %dma_wait3A_743 = tpu.memref_slice %arg8[%dma_wait3A, %dma_wait3A_742] : memref<2064x4xf32, #tpu.memory_space<vmem>> -> memref<256x4xf32, #tpu.memory_space<vmem>>
          %dma_wait3A_744 = arith.constant 0 : i32
          %dma_wait3A_745 = tpu.memref_slice %arg12[%run_scoped3A_721, %dma_wait3A_744] : memref<8x256xi32, #tpu.memory_space<vmem>> -> memref<1x256xi32, #tpu.memory_space<vmem>>
          %dma_wait3A_746 = tpu.memref_squeeze %dma_wait3A_745 : memref<1x256xi32, #tpu.memory_space<vmem>> -> memref<256xi32, #tpu.memory_space<vmem>>
          %dma_wait3A_747 = arith.constant 0 : i32
          %dma_wait3A_748 = arith.constant 0 : i32
          %dma_wait3A_749 = tpu.memref_slice %arg4[%dma_wait3A_747, %dma_wait3A_748] : memref<102160x4xf32, #tpu.memory_space<hbm>> -> memref<102160x4xf32, #tpu.memory_space<hbm>>
          tpu.wait_indirect_dma semaphore(%run_scoped3A_733 : memref<!tpu.dma_semaphore, #tpu.memory_space<semaphore_mem>>) src(%dma_wait3A_749 : memref<102160x4xf32, #tpu.memory_space<hbm>>) dst(%dma_wait3A_743 : memref<256x4xf32, #tpu.memory_space<vmem>>)
          tpu.yield
        }) : () -> ()
        %run_scoped3A_722 = arith.constant 5 : i32
        "tpu.region"() ({
          %run_scoped3A_733 = tpu.sem_alloc : memref<!tpu.dma_semaphore, #tpu.memory_space<semaphore_mem>>
          %dma_start3A = arith.constant 1280 : i32
          %dma_start3A_734 = arith.constant 0 : i32
          %dma_start3A_735 = tpu.memref_slice %arg9[%dma_start3A, %dma_start3A_734] : memref<2064x4xf32, #tpu.memory_space<vmem>> -> memref<256x4xf32, #tpu.memory_space<vmem>>
          %dma_start3A_736 = arith.constant 0 : i32
          %dma_start3A_737 = tpu.memref_slice %arg12[%run_scoped3A_722, %dma_start3A_736] : memref<8x256xi32, #tpu.memory_space<vmem>> -> memref<1x256xi32, #tpu.memory_space<vmem>>
          %dma_start3A_738 = tpu.memref_squeeze %dma_start3A_737 : memref<1x256xi32, #tpu.memory_space<vmem>> -> memref<256xi32, #tpu.memory_space<vmem>>
          %dma_start3A_739 = arith.constant 0 : i32
          %dma_start3A_740 = arith.constant 0 : i32
          %dma_start3A_741 = tpu.memref_slice %arg5[%dma_start3A_739, %dma_start3A_740] : memref<102160x4xf32, #tpu.memory_space<hbm>> -> memref<102160x4xf32, #tpu.memory_space<hbm>>
          tpu.enqueue_indirect_dma source(%dma_start3A_741 : memref<102160x4xf32, #tpu.memory_space<hbm>>) target(%dma_start3A_735 : memref<256x4xf32, #tpu.memory_space<vmem>>) offsets(%dma_start3A_738 : memref<256xi32, #tpu.memory_space<vmem>>) semaphore(%run_scoped3A_733 : memref<!tpu.dma_semaphore, #tpu.memory_space<semaphore_mem>>)
          %dma_wait3A = arith.constant 1280 : i32
          %dma_wait3A_742 = arith.constant 0 : i32
          %dma_wait3A_743 = tpu.memref_slice %arg9[%dma_wait3A, %dma_wait3A_742] : memref<2064x4xf32, #tpu.memory_space<vmem>> -> memref<256x4xf32, #tpu.memory_space<vmem>>
          %dma_wait3A_744 = arith.constant 0 : i32
          %dma_wait3A_745 = tpu.memref_slice %arg12[%run_scoped3A_722, %dma_wait3A_744] : memref<8x256xi32, #tpu.memory_space<vmem>> -> memref<1x256xi32, #tpu.memory_space<vmem>>
          %dma_wait3A_746 = tpu.memref_squeeze %dma_wait3A_745 : memref<1x256xi32, #tpu.memory_space<vmem>> -> memref<256xi32, #tpu.memory_space<vmem>>
          %dma_wait3A_747 = arith.constant 0 : i32
          %dma_wait3A_748 = arith.constant 0 : i32
          %dma_wait3A_749 = tpu.memref_slice %arg5[%dma_wait3A_747, %dma_wait3A_748] : memref<102160x4xf32, #tpu.memory_space<hbm>> -> memref<102160x4xf32, #tpu.memory_space<hbm>>
          tpu.wait_indirect_dma semaphore(%run_scoped3A_733 : memref<!tpu.dma_semaphore, #tpu.memory_space<semaphore_mem>>) src(%dma_wait3A_749 : memref<102160x4xf32, #tpu.memory_space<hbm>>) dst(%dma_wait3A_743 : memref<256x4xf32, #tpu.memory_space<vmem>>)
          tpu.yield
        }) : () -> ()
        %run_scoped3A_723 = arith.constant 6 : i32
        "tpu.region"() ({
          %run_scoped3A_733 = tpu.sem_alloc : memref<!tpu.dma_semaphore, #tpu.memory_space<semaphore_mem>>
          %dma_start3A = arith.constant 1536 : i32
          %dma_start3A_734 = arith.constant 0 : i32
          %dma_start3A_735 = tpu.memref_slice %arg8[%dma_start3A, %dma_start3A_734] : memref<2064x4xf32, #tpu.memory_space<vmem>> -> memref<256x4xf32, #tpu.memory_space<vmem>>
          %dma_start3A_736 = arith.constant 0 : i32
          %dma_start3A_737 = tpu.memref_slice %arg12[%run_scoped3A_723, %dma_start3A_736] : memref<8x256xi32, #tpu.memory_space<vmem>> -> memref<1x256xi32, #tpu.memory_space<vmem>>
          %dma_start3A_738 = tpu.memref_squeeze %dma_start3A_737 : memref<1x256xi32, #tpu.memory_space<vmem>> -> memref<256xi32, #tpu.memory_space<vmem>>
          %dma_start3A_739 = arith.constant 0 : i32
          %dma_start3A_740 = arith.constant 0 : i32
          %dma_start3A_741 = tpu.memref_slice %arg4[%dma_start3A_739, %dma_start3A_740] : memref<102160x4xf32, #tpu.memory_space<hbm>> -> memref<102160x4xf32, #tpu.memory_space<hbm>>
          tpu.enqueue_indirect_dma source(%dma_start3A_741 : memref<102160x4xf32, #tpu.memory_space<hbm>>) target(%dma_start3A_735 : memref<256x4xf32, #tpu.memory_space<vmem>>) offsets(%dma_start3A_738 : memref<256xi32, #tpu.memory_space<vmem>>) semaphore(%run_scoped3A_733 : memref<!tpu.dma_semaphore, #tpu.memory_space<semaphore_mem>>)
          %dma_wait3A = arith.constant 1536 : i32
          %dma_wait3A_742 = arith.constant 0 : i32
          %dma_wait3A_743 = tpu.memref_slice %arg8[%dma_wait3A, %dma_wait3A_742] : memref<2064x4xf32, #tpu.memory_space<vmem>> -> memref<256x4xf32, #tpu.memory_space<vmem>>
          %dma_wait3A_744 = arith.constant 0 : i32
          %dma_wait3A_745 = tpu.memref_slice %arg12[%run_scoped3A_723, %dma_wait3A_744] : memref<8x256xi32, #tpu.memory_space<vmem>> -> memref<1x256xi32, #tpu.memory_space<vmem>>
          %dma_wait3A_746 = tpu.memref_squeeze %dma_wait3A_745 : memref<1x256xi32, #tpu.memory_space<vmem>> -> memref<256xi32, #tpu.memory_space<vmem>>
          %dma_wait3A_747 = arith.constant 0 : i32
          %dma_wait3A_748 = arith.constant 0 : i32
          %dma_wait3A_749 = tpu.memref_slice %arg4[%dma_wait3A_747, %dma_wait3A_748] : memref<102160x4xf32, #tpu.memory_space<hbm>> -> memref<102160x4xf32, #tpu.memory_space<hbm>>
          tpu.wait_indirect_dma semaphore(%run_scoped3A_733 : memref<!tpu.dma_semaphore, #tpu.memory_space<semaphore_mem>>) src(%dma_wait3A_749 : memref<102160x4xf32, #tpu.memory_space<hbm>>) dst(%dma_wait3A_743 : memref<256x4xf32, #tpu.memory_space<vmem>>)
          tpu.yield
        }) : () -> ()
        %run_scoped3A_724 = arith.constant 6 : i32
        "tpu.region"() ({
          %run_scoped3A_733 = tpu.sem_alloc : memref<!tpu.dma_semaphore, #tpu.memory_space<semaphore_mem>>
          %dma_start3A = arith.constant 1536 : i32
          %dma_start3A_734 = arith.constant 0 : i32
          %dma_start3A_735 = tpu.memref_slice %arg9[%dma_start3A, %dma_start3A_734] : memref<2064x4xf32, #tpu.memory_space<vmem>> -> memref<256x4xf32, #tpu.memory_space<vmem>>
          %dma_start3A_736 = arith.constant 0 : i32
          %dma_start3A_737 = tpu.memref_slice %arg12[%run_scoped3A_724, %dma_start3A_736] : memref<8x256xi32, #tpu.memory_space<vmem>> -> memref<1x256xi32, #tpu.memory_space<vmem>>
          %dma_start3A_738 = tpu.memref_squeeze %dma_start3A_737 : memref<1x256xi32, #tpu.memory_space<vmem>> -> memref<256xi32, #tpu.memory_space<vmem>>
          %dma_start3A_739 = arith.constant 0 : i32
          %dma_start3A_740 = arith.constant 0 : i32
          %dma_start3A_741 = tpu.memref_slice %arg5[%dma_start3A_739, %dma_start3A_740] : memref<102160x4xf32, #tpu.memory_space<hbm>> -> memref<102160x4xf32, #tpu.memory_space<hbm>>
          tpu.enqueue_indirect_dma source(%dma_start3A_741 : memref<102160x4xf32, #tpu.memory_space<hbm>>) target(%dma_start3A_735 : memref<256x4xf32, #tpu.memory_space<vmem>>) offsets(%dma_start3A_738 : memref<256xi32, #tpu.memory_space<vmem>>) semaphore(%run_scoped3A_733 : memref<!tpu.dma_semaphore, #tpu.memory_space<semaphore_mem>>)
          %dma_wait3A = arith.constant 1536 : i32
          %dma_wait3A_742 = arith.constant 0 : i32
          %dma_wait3A_743 = tpu.memref_slice %arg9[%dma_wait3A, %dma_wait3A_742] : memref<2064x4xf32, #tpu.memory_space<vmem>> -> memref<256x4xf32, #tpu.memory_space<vmem>>
          %dma_wait3A_744 = arith.constant 0 : i32
          %dma_wait3A_745 = tpu.memref_slice %arg12[%run_scoped3A_724, %dma_wait3A_744] : memref<8x256xi32, #tpu.memory_space<vmem>> -> memref<1x256xi32, #tpu.memory_space<vmem>>
          %dma_wait3A_746 = tpu.memref_squeeze %dma_wait3A_745 : memref<1x256xi32, #tpu.memory_space<vmem>> -> memref<256xi32, #tpu.memory_space<vmem>>
          %dma_wait3A_747 = arith.constant 0 : i32
          %dma_wait3A_748 = arith.constant 0 : i32
          %dma_wait3A_749 = tpu.memref_slice %arg5[%dma_wait3A_747, %dma_wait3A_748] : memref<102160x4xf32, #tpu.memory_space<hbm>> -> memref<102160x4xf32, #tpu.memory_space<hbm>>
          tpu.wait_indirect_dma semaphore(%run_scoped3A_733 : memref<!tpu.dma_semaphore, #tpu.memory_space<semaphore_mem>>) src(%dma_wait3A_749 : memref<102160x4xf32, #tpu.memory_space<hbm>>) dst(%dma_wait3A_743 : memref<256x4xf32, #tpu.memory_space<vmem>>)
          tpu.yield
        }) : () -> ()
        %run_scoped3A_725 = arith.constant 7 : i32
        "tpu.region"() ({
          %run_scoped3A_733 = tpu.sem_alloc : memref<!tpu.dma_semaphore, #tpu.memory_space<semaphore_mem>>
          %dma_start3A = arith.constant 1792 : i32
          %dma_start3A_734 = arith.constant 0 : i32
          %dma_start3A_735 = tpu.memref_slice %arg8[%dma_start3A, %dma_start3A_734] : memref<2064x4xf32, #tpu.memory_space<vmem>> -> memref<256x4xf32, #tpu.memory_space<vmem>>
          %dma_start3A_736 = arith.constant 0 : i32
          %dma_start3A_737 = tpu.memref_slice %arg12[%run_scoped3A_725, %dma_start3A_736] : memref<8x256xi32, #tpu.memory_space<vmem>> -> memref<1x256xi32, #tpu.memory_space<vmem>>
          %dma_start3A_738 = tpu.memref_squeeze %dma_start3A_737 : memref<1x256xi32, #tpu.memory_space<vmem>> -> memref<256xi32, #tpu.memory_space<vmem>>
          %dma_start3A_739 = arith.constant 0 : i32
          %dma_start3A_740 = arith.constant 0 : i32
          %dma_start3A_741 = tpu.memref_slice %arg4[%dma_start3A_739, %dma_start3A_740] : memref<102160x4xf32, #tpu.memory_space<hbm>> -> memref<102160x4xf32, #tpu.memory_space<hbm>>
          tpu.enqueue_indirect_dma source(%dma_start3A_741 : memref<102160x4xf32, #tpu.memory_space<hbm>>) target(%dma_start3A_735 : memref<256x4xf32, #tpu.memory_space<vmem>>) offsets(%dma_start3A_738 : memref<256xi32, #tpu.memory_space<vmem>>) semaphore(%run_scoped3A_733 : memref<!tpu.dma_semaphore, #tpu.memory_space<semaphore_mem>>)
          %dma_wait3A = arith.constant 1792 : i32
          %dma_wait3A_742 = arith.constant 0 : i32
          %dma_wait3A_743 = tpu.memref_slice %arg8[%dma_wait3A, %dma_wait3A_742] : memref<2064x4xf32, #tpu.memory_space<vmem>> -> memref<256x4xf32, #tpu.memory_space<vmem>>
          %dma_wait3A_744 = arith.constant 0 : i32
          %dma_wait3A_745 = tpu.memref_slice %arg12[%run_scoped3A_725, %dma_wait3A_744] : memref<8x256xi32, #tpu.memory_space<vmem>> -> memref<1x256xi32, #tpu.memory_space<vmem>>
          %dma_wait3A_746 = tpu.memref_squeeze %dma_wait3A_745 : memref<1x256xi32, #tpu.memory_space<vmem>> -> memref<256xi32, #tpu.memory_space<vmem>>
          %dma_wait3A_747 = arith.constant 0 : i32
          %dma_wait3A_748 = arith.constant 0 : i32
          %dma_wait3A_749 = tpu.memref_slice %arg4[%dma_wait3A_747, %dma_wait3A_748] : memref<102160x4xf32, #tpu.memory_space<hbm>> -> memref<102160x4xf32, #tpu.memory_space<hbm>>
          tpu.wait_indirect_dma semaphore(%run_scoped3A_733 : memref<!tpu.dma_semaphore, #tpu.memory_space<semaphore_mem>>) src(%dma_wait3A_749 : memref<102160x4xf32, #tpu.memory_space<hbm>>) dst(%dma_wait3A_743 : memref<256x4xf32, #tpu.memory_space<vmem>>)
          tpu.yield
        }) : () -> ()
        %run_scoped3A_726 = arith.constant 7 : i32
        "tpu.region"() ({
          %run_scoped3A_733 = tpu.sem_alloc : memref<!tpu.dma_semaphore, #tpu.memory_space<semaphore_mem>>
          %dma_start3A = arith.constant 1792 : i32
          %dma_start3A_734 = arith.constant 0 : i32
          %dma_start3A_735 = tpu.memref_slice %arg9[%dma_start3A, %dma_start3A_734] : memref<2064x4xf32, #tpu.memory_space<vmem>> -> memref<256x4xf32, #tpu.memory_space<vmem>>
          %dma_start3A_736 = arith.constant 0 : i32
          %dma_start3A_737 = tpu.memref_slice %arg12[%run_scoped3A_726, %dma_start3A_736] : memref<8x256xi32, #tpu.memory_space<vmem>> -> memref<1x256xi32, #tpu.memory_space<vmem>>
          %dma_start3A_738 = tpu.memref_squeeze %dma_start3A_737 : memref<1x256xi32, #tpu.memory_space<vmem>> -> memref<256xi32, #tpu.memory_space<vmem>>
          %dma_start3A_739 = arith.constant 0 : i32
          %dma_start3A_740 = arith.constant 0 : i32
          %dma_start3A_741 = tpu.memref_slice %arg5[%dma_start3A_739, %dma_start3A_740] : memref<102160x4xf32, #tpu.memory_space<hbm>> -> memref<102160x4xf32, #tpu.memory_space<hbm>>
          tpu.enqueue_indirect_dma source(%dma_start3A_741 : memref<102160x4xf32, #tpu.memory_space<hbm>>) target(%dma_start3A_735 : memref<256x4xf32, #tpu.memory_space<vmem>>) offsets(%dma_start3A_738 : memref<256xi32, #tpu.memory_space<vmem>>) semaphore(%run_scoped3A_733 : memref<!tpu.dma_semaphore, #tpu.memory_space<semaphore_mem>>)
          %dma_wait3A = arith.constant 1792 : i32
          %dma_wait3A_742 = arith.constant 0 : i32
          %dma_wait3A_743 = tpu.memref_slice %arg9[%dma_wait3A, %dma_wait3A_742] : memref<2064x4xf32, #tpu.memory_space<vmem>> -> memref<256x4xf32, #tpu.memory_space<vmem>>
          %dma_wait3A_744 = arith.constant 0 : i32
          %dma_wait3A_745 = tpu.memref_slice %arg12[%run_scoped3A_726, %dma_wait3A_744] : memref<8x256xi32, #tpu.memory_space<vmem>> -> memref<1x256xi32, #tpu.memory_space<vmem>>
          %dma_wait3A_746 = tpu.memref_squeeze %dma_wait3A_745 : memref<1x256xi32, #tpu.memory_space<vmem>> -> memref<256xi32, #tpu.memory_space<vmem>>
          %dma_wait3A_747 = arith.constant 0 : i32
          %dma_wait3A_748 = arith.constant 0 : i32
          %dma_wait3A_749 = tpu.memref_slice %arg5[%dma_wait3A_747, %dma_wait3A_748] : memref<102160x4xf32, #tpu.memory_space<hbm>> -> memref<102160x4xf32, #tpu.memory_space<hbm>>
          tpu.wait_indirect_dma semaphore(%run_scoped3A_733 : memref<!tpu.dma_semaphore, #tpu.memory_space<semaphore_mem>>) src(%dma_wait3A_749 : memref<102160x4xf32, #tpu.memory_space<hbm>>) dst(%dma_wait3A_743 : memref<256x4xf32, #tpu.memory_space<vmem>>)
          tpu.yield
        }) : () -> ()
        %scan3A = arith.constant 0 : i32
        %scan3A_727 = arith.constant 0 : i32
        %scan3A_728 = arith.constant 64 : i32
        %scan3A_729 = arith.addi %scan3A_727, %scan3A_728 : i32
        %scan3A_730 = arith.constant 2 : i32
        %scan3A_731 = scf.for %scan3A_733 = %scan3A_727 to %scan3A_729 step %scan3A_730 iter_args(%scan3A_734 = %scan3A) -> (i32)  : i32 {
          %mul3A_735 = arith.constant 16 : i32
          %mul3A_736 = arith.muli %scan3A_733, %mul3A_735 : i32
          %add3A_737 = arith.constant 0 : i32
          %add3A_738 = arith.addi %mul3A_736, %add3A_737 : i32
          %add3A_739 = vector.broadcast %add3A_738 : i32 to vector<16xi32>
          %add3A_740 = arith.addi %add3A_739, %div3A_4 : vector<16xi32>
          %mul3A_741 = arith.constant 64 : i32
          %mul3A_742 = arith.muli %scan3A_733, %mul3A_741 : i32
          %add3A_743 = arith.constant 0 : i32
          %add3A_744 = arith.addi %mul3A_742, %add3A_743 : i32
          %get3A_745 = arith.index_cast %add3A_744 : i32 to index
          %get3A_746 = tpu.vector_load %arg7[%get3A_745] {strides = array<i32>} : memref<4096xf32, #tpu.memory_space<vmem>>, vector<16xf32>,
          %div3A_747 = arith.constant 128 : i32
          %div3A_748 = vector.broadcast %div3A_747 : i32 to vector<16xi32>
          %div3A_749 = arith.divsi %add3A_740, %div3A_748 : vector<16xi32>
          %mul3A_750 = arith.constant 128 : i32
          %mul3A_751 = vector.broadcast %mul3A_750 : i32 to vector<16xi32>
          %mul3A_752 = arith.muli %div3A_749, %mul3A_751 : vector<16xi32>
          %add3A_753 = arith.addi %add3A_740, %mul3A_752 : vector<16xi32>
          %gather3A = tpu.vector_load_idx %arg8[%add3A_753, %rem3A_2] : memref<2064x4xf32, #tpu.memory_space<vmem>>[vector<16xi32>, vector<16xi32>], vector<16xf32>,
          %gather3A_754 = tpu.vector_load_idx %arg9[%add3A_753, %rem3A_2] : memref<2064x4xf32, #tpu.memory_space<vmem>>[vector<16xi32>, vector<16xi32>], vector<16xf32>,
          %mul3A_755 = arith.mulf %gather3A, %get3A_746 : vector<16xf32>
          %add3A_756 = arith.addf %mul3A_755, %gather3A_754 : vector<16xf32>
          %mul3A_757 = arith.constant 64 : i32
          %mul3A_758 = arith.muli %scan3A_733, %mul3A_757 : i32
          %add3A_759 = arith.constant 0 : i32
          %add3A_760 = arith.addi %mul3A_758, %add3A_759 : i32
          %swap3A_761 = arith.index_cast %add3A_760 : i32 to index
          %swap3A_762 = tpu.vector_load %arg10[%swap3A_761] {strides = array<i32>} : memref<4096xf32, #tpu.memory_space<vmem>>, vector<16xf32>,
          tpu.vector_store %arg10[%swap3A_761], %add3A_756 {strides = array<i32>} : memref<4096xf32, #tpu.memory_space<vmem>>, vector<16xf32>,
          %mul3A_763 = arith.constant 16 : i32
          %mul3A_764 = arith.muli %scan3A_733, %mul3A_763 : i32
          %add3A_765 = arith.constant 4 : i32
          %add3A_766 = arith.addi %mul3A_764, %add3A_765 : i32
          %add3A_767 = vector.broadcast %add3A_766 : i32 to vector<16xi32>
          %add3A_768 = arith.addi %add3A_767, %div3A_4 : vector<16xi32>
          %mul3A_769 = arith.constant 64 : i32
          %mul3A_770 = arith.muli %scan3A_733, %mul3A_769 : i32
          %add3A_771 = arith.constant 16 : i32
          %add3A_772 = arith.addi %mul3A_770, %add3A_771 : i32
          %get3A_773 = arith.index_cast %add3A_772 : i32 to index
          %get3A_774 = tpu.vector_load %arg7[%get3A_773] {strides = array<i32>} : memref<4096xf32, #tpu.memory_space<vmem>>, vector<16xf32>,
          %div3A_775 = arith.constant 128 : i32
          %div3A_776 = vector.broadcast %div3A_775 : i32 to vector<16xi32>
          %div3A_777 = arith.divsi %add3A_768, %div3A_776 : vector<16xi32>
          %mul3A_778 = arith.constant 128 : i32
          %mul3A_779 = vector.broadcast %mul3A_778 : i32 to vector<16xi32>
          %mul3A_780 = arith.muli %div3A_777, %mul3A_779 : vector<16xi32>
          %add3A_781 = arith.addi %add3A_768, %mul3A_780 : vector<16xi32>
          %gather3A_782 = tpu.vector_load_idx %arg8[%add3A_781, %rem3A_2] : memref<2064x4xf32, #tpu.memory_space<vmem>>[vector<16xi32>, vector<16xi32>], vector<16xf32>,
          %gather3A_783 = tpu.vector_load_idx %arg9[%add3A_781, %rem3A_2] : memref<2064x4xf32, #tpu.memory_space<vmem>>[vector<16xi32>, vector<16xi32>], vector<16xf32>,
          %mul3A_784 = arith.mulf %gather3A_782, %get3A_774 : vector<16xf32>
          %add3A_785 = arith.addf %mul3A_784, %gather3A_783 : vector<16xf32>
          %mul3A_786 = arith.constant 64 : i32
          %mul3A_787 = arith.muli %scan3A_733, %mul3A_786 : i32
          %add3A_788 = arith.constant 16 : i32
          %add3A_789 = arith.addi %mul3A_787, %add3A_788 : i32
          %swap3A_790 = arith.index_cast %add3A_789 : i32 to index
          %swap3A_791 = tpu.vector_load %arg10[%swap3A_790] {strides = array<i32>} : memref<4096xf32, #tpu.memory_space<vmem>>, vector<16xf32>,
          tpu.vector_store %arg10[%swap3A_790], %add3A_785 {strides = array<i32>} : memref<4096xf32, #tpu.memory_space<vmem>>, vector<16xf32>,
          %mul3A_792 = arith.constant 16 : i32
          %mul3A_793 = arith.muli %scan3A_733, %mul3A_792 : i32
          %add3A_794 = arith.constant 8 : i32
          %add3A_795 = arith.addi %mul3A_793, %add3A_794 : i32
          %add3A_796 = vector.broadcast %add3A_795 : i32 to vector<16xi32>
          %add3A_797 = arith.addi %add3A_796, %div3A_4 : vector<16xi32>
          %mul3A_798 = arith.constant 64 : i32
          %mul3A_799 = arith.muli %scan3A_733, %mul3A_798 : i32
          %add3A_800 = arith.constant 32 : i32
          %add3A_801 = arith.addi %mul3A_799, %add3A_800 : i32
          %get3A_802 = arith.index_cast %add3A_801 : i32 to index
          %get3A_803 = tpu.vector_load %arg7[%get3A_802] {strides = array<i32>} : memref<4096xf32, #tpu.memory_space<vmem>>, vector<16xf32>,
          %div3A_804 = arith.constant 128 : i32
          %div3A_805 = vector.broadcast %div3A_804 : i32 to vector<16xi32>
          %div3A_806 = arith.divsi %add3A_797, %div3A_805 : vector<16xi32>
          %mul3A_807 = arith.constant 128 : i32
          %mul3A_808 = vector.broadcast %mul3A_807 : i32 to vector<16xi32>
          %mul3A_809 = arith.muli %div3A_806, %mul3A_808 : vector<16xi32>
          %add3A_810 = arith.addi %add3A_797, %mul3A_809 : vector<16xi32>
          %gather3A_811 = tpu.vector_load_idx %arg8[%add3A_810, %rem3A_2] : memref<2064x4xf32, #tpu.memory_space<vmem>>[vector<16xi32>, vector<16xi32>], vector<16xf32>,
          %gather3A_812 = tpu.vector_load_idx %arg9[%add3A_810, %rem3A_2] : memref<2064x4xf32, #tpu.memory_space<vmem>>[vector<16xi32>, vector<16xi32>], vector<16xf32>,
          %mul3A_813 = arith.mulf %gather3A_811, %get3A_803 : vector<16xf32>
          %add3A_814 = arith.addf %mul3A_813, %gather3A_812 : vector<16xf32>
          %mul3A_815 = arith.constant 64 : i32
          %mul3A_816 = arith.muli %scan3A_733, %mul3A_815 : i32
          %add3A_817 = arith.constant 32 : i32
          %add3A_818 = arith.addi %mul3A_816, %add3A_817 : i32
          %swap3A_819 = arith.index_cast %add3A_818 : i32 to index
          %swap3A_820 = tpu.vector_load %arg10[%swap3A_819] {strides = array<i32>} : memref<4096xf32, #tpu.memory_space<vmem>>, vector<16xf32>,
          tpu.vector_store %arg10[%swap3A_819], %add3A_814 {strides = array<i32>} : memref<4096xf32, #tpu.memory_space<vmem>>, vector<16xf32>,
          %mul3A_821 = arith.constant 16 : i32
          %mul3A_822 = arith.muli %scan3A_733, %mul3A_821 : i32
          %add3A_823 = arith.constant 12 : i32
          %add3A_824 = arith.addi %mul3A_822, %add3A_823 : i32
          %add3A_825 = vector.broadcast %add3A_824 : i32 to vector<16xi32>
          %add3A_826 = arith.addi %add3A_825, %div3A_4 : vector<16xi32>
          %mul3A_827 = arith.constant 64 : i32
          %mul3A_828 = arith.muli %scan3A_733, %mul3A_827 : i32
          %add3A_829 = arith.constant 48 : i32
          %add3A_830 = arith.addi %mul3A_828, %add3A_829 : i32
          %get3A_831 = arith.index_cast %add3A_830 : i32 to index
          %get3A_832 = tpu.vector_load %arg7[%get3A_831] {strides = array<i32>} : memref<4096xf32, #tpu.memory_space<vmem>>, vector<16xf32>,
          %div3A_833 = arith.constant 128 : i32
          %div3A_834 = vector.broadcast %div3A_833 : i32 to vector<16xi32>
          %div3A_835 = arith.divsi %add3A_826, %div3A_834 : vector<16xi32>
          %mul3A_836 = arith.constant 128 : i32
          %mul3A_837 = vector.broadcast %mul3A_836 : i32 to vector<16xi32>
          %mul3A_838 = arith.muli %div3A_835, %mul3A_837 : vector<16xi32>
          %add3A_839 = arith.addi %add3A_826, %mul3A_838 : vector<16xi32>
          %gather3A_840 = tpu.vector_load_idx %arg8[%add3A_839, %rem3A_2] : memref<2064x4xf32, #tpu.memory_space<vmem>>[vector<16xi32>, vector<16xi32>], vector<16xf32>,
          %gather3A_841 = tpu.vector_load_idx %arg9[%add3A_839, %rem3A_2] : memref<2064x4xf32, #tpu.memory_space<vmem>>[vector<16xi32>, vector<16xi32>], vector<16xf32>,
          %mul3A_842 = arith.mulf %gather3A_840, %get3A_832 : vector<16xf32>
          %add3A_843 = arith.addf %mul3A_842, %gather3A_841 : vector<16xf32>
          %mul3A_844 = arith.constant 64 : i32
          %mul3A_845 = arith.muli %scan3A_733, %mul3A_844 : i32
          %add3A_846 = arith.constant 48 : i32
          %add3A_847 = arith.addi %mul3A_845, %add3A_846 : i32
          %swap3A_848 = arith.index_cast %add3A_847 : i32 to index
          %swap3A_849 = tpu.vector_load %arg10[%swap3A_848] {strides = array<i32>} : memref<4096xf32, #tpu.memory_space<vmem>>, vector<16xf32>,
          tpu.vector_store %arg10[%swap3A_848], %add3A_843 {strides = array<i32>} : memref<4096xf32, #tpu.memory_space<vmem>>, vector<16xf32>,
          %scan3A_850 = arith.constant 0 : i32
          %scan3A_851 = arith.constant 1 : i32
          %scan3A_852 = arith.addi %scan3A_733, %scan3A_851 : i32
          %mul3A_853 = arith.constant 16 : i32
          %mul3A_854 = arith.muli %scan3A_852, %mul3A_853 : i32
          %add3A_855 = arith.constant 0 : i32
          %add3A_856 = arith.addi %mul3A_854, %add3A_855 : i32
          %add3A_857 = vector.broadcast %add3A_856 : i32 to vector<16xi32>
          %add3A_858 = arith.addi %add3A_857, %div3A_4 : vector<16xi32>
          %mul3A_859 = arith.constant 64 : i32
          %mul3A_860 = arith.muli %scan3A_852, %mul3A_859 : i32
          %add3A_861 = arith.constant 0 : i32
          %add3A_862 = arith.addi %mul3A_860, %add3A_861 : i32
          %get3A_863 = arith.index_cast %add3A_862 : i32 to index
          %get3A_864 = tpu.vector_load %arg7[%get3A_863] {strides = array<i32>} : memref<4096xf32, #tpu.memory_space<vmem>>, vector<16xf32>,
          %div3A_865 = arith.constant 128 : i32
          %div3A_866 = vector.broadcast %div3A_865 : i32 to vector<16xi32>
          %div3A_867 = arith.divsi %add3A_858, %div3A_866 : vector<16xi32>
          %mul3A_868 = arith.constant 128 : i32
          %mul3A_869 = vector.broadcast %mul3A_868 : i32 to vector<16xi32>
          %mul3A_870 = arith.muli %div3A_867, %mul3A_869 : vector<16xi32>
          %add3A_871 = arith.addi %add3A_858, %mul3A_870 : vector<16xi32>
          %gather3A_872 = tpu.vector_load_idx %arg8[%add3A_871, %rem3A_2] : memref<2064x4xf32, #tpu.memory_space<vmem>>[vector<16xi32>, vector<16xi32>], vector<16xf32>,
          %gather3A_873 = tpu.vector_load_idx %arg9[%add3A_871, %rem3A_2] : memref<2064x4xf32, #tpu.memory_space<vmem>>[vector<16xi32>, vector<16xi32>], vector<16xf32>,
          %mul3A_874 = arith.mulf %gather3A_872, %get3A_864 : vector<16xf32>
          %add3A_875 = arith.addf %mul3A_874, %gather3A_873 : vector<16xf32>
          %mul3A_876 = arith.constant 64 : i32
          %mul3A_877 = arith.muli %scan3A_852, %mul3A_876 : i32
          %add3A_878 = arith.constant 0 : i32
          %add3A_879 = arith.addi %mul3A_877, %add3A_878 : i32
          %swap3A_880 = arith.index_cast %add3A_879 : i32 to index
          %swap3A_881 = tpu.vector_load %arg10[%swap3A_880] {strides = array<i32>} : memref<4096xf32, #tpu.memory_space<vmem>>, vector<16xf32>,
          tpu.vector_store %arg10[%swap3A_880], %add3A_875 {strides = array<i32>} : memref<4096xf32, #tpu.memory_space<vmem>>, vector<16xf32>,
          %mul3A_882 = arith.constant 16 : i32
          %mul3A_883 = arith.muli %scan3A_852, %mul3A_882 : i32
          %add3A_884 = arith.constant 4 : i32
          %add3A_885 = arith.addi %mul3A_883, %add3A_884 : i32
          %add3A_886 = vector.broadcast %add3A_885 : i32 to vector<16xi32>
          %add3A_887 = arith.addi %add3A_886, %div3A_4 : vector<16xi32>
          %mul3A_888 = arith.constant 64 : i32
          %mul3A_889 = arith.muli %scan3A_852, %mul3A_888 : i32
          %add3A_890 = arith.constant 16 : i32
          %add3A_891 = arith.addi %mul3A_889, %add3A_890 : i32
          %get3A_892 = arith.index_cast %add3A_891 : i32 to index
          %get3A_893 = tpu.vector_load %arg7[%get3A_892] {strides = array<i32>} : memref<4096xf32, #tpu.memory_space<vmem>>, vector<16xf32>,
          %div3A_894 = arith.constant 128 : i32
          %div3A_895 = vector.broadcast %div3A_894 : i32 to vector<16xi32>
          %div3A_896 = arith.divsi %add3A_887, %div3A_895 : vector<16xi32>
          %mul3A_897 = arith.constant 128 : i32
          %mul3A_898 = vector.broadcast %mul3A_897 : i32 to vector<16xi32>
          %mul3A_899 = arith.muli %div3A_896, %mul3A_898 : vector<16xi32>
          %add3A_900 = arith.addi %add3A_887, %mul3A_899 : vector<16xi32>
          %gather3A_901 = tpu.vector_load_idx %arg8[%add3A_900, %rem3A_2] : memref<2064x4xf32, #tpu.memory_space<vmem>>[vector<16xi32>, vector<16xi32>], vector<16xf32>,
          %gather3A_902 = tpu.vector_load_idx %arg9[%add3A_900, %rem3A_2] : memref<2064x4xf32, #tpu.memory_space<vmem>>[vector<16xi32>, vector<16xi32>], vector<16xf32>,
          %mul3A_903 = arith.mulf %gather3A_901, %get3A_893 : vector<16xf32>
          %add3A_904 = arith.addf %mul3A_903, %gather3A_902 : vector<16xf32>
          %mul3A_905 = arith.constant 64 : i32
          %mul3A_906 = arith.muli %scan3A_852, %mul3A_905 : i32
          %add3A_907 = arith.constant 16 : i32
          %add3A_908 = arith.addi %mul3A_906, %add3A_907 : i32
          %swap3A_909 = arith.index_cast %add3A_908 : i32 to index
          %swap3A_910 = tpu.vector_load %arg10[%swap3A_909] {strides = array<i32>} : memref<4096xf32, #tpu.memory_space<vmem>>, vector<16xf32>,
          tpu.vector_store %arg10[%swap3A_909], %add3A_904 {strides = array<i32>} : memref<4096xf32, #tpu.memory_space<vmem>>, vector<16xf32>,
          %mul3A_911 = arith.constant 16 : i32
          %mul3A_912 = arith.muli %scan3A_852, %mul3A_911 : i32
          %add3A_913 = arith.constant 8 : i32
          %add3A_914 = arith.addi %mul3A_912, %add3A_913 : i32
          %add3A_915 = vector.broadcast %add3A_914 : i32 to vector<16xi32>
          %add3A_916 = arith.addi %add3A_915, %div3A_4 : vector<16xi32>
          %mul3A_917 = arith.constant 64 : i32
          %mul3A_918 = arith.muli %scan3A_852, %mul3A_917 : i32
          %add3A_919 = arith.constant 32 : i32
          %add3A_920 = arith.addi %mul3A_918, %add3A_919 : i32
          %get3A_921 = arith.index_cast %add3A_920 : i32 to index
          %get3A_922 = tpu.vector_load %arg7[%get3A_921] {strides = array<i32>} : memref<4096xf32, #tpu.memory_space<vmem>>, vector<16xf32>,
          %div3A_923 = arith.constant 128 : i32
          %div3A_924 = vector.broadcast %div3A_923 : i32 to vector<16xi32>
          %div3A_925 = arith.divsi %add3A_916, %div3A_924 : vector<16xi32>
          %mul3A_926 = arith.constant 128 : i32
          %mul3A_927 = vector.broadcast %mul3A_926 : i32 to vector<16xi32>
          %mul3A_928 = arith.muli %div3A_925, %mul3A_927 : vector<16xi32>
          %add3A_929 = arith.addi %add3A_916, %mul3A_928 : vector<16xi32>
          %gather3A_930 = tpu.vector_load_idx %arg8[%add3A_929, %rem3A_2] : memref<2064x4xf32, #tpu.memory_space<vmem>>[vector<16xi32>, vector<16xi32>], vector<16xf32>,
          %gather3A_931 = tpu.vector_load_idx %arg9[%add3A_929, %rem3A_2] : memref<2064x4xf32, #tpu.memory_space<vmem>>[vector<16xi32>, vector<16xi32>], vector<16xf32>,
          %mul3A_932 = arith.mulf %gather3A_930, %get3A_922 : vector<16xf32>
          %add3A_933 = arith.addf %mul3A_932, %gather3A_931 : vector<16xf32>
          %mul3A_934 = arith.constant 64 : i32
          %mul3A_935 = arith.muli %scan3A_852, %mul3A_934 : i32
          %add3A_936 = arith.constant 32 : i32
          %add3A_937 = arith.addi %mul3A_935, %add3A_936 : i32
          %swap3A_938 = arith.index_cast %add3A_937 : i32 to index
          %swap3A_939 = tpu.vector_load %arg10[%swap3A_938] {strides = array<i32>} : memref<4096xf32, #tpu.memory_space<vmem>>, vector<16xf32>,
          tpu.vector_store %arg10[%swap3A_938], %add3A_933 {strides = array<i32>} : memref<4096xf32, #tpu.memory_space<vmem>>, vector<16xf32>,
          %mul3A_940 = arith.constant 16 : i32
          %mul3A_941 = arith.muli %scan3A_852, %mul3A_940 : i32
          %add3A_942 = arith.constant 12 : i32
          %add3A_943 = arith.addi %mul3A_941, %add3A_942 : i32
          %add3A_944 = vector.broadcast %add3A_943 : i32 to vector<16xi32>
          %add3A_945 = arith.addi %add3A_944, %div3A_4 : vector<16xi32>
          %mul3A_946 = arith.constant 64 : i32
          %mul3A_947 = arith.muli %scan3A_852, %mul3A_946 : i32
          %add3A_948 = arith.constant 48 : i32
          %add3A_949 = arith.addi %mul3A_947, %add3A_948 : i32
          %get3A_950 = arith.index_cast %add3A_949 : i32 to index
          %get3A_951 = tpu.vector_load %arg7[%get3A_950] {strides = array<i32>} : memref<4096xf32, #tpu.memory_space<vmem>>, vector<16xf32>,
          %div3A_952 = arith.constant 128 : i32
          %div3A_953 = vector.broadcast %div3A_952 : i32 to vector<16xi32>
          %div3A_954 = arith.divsi %add3A_945, %div3A_953 : vector<16xi32>
          %mul3A_955 = arith.constant 128 : i32
          %mul3A_956 = vector.broadcast %mul3A_955 : i32 to vector<16xi32>
          %mul3A_957 = arith.muli %div3A_954, %mul3A_956 : vector<16xi32>
          %add3A_958 = arith.addi %add3A_945, %mul3A_957 : vector<16xi32>
          %gather3A_959 = tpu.vector_load_idx %arg8[%add3A_958, %rem3A_2] : memref<2064x4xf32, #tpu.memory_space<vmem>>[vector<16xi32>, vector<16xi32>], vector<16xf32>,
          %gather3A_960 = tpu.vector_load_idx %arg9[%add3A_958, %rem3A_2] : memref<2064x4xf32, #tpu.memory_space<vmem>>[vector<16xi32>, vector<16xi32>], vector<16xf32>,
          %mul3A_961 = arith.mulf %gather3A_959, %get3A_951 : vector<16xf32>
          %add3A_962 = arith.addf %mul3A_961, %gather3A_960 : vector<16xf32>
          %mul3A_963 = arith.constant 64 : i32
          %mul3A_964 = arith.muli %scan3A_852, %mul3A_963 : i32
          %add3A_965 = arith.constant 48 : i32
          %add3A_966 = arith.addi %mul3A_964, %add3A_965 : i32
          %swap3A_967 = arith.index_cast %add3A_966 : i32 to index
          %swap3A_968 = tpu.vector_load %arg10[%swap3A_967] {strides = array<i32>} : memref<4096xf32, #tpu.memory_space<vmem>>, vector<16xf32>,
          tpu.vector_store %arg10[%swap3A_967], %add3A_962 {strides = array<i32>} : memref<4096xf32, #tpu.memory_space<vmem>>, vector<16xf32>,
          %scan3A_969 = arith.constant 0 : i32
          scf.yield %scan3A_969 : i32
        }
        %scan3A_732 = arith.constant 64 : i32
      } else {
      }
      %mul3A_323 = arith.constant 1024 : i32
      %mul3A_324 = arith.muli %add3A_279, %mul3A_323 : i32
      %mul3A_325 = arith.constant 4 : i32
      %mul3A_326 = arith.muli %mul3A_324, %mul3A_325 : i32
      "tpu.region"() ({
        %run_scoped3A = tpu.sem_alloc : memref<!tpu.dma_semaphore, #tpu.memory_space<semaphore_mem>>
        %dma_start3A = tpu.memref_slice %arg6[%mul3A_326] : memref<12800000xf32, #tpu.memory_space<hbm>> -> memref<4096xf32, #tpu.memory_space<hbm>>
        %dma_start3A_328 = tpu.memref_slice %arg6[%mul3A_326] : memref<12800000xf32, #tpu.memory_space<hbm>> -> memref<4096xf32, #tpu.memory_space<hbm>>
        tpu.enqueue_dma source(%arg10 : memref<4096xf32, #tpu.memory_space<vmem>>) target(%dma_start3A_328 : memref<4096xf32, #tpu.memory_space<hbm>>) target_semaphore(%run_scoped3A : memref<!tpu.dma_semaphore, #tpu.memory_space<semaphore_mem>>)
        %dma_wait3A = tpu.memref_slice %arg6[%mul3A_326] : memref<12800000xf32, #tpu.memory_space<hbm>> -> memref<4096xf32, #tpu.memory_space<hbm>>
        %dma_wait3A_329 = tpu.memref_slice %arg6[%mul3A_326] : memref<12800000xf32, #tpu.memory_space<hbm>> -> memref<4096xf32, #tpu.memory_space<hbm>>
        tpu.wait_dma2 semaphore(%run_scoped3A : memref<!tpu.dma_semaphore, #tpu.memory_space<semaphore_mem>>) src(%arg10 : memref<4096xf32, #tpu.memory_space<vmem>>) dst(%dma_wait3A_329 : memref<4096xf32, #tpu.memory_space<hbm>>)
        tpu.yield
      }) : () -> ()
      %while3A_327 = arith.constant 0 : i32
      scf.yield %while3A_327 : i32
    }
    return
  }
}

module attributes {stable_mosaic.version = 14 : i64} {
  func.func @_phase_b_body(%arg0: memref<3128x128xf32, #tpu.memory_space<vmem>>, %arg1: memref<3128x128xf32, #tpu.memory_space<vmem>>, %arg2: memref<3128x128xf32, #tpu.memory_space<vmem>>, %arg3: memref<1x128xf32, #tpu.memory_space<vmem>>, %arg4: memref<1x128xf32, #tpu.memory_space<vmem>>, %arg5: memref<3128x128xf32, #tpu.memory_space<vmem>>, %arg6: memref<3128x128xf32, #tpu.memory_space<vmem>>) attributes {dimension_semantics = [], scalar_prefetch = 0 : i64, scratch_operands = 0 : i64, tpu.core_type = #tpu.core_type<tc>} {
    %get3A = arith.constant 0 : index
    %get3A_0 = arith.constant 0 : index
    %get3A_1 = vector.load %arg0[%get3A, %get3A_0] : memref<3128x128xf32, #tpu.memory_space<vmem>>, vector<3128x128xf32>
    %get3A_2 = arith.constant 0 : index
    %get3A_3 = arith.constant 0 : index
    %get3A_4 = vector.load %arg1[%get3A_2, %get3A_3] : memref<3128x128xf32, #tpu.memory_space<vmem>>, vector<3128x128xf32>
    %get3A_5 = arith.constant 0 : index
    %get3A_6 = arith.constant 0 : index
    %get3A_7 = vector.load %arg2[%get3A_5, %get3A_6] : memref<3128x128xf32, #tpu.memory_space<vmem>>, vector<3128x128xf32>
    %max3A = arith.constant 1.000000e+00 : f32
    %max3A_8 = vector.broadcast %max3A : f32 to vector<3128x128xf32>
    %max3A_9 = arith.maximumf %get3A_7, %max3A_8 : vector<3128x128xf32>
    %div3A = arith.divf %get3A_1, %max3A_9 : vector<3128x128xf32>
    %mul3A = arith.mulf %get3A_7, %div3A : vector<3128x128xf32>
    %mul3A_10 = arith.mulf %mul3A, %div3A : vector<3128x128xf32>
    %sub3A = arith.subf %get3A_4, %mul3A_10 : vector<3128x128xf32>
    %max3A_11 = arith.constant 0.000000e+00 : f32
    %max3A_12 = vector.broadcast %max3A_11 : f32 to vector<3128x128xf32>
    %max3A_13 = arith.maximumf %sub3A, %max3A_12 : vector<3128x128xf32>
    %max3A_14 = arith.constant 1.000000e+00 : f32
    %max3A_15 = vector.broadcast %max3A_14 : f32 to vector<3128x128xf32>
    %max3A_16 = arith.maximumf %get3A_7, %max3A_15 : vector<3128x128xf32>
    %div3A_17 = arith.divf %max3A_13, %max3A_16 : vector<3128x128xf32>
    %sqrt3A = math.sqrt %div3A_17 : vector<3128x128xf32>
    %max3A_18 = arith.constant 9.99999974E-6 : f32
    %max3A_19 = vector.broadcast %max3A_18 : f32 to vector<3128x128xf32>
    %max3A_20 = arith.maximumf %sqrt3A, %max3A_19 : vector<3128x128xf32>
    %div3A_21 = arith.constant 1.000000e+00 : f32
    %div3A_22 = vector.broadcast %div3A_21 : f32 to vector<3128x128xf32>
    %div3A_23 = arith.divf %div3A_22, %max3A_20 : vector<3128x128xf32>
    %get3A_24 = arith.constant 0 : index
    %get3A_25 = arith.constant 0 : index
    %get3A_26 = vector.load %arg3[%get3A_24, %get3A_25] : memref<1x128xf32, #tpu.memory_space<vmem>>, vector<1x128xf32>
    %mul3A_27 = vector.broadcast %get3A_26 : vector<1x128xf32> to vector<3128x128xf32>
    %mul3A_28 = arith.mulf %mul3A_27, %div3A_23 : vector<3128x128xf32>
    %swap3A = arith.constant 0 : index
    %swap3A_29 = arith.constant 0 : index
    %swap3A_30 = vector.load %arg5[%swap3A, %swap3A_29] : memref<3128x128xf32, #tpu.memory_space<vmem>>, vector<3128x128xf32>
    tpu.vector_store %arg5[%swap3A, %swap3A_29], %mul3A_28 {strides = array<i32>} : memref<3128x128xf32, #tpu.memory_space<vmem>>, vector<3128x128xf32>,
    %get3A_31 = arith.constant 0 : index
    %get3A_32 = arith.constant 0 : index
    %get3A_33 = vector.load %arg4[%get3A_31, %get3A_32] : memref<1x128xf32, #tpu.memory_space<vmem>>, vector<1x128xf32>
    %mul3A_34 = arith.mulf %div3A, %mul3A_28 : vector<3128x128xf32>
    %sub3A_35 = vector.broadcast %get3A_33 : vector<1x128xf32> to vector<3128x128xf32>
    %sub3A_36 = arith.subf %sub3A_35, %mul3A_34 : vector<3128x128xf32>
    %swap3A_37 = arith.constant 0 : index
    %swap3A_38 = arith.constant 0 : index
    %swap3A_39 = vector.load %arg6[%swap3A_37, %swap3A_38] : memref<3128x128xf32, #tpu.memory_space<vmem>>, vector<3128x128xf32>
    tpu.vector_store %arg6[%swap3A_37, %swap3A_38], %sub3A_36 {strides = array<i32>} : memref<3128x128xf32, #tpu.memory_space<vmem>>, vector<3128x128xf32>,
    return
  }
}

</mosaic_0001>

<sc_bundles>
// kernel: kernel.5.cloned.1.call-start
scs
__scs_entry_jumppad:
0x0: {  	(pc) =	sbr.rel $0x88, $3  }
0x1: {  	(tag) =	ssettag $0x0;
	lr =	simm.s32 $0x1  }
0x2: {  	[smem:$0x3F9D] =	sst lr;
	_ =	strace $0xD0000000  }
0x3: {  	_ = 	snop  }
0x4: {  	_ = 	snop  }
0x5: {  	_ = 	snop  }
0x6: {  	_ = 	snop  }
0x7: {  	_ = 	snop  }
__scs_overlays_trampoline_lowered:
0x8: {  	[smem:$0x3FAC] =	sst s0  }
0x9: {  	[smem:$0x3FAD] =	sst s1  }
0xa: {  	[smem:$0x3FAE] =	sst s2  }
0xb: {  	[smem:$0x3FAF] =	sst s3  }
0xc: {  	[smem:$0x3FB0] =	sst s4  }
0xd: {  	[smem:$0x3FB1] =	sst s5  }
0xe: {  	[smem:$0x3FB2] =	sst s6  }
0xf: {  	[smem:$0x3FB3] =	sst s7  }
0x10: {  	[smem:$0x3FB4] =	sst s8  }
0x11: {  	[smem:$0x3FB5] =	sst s9;
	s0 =	simm.s32 @!p0 $0x0  }
0x12: {  	s1 =	sld [smem:$0x3F9B];
	s0 =	simm.s32 @p0 $0x1  }
0x13: {  	[smem:$0x3FB6] =	sst s0;
	s0 =	simm.s32 @!p1 $0x0  }
0x14: {  	s2 =	sld [smem:$0x3F9A];
	s0 =	simm.s32 @p1 $0x1  }
0x15: {  	[smem:$0x3FB7] =	sst s0;
	s0 =	simm.s32 @!p2 $0x0  }
0x16: {  	s3 =	sld [smem:$0x3FDB];
	s0 =	simm.s32 @p2 $0x1  }
0x17: {  	s4 =	simm.s32 $0x1BF5;
	[smem:$0x3FB9] =	sst s0  }
0x18: {  	s0 =	sld [smem:$0x3F9C];
	_ =	swait.ge [sflag:s4], $0x0  }
0x19: {  	s7 =	sld [smem:$0x3F9D]  }
0x1a: {  	s8 =	sadd.s32 $0xFFFFE003, lr  }
0x1b: {  	s9 =	sadd.s32 $0xFFFFFEF7, lr;
	s5 =	simm.s32 $0xFFFFFFFF;
	p2 =	slt.u32 s8, $0xFFFFF086  }
0x1c: {  	p1 =	slt.u32 s9, $0xF7A;
	s5 =	simm.s32 @!p2 $0x0  }
0x1d: {  	s5 =	simm.s32 @p1 $0x1;
	p0 =	seq.s32 s7, s2  }
0x1e: {  	s7 =	smul.u32 @!p0 $0xF7A, s2;
	p2 =	seq.s32 @!p0 s5, $0x0  }
0x1f: {  	s9 =	smul.u32 $0xF7A, s1;
	s8 =	simm.s32 @!p0 $0x1BF5;
	p2 =	por !p2, p0  }
0x20: {  	[sflag:s8] =	ssyncset.s32 @!p0 $0xFFFFF086;
	s6 =	sadd.s32 @!p0 s3, s7;
	s7 =	simm.s32 @!p0 $0x108  }
0x21: {  	s3 =	sadd.s32 s3, s9;
	s6 =	sadd.s32 @!p0 $0x88, s6;
	s7 =	simm.s32 @p2 $0x1082  }
0x22: {  	[simem:s7], [sflag:s8] =	dma.local @!p0 [hbm:s6], $0xF7A  }
0x23: {  	s9 =	sor.u32 $0xD0000000, s2;
	s6 =	simm.s32 $0x108;
	_ =	swait.ge @!p0 [sflag:s8], $0x0  }
0x24: {  	s3 =	sadd.s32 $0x88, s3;
	s6 =	simm.s32 @!p1 $0x1082;
	[sflag:s4] =	ssyncset.s32 $0xFFFFF086  }
0x25: {  	[simem:s6], [sflag:s4] =	dma.local [hbm:s3], $0xF7A  }
0x26: {  	[smem:$0x3F9D] =	sst s1;
	(tag) =	ssettag s2;
	_ =	strace s9  }
0x27: {  	s1 =	sld [smem:$0x3FAD]  }
0x28: {  	s2 =	sld [smem:$0x3FAE]  }
0x29: {  	s4 =	sld [smem:$0x3FB0]  }
0x2a: {  	p0 =	seq.s32 s5, $0x0;
	s5 =	sld [smem:$0x3FB1]  }
0x2b: {  	s6 =	sld [smem:$0x3FB2]  }
0x2c: {  	s7 =	sld [smem:$0x3FB3]  }
0x2d: {  	s3 =	simm.s32 $0x108;
	s8 =	sld [smem:$0x3FB4]  }
0x2e: {  	s3 =	simm.s32 @!p0 $0x1082;
	s9 =	sld [smem:$0x3FB5]  }
0x2f: {  	lr =	sadd.s32 s0, s3;
	s0 =	sld [smem:$0x3FAC]  }
0x30: {  	s3 =	sld [smem:$0x3FAF]  }
0x31: {  	[smem:$0x3FB8] =	sst s10  }
0x32: {  	s10 =	sld [smem:$0x3FB6];
	_ =	sdelay $0x3  }
0x33: {  	p0 =	seq.s32 s10, $0x1;
	s10 =	sld [smem:$0x3FB8];
	_ =	sdelay $0x3  }
0x34: {  	[smem:$0x3FB8] =	sst s10  }
0x35: {  	s10 =	sld [smem:$0x3FB7];
	_ =	sdelay $0x3  }
0x36: {  	p1 =	seq.s32 s10, $0x1;
	s10 =	sld [smem:$0x3FB8];
	_ =	sdelay $0x3  }
0x37: {  	[smem:$0x3FB8] =	sst s10  }
0x38: {  	s10 =	sld [smem:$0x3FB9]  }
0x39: {  	_ = 	snop;
	(pc) =	sbr.ind lr, $3  }
0x3a: {  	_ = 	snop  }
0x3b: {  	_ = 	snop  }
0x3c: {  	p2 =	seq.s32 s10, $0x1;
	s10 =	sld [smem:$0x3FB8]  }
0x3d: {  	_ =	shalt  }
0x3e: {  	_ =	shalt  }
0x3f: {  	_ =	shalt  }
0x40: {  	_ =	shalt  }
0x41: {  	_ =	shalt  }
0x42: {  	_ =	shalt  }
0x43: {  	_ =	shalt  }
0x44: {  	_ =	shalt  }
0x45: {  	_ =	shalt  }
0x46: {  	_ =	shalt  }
0x47: {  	_ =	shalt  }
0x48: {  	_ =	shalt  }
0x49: {  	_ =	shalt  }
0x4a: {  	_ =	shalt  }
0x4b: {  	_ =	shalt  }
0x4c: {  	_ =	shalt  }
0x4d: {  	_ =	shalt  }
0x4e: {  	_ =	shalt  }
0x4f: {  	_ =	shalt  }
0x50: {  	_ =	shalt  }
0x51: {  	_ =	shalt  }
0x52: {  	_ =	shalt  }
0x53: {  	_ =	shalt  }
0x54: {  	_ =	shalt  }
0x55: {  	_ =	shalt  }
0x56: {  	_ =	shalt  }
0x57: {  	_ =	shalt  }
0x58: {  	_ =	shalt  }
0x59: {  	_ =	shalt  }
0x5a: {  	_ =	shalt  }
0x5b: {  	_ =	shalt  }
0x5c: {  	_ =	shalt  }
0x5d: {  	_ =	shalt  }
0x5e: {  	_ =	shalt  }
0x5f: {  	_ =	shalt  }
0x60: {  	_ =	shalt  }
0x61: {  	_ =	shalt  }
0x62: {  	_ =	shalt  }
0x63: {  	_ =	shalt  }
0x64: {  	_ =	shalt  }
0x65: {  	_ =	shalt  }
0x66: {  	_ =	shalt  }
0x67: {  	_ =	shalt  }
0x68: {  	_ =	shalt  }
0x69: {  	_ =	shalt  }
0x6a: {  	_ =	shalt  }
0x6b: {  	_ =	shalt  }
0x6c: {  	_ =	shalt  }
0x6d: {  	_ =	shalt  }
0x6e: {  	_ =	shalt  }
0x6f: {  	_ =	shalt  }
0x70: {  	_ =	shalt  }
0x71: {  	_ =	shalt  }
0x72: {  	_ =	shalt  }
0x73: {  	_ =	shalt  }
0x74: {  	_ =	shalt  }
0x75: {  	_ =	shalt  }
0x76: {  	_ =	shalt  }
0x77: {  	_ =	shalt  }
0x78: {  	_ =	shalt  }
0x79: {  	_ =	shalt  }
0x7a: {  	_ =	shalt  }
0x7b: {  	_ =	shalt  }
0x7c: {  	_ =	shalt  }
0x7d: {  	_ =	shalt  }
0x7e: {  	_ =	shalt  }
0x7f: {  	_ =	shalt  }
0x80: {  	_ =	shalt  }
0x81: {  	_ =	shalt  }
0x82: {  	_ =	shalt  }
0x83: {  	_ =	shalt  }
0x84: {  	_ =	shalt  }
0x85: {  	_ =	shalt  }
0x86: {  	_ =	shalt  }
0x87: {  	_ =	shalt  }
.Lfunc_end0:
.L_simem_size_0:
called_computation.1_lowered:
.L_overlay_start_0:
0x88: {  	s2 =	sld [smem:$0x3FD9]  }
0x89: {  	s3 =	sld [smem:$0x3FFE];
	_ =	sdelay $0x1  }
0x8a: {  	s1 =	srdreg.scid  }
0x8b: {  	s0 =	sand.u32 $0x1, s1  }
0x8c: {  	s17 =	sshll.u32 s0, $0xA;
	s2 =	sadd.s32 s3, s2  }
0x8d: {  	s2 =	sadd.s32 s2, s17  }
0x8e: {  	[smem:$0x3FC4] =	sst s2  }
0x8f: {  	_ = 	snop  }
0x90: {  	s2 =	sld [smem:$0x3FC8]  }
0x91: {  	s18 =	sld [smem:$0x3FD0];
	(tm) =	ssettm $0x1  }
0x92: {  	s4 =	sld [smem:$0x3FFB];
	_ =	sdelay $0x3  }
0x93: {  	_ =	strace s4  }
0x94: {  	s4 =	sld [smem:$0x3FFC];
	_ =	sdelay $0x3  }
0x95: {  	_ =	strace s4  }
0x96: {  	s4 =	sld [smem:$0x3FFD];
	_ =	sdelay $0x3  }
0x97: {  	_ =	strace s4  }
0x98: {  	_ =	strace $0x8FFFFFFF  }
0x99: {  	s19 =	sld [smem:$0x3FDB];
	_ =	sdelay $0x1  }
0x9a: {  	s5 =	simm.s32 $_scs_section_size  }
0x9b: {  	s6 =	simm.s32 $_size__tile_overlayer_lowered;
	s7 =	simm.s32 $_tile_overlayer_lowered  }
0x9c: {  	s22 =	simm.s32 $0x1BFF;
	s21 =	sshll.u32 s7, $0x1;
	s4 =	sadd.s32 s5, s19  }
0x9d: {  	s8 =	simm.s32 $0x0;
	s20 =	sshll.u32 s6, $0x1;
	s6 =	sadd.s32 s21, s4  }
0x9e: {  	[timem:s8], [sflag:s22] =	dma.local [hbm:s6], s20  }
0x9f: {  	_ =	swait.ge [sflag:s22], s20  }
0xa0: {  	s5 =	ssub.s32 $0x0, s20;
	[sflag:s22] =	ssyncset.done $0x0  }
0xa1: {  	[sflag:s22] =	ssyncadd.s32 s5;
	_ =	sdelay $0x1  }
0xa2: {  	s23 =	simm.s32 $0x1B8B  }
0xa3: {  	_ =	swait.ge [sflag:s23], $0x1  }
0xa4: {  	[sflag:s23] =	ssyncset.done $0x0  }
0xa5: {  	s25 =	simm.s32 $0x1B8E;
	s24 =	sld [smem:$0x3FFE];
	[sflag:s23] =	ssyncadd.s32 $0xFFFFFFFF  }
0xa6: {  	s26 =	simm.s32 $execute0_lowered;
	[smem:$0x3FD2] =	sst s25  }
0xa7: {  	s6 =	sshll.u32 s26, $0x1;
	_ =	strace $0x80000046;
	[dreg:$0x1] =	wrdreg $0xFFFFFFFF  }
0xa8: {  	s28 =	simm.s32 $_size_execute0_lowered;
	s4 =	sadd.s32 s4, s6;
	[dreg:$0x0] =	wrdreg $0x0  }
0xa9: {  	s6 =	sshll.u32 s28, $0x1;
	[dreg:$0x2] =	wrdreg s4  }
0xaa: {  	[dreg:$0x3] =	wrdreg s6  }
0xab: {  	[dreg:$0x4] =	wrdreg $0xC0  }
0xac: {  	_ =	task [dreg:s8], $0x5FFFF  }
0xad: {  	[dreg:$0x1] =	wrdreg $0xFFFFFFFF  }
0xae: {  	[dreg:$0x0] =	wrdreg $0x60  }
0xaf: {  	[dreg:$0x2] =	wrdreg s18  }
0xb0: {  	[dreg:$0x3] =	wrdreg s2  }
0xb1: {  	[dreg:$0x4] =	wrdreg s24  }
0xb2: {  	[dreg:$0x5] =	wrdreg $0x9  }
0xb3: {  	_ =	task.clear_ibuf [dreg:s8], $0x6FFFF;
	_ =	strace $0x90000046  }
0xb4: {  	s29 =	simm.s32 $0x9;
	_ =	strace $0x80000048  }
0xb5: {  	_ =	swait.ge [sflag:s29], $0x1  }
0xb6: {  	[sflag:s29] =	ssyncadd.s32 $0xFFFFFFFF  }
0xb7: {  	_ =	strace $0x90000048  }
0xb8: {  	_ =	sfence  }
0xb9: {  	s30 =	sld [smem:$0x0];
	_ =	sdelay $0x2  }
0xba: {  	s31 =	sshll.u32 s1, $0xD;
	s1 =	sshrl.u32 s1, $0x2  }
0xbb: {  	s3 =	sand.u32 $0x4000, s31;
	s1 =	sadd.s32 s1, s30  }
0xbc: {  	s0 =	sor.u32 s3, s0;
	s1 =	sshll.u32 s1, $0x11  }
0xbd: {  	s0 =	sor.u32 s1, s0  }
0xbe: {  	s0 =	sadd.s32 $0x8F2B, s0  }
0xbf: {  	[sflag:s0] =	ssyncadd.remote.s32 $0x1  }
0xc0: {  	_ =	sfence.sel $0xFFFF  }
0xc1: {  	[dreg:$0x0] =	wrdreg $0xFFFFFFFF;
	(pc) =	sbr.abs _section_cstart, $3  }
0xc2: {  	[dreg:$0x1] =	wrdreg $0xFFFFFFFF  }
0xc3: {  	_ =	task.clear_ibuf [dreg:s8], $0x2FFFF;
	_ =	strace $0x9FFFFFFF  }
0xc4: {  	(tm) =	ssettm $0x7FFFFFFF  }
0xc5: {  	_ =	shalt  }
tec
execute0_lowered:
.L_overlay_start_1:
0x0: {  	(tag) =	ssettag $0x1  }
0x1: {  	s1 =	rddreg [dreg:$0x0]  }
0x2: {  	s3 =	rddreg [dreg:$0x1]  }
0x3: {  	s6 =	rddreg [dreg:$0x2]  }
0x4: {  	s0 =	rddreg [dreg:$0x3]  }
0x5: {  	s5 =	srdreg.scid;
	s2 =	stileid.u32  }
0x6: {  	s4 =	simm.s32 $0x0;
	s12 =	simm.s32 $0x61C0;
	s13 =	simm.s32 $0xC380  }
0x7: {  	s14 =	simm.s32 $0x13940;
	s5 =	sand.u32 $0x1, s5;
	s7 =	sshll.u32 s2, $0x1  }
0x8: {  	s15 =	simm.s32 $0x12540;
	s16 =	simm.s32 $0x13540;
	s7 =	sor.u32 s5, s7  }
0x9: {  	s17 =	simm.s32 $0x0;
	s8 =	sshll.u32 s7, $0x1;
	s7 =	smul.u32 $0xC38, s7  }
.Ltmp0:
0xa: {  	[smem:$0x7FF] =	sst s4;
	s9 =	ssub.s32 $0x2, s5;
	(pc) =	sbr.rel .LBB2_1-.Ltmp0, $4  }
0xb: {  	vm0 =	vmmov $0x1;
	v1 =	vimm.s32 $0x0;
	_ =	strace $0x80000047;
	s5 =	sadd.s32 $0x1800, s6;
	s10 =	sshrl.u32 s9, $0x1  }
0xc: {  	vm2 =	vcmask $0x300;
	v3 =	vlaneseq.u32;
	vm1 =	vcmask $0x308;
	s8 =	sadd.s32 s8, s6;
	s10 =	ssub.s32 s9, s10;
	s11 =	sadd.s32 s7, s6  }
0xd: {  	v4 =	vimm.f32 $1.000000000e+00;
	v2 =	vshrl.u32 v3, $0x2;
	s6 =	sadd.s32 $0x1600, s8;
	v0 =	vmov s7;
	s10 =	smax.u32 s10, $0x1;
	s7 =	sadd.s32 $0x2600, s11  }
0xe: {  	v1 =	vsel vm2, $0x3, v1;
	v3 =	vand.u32 $0x3, v3;
	v5 =	vor.u32 $0x4, v2;
	s8 =	sadd.s32 $0x1AE00, s11;
	s9 =	sadd.s32 $0x33600, s11;
	s11 =	simm.s32 $0x1  }
.LBB2_5:
0xf: {  	[hbm4b:s7+s4] =	stream.linear.scatter [tilespmem:s4], [sflag:$0x1], $0x61C0, $0x38;
	[tilespmem:$0x13950] =	vst v63  }
0x10: {  	_ =	swait.ge [sflag:s11], $0x61C0  }
0x11: {  	[sflag:s11] =	ssyncset.done $0x0  }
0x12: {  	[sflag:s11] =	ssyncadd.s32 $0xFFFF9E40  }
0x13: {  	[hbm4b:s8+s4] =	stream.linear.scatter [tilespmem:s12], [sflag:$0x1], $0x61C0, $0x38;
	[tilespmem:$0x13950] =	vst v63  }
0x14: {  	s17 =	sadd.s32 $0x1, s17;
	_ =	swait.ge [sflag:s11], $0x61C0  }
0x15: {  	p0 =	sne.s32 s17, s10;
	[sflag:s11] =	ssyncset.done $0x0  }
.Ltmp1:
0x16: {  	[sflag:s11] =	ssyncadd.s32 $0xFFFF9E40;
	(pc) =	sbr.rel @!p0 .LBB2_6-.Ltmp1, $4  }
0x17: {  	[hbm4b:s9+s4] =	stream.linear.scatter [tilespmem:s13], [sflag:$0x1], $0x61C0, $0x38;
	[tilespmem:$0x13950] =	vst v63  }
0x18: {  	_ =	swait.ge [sflag:s11], $0x61C0  }
0x19: {  	[sflag:s11] =	ssyncset.done $0x0  }
0x1a: {  	[sflag:s11] =	ssyncadd.s32 $0xFFFF9E40  }
.LBB2_1:
0x1b: {  	[tilespmem:s4], [sflag:$0x1] =	stream.linear.gather [hbm4b:s5+s4], $0x61C0, $0x38;
	[tilespmem:$0x13950] =	vst v63  }
0x1c: {  	_ =	swait.ge [sflag:s11], $0x61C0  }
0x1d: {  	[sflag:s11] =	ssyncset.done $0x0  }
0x1e: {  	[sflag:s11] =	ssyncadd.s32 $0xFFFF9E40  }
0x1f: {  	[tilespmem:s12], [sflag:$0x1] =	stream.linear.gather [hbm4b:s5+s4], $0x61C0, $0x38;
	[tilespmem:$0x13950] =	vst v63  }
0x20: {  	_ =	swait.ge [sflag:s11], $0x61C0  }
0x21: {  	[sflag:s11] =	ssyncset.done $0x0  }
0x22: {  	[sflag:s11] =	ssyncadd.s32 $0xFFFF9E40  }
0x23: {  	[tilespmem:s13], [sflag:$0x1] =	stream.linear.gather [hbm4b:s5+s4], $0x61C0, $0x38;
	[tilespmem:$0x13950] =	vst v63  }
0x24: {  	_ =	swait.ge [sflag:s11], $0x61C0  }
0x25: {  	[sflag:s11] =	ssyncset.done $0x0  }
0x26: {  	[sflag:s11] =	ssyncadd.s32 $0xFFFF9E40  }
0x27: {  	[tilespmem:s14], [sflag:$0x1] =	stream.linear.gather [hbm4b:s6+s4], $0x10, $0x38;
	[tilespmem:$0x13950] =	vst v63  }
0x28: {  	_ =	swait.ge [sflag:s11], $0x10  }
0x29: {  	[sflag:s11] =	ssyncset.done $0x0  }
0x2a: {  	[sflag:s11] =	ssyncadd.s32 $0xFFFFFFF0  }
0x2b: {  	v6 =	vld [tilespmem:$0x13940];
	_ =	sdelay $0x4  }
0x2c: {  	v7 =	vnsel vm0, $0x0, v6  }
0x2d: {  	v6 =	vsel vm1, $0x0, v6;
	(xrf0) =	vadd.scan.msk.s32 $0xffff, v7  }
0x2e: {  	(xrf0) =	vadd.scan.msk.s32 $0xffff, v6;
	_ =	sdelay $0x4  }
0x2f: {  	v6, _, _ =	vpop (xrf0)  }
0x30: {  	(v2sf) =	vpush v6, $0xF;
	v6, _, _ =	vpop (xrf0)  }
0x31: {  	(v2sf) =	vpush v6, $0xF;
	_ =	sdelay $0xd  }
0x32: {  	s18 =	spop (v2sf)  }
0x33: {  	s19 =	spop (v2sf)  }
0x34: {  	p0 =	slt.s32 s19, $0x1  }
.Ltmp2:
0x35: {  	_ = 	snop;
	(pc) =	sbr.rel @p0 .LBB2_5-.Ltmp2, $2  }
0x36: {  	_ =	sdelay $0x2  }
0x37: {  	s20 =	simm.s32 $0x0  }
.LBB2_2:
0x38: {  	s22 =	sadd.s32 s18, s20  }
0x39: {  	s21 =	sshll.u32 s22, $0x9  }
0x3a: {  	s21 =	sand.u32 $0x1FFFFE00, s21  }
0x3b: {  	s23 =	sadd.s32 s1, s21;
	s21 =	simm.s32 $0x0  }
0x3c: {  	[tilespmem:s15], [sflag:$0x1] =	stream.linear.gather [hbm4b:s23+s21], $0x1000, $0x38;
	[tilespmem:$0x13950] =	vst v63  }
0x3d: {  	s22 =	sshll.u32 s22, $0x7;
	_ =	swait.ge [sflag:s11], $0x1000  }
0x3e: {  	s22 =	sand.u32 $0x1FFFFF80, s22;
	[sflag:s11] =	ssyncset.done $0x0  }
0x3f: {  	s22 =	sadd.s32 s3, s22;
	[sflag:s11] =	ssyncadd.s32 $0xFFFFF000  }
0x40: {  	[tilespmem:s16], [sflag:$0x1] =	stream.linear.gather [hbm4b:s22+s21], $0x400, $0x38;
	[tilespmem:$0x13950] =	vst v63  }
0x41: {  	_ =	swait.ge [sflag:s11], $0x400  }
0x42: {  	[sflag:s11] =	ssyncset.done $0x0  }
0x43: {  	s23 =	simm.s32 $0x12580;
	s22 =	simm.s32 $0xFFFFFFFE;
	[sflag:s11] =	ssyncadd.s32 $0xFFFFFC00  }
.LBB2_3:
0x44: {  	v6 =	vmov s21  }
0x45: {  	v6 =	vshrl.u32 v6, $0x3  }
0x46: {  	v6 =	vshll.u32 v6, v1  }
0x47: {  	v6 =	vbroadcast v6, $0x0;
	_ =	sdelay $0x1  }
0x48: {  	v7 =	vor.u32 v2, v6;
	_ =	sdelay $0x4  }
0x49: {  	v7 =	vld.idx.msk [tilespmem:v7+s16+$0x0], $0xffff;
	_ =	sdelay $0x4  }
0x4a: {  	v7 =	vsub.s32 v7, v0  }
0x4b: {  	v8 =	vld [tilespmem:s23+$0xFFFFFFC0];
	vm2 =	vlt.u32 v7, $0xC38;
	v7 =	vshll.u32 v7, $0x3  }
0x4c: {  	v7 =	vor.u32 v3, v7;
	_ =	sdelay $0x2  }
0x4d: {  	v6 =	vor.u32 v5, v6  }
0x4e: {  	v9 =	vmul.f32 v8, v8  }
0x4f: {  	[tilespmem:v7+s4+$0x0] =	vst.idx.add.f32.msk vm2, v8  }
0x50: {  	[tilespmem:v7+s12+$0x0] =	vst.idx.add.f32.msk vm2, v9  }
0x51: {  	[tilespmem:v7+s13+$0x0] =	vst.idx.add.f32.msk vm2, v4  }
0x52: {  	v6 =	vld.idx.msk [tilespmem:v6+s16+$0x0], $0xffff;
	_ =	sdelay $0x3  }
0x53: {  	s24 =	sadd.s32 $0x8, s21  }
0x54: {  	v7 =	vmov s24;
	v6 =	vsub.s32 v6, v0  }
0x55: {  	v8 =	vld [tilespmem:s23+$0xFFFFFFD0];
	v7 =	vshrl.u32 v7, $0x3;
	vm2 =	vlt.u32 v6, $0xC38;
	v6 =	vshll.u32 v6, $0x3  }
0x56: {  	v7 =	vshll.u32 v7, v1;
	v6 =	vor.u32 v3, v6  }
0x57: {  	v7 =	vbroadcast v7, $0x0;
	_ =	sdelay $0x1  }
0x58: {  	v7 =	vor.u32 v2, v7  }
0x59: {  	v57 =	vmul.f32 v8, v8  }
0x5a: {  	[tilespmem:v6+s4+$0x0] =	vst.idx.add.f32.msk vm2, v8  }
0x5b: {  	[tilespmem:v6+s12+$0x0] =	vst.idx.add.f32.msk vm2, v57  }
0x5c: {  	[tilespmem:v6+s13+$0x0] =	vst.idx.add.f32.msk vm2, v4  }
0x5d: {  	v6 =	vld.idx.msk [tilespmem:v7+s16+$0x0], $0xffff;
	_ =	sdelay $0x3  }
0x5e: {  	s28 =	sadd.s32 $0xC, s21  }
0x5f: {  	v7 =	vmov s28;
	v6 =	vsub.s32 v6, v0  }
0x60: {  	v8 =	vld [tilespmem:s23+$0xFFFFFFE0];
	v7 =	vshrl.u32 v7, $0x3;
	vm2 =	vlt.u32 v6, $0xC38;
	v6 =	vshll.u32 v6, $0x3  }
0x61: {  	v7 =	vshll.u32 v7, v1;
	v6 =	vor.u32 v3, v6  }
0x62: {  	v7 =	vbroadcast v7, $0x0;
	_ =	sdelay $0x1  }
0x63: {  	v7 =	vor.u32 v5, v7  }
0x64: {  	v58 =	vmul.f32 v8, v8  }
0x65: {  	[tilespmem:v6+s4+$0x0] =	vst.idx.add.f32.msk vm2, v8  }
0x66: {  	[tilespmem:v6+s12+$0x0] =	vst.idx.add.f32.msk vm2, v58  }
0x67: {  	[tilespmem:v6+s13+$0x0] =	vst.idx.add.f32.msk vm2, v4  }
0x68: {  	v6 =	vld.idx.msk [tilespmem:v7+s16+$0x0], $0xffff;
	_ =	sdelay $0x3  }
0x69: {  	s29 =	sadd.s32 $0x10, s21  }
0x6a: {  	v7 =	vmov s29;
	v6 =	vsub.s32 v6, v0  }
0x6b: {  	v8 =	vld [tilespmem:s23+$0xFFFFFFF0];
	v7 =	vshrl.u32 v7, $0x3;
	vm2 =	vlt.u32 v6, $0xC38;
	v6 =	vshll.u32 v6, $0x3  }
0x6c: {  	v7 =	vshll.u32 v7, v1;
	v6 =	vor.u32 v3, v6  }
0x6d: {  	v7 =	vbroadcast v7, $0x0;
	_ =	sdelay $0x1  }
0x6e: {  	v59 =	vor.u32 v2, v7  }
0x6f: {  	v10 =	vmul.f32 v8, v8  }
0x70: {  	[tilespmem:v6+s4+$0x0] =	vst.idx.add.f32.msk vm2, v8  }
0x71: {  	[tilespmem:v6+s12+$0x0] =	vst.idx.add.f32.msk vm2, v10  }
0x72: {  	[tilespmem:v6+s13+$0x0] =	vst.idx.add.f32.msk vm2, v4  }
0x73: {  	v6 =	vld.idx.msk [tilespmem:v59+s16+$0x0], $0xffff;
	_ =	sdelay $0x4  }
0x74: {  	v6 =	vsub.s32 v6, v0  }
0x75: {  	v8 =	vld [tilespmem:s23+$0x0];
	vm2 =	vlt.u32 v6, $0xC38;
	v6 =	vshll.u32 v6, $0x3  }
0x76: {  	v6 =	vor.u32 v3, v6;
	_ =	sdelay $0x2  }
0x77: {  	v7 =	vor.u32 v5, v7  }
0x78: {  	v60 =	vmul.f32 v8, v8  }
0x79: {  	[tilespmem:v6+s4+$0x0] =	vst.idx.add.f32.msk vm2, v8  }
0x7a: {  	[tilespmem:v6+s12+$0x0] =	vst.idx.add.f32.msk vm2, v60  }
0x7b: {  	[tilespmem:v6+s13+$0x0] =	vst.idx.add.f32.msk vm2, v4  }
0x7c: {  	v6 =	vld.idx.msk [tilespmem:v7+s16+$0x0], $0xffff;
	_ =	sdelay $0x3  }
0x7d: {  	s30 =	sadd.s32 $0x18, s21  }
0x7e: {  	v7 =	vmov s30;
	v6 =	vsub.s32 v6, v0  }
0x7f: {  	v8 =	vld [tilespmem:s23+$0x10];
	v7 =	vshrl.u32 v7, $0x3;
	vm2 =	vlt.u32 v6, $0xC38;
	v6 =	vshll.u32 v6, $0x3  }
0x80: {  	v7 =	vshll.u32 v7, v1;
	v6 =	vor.u32 v3, v6  }
0x81: {  	v7 =	vbroadcast v7, $0x0;
	_ =	sdelay $0x1  }
0x82: {  	v7 =	vor.u32 v2, v7  }
0x83: {  	v61 =	vmul.f32 v8, v8  }
0x84: {  	[tilespmem:v6+s4+$0x0] =	vst.idx.add.f32.msk vm2, v8  }
0x85: {  	[tilespmem:v6+s12+$0x0] =	vst.idx.add.f32.msk vm2, v61  }
0x86: {  	[tilespmem:v6+s13+$0x0] =	vst.idx.add.f32.msk vm2, v4  }
0x87: {  	v6 =	vld.idx.msk [tilespmem:v7+s16+$0x0], $0xffff;
	_ =	sdelay $0x3  }
0x88: {  	s31 =	sadd.s32 $0x1C, s21  }
0x89: {  	v7 =	vmov s31;
	v6 =	vsub.s32 v6, v0  }
0x8a: {  	v8 =	vld [tilespmem:s23+$0x20];
	v7 =	vshrl.u32 v7, $0x3;
	vm2 =	vlt.u32 v6, $0xC38;
	v6 =	vshll.u32 v6, $0x3  }
0x8b: {  	v7 =	vshll.u32 v7, v1;
	v6 =	vor.u32 v3, v6  }
0x8c: {  	v7 =	vbroadcast v7, $0x0;
	_ =	sdelay $0x1  }
0x8d: {  	v7 =	vor.u32 v5, v7  }
0x8e: {  	v62 =	vmul.f32 v8, v8  }
0x8f: {  	[tilespmem:v6+s4+$0x0] =	vst.idx.add.f32.msk vm2, v8  }
0x90: {  	[tilespmem:v6+s12+$0x0] =	vst.idx.add.f32.msk vm2, v62  }
0x91: {  	[tilespmem:v6+s13+$0x0] =	vst.idx.add.f32.msk vm2, v4  }
0x92: {  	v6 =	vld.idx.msk [tilespmem:v7+s16+$0x0], $0xffff;
	_ =	sdelay $0x4  }
0x93: {  	v6 =	vsub.s32 v6, v0  }
0x94: {  	v7 =	vld [tilespmem:s23+$0x30];
	vm2 =	vlt.u32 v6, $0xC38;
	v6 =	vshll.u32 v6, $0x3  }
0x95: {  	v6 =	vor.u32 v3, v6  }
0x96: {  	s22 =	sadd.s32 $0x2, s22  }
0x97: {  	p0 =	slt.u32 s22, $0x3E  }
.Ltmp3:
0x98: {  	_ = 	snop;
	(pc) =	sbr.rel @p0 .LBB2_3-.Ltmp3, $4  }
0x99: {  	v63 =	vmul.f32 v7, v7  }
0x9a: {  	[tilespmem:v6+s4+$0x0] =	vst.idx.add.f32.msk vm2, v7  }
0x9b: {  	[tilespmem:v6+s12+$0x0] =	vst.idx.add.f32.msk vm2, v63  }
0x9c: {  	s21 =	sadd.s32 $0x20, s21;
	s23 =	sadd.s32 $0x80, s23;
	[tilespmem:v6+s13+$0x0] =	vst.idx.add.f32.msk vm2, v4  }
0x9d: {  	s20 =	sadd.s32 $0x1, s20  }
0x9e: {  	p0 =	sne.s32 s20, s19  }
.Ltmp4:
0x9f: {  	_ = 	snop;
	(pc) =	sbr.rel @p0 .LBB2_2-.Ltmp4, $4  }
.Ltmp5:
0xa0: {  	_ = 	snop;
	(pc) =	sbr.rel @!p0 .LBB2_5-.Ltmp5, $4  }
0xa1: {  	_ = 	snop  }
0xa2: {  	_ = 	snop  }
0xa3: {  	_ = 	snop  }
0xa4: {  	_ = 	snop  }
.LBB2_6:
0xa5: {  	_ =	sfence.sel $0x180000  }
0xa6: {  	[bflag:$0x0] =	sbarrier.arrive $0xFFFF  }
0xa7: {  	p0 =	sne.s32 s2, $0x0;
	_ =	strace $0x90000047  }
0xa8: {  	s0 =	sadd.s32 @!p0 $0x100000, s0;
	[bflag:$0x2] =	sbarrier.arrive $0xFFFF  }
0xa9: {  	[sflag:s0] =	ssyncadd.tile.s32 @!p0 $0x1;
	_ =	shalt  }
.Lfunc_end2:
_tile_overlayer_lowered:
.L_overlay_start_2:
0xaa: {  	(tag) =	ssettag $0x2  }
0xab: {  	s0 =	rddreg [dreg:$0x0];
	s2 =	stileid.u32  }
0xac: {  	s1 =	rddreg [dreg:$0x1];
	p0 =	sne.s32 s2, $0x0  }
0xad: {  	s3 =	rddreg [dreg:$0x2];
	[bflag:$0x3] =	sbarrier.arrive $0xFFFF;
	s2 =	simm.s32 @!p0 $0x1C01  }
0xae: {  	[timem:s3], [sflag:s2] =	dma.local @!p0 [hbm:s0], s1  }
0xaf: {  	s0 =	simm.s32 @!p0 $0x1  }
0xb0: {  	_ =	swait.ge @!p0 [sflag:s0], s1  }
0xb1: {  	s1 =	ssub.s32 @!p0 $0x0, s1;
	[sflag:s0] =	ssyncset.done @!p0 $0x0  }
0xb2: {  	[sflag:s0] =	ssyncadd.s32 @!p0 s1  }
0xb3: {  	[bflag:$0x3] =	sbarrier.arrive $0xFFFF  }
0xb4: {  	_ =	shalt  }

// kernel: kernel.8.cloned.1.call-start
scs
__scs_entry_jumppad:
0x0: {  	(pc) =	sbr.rel $0x88, $3  }
0x1: {  	(tag) =	ssettag $0x0;
	lr =	simm.s32 $0x1  }
0x2: {  	[smem:$0x3F9D] =	sst lr;
	_ =	strace $0xD0000000  }
0x3: {  	_ = 	snop  }
0x4: {  	_ = 	snop  }
0x5: {  	_ = 	snop  }
0x6: {  	_ = 	snop  }
0x7: {  	_ = 	snop  }
__scs_overlays_trampoline_lowered:
0x8: {  	[smem:$0x3FAC] =	sst s0  }
0x9: {  	[smem:$0x3FAD] =	sst s1  }
0xa: {  	[smem:$0x3FAE] =	sst s2  }
0xb: {  	[smem:$0x3FAF] =	sst s3  }
0xc: {  	[smem:$0x3FB0] =	sst s4  }
0xd: {  	[smem:$0x3FB1] =	sst s5  }
0xe: {  	[smem:$0x3FB2] =	sst s6  }
0xf: {  	[smem:$0x3FB3] =	sst s7  }
0x10: {  	[smem:$0x3FB4] =	sst s8  }
0x11: {  	[smem:$0x3FB5] =	sst s9;
	s0 =	simm.s32 @!p0 $0x0  }
0x12: {  	s1 =	sld [smem:$0x3F9B];
	s0 =	simm.s32 @p0 $0x1  }
0x13: {  	[smem:$0x3FB6] =	sst s0;
	s0 =	simm.s32 @!p1 $0x0  }
0x14: {  	s2 =	sld [smem:$0x3F9A];
	s0 =	simm.s32 @p1 $0x1  }
0x15: {  	[smem:$0x3FB7] =	sst s0;
	s0 =	simm.s32 @!p2 $0x0  }
0x16: {  	s3 =	sld [smem:$0x3FDB];
	s0 =	simm.s32 @p2 $0x1  }
0x17: {  	s4 =	simm.s32 $0x1BF5;
	[smem:$0x3FB9] =	sst s0  }
0x18: {  	s0 =	sld [smem:$0x3F9C];
	_ =	swait.ge [sflag:s4], $0x0  }
0x19: {  	s7 =	sld [smem:$0x3F9D]  }
0x1a: {  	s8 =	sadd.s32 $0xFFFFE003, lr  }
0x1b: {  	s9 =	sadd.s32 $0xFFFFFEF7, lr;
	s5 =	simm.s32 $0xFFFFFFFF;
	p2 =	slt.u32 s8, $0xFFFFF086  }
0x1c: {  	p1 =	slt.u32 s9, $0xF7A;
	s5 =	simm.s32 @!p2 $0x0  }
0x1d: {  	s5 =	simm.s32 @p1 $0x1;
	p0 =	seq.s32 s7, s2  }
0x1e: {  	s7 =	smul.u32 @!p0 $0xF7A, s2;
	p2 =	seq.s32 @!p0 s5, $0x0  }
0x1f: {  	s9 =	smul.u32 $0xF7A, s1;
	s8 =	simm.s32 @!p0 $0x1BF5;
	p2 =	por !p2, p0  }
0x20: {  	[sflag:s8] =	ssyncset.s32 @!p0 $0xFFFFF086;
	s6 =	sadd.s32 @!p0 s3, s7;
	s7 =	simm.s32 @!p0 $0x108  }
0x21: {  	s3 =	sadd.s32 s3, s9;
	s6 =	sadd.s32 @!p0 $0x88, s6;
	s7 =	simm.s32 @p2 $0x1082  }
0x22: {  	[simem:s7], [sflag:s8] =	dma.local @!p0 [hbm:s6], $0xF7A  }
0x23: {  	s9 =	sor.u32 $0xD0000000, s2;
	s6 =	simm.s32 $0x108;
	_ =	swait.ge @!p0 [sflag:s8], $0x0  }
0x24: {  	s3 =	sadd.s32 $0x88, s3;
	s6 =	simm.s32 @!p1 $0x1082;
	[sflag:s4] =	ssyncset.s32 $0xFFFFF086  }
0x25: {  	[simem:s6], [sflag:s4] =	dma.local [hbm:s3], $0xF7A  }
0x26: {  	[smem:$0x3F9D] =	sst s1;
	(tag) =	ssettag s2;
	_ =	strace s9  }
0x27: {  	s1 =	sld [smem:$0x3FAD]  }
0x28: {  	s2 =	sld [smem:$0x3FAE]  }
0x29: {  	s4 =	sld [smem:$0x3FB0]  }
0x2a: {  	p0 =	seq.s32 s5, $0x0;
	s5 =	sld [smem:$0x3FB1]  }
0x2b: {  	s6 =	sld [smem:$0x3FB2]  }
0x2c: {  	s7 =	sld [smem:$0x3FB3]  }
0x2d: {  	s3 =	simm.s32 $0x108;
	s8 =	sld [smem:$0x3FB4]  }
0x2e: {  	s3 =	simm.s32 @!p0 $0x1082;
	s9 =	sld [smem:$0x3FB5]  }
0x2f: {  	lr =	sadd.s32 s0, s3;
	s0 =	sld [smem:$0x3FAC]  }
0x30: {  	s3 =	sld [smem:$0x3FAF]  }
0x31: {  	[smem:$0x3FB8] =	sst s10  }
0x32: {  	s10 =	sld [smem:$0x3FB6];
	_ =	sdelay $0x3  }
0x33: {  	p0 =	seq.s32 s10, $0x1;
	s10 =	sld [smem:$0x3FB8];
	_ =	sdelay $0x3  }
0x34: {  	[smem:$0x3FB8] =	sst s10  }
0x35: {  	s10 =	sld [smem:$0x3FB7];
	_ =	sdelay $0x3  }
0x36: {  	p1 =	seq.s32 s10, $0x1;
	s10 =	sld [smem:$0x3FB8];
	_ =	sdelay $0x3  }
0x37: {  	[smem:$0x3FB8] =	sst s10  }
0x38: {  	s10 =	sld [smem:$0x3FB9]  }
0x39: {  	_ = 	snop;
	(pc) =	sbr.ind lr, $3  }
0x3a: {  	_ = 	snop  }
0x3b: {  	_ = 	snop  }
0x3c: {  	p2 =	seq.s32 s10, $0x1;
	s10 =	sld [smem:$0x3FB8]  }
0x3d: {  	_ =	shalt  }
0x3e: {  	_ =	shalt  }
0x3f: {  	_ =	shalt  }
0x40: {  	_ =	shalt  }
0x41: {  	_ =	shalt  }
0x42: {  	_ =	shalt  }
0x43: {  	_ =	shalt  }
0x44: {  	_ =	shalt  }
0x45: {  	_ =	shalt  }
0x46: {  	_ =	shalt  }
0x47: {  	_ =	shalt  }
0x48: {  	_ =	shalt  }
0x49: {  	_ =	shalt  }
0x4a: {  	_ =	shalt  }
0x4b: {  	_ =	shalt  }
0x4c: {  	_ =	shalt  }
0x4d: {  	_ =	shalt  }
0x4e: {  	_ =	shalt  }
0x4f: {  	_ =	shalt  }
0x50: {  	_ =	shalt  }
0x51: {  	_ =	shalt  }
0x52: {  	_ =	shalt  }
0x53: {  	_ =	shalt  }
0x54: {  	_ =	shalt  }
0x55: {  	_ =	shalt  }
0x56: {  	_ =	shalt  }
0x57: {  	_ =	shalt  }
0x58: {  	_ =	shalt  }
0x59: {  	_ =	shalt  }
0x5a: {  	_ =	shalt  }
0x5b: {  	_ =	shalt  }
0x5c: {  	_ =	shalt  }
0x5d: {  	_ =	shalt  }
0x5e: {  	_ =	shalt  }
0x5f: {  	_ =	shalt  }
0x60: {  	_ =	shalt  }
0x61: {  	_ =	shalt  }
0x62: {  	_ =	shalt  }
0x63: {  	_ =	shalt  }
0x64: {  	_ =	shalt  }
0x65: {  	_ =	shalt  }
0x66: {  	_ =	shalt  }
0x67: {  	_ =	shalt  }
0x68: {  	_ =	shalt  }
0x69: {  	_ =	shalt  }
0x6a: {  	_ =	shalt  }
0x6b: {  	_ =	shalt  }
0x6c: {  	_ =	shalt  }
0x6d: {  	_ =	shalt  }
0x6e: {  	_ =	shalt  }
0x6f: {  	_ =	shalt  }
0x70: {  	_ =	shalt  }
0x71: {  	_ =	shalt  }
0x72: {  	_ =	shalt  }
0x73: {  	_ =	shalt  }
0x74: {  	_ =	shalt  }
0x75: {  	_ =	shalt  }
0x76: {  	_ =	shalt  }
0x77: {  	_ =	shalt  }
0x78: {  	_ =	shalt  }
0x79: {  	_ =	shalt  }
0x7a: {  	_ =	shalt  }
0x7b: {  	_ =	shalt  }
0x7c: {  	_ =	shalt  }
0x7d: {  	_ =	shalt  }
0x7e: {  	_ =	shalt  }
0x7f: {  	_ =	shalt  }
0x80: {  	_ =	shalt  }
0x81: {  	_ =	shalt  }
0x82: {  	_ =	shalt  }
0x83: {  	_ =	shalt  }
0x84: {  	_ =	shalt  }
0x85: {  	_ =	shalt  }
0x86: {  	_ =	shalt  }
0x87: {  	_ =	shalt  }
.Lfunc_end0:
.L_simem_size_0:
called_computation.2_lowered:
.L_overlay_start_0:
0x88: {  	s2 =	sld [smem:$0x3FD9]  }
0x89: {  	s3 =	sld [smem:$0x3FFE];
	_ =	sdelay $0x1  }
0x8a: {  	s1 =	srdreg.scid  }
0x8b: {  	s0 =	sand.u32 $0x1, s1  }
0x8c: {  	s17 =	sshll.u32 s0, $0xA;
	s2 =	sadd.s32 s3, s2  }
0x8d: {  	s2 =	sadd.s32 s2, s17  }
0x8e: {  	[smem:$0x3FC4] =	sst s2  }
0x8f: {  	_ = 	snop  }
0x90: {  	s2 =	sld [smem:$0x3FC8]  }
0x91: {  	s18 =	sld [smem:$0x3FD0];
	(tm) =	ssettm $0x1  }
0x92: {  	s4 =	sld [smem:$0x3FFB];
	_ =	sdelay $0x3  }
0x93: {  	_ =	strace s4  }
0x94: {  	s4 =	sld [smem:$0x3FFC];
	_ =	sdelay $0x3  }
0x95: {  	_ =	strace s4  }
0x96: {  	s4 =	sld [smem:$0x3FFD];
	_ =	sdelay $0x3  }
0x97: {  	_ =	strace s4  }
0x98: {  	_ =	strace $0x8FFFFFFF  }
0x99: {  	s19 =	sld [smem:$0x3FDB];
	_ =	sdelay $0x1  }
0x9a: {  	s5 =	simm.s32 $_scs_section_size  }
0x9b: {  	s6 =	simm.s32 $_size__tile_overlayer_lowered;
	s7 =	simm.s32 $_tile_overlayer_lowered  }
0x9c: {  	s22 =	simm.s32 $0x1BFF;
	s21 =	sshll.u32 s7, $0x1;
	s4 =	sadd.s32 s5, s19  }
0x9d: {  	s8 =	simm.s32 $0x0;
	s20 =	sshll.u32 s6, $0x1;
	s6 =	sadd.s32 s21, s4  }
0x9e: {  	[timem:s8], [sflag:s22] =	dma.local [hbm:s6], s20  }
0x9f: {  	_ =	swait.ge [sflag:s22], s20  }
0xa0: {  	s5 =	ssub.s32 $0x0, s20;
	[sflag:s22] =	ssyncset.done $0x0  }
0xa1: {  	[sflag:s22] =	ssyncadd.s32 s5;
	_ =	sdelay $0x1  }
0xa2: {  	s23 =	simm.s32 $0x1B8B  }
0xa3: {  	_ =	swait.ge [sflag:s23], $0x1  }
0xa4: {  	[sflag:s23] =	ssyncset.done $0x0  }
0xa5: {  	s25 =	simm.s32 $0x1B8E;
	s24 =	sld [smem:$0x3FFE];
	[sflag:s23] =	ssyncadd.s32 $0xFFFFFFFF  }
0xa6: {  	s26 =	simm.s32 $execute0_lowered;
	[smem:$0x3FD2] =	sst s25  }
0xa7: {  	s6 =	sshll.u32 s26, $0x1;
	_ =	strace $0x80000049;
	[dreg:$0x1] =	wrdreg $0xFFFFFFFF  }
0xa8: {  	s28 =	simm.s32 $_size_execute0_lowered;
	s4 =	sadd.s32 s4, s6;
	[dreg:$0x0] =	wrdreg $0x0  }
0xa9: {  	s6 =	sshll.u32 s28, $0x1;
	[dreg:$0x2] =	wrdreg s4  }
0xaa: {  	[dreg:$0x3] =	wrdreg s6  }
0xab: {  	[dreg:$0x4] =	wrdreg $0xC0  }
0xac: {  	_ =	task [dreg:s8], $0x5FFFF  }
0xad: {  	[dreg:$0x1] =	wrdreg $0xFFFFFFFF  }
0xae: {  	[dreg:$0x0] =	wrdreg $0x60  }
0xaf: {  	[dreg:$0x2] =	wrdreg s18  }
0xb0: {  	[dreg:$0x3] =	wrdreg s2  }
0xb1: {  	[dreg:$0x4] =	wrdreg s24  }
0xb2: {  	[dreg:$0x5] =	wrdreg $0x9  }
0xb3: {  	_ =	task.clear_ibuf [dreg:s8], $0x6FFFF;
	_ =	strace $0x90000049  }
0xb4: {  	s29 =	simm.s32 $0x9;
	_ =	strace $0x8000004B  }
0xb5: {  	_ =	swait.ge [sflag:s29], $0x1  }
0xb6: {  	[sflag:s29] =	ssyncadd.s32 $0xFFFFFFFF  }
0xb7: {  	_ =	strace $0x9000004B  }
0xb8: {  	_ =	sfence  }
0xb9: {  	s30 =	sld [smem:$0x0];
	_ =	sdelay $0x2  }
0xba: {  	s31 =	sshll.u32 s1, $0xD;
	s1 =	sshrl.u32 s1, $0x2  }
0xbb: {  	s3 =	sand.u32 $0x4000, s31;
	s1 =	sadd.s32 s1, s30  }
0xbc: {  	s0 =	sor.u32 s3, s0;
	s1 =	sshll.u32 s1, $0x11  }
0xbd: {  	s0 =	sor.u32 s1, s0  }
0xbe: {  	s0 =	sadd.s32 $0x8F2B, s0  }
0xbf: {  	[sflag:s0] =	ssyncadd.remote.s32 $0x1  }
0xc0: {  	_ =	sfence.sel $0xFFFF  }
0xc1: {  	[dreg:$0x0] =	wrdreg $0xFFFFFFFF;
	(pc) =	sbr.abs _section_cstart, $3  }
0xc2: {  	[dreg:$0x1] =	wrdreg $0xFFFFFFFF  }
0xc3: {  	_ =	task.clear_ibuf [dreg:s8], $0x2FFFF;
	_ =	strace $0x9FFFFFFF  }
0xc4: {  	(tm) =	ssettm $0x7FFFFFFF  }
0xc5: {  	_ =	shalt  }
tec
execute0_lowered:
.L_overlay_start_1:
0x0: {  	(tag) =	ssettag $0x1  }
0x1: {  	s1 =	rddreg [dreg:$0x0]  }
0x2: {  	s2 =	rddreg [dreg:$0x1]  }
0x3: {  	s0 =	rddreg [dreg:$0x2];
	s4 =	simm.s32 $0x0;
	s3 =	srdreg.scid  }
0x4: {  	s6 =	stileid.u32;
	s8 =	simm.s32 $0x62;
	s11 =	simm.s32 $0x1  }
0x5: {  	s12 =	simm.s32 $0xA100;
	s13 =	simm.s32 $0x1000;
	s14 =	simm.s32 $0x5080  }
0x6: {  	s15 =	simm.s32 $0x9100;
	s16 =	simm.s32 $0x100;
	s17 =	simm.s32 $0xA500  }
0x7: {  	s18 =	simm.s32 $0xA600;
	s21 =	simm.s32 $0xA700;
	s24 =	simm.s32 $0xA800  }
0x8: {  	s28 =	simm.s32 $0xA900;
	s31 =	simm.s32 $0xAA00;
	s22 =	simm.s32 $0xAC00  }
0x9: {  	s26 =	simm.s32 $0x0;
	[smem:$0x7FF] =	sst s4;
	s3 =	sand.u32 $0x1, s3  }
.Ltmp0:
0xa: {  	s5 =	sadd.s32 $0x1A600, s0;
	s10 =	ssub.s32 $0x2, s3;
	(pc) =	sbr.rel .LBB2_1-.Ltmp0, $4  }
0xb: {  	s7 =	sshll.u32 s6, $0x1;
	s6 =	sadd.s32 $0x1600, s0;
	s29 =	sshrl.u32 s10, $0x1  }
0xc: {  	v1 =	vimm.s32 $0x0;
	vm0 =	vcmask $0x300;
	v3 =	vlaneseq.u32;
	s9 =	sadd.s32 $0x33600, s0;
	s7 =	sor.u32 s3, s7;
	s30 =	ssub.s32 s10, s29  }
0xd: {  	v0 =	vimm.s32 $0x186A0;
	v1 =	vsel vm0, $0x3, v1;
	v2 =	vshrl.u32 v3, $0x2;
	_ =	strace $0x8000004A;
	p0 =	slt.u32 s7, $0x15;
	s0 =	smax.u32 s30, $0x1  }
0xe: {  	v3 =	vand.u32 $0x3, v3;
	v4 =	vor.u32 $0x4, v2;
	v5 =	vmul.u32 $0x8, v2;
	s8 =	simm.s32 @!p0 $0x61;
	s10 =	simm.s32 $0xAB00;
	[dreg:$0x4] =	wrdreg s0  }
.LBB2_13:
0xf: {  	s26 =	sadd.s32 $0x1, s26;
	s0 =	rddreg [dreg:$0x4]  }
0x10: {  	p0 =	sne.s32 s26, s0  }
.Ltmp1:
0x11: {  	_ = 	snop;
	(pc) =	sbr.rel @!p0 .LBB2_14-.Ltmp1, $1  }
0x12: {  	_ =	sdelay $0x3  }
.LBB2_1:
0x13: {  	[tilespmem:$0xA580] =	vst v0  }
0x14: {  	[tilespmem:$0xA590] =	vst v0  }
0x15: {  	[tilespmem:$0xA5A0] =	vst v0  }
0x16: {  	[tilespmem:$0xA5B0] =	vst v0  }
0x17: {  	[tilespmem:$0xA5C0] =	vst v0  }
0x18: {  	[tilespmem:$0xA5D0] =	vst v0  }
0x19: {  	[tilespmem:$0xA5E0] =	vst v0  }
0x1a: {  	[tilespmem:$0xA5F0] =	vst v0  }
0x1b: {  	[tilespmem:$0xA680] =	vst v0  }
0x1c: {  	[tilespmem:$0xA690] =	vst v0  }
0x1d: {  	[tilespmem:$0xA6A0] =	vst v0  }
0x1e: {  	[tilespmem:$0xA6B0] =	vst v0  }
0x1f: {  	[tilespmem:$0xA6C0] =	vst v0  }
0x20: {  	[tilespmem:$0xA6D0] =	vst v0  }
0x21: {  	[tilespmem:$0xA6E0] =	vst v0  }
0x22: {  	[tilespmem:$0xA6F0] =	vst v0  }
0x23: {  	[tilespmem:$0xA780] =	vst v0  }
0x24: {  	[tilespmem:$0xA790] =	vst v0  }
0x25: {  	[tilespmem:$0xA7A0] =	vst v0  }
0x26: {  	[tilespmem:$0xA7B0] =	vst v0  }
0x27: {  	[tilespmem:$0xA7C0] =	vst v0  }
0x28: {  	[tilespmem:$0xA7D0] =	vst v0  }
0x29: {  	[tilespmem:$0xA7E0] =	vst v0  }
0x2a: {  	[tilespmem:$0xA7F0] =	vst v0  }
0x2b: {  	[tilespmem:$0xA880] =	vst v0  }
0x2c: {  	[tilespmem:$0xA890] =	vst v0  }
0x2d: {  	[tilespmem:$0xA8A0] =	vst v0  }
0x2e: {  	[tilespmem:$0xA8B0] =	vst v0  }
0x2f: {  	[tilespmem:$0xA8C0] =	vst v0  }
0x30: {  	[tilespmem:$0xA8D0] =	vst v0  }
0x31: {  	[tilespmem:$0xA8E0] =	vst v0  }
0x32: {  	[tilespmem:$0xA8F0] =	vst v0  }
0x33: {  	[tilespmem:$0xA980] =	vst v0  }
0x34: {  	[tilespmem:$0xA990] =	vst v0  }
0x35: {  	[tilespmem:$0xA9A0] =	vst v0  }
0x36: {  	[tilespmem:$0xA9B0] =	vst v0  }
0x37: {  	[tilespmem:$0xA9C0] =	vst v0  }
0x38: {  	[tilespmem:$0xA9D0] =	vst v0  }
0x39: {  	[tilespmem:$0xA9E0] =	vst v0  }
0x3a: {  	[tilespmem:$0xA9F0] =	vst v0  }
0x3b: {  	[tilespmem:$0xAA80] =	vst v0  }
0x3c: {  	[tilespmem:$0xAA90] =	vst v0  }
0x3d: {  	[tilespmem:$0xAAA0] =	vst v0  }
0x3e: {  	[tilespmem:$0xAAB0] =	vst v0  }
0x3f: {  	[tilespmem:$0xAAC0] =	vst v0  }
0x40: {  	[tilespmem:$0xAAD0] =	vst v0  }
0x41: {  	[tilespmem:$0xAAE0] =	vst v0  }
0x42: {  	[tilespmem:$0xAAF0] =	vst v0  }
0x43: {  	[tilespmem:$0xAB80] =	vst v0  }
0x44: {  	[tilespmem:$0xAB90] =	vst v0  }
0x45: {  	[tilespmem:$0xABA0] =	vst v0  }
0x46: {  	[tilespmem:$0xABB0] =	vst v0  }
0x47: {  	[tilespmem:$0xABC0] =	vst v0  }
0x48: {  	[tilespmem:$0xABD0] =	vst v0  }
0x49: {  	[tilespmem:$0xABE0] =	vst v0  }
0x4a: {  	[tilespmem:$0xABF0] =	vst v0  }
0x4b: {  	[tilespmem:$0xAC80] =	vst v0  }
0x4c: {  	[tilespmem:$0xAC90] =	vst v0  }
0x4d: {  	[tilespmem:$0xACA0] =	vst v0  }
.Ltmp2:
0x4e: {  	[tilespmem:$0xACB0] =	vst v0;
	(pc) =	sbr.rel .LBB2_2-.Ltmp2, $4  }
0x4f: {  	[tilespmem:$0xACC0] =	vst v0  }
0x50: {  	[tilespmem:$0xACD0] =	vst v0  }
0x51: {  	[tilespmem:$0xACE0] =	vst v0  }
0x52: {  	[tilespmem:$0xACF0] =	vst v0;
	s29 =	simm.s32 $0x0  }
.LBB2_12:
0x53: {  	s29 =	sadd.s32 $0x1, s29  }
0x54: {  	p0 =	sne.s32 s29, s8  }
.Ltmp3:
0x55: {  	s0 =	sadd.s32 s9, s30;
	(pc) =	sbr.rel @!p0 .LBB2_13-.Ltmp3, $4  }
0x56: {  	[hbm4b:s0+s4] =	stream.linear.scatter [tilespmem:s15], [sflag:$0x1], $0x1000, $0x38;
	[tilespmem:$0xAD00] =	vst v63  }
0x57: {  	_ =	swait.ge [sflag:s11], $0x1000  }
0x58: {  	[sflag:s11] =	ssyncset.done $0x0  }
0x59: {  	[sflag:s11] =	ssyncadd.s32 $0xFFFFF000  }
.LBB2_2:
0x5a: {  	s0 =	sshll.u32 s29, $0x5  }
0x5b: {  	s0 =	sor.u32 s7, s0  }
0x5c: {  	s30 =	sshll.u32 s0, $0x9  }
0x5d: {  	s3 =	sadd.s32 s1, s30  }
0x5e: {  	[tilespmem:s4], [sflag:$0x1] =	stream.linear.gather [hbm4b:s3+s4], $0x1000, $0x38;
	[tilespmem:$0xAD00] =	vst v63  }
0x5f: {  	_ =	swait.ge [sflag:s11], $0x1000  }
0x60: {  	s0 =	sshll.u32 s0, $0x7;
	[sflag:s11] =	ssyncset.done $0x0  }
0x61: {  	s0 =	sadd.s32 s2, s0;
	[sflag:s11] =	ssyncadd.s32 $0xFFFFF000  }
0x62: {  	[tilespmem:s12], [sflag:$0x1] =	stream.linear.gather [hbm4b:s0+s4], $0x400, $0x38;
	[tilespmem:$0xAD00] =	vst v63  }
0x63: {  	_ =	swait.ge [sflag:s11], $0x400  }
0x64: {  	[sflag:s11] =	ssyncset.done $0x0  }
0x65: {  	[sflag:s11] =	ssyncadd.s32 $0xFFFFFC00  }
0x66: {  	v6 =	vld [tilespmem:$0xA100];
	_ =	sdelay $0x3  }
0x67: {  	v7 =	vld [tilespmem:$0xA4F0]  }
0x68: {  	v6 =	vxor.u32 $0x80000000, v6  }
0x69: {  	(xrf0) =	vmin.scan.msk.u32 $0xffff, v6;
	_ =	sdelay $0x2  }
0x6a: {  	v6 =	vxor.u32 $0x80000000, v7  }
0x6b: {  	(xrf0) =	vmax.scan.msk.u32 $0xffff, v6;
	_ =	sdelay $0x1  }
0x6c: {  	v6, _, _ =	vpop (xrf0)  }
0x6d: {  	(v2sf) =	vpush v6, $0xF;
	_ =	sdelay $0x2  }
0x6e: {  	v6, _, _ =	vpop (xrf0)  }
0x6f: {  	(v2sf) =	vpush v6, $0xF;
	_ =	sdelay $0xa  }
0x70: {  	s20 =	spop (v2sf)  }
0x71: {  	s0 =	sxor.u32 $0x80000000, s20  }
0x72: {  	s23 =	sshra.s32 s0, $0x1F  }
0x73: {  	s3 =	sshrl.u32 s23, $0x1D  }
0x74: {  	s19 =	spop (v2sf);
	s0 =	sadd.s32 s3, s0  }
0x75: {  	s25 =	sxor.u32 $0x80000000, s19;
	s19 =	sand.u32 $0xFFFFFFF8, s0  }
0x76: {  	s3 =	ssub.s32 s25, s19  }
0x77: {  	s0 =	sadd.s32 $0x1, s3  }
0x78: {  	p0 =	sgt.s32 s0, $0x100  }
.Ltmp4:
0x79: {  	_ = 	snop;
	(pc) =	sbr.rel @p0 .LBB2_5-.Ltmp4, $1  }
0x7a: {  	_ =	sdelay $0x3  }
0x7b: {  	s3 =	sand.u32 $0x1FFFFFF8, s19  }
0x7c: {  	s0 =	simm.s32 $0x0;
	s20 =	sadd.s32 s5, s3  }
0x7d: {  	[tilespmem:s13], [sflag:$0x1] =	stream.linear.gather [hbm4b:s20+s0], $0x840, $0x38;
	[tilespmem:$0xAD00] =	vst v63  }
0x7e: {  	_ =	swait.ge [sflag:s11], $0x840  }
0x7f: {  	[sflag:s11] =	ssyncset.done $0x0  }
0x80: {  	s3 =	sadd.s32 s6, s3;
	[sflag:s11] =	ssyncadd.s32 $0xFFFFF7C0  }
0x81: {  	[tilespmem:s14], [sflag:$0x1] =	stream.linear.gather [hbm4b:s3+s0], $0x840, $0x38;
	[tilespmem:$0xAD00] =	vst v63  }
0x82: {  	_ =	swait.ge [sflag:s11], $0x840  }
0x83: {  	v6 =	vmov s19;
	s19 =	simm.s32 $0x40;
	[sflag:s11] =	ssyncset.done $0x0  }
0x84: {  	s20 =	simm.s32 $0x9140;
	s3 =	simm.s32 $0xFFFFFFFE;
	[sflag:s11] =	ssyncadd.s32 $0xFFFFF7C0  }
.LBB2_4:
0x85: {  	v7 =	vmov s0  }
0x86: {  	v7 =	vshrl.u32 v7, $0x3  }
0x87: {  	v7 =	vshll.u32 v7, v1  }
0x88: {  	v7 =	vbroadcast v7, $0x0;
	_ =	sdelay $0x1  }
0x89: {  	v8 =	vor.u32 v2, v7;
	_ =	sdelay $0x4  }
0x8a: {  	v8 =	vld.idx.msk [tilespmem:v8+s12+$0x0], $0xffff;
	_ =	sdelay $0x4  }
0x8b: {  	v8 =	vsub.s32 v8, v6  }
0x8c: {  	v8 =	vshll.u32 v8, $0x3  }
0x8d: {  	v8 =	vor.u32 v3, v8;
	_ =	sdelay $0x3  }
0x8e: {  	v9 =	vld [tilespmem:s19+$0xFFFFFFC0]  }
0x8f: {  	v10 =	vld.idx.msk [tilespmem:v8+s13+$0x0], $0xffff;
	_ =	sdelay $0x1  }
0x90: {  	v8 =	vld.idx.msk [tilespmem:v8+s14+$0x0], $0xffff;
	_ =	sdelay $0x2  }
0x91: {  	v7 =	vor.u32 v4, v7;
	v9 =	vmul.f32 v10, v9;
	_ =	sdelay $0x1  }
0x92: {  	v8 =	vadd.f32 v8, v9;
	_ =	sdelay $0x1  }
0x93: {  	[tilespmem:s20+$0xFFFFFFC0] =	vst v8  }
0x94: {  	v7 =	vld.idx.msk [tilespmem:v7+s12+$0x0], $0xffff;
	_ =	sdelay $0x4  }
0x95: {  	v7 =	vsub.s32 v7, v6  }
0x96: {  	v7 =	vshll.u32 v7, $0x3  }
0x97: {  	v7 =	vor.u32 v3, v7;
	_ =	sdelay $0x3  }
0x98: {  	s23 =	sadd.s32 $0x8, s0;
	v8 =	vld [tilespmem:s19+$0xFFFFFFD0]  }
0x99: {  	v47 =	vmov s23;
	v46 =	vld.idx.msk [tilespmem:v7+s13+$0x0], $0xffff  }
0x9a: {  	v10 =	vshrl.u32 v47, $0x3  }
0x9b: {  	v10 =	vshll.u32 v10, v1;
	v7 =	vld.idx.msk [tilespmem:v7+s14+$0x0], $0xffff  }
0x9c: {  	v10 =	vbroadcast v10, $0x0;
	_ =	sdelay $0x1  }
0x9d: {  	v48 =	vor.u32 v2, v10;
	v8 =	vmul.f32 v46, v8;
	_ =	sdelay $0x1  }
0x9e: {  	v7 =	vadd.f32 v7, v8;
	_ =	sdelay $0x1  }
0x9f: {  	[tilespmem:s20+$0xFFFFFFD0] =	vst v7  }
0xa0: {  	v7 =	vld.idx.msk [tilespmem:v48+s12+$0x0], $0xffff;
	_ =	sdelay $0x4  }
0xa1: {  	v7 =	vsub.s32 v7, v6  }
0xa2: {  	v7 =	vshll.u32 v7, $0x3  }
0xa3: {  	v7 =	vor.u32 v3, v7;
	_ =	sdelay $0x3  }
0xa4: {  	s25 =	sadd.s32 $0xC, s0;
	v8 =	vld [tilespmem:s19+$0xFFFFFFE0]  }
0xa5: {  	v50 =	vmov s25;
	v49 =	vld.idx.msk [tilespmem:v7+s13+$0x0], $0xffff  }
0xa6: {  	v10 =	vshrl.u32 v50, $0x3  }
0xa7: {  	v10 =	vshll.u32 v10, v1;
	v7 =	vld.idx.msk [tilespmem:v7+s14+$0x0], $0xffff  }
0xa8: {  	v10 =	vbroadcast v10, $0x0;
	_ =	sdelay $0x1  }
0xa9: {  	v51 =	vor.u32 v4, v10;
	v8 =	vmul.f32 v49, v8;
	_ =	sdelay $0x1  }
0xaa: {  	v7 =	vadd.f32 v7, v8;
	_ =	sdelay $0x1  }
0xab: {  	[tilespmem:s20+$0xFFFFFFE0] =	vst v7  }
0xac: {  	v7 =	vld.idx.msk [tilespmem:v51+s12+$0x0], $0xffff;
	_ =	sdelay $0x4  }
0xad: {  	v7 =	vsub.s32 v7, v6  }
0xae: {  	v7 =	vshll.u32 v7, $0x3  }
0xaf: {  	v7 =	vor.u32 v3, v7;
	_ =	sdelay $0x3  }
0xb0: {  	s25 =	sadd.s32 $0x10, s0;
	v8 =	vld [tilespmem:s19+$0xFFFFFFF0]  }
0xb1: {  	v53 =	vmov s25;
	v52 =	vld.idx.msk [tilespmem:v7+s13+$0x0], $0xffff  }
0xb2: {  	v10 =	vshrl.u32 v53, $0x3  }
0xb3: {  	v10 =	vshll.u32 v10, v1;
	v7 =	vld.idx.msk [tilespmem:v7+s14+$0x0], $0xffff  }
0xb4: {  	v10 =	vbroadcast v10, $0x0;
	_ =	sdelay $0x1  }
0xb5: {  	v54 =	vor.u32 v2, v10;
	v8 =	vmul.f32 v52, v8;
	_ =	sdelay $0x1  }
0xb6: {  	v7 =	vadd.f32 v7, v8;
	_ =	sdelay $0x1  }
0xb7: {  	[tilespmem:s20+$0xFFFFFFF0] =	vst v7  }
0xb8: {  	v7 =	vld.idx.msk [tilespmem:v54+s12+$0x0], $0xffff;
	_ =	sdelay $0x4  }
0xb9: {  	v7 =	vsub.s32 v7, v6  }
0xba: {  	v7 =	vshll.u32 v7, $0x3  }
0xbb: {  	v7 =	vor.u32 v3, v7;
	_ =	sdelay $0x3  }
0xbc: {  	v8 =	vld [tilespmem:s19+$0x0]  }
0xbd: {  	v55 =	vld.idx.msk [tilespmem:v7+s13+$0x0], $0xffff;
	_ =	sdelay $0x1  }
0xbe: {  	v7 =	vld.idx.msk [tilespmem:v7+s14+$0x0], $0xffff;
	_ =	sdelay $0x2  }
0xbf: {  	v56 =	vor.u32 v4, v10;
	v8 =	vmul.f32 v55, v8;
	_ =	sdelay $0x1  }
0xc0: {  	v7 =	vadd.f32 v7, v8;
	_ =	sdelay $0x1  }
0xc1: {  	[tilespmem:s20+$0x0] =	vst v7  }
0xc2: {  	v7 =	vld.idx.msk [tilespmem:v56+s12+$0x0], $0xffff;
	_ =	sdelay $0x4  }
0xc3: {  	v7 =	vsub.s32 v7, v6  }
0xc4: {  	v7 =	vshll.u32 v7, $0x3  }
0xc5: {  	v7 =	vor.u32 v3, v7;
	_ =	sdelay $0x3  }
0xc6: {  	s25 =	sadd.s32 $0x18, s0;
	v8 =	vld [tilespmem:s19+$0x10]  }
0xc7: {  	v58 =	vmov s25;
	v57 =	vld.idx.msk [tilespmem:v7+s13+$0x0], $0xffff  }
0xc8: {  	v10 =	vshrl.u32 v58, $0x3  }
0xc9: {  	v10 =	vshll.u32 v10, v1;
	v7 =	vld.idx.msk [tilespmem:v7+s14+$0x0], $0xffff  }
0xca: {  	v10 =	vbroadcast v10, $0x0;
	_ =	sdelay $0x1  }
0xcb: {  	v59 =	vor.u32 v2, v10;
	v8 =	vmul.f32 v57, v8;
	_ =	sdelay $0x1  }
0xcc: {  	v7 =	vadd.f32 v7, v8;
	_ =	sdelay $0x1  }
0xcd: {  	[tilespmem:s20+$0x10] =	vst v7  }
0xce: {  	v7 =	vld.idx.msk [tilespmem:v59+s12+$0x0], $0xffff;
	_ =	sdelay $0x4  }
0xcf: {  	v7 =	vsub.s32 v7, v6  }
0xd0: {  	v7 =	vshll.u32 v7, $0x3  }
0xd1: {  	v7 =	vor.u32 v3, v7;
	_ =	sdelay $0x3  }
0xd2: {  	s25 =	sadd.s32 $0x1C, s0;
	v8 =	vld [tilespmem:s19+$0x20]  }
0xd3: {  	v61 =	vmov s25;
	v60 =	vld.idx.msk [tilespmem:v7+s13+$0x0], $0xffff  }
0xd4: {  	v10 =	vshrl.u32 v61, $0x3  }
0xd5: {  	v10 =	vshll.u32 v10, v1;
	v7 =	vld.idx.msk [tilespmem:v7+s14+$0x0], $0xffff  }
0xd6: {  	v10 =	vbroadcast v10, $0x0;
	_ =	sdelay $0x1  }
0xd7: {  	v62 =	vor.u32 v4, v10;
	v8 =	vmul.f32 v60, v8;
	_ =	sdelay $0x1  }
0xd8: {  	v7 =	vadd.f32 v7, v8;
	_ =	sdelay $0x1  }
0xd9: {  	[tilespmem:s20+$0x20] =	vst v7  }
0xda: {  	v7 =	vld.idx.msk [tilespmem:v62+s12+$0x0], $0xffff;
	_ =	sdelay $0x4  }
0xdb: {  	v7 =	vsub.s32 v7, v6  }
0xdc: {  	v7 =	vshll.u32 v7, $0x3  }
0xdd: {  	v7 =	vor.u32 v3, v7;
	_ =	sdelay $0x3  }
0xde: {  	v8 =	vld [tilespmem:s19+$0x30]  }
0xdf: {  	v63 =	vld.idx.msk [tilespmem:v7+s13+$0x0], $0xffff;
	_ =	sdelay $0x1  }
0xe0: {  	v7 =	vld.idx.msk [tilespmem:v7+s14+$0x0], $0xffff  }
0xe1: {  	s3 =	sadd.s32 $0x2, s3  }
0xe2: {  	p0 =	slt.u32 s3, $0x3E  }
.Ltmp5:
0xe3: {  	v8 =	vmul.f32 v63, v8;
	(pc) =	sbr.rel @p0 .LBB2_4-.Ltmp5, $3  }
0xe4: {  	_ = 	snop  }
0xe5: {  	v7 =	vadd.f32 v7, v8;
	_ =	sdelay $0x1  }
0xe6: {  	s0 =	sadd.s32 $0x20, s0;
	s19 =	sadd.s32 $0x80, s19;
	[tilespmem:s20+$0x30] =	vst v7;
	s20 =	sadd.s32 $0x80, s20  }
.Ltmp6:
0xe7: {  	_ = 	snop;
	(pc) =	sbr.rel .LBB2_12-.Ltmp6, $1  }
0xe8: {  	_ =	sdelay $0x3  }
.LBB2_5:
0xe9: {  	p0 =	sgt.s32 s3, $0x7FF  }
.Ltmp7:
0xea: {  	_ = 	snop;
	(pc) =	sbr.rel @p0 .LBB2_8-.Ltmp7, $1  }
0xeb: {  	_ =	sdelay $0x3  }
0xec: {  	s20 =	sand.u32 $0x1FFFFFF8, s19  }
0xed: {  	s3 =	simm.s32 $0x0;
	s23 =	sadd.s32 s5, s20  }
0xee: {  	[tilespmem:s13], [sflag:$0x1] =	stream.linear.gather [hbm4b:s23+s3], $0x4040, $0x38;
	[tilespmem:$0xAD00] =	vst v63  }
0xef: {  	_ =	swait.ge [sflag:s11], $0x4040  }
0xf0: {  	[sflag:s11] =	ssyncset.done $0x0  }
0xf1: {  	s20 =	sadd.s32 s6, s20;
	[sflag:s11] =	ssyncadd.s32 $0xFFFFBFC0  }
0xf2: {  	[tilespmem:s14], [sflag:$0x1] =	stream.linear.gather [hbm4b:s20+s3], $0x4040, $0x38;
	[tilespmem:$0xAD00] =	vst v63  }
0xf3: {  	_ =	swait.ge [sflag:s11], $0x4040  }
0xf4: {  	v6 =	vmov s19;
	s19 =	simm.s32 $0xFFFFFFFE;
	[sflag:s11] =	ssyncset.done $0x0  }
0xf5: {  	s23 =	simm.s32 $0x9140;
	s20 =	simm.s32 $0x40;
	[sflag:s11] =	ssyncadd.s32 $0xFFFFBFC0  }
.LBB2_7:
0xf6: {  	v7 =	vmov s3  }
0xf7: {  	v7 =	vshrl.u32 v7, $0x3  }
0xf8: {  	v7 =	vshll.u32 v7, v1  }
0xf9: {  	v7 =	vbroadcast v7, $0x0;
	_ =	sdelay $0x1  }
0xfa: {  	v8 =	vor.u32 v2, v7;
	_ =	sdelay $0x4  }
0xfb: {  	v8 =	vld.idx.msk [tilespmem:v8+s12+$0x0], $0xffff;
	_ =	sdelay $0x4  }
0xfc: {  	v8 =	vsub.s32 v8, v6  }
0xfd: {  	v8 =	vshll.u32 v8, $0x3  }
0xfe: {  	v8 =	vor.u32 v3, v8;
	_ =	sdelay $0x3  }
0xff: {  	v9 =	vld [tilespmem:s20+$0xFFFFFFC0]  }
0x100: {  	v10 =	vld.idx.msk [tilespmem:v8+s13+$0x0], $0xffff;
	_ =	sdelay $0x1  }
0x101: {  	v8 =	vld.idx.msk [tilespmem:v8+s14+$0x0], $0xffff;
	_ =	sdelay $0x2  }
0x102: {  	v7 =	vor.u32 v4, v7;
	v9 =	vmul.f32 v10, v9;
	_ =	sdelay $0x1  }
0x103: {  	v8 =	vadd.f32 v8, v9;
	_ =	sdelay $0x1  }
0x104: {  	[tilespmem:s23+$0xFFFFFFC0] =	vst v8  }
0x105: {  	v7 =	vld.idx.msk [tilespmem:v7+s12+$0x0], $0xffff;
	_ =	sdelay $0x4  }
0x106: {  	v7 =	vsub.s32 v7, v6  }
0x107: {  	v7 =	vshll.u32 v7, $0x3  }
0x108: {  	v7 =	vor.u32 v3, v7;
	_ =	sdelay $0x3  }
0x109: {  	s25 =	sadd.s32 $0x8, s3;
	v8 =	vld [tilespmem:s20+$0xFFFFFFD0]  }
0x10a: {  	v47 =	vmov s25;
	v46 =	vld.idx.msk [tilespmem:v7+s13+$0x0], $0xffff  }
0x10b: {  	v10 =	vshrl.u32 v47, $0x3  }
0x10c: {  	v10 =	vshll.u32 v10, v1;
	v7 =	vld.idx.msk [tilespmem:v7+s14+$0x0], $0xffff  }
0x10d: {  	v10 =	vbroadcast v10, $0x0;
	_ =	sdelay $0x1  }
0x10e: {  	v48 =	vor.u32 v2, v10;
	v8 =	vmul.f32 v46, v8;
	_ =	sdelay $0x1  }
0x10f: {  	v7 =	vadd.f32 v7, v8;
	_ =	sdelay $0x1  }
0x110: {  	[tilespmem:s23+$0xFFFFFFD0] =	vst v7  }
0x111: {  	v7 =	vld.idx.msk [tilespmem:v48+s12+$0x0], $0xffff;
	_ =	sdelay $0x4  }
0x112: {  	v7 =	vsub.s32 v7, v6  }
0x113: {  	v7 =	vshll.u32 v7, $0x3  }
0x114: {  	v7 =	vor.u32 v3, v7;
	_ =	sdelay $0x3  }
0x115: {  	s25 =	sadd.s32 $0xC, s3;
	v8 =	vld [tilespmem:s20+$0xFFFFFFE0]  }
0x116: {  	v50 =	vmov s25;
	v49 =	vld.idx.msk [tilespmem:v7+s13+$0x0], $0xffff  }
0x117: {  	v10 =	vshrl.u32 v50, $0x3  }
0x118: {  	v10 =	vshll.u32 v10, v1;
	v7 =	vld.idx.msk [tilespmem:v7+s14+$0x0], $0xffff  }
0x119: {  	v10 =	vbroadcast v10, $0x0;
	_ =	sdelay $0x1  }
0x11a: {  	v51 =	vor.u32 v4, v10;
	v8 =	vmul.f32 v49, v8;
	_ =	sdelay $0x1  }
0x11b: {  	v7 =	vadd.f32 v7, v8;
	_ =	sdelay $0x1  }
0x11c: {  	[tilespmem:s23+$0xFFFFFFE0] =	vst v7  }
0x11d: {  	v7 =	vld.idx.msk [tilespmem:v51+s12+$0x0], $0xffff;
	_ =	sdelay $0x4  }
0x11e: {  	v7 =	vsub.s32 v7, v6  }
0x11f: {  	v7 =	vshll.u32 v7, $0x3  }
0x120: {  	v7 =	vor.u32 v3, v7;
	_ =	sdelay $0x3  }
0x121: {  	s25 =	sadd.s32 $0x10, s3;
	v8 =	vld [tilespmem:s20+$0xFFFFFFF0]  }
0x122: {  	v53 =	vmov s25;
	v52 =	vld.idx.msk [tilespmem:v7+s13+$0x0], $0xffff  }
0x123: {  	v10 =	vshrl.u32 v53, $0x3  }
0x124: {  	v10 =	vshll.u32 v10, v1;
	v7 =	vld.idx.msk [tilespmem:v7+s14+$0x0], $0xffff  }
0x125: {  	v10 =	vbroadcast v10, $0x0;
	_ =	sdelay $0x1  }
0x126: {  	v54 =	vor.u32 v2, v10;
	v8 =	vmul.f32 v52, v8;
	_ =	sdelay $0x1  }
0x127: {  	v7 =	vadd.f32 v7, v8;
	_ =	sdelay $0x1  }
0x128: {  	[tilespmem:s23+$0xFFFFFFF0] =	vst v7  }
0x129: {  	v7 =	vld.idx.msk [tilespmem:v54+s12+$0x0], $0xffff;
	_ =	sdelay $0x4  }
0x12a: {  	v7 =	vsub.s32 v7, v6  }
0x12b: {  	v7 =	vshll.u32 v7, $0x3  }
0x12c: {  	v7 =	vor.u32 v3, v7;
	_ =	sdelay $0x3  }
0x12d: {  	v8 =	vld [tilespmem:s20+$0x0]  }
0x12e: {  	v55 =	vld.idx.msk [tilespmem:v7+s13+$0x0], $0xffff;
	_ =	sdelay $0x1  }
0x12f: {  	v7 =	vld.idx.msk [tilespmem:v7+s14+$0x0], $0xffff;
	_ =	sdelay $0x2  }
0x130: {  	v56 =	vor.u32 v4, v10;
	v8 =	vmul.f32 v55, v8;
	_ =	sdelay $0x1  }
0x131: {  	v7 =	vadd.f32 v7, v8;
	_ =	sdelay $0x1  }
0x132: {  	[tilespmem:s23+$0x0] =	vst v7  }
0x133: {  	v7 =	vld.idx.msk [tilespmem:v56+s12+$0x0], $0xffff;
	_ =	sdelay $0x4  }
0x134: {  	v7 =	vsub.s32 v7, v6  }
0x135: {  	v7 =	vshll.u32 v7, $0x3  }
0x136: {  	v7 =	vor.u32 v3, v7;
	_ =	sdelay $0x3  }
0x137: {  	s25 =	sadd.s32 $0x18, s3;
	v8 =	vld [tilespmem:s20+$0x10]  }
0x138: {  	v58 =	vmov s25;
	v57 =	vld.idx.msk [tilespmem:v7+s13+$0x0], $0xffff  }
0x139: {  	v10 =	vshrl.u32 v58, $0x3  }
0x13a: {  	v10 =	vshll.u32 v10, v1;
	v7 =	vld.idx.msk [tilespmem:v7+s14+$0x0], $0xffff  }
0x13b: {  	v10 =	vbroadcast v10, $0x0;
	_ =	sdelay $0x1  }
0x13c: {  	v59 =	vor.u32 v2, v10;
	v8 =	vmul.f32 v57, v8;
	_ =	sdelay $0x1  }
0x13d: {  	v7 =	vadd.f32 v7, v8;
	_ =	sdelay $0x1  }
0x13e: {  	[tilespmem:s23+$0x10] =	vst v7  }
0x13f: {  	v7 =	vld.idx.msk [tilespmem:v59+s12+$0x0], $0xffff;
	_ =	sdelay $0x4  }
0x140: {  	v7 =	vsub.s32 v7, v6  }
0x141: {  	v7 =	vshll.u32 v7, $0x3  }
0x142: {  	v7 =	vor.u32 v3, v7;
	_ =	sdelay $0x3  }
0x143: {  	s25 =	sadd.s32 $0x1C, s3;
	v8 =	vld [tilespmem:s20+$0x20]  }
0x144: {  	v61 =	vmov s25;
	v60 =	vld.idx.msk [tilespmem:v7+s13+$0x0], $0xffff  }
0x145: {  	v10 =	vshrl.u32 v61, $0x3  }
0x146: {  	v10 =	vshll.u32 v10, v1;
	v7 =	vld.idx.msk [tilespmem:v7+s14+$0x0], $0xffff  }
0x147: {  	v10 =	vbroadcast v10, $0x0;
	_ =	sdelay $0x1  }
0x148: {  	v62 =	vor.u32 v4, v10;
	v8 =	vmul.f32 v60, v8;
	_ =	sdelay $0x1  }
0x149: {  	v7 =	vadd.f32 v7, v8;
	_ =	sdelay $0x1  }
0x14a: {  	[tilespmem:s23+$0x20] =	vst v7  }
0x14b: {  	v7 =	vld.idx.msk [tilespmem:v62+s12+$0x0], $0xffff;
	_ =	sdelay $0x4  }
0x14c: {  	v7 =	vsub.s32 v7, v6  }
0x14d: {  	v7 =	vshll.u32 v7, $0x3  }
0x14e: {  	v7 =	vor.u32 v3, v7;
	_ =	sdelay $0x3  }
0x14f: {  	v8 =	vld [tilespmem:s20+$0x30]  }
0x150: {  	v63 =	vld.idx.msk [tilespmem:v7+s13+$0x0], $0xffff;
	_ =	sdelay $0x1  }
0x151: {  	v7 =	vld.idx.msk [tilespmem:v7+s14+$0x0], $0xffff  }
0x152: {  	s19 =	sadd.s32 $0x2, s19  }
0x153: {  	p0 =	slt.u32 s19, $0x3E  }
.Ltmp8:
0x154: {  	v8 =	vmul.f32 v63, v8;
	(pc) =	sbr.rel @p0 .LBB2_7-.Ltmp8, $3  }
0x155: {  	_ = 	snop  }
0x156: {  	v7 =	vadd.f32 v7, v8;
	_ =	sdelay $0x1  }
0x157: {  	s3 =	sadd.s32 $0x20, s3;
	s20 =	sadd.s32 $0x80, s20;
	[tilespmem:s23+$0x30] =	vst v7;
	s23 =	sadd.s32 $0x80, s23  }
.LBB2_8:
0x158: {  	p0 =	slt.u32 s0, $0x801  }
.Ltmp9:
0x159: {  	_ = 	snop;
	(pc) =	sbr.rel @p0 .LBB2_12-.Ltmp9, $1  }
0x15a: {  	_ =	sdelay $0x3  }
0x15b: {  	v6 =	vld [tilespmem:$0xA100]  }
0x15c: {  	v7 =	vld [tilespmem:$0xA110]  }
0x15d: {  	v8 =	vld [tilespmem:$0xA120]  }
0x15e: {  	v9 =	vld [tilespmem:$0xA130]  }
0x15f: {  	v10 =	vld [tilespmem:$0xA140]  }
0x160: {  	v33 =	vld [tilespmem:$0xA180];
	[tilespmem:$0xA500] =	vst v6  }
0x161: {  	v6 =	vld [tilespmem:$0xA150];
	[tilespmem:$0xA510] =	vst v7  }
0x162: {  	v7 =	vld [tilespmem:$0xA160];
	[tilespmem:$0xA520] =	vst v8  }
0x163: {  	v8 =	vld [tilespmem:$0xA170];
	[tilespmem:$0xA530] =	vst v9  }
0x164: {  	v34 =	vld [tilespmem:$0xA190];
	[tilespmem:$0xA540] =	vst v10  }
0x165: {  	v35 =	vld [tilespmem:$0xA1D0];
	[tilespmem:$0xA600] =	vst v33  }
0x166: {  	[tilespmem:$0xA550] =	vst v6;
	v6 =	vld [tilespmem:$0xA1A0]  }
0x167: {  	[tilespmem:$0xA560] =	vst v7;
	v7 =	vld [tilespmem:$0xA1B0]  }
0x168: {  	[tilespmem:$0xA570] =	vst v8;
	v8 =	vld [tilespmem:$0xA1C0]  }
0x169: {  	v36 =	vld [tilespmem:$0xA1E0];
	[tilespmem:$0xA610] =	vst v34  }
0x16a: {  	v37 =	vld [tilespmem:$0xA220];
	[tilespmem:$0xA650] =	vst v35  }
0x16b: {  	[tilespmem:$0xA620] =	vst v6;
	v6 =	vld [tilespmem:$0xA1F0]  }
0x16c: {  	[tilespmem:$0xA630] =	vst v7;
	v7 =	vld [tilespmem:$0xA200]  }
0x16d: {  	[tilespmem:$0xA640] =	vst v8;
	v8 =	vld [tilespmem:$0xA210]  }
0x16e: {  	v38 =	vld [tilespmem:$0xA230];
	[tilespmem:$0xA660] =	vst v36  }
0x16f: {  	v39 =	vld [tilespmem:$0xA270];
	[tilespmem:$0xA720] =	vst v37  }
0x170: {  	[tilespmem:$0xA670] =	vst v6;
	v6 =	vld [tilespmem:$0xA240]  }
0x171: {  	[tilespmem:$0xA700] =	vst v7;
	v7 =	vld [tilespmem:$0xA250]  }
0x172: {  	[tilespmem:$0xA710] =	vst v8;
	v8 =	vld [tilespmem:$0xA260]  }
0x173: {  	v40 =	vld [tilespmem:$0xA280];
	[tilespmem:$0xA730] =	vst v38  }
0x174: {  	v41 =	vld [tilespmem:$0xA2C0];
	[tilespmem:$0xA770] =	vst v39  }
0x175: {  	[tilespmem:$0xA740] =	vst v6;
	v6 =	vld [tilespmem:$0xA290]  }
0x176: {  	[tilespmem:$0xA750] =	vst v7;
	v7 =	vld [tilespmem:$0xA2A0]  }
0x177: {  	[tilespmem:$0xA760] =	vst v8;
	v8 =	vld [tilespmem:$0xA2B0]  }
0x178: {  	v42 =	vld [tilespmem:$0xA2D0];
	[tilespmem:$0xA800] =	vst v40  }
0x179: {  	v43 =	vld [tilespmem:$0xA310];
	[tilespmem:$0xA840] =	vst v41  }
0x17a: {  	[tilespmem:$0xA810] =	vst v6;
	v6 =	vld [tilespmem:$0xA2E0]  }
0x17b: {  	[tilespmem:$0xA820] =	vst v7;
	v7 =	vld [tilespmem:$0xA2F0]  }
0x17c: {  	[tilespmem:$0xA830] =	vst v8;
	v8 =	vld [tilespmem:$0xA300]  }
0x17d: {  	v44 =	vld [tilespmem:$0xA320];
	[tilespmem:$0xA850] =	vst v42  }
0x17e: {  	v45 =	vld [tilespmem:$0xA360];
	[tilespmem:$0xA910] =	vst v43  }
0x17f: {  	[tilespmem:$0xA860] =	vst v6;
	v6 =	vld [tilespmem:$0xA330]  }
0x180: {  	[tilespmem:$0xA870] =	vst v7;
	v7 =	vld [tilespmem:$0xA340]  }
0x181: {  	[tilespmem:$0xA900] =	vst v8;
	v8 =	vld [tilespmem:$0xA350]  }
0x182: {  	v46 =	vld [tilespmem:$0xA370];
	[tilespmem:$0xA920] =	vst v44  }
0x183: {  	v47 =	vld [tilespmem:$0xA3B0];
	[tilespmem:$0xA960] =	vst v45  }
0x184: {  	[tilespmem:$0xA930] =	vst v6;
	v6 =	vld [tilespmem:$0xA380]  }
0x185: {  	[tilespmem:$0xA940] =	vst v7;
	v7 =	vld [tilespmem:$0xA390]  }
0x186: {  	[tilespmem:$0xA950] =	vst v8;
	v8 =	vld [tilespmem:$0xA3A0]  }
0x187: {  	v48 =	vld [tilespmem:$0xA3C0];
	[tilespmem:$0xA970] =	vst v46  }
0x188: {  	v49 =	vld [tilespmem:$0xA400];
	[tilespmem:$0xAA30] =	vst v47  }
0x189: {  	[tilespmem:$0xAA00] =	vst v6;
	v6 =	vld [tilespmem:$0xA3D0]  }
0x18a: {  	[tilespmem:$0xAA10] =	vst v7;
	v7 =	vld [tilespmem:$0xA3E0]  }
0x18b: {  	[tilespmem:$0xAA20] =	vst v8;
	v8 =	vld [tilespmem:$0xA3F0]  }
0x18c: {  	v50 =	vld [tilespmem:$0xA410];
	[tilespmem:$0xAA40] =	vst v48  }
0x18d: {  	v51 =	vld [tilespmem:$0xA450];
	[tilespmem:$0xAB00] =	vst v49  }
0x18e: {  	[tilespmem:$0xAA50] =	vst v6;
	v6 =	vld [tilespmem:$0xA420]  }
0x18f: {  	[tilespmem:$0xAA60] =	vst v7;
	v7 =	vld [tilespmem:$0xA430]  }
0x190: {  	[tilespmem:$0xAA70] =	vst v8;
	v8 =	vld [tilespmem:$0xA440]  }
0x191: {  	v52 =	vld [tilespmem:$0xA460];
	[tilespmem:$0xAB10] =	vst v50  }
0x192: {  	v53 =	vld [tilespmem:$0xA4A0];
	[tilespmem:$0xAB50] =	vst v51  }
0x193: {  	[tilespmem:$0xAB20] =	vst v6;
	v6 =	vld [tilespmem:$0xA470]  }
0x194: {  	[tilespmem:$0xAB30] =	vst v7;
	v7 =	vld [tilespmem:$0xA480]  }
0x195: {  	[tilespmem:$0xAB40] =	vst v8;
	v8 =	vld [tilespmem:$0xA490]  }
0x196: {  	v54 =	vld [tilespmem:$0xA4B0];
	[tilespmem:$0xAB60] =	vst v52  }
0x197: {  	v55 =	vld [tilespmem:$0xA4F0];
	[tilespmem:$0xAC20] =	vst v53  }
0x198: {  	[tilespmem:$0xAB70] =	vst v6;
	v6 =	vld [tilespmem:$0xA4C0]  }
0x199: {  	[tilespmem:$0xAC00] =	vst v7;
	v7 =	vld [tilespmem:$0xA4D0]  }
0x19a: {  	[tilespmem:$0xAC10] =	vst v8;
	v8 =	vld [tilespmem:$0xA4E0]  }
0x19b: {  	[tilespmem:$0xAC30] =	vst v54  }
0x19c: {  	[tilespmem:$0xAC70] =	vst v55  }
0x19d: {  	[tilespmem:$0xAC40] =	vst v6  }
0x19e: {  	[tilespmem:$0xAC50] =	vst v7  }
0x19f: {  	[tilespmem:$0xAC60] =	vst v8  }
0x1a0: {  	[tilespmem:s13], [sflag:$0x1] =	stream.indirect.gather [hbm4b:s5+s16], $0x4, s17, s16, $0xb8;
	[tilespmem:$0xAD00] =	vst v63  }
0x1a1: {  	_ =	swait.ge [sflag:s11], $0x400  }
0x1a2: {  	[sflag:s11] =	ssyncset.done $0x0  }
0x1a3: {  	[sflag:s11] =	ssyncadd.s32 $0xFFFFFC00  }
0x1a4: {  	[tilespmem:s14], [sflag:$0x1] =	stream.indirect.gather [hbm4b:s6+s16], $0x4, s17, s16, $0xb8;
	[tilespmem:$0xAD00] =	vst v63  }
0x1a5: {  	_ =	swait.ge [sflag:s11], $0x400  }
0x1a6: {  	[sflag:s11] =	ssyncset.done $0x0  }
0x1a7: {  	s0 =	simm.s32 $0x1800;
	[sflag:s11] =	ssyncadd.s32 $0xFFFFFC00  }
0x1a8: {  	[tilespmem:s0], [sflag:$0x1] =	stream.indirect.gather [hbm4b:s5+s16], $0x4, s18, s16, $0xb8;
	[tilespmem:$0xAD00] =	vst v63  }
0x1a9: {  	_ =	swait.ge [sflag:s11], $0x400  }
0x1aa: {  	[sflag:s11] =	ssyncset.done $0x0  }
0x1ab: {  	s23 =	simm.s32 $0x5880;
	[sflag:s11] =	ssyncadd.s32 $0xFFFFFC00  }
0x1ac: {  	[tilespmem:s23], [sflag:$0x1] =	stream.indirect.gather [hbm4b:s6+s16], $0x4, s18, s16, $0xb8;
	[tilespmem:$0xAD00] =	vst v63  }
0x1ad: {  	_ =	swait.ge [sflag:s11], $0x400  }
0x1ae: {  	[sflag:s11] =	ssyncset.done $0x0  }
0x1af: {  	s25 =	simm.s32 $0x2000;
	[sflag:s11] =	ssyncadd.s32 $0xFFFFFC00  }
0x1b0: {  	[tilespmem:s25], [sflag:$0x1] =	stream.indirect.gather [hbm4b:s5+s16], $0x4, s21, s16, $0xb8;
	[tilespmem:$0xAD00] =	vst v63  }
0x1b1: {  	_ =	swait.ge [sflag:s11], $0x400  }
0x1b2: {  	[sflag:s11] =	ssyncset.done $0x0  }
0x1b3: {  	s3 =	simm.s32 $0x6080;
	[sflag:s11] =	ssyncadd.s32 $0xFFFFFC00  }
0x1b4: {  	[tilespmem:s3], [sflag:$0x1] =	stream.indirect.gather [hbm4b:s6+s16], $0x4, s21, s16, $0xb8;
	[tilespmem:$0xAD00] =	vst v63  }
0x1b5: {  	_ =	swait.ge [sflag:s11], $0x400  }
0x1b6: {  	[sflag:s11] =	ssyncset.done $0x0  }
0x1b7: {  	s19 =	simm.s32 $0x2800;
	[sflag:s11] =	ssyncadd.s32 $0xFFFFFC00  }
0x1b8: {  	[tilespmem:s19], [sflag:$0x1] =	stream.indirect.gather [hbm4b:s5+s16], $0x4, s24, s16, $0xb8;
	[tilespmem:$0xAD00] =	vst v63  }
0x1b9: {  	_ =	swait.ge [sflag:s11], $0x400  }
0x1ba: {  	[sflag:s11] =	ssyncset.done $0x0  }
0x1bb: {  	s20 =	simm.s32 $0x6880;
	[sflag:s11] =	ssyncadd.s32 $0xFFFFFC00  }
0x1bc: {  	[tilespmem:s20], [sflag:$0x1] =	stream.indirect.gather [hbm4b:s6+s16], $0x4, s24, s16, $0xb8;
	[tilespmem:$0xAD00] =	vst v63  }
0x1bd: {  	_ =	swait.ge [sflag:s11], $0x400  }
0x1be: {  	[sflag:s11] =	ssyncset.done $0x0  }
0x1bf: {  	s23 =	simm.s32 $0x3000;
	[sflag:s11] =	ssyncadd.s32 $0xFFFFFC00  }
0x1c0: {  	[tilespmem:s23], [sflag:$0x1] =	stream.indirect.gather [hbm4b:s5+s16], $0x4, s28, s16, $0xb8;
	[tilespmem:$0xAD00] =	vst v63  }
0x1c1: {  	_ =	swait.ge [sflag:s11], $0x400  }
0x1c2: {  	[sflag:s11] =	ssyncset.done $0x0  }
0x1c3: {  	s25 =	simm.s32 $0x7080;
	[sflag:s11] =	ssyncadd.s32 $0xFFFFFC00  }
0x1c4: {  	[tilespmem:s25], [sflag:$0x1] =	stream.indirect.gather [hbm4b:s6+s16], $0x4, s28, s16, $0xb8;
	[tilespmem:$0xAD00] =	vst v63  }
0x1c5: {  	_ =	swait.ge [sflag:s11], $0x400  }
0x1c6: {  	[sflag:s11] =	ssyncset.done $0x0  }
0x1c7: {  	s3 =	simm.s32 $0x3800;
	[sflag:s11] =	ssyncadd.s32 $0xFFFFFC00  }
0x1c8: {  	[tilespmem:s3], [sflag:$0x1] =	stream.indirect.gather [hbm4b:s5+s16], $0x4, s31, s16, $0xb8;
	[tilespmem:$0xAD00] =	vst v63  }
0x1c9: {  	_ =	swait.ge [sflag:s11], $0x400  }
0x1ca: {  	[sflag:s11] =	ssyncset.done $0x0  }
0x1cb: {  	s19 =	simm.s32 $0x7880;
	[sflag:s11] =	ssyncadd.s32 $0xFFFFFC00  }
0x1cc: {  	[tilespmem:s19], [sflag:$0x1] =	stream.indirect.gather [hbm4b:s6+s16], $0x4, s31, s16, $0xb8;
	[tilespmem:$0xAD00] =	vst v63  }
0x1cd: {  	_ =	swait.ge [sflag:s11], $0x400  }
0x1ce: {  	[sflag:s11] =	ssyncset.done $0x0  }
0x1cf: {  	s20 =	simm.s32 $0x4000;
	[sflag:s11] =	ssyncadd.s32 $0xFFFFFC00  }
0x1d0: {  	[tilespmem:s20], [sflag:$0x1] =	stream.indirect.gather [hbm4b:s5+s16], $0x4, s10, s16, $0xb8;
	[tilespmem:$0xAD00] =	vst v63  }
0x1d1: {  	_ =	swait.ge [sflag:s11], $0x400  }
0x1d2: {  	[sflag:s11] =	ssyncset.done $0x0  }
0x1d3: {  	s23 =	simm.s32 $0x8080;
	[sflag:s11] =	ssyncadd.s32 $0xFFFFFC00  }
0x1d4: {  	[tilespmem:s23], [sflag:$0x1] =	stream.indirect.gather [hbm4b:s6+s16], $0x4, s10, s16, $0xb8;
	[tilespmem:$0xAD00] =	vst v63  }
0x1d5: {  	s25 =	simm.s32 $0x0;
	_ =	swait.ge [sflag:s11], $0x400  }
0x1d6: {  	v6 =	vmov s25;
	[sflag:s11] =	ssyncset.done $0x0  }
0x1d7: {  	v6 =	vand.u32 $0x380, v6;
	s3 =	simm.s32 $0x4800;
	[sflag:s11] =	ssyncadd.s32 $0xFFFFFC00  }
0x1d8: {  	v6 =	vadd.s32 s25, v6;
	[tilespmem:s3], [sflag:$0x1] =	stream.indirect.gather [hbm4b:s5+s16], $0x4, s22, s16, $0xb8;
	[tilespmem:$0xAD00] =	vst v63  }
0x1d9: {  	v6 =	vadd.s32 v2, v6;
	_ =	swait.ge [sflag:s11], $0x400  }
0x1da: {  	v6 =	vshll.u32 v6, $0x3;
	[sflag:s11] =	ssyncset.done $0x0  }
0x1db: {  	v6 =	vor.u32 v3, v6;
	s3 =	simm.s32 $0x8880;
	[sflag:s11] =	ssyncadd.s32 $0xFFFFFC00  }
0x1dc: {  	[tilespmem:s3], [sflag:$0x1] =	stream.indirect.gather [hbm4b:s6+s16], $0x4, s22, s16, $0xb8;
	[tilespmem:$0xAD00] =	vst v63  }
0x1dd: {  	_ =	swait.ge [sflag:s11], $0x400  }
0x1de: {  	[sflag:s11] =	ssyncset.done $0x0  }
0x1df: {  	[sflag:s11] =	ssyncadd.s32 $0xFFFFFC00  }
0x1e0: {  	s19 =	simm.s32 $0x4;
	s3 =	simm.s32 $0x40;
	v7 =	vld.idx.msk [tilespmem:v6+s13+$0x0], $0xffff  }
0x1e1: {  	v56 =	vmov s19;
	v8 =	vld [tilespmem:s3+$0xFFFFFFC0]  }
0x1e2: {  	v9 =	vand.u32 $0x380, v56  }
0x1e3: {  	v9 =	vadd.s32 s19, v9;
	v6 =	vld.idx.msk [tilespmem:v6+s14+$0x0], $0xffff  }
0x1e4: {  	v9 =	vshll.u32 v9, $0x3  }
0x1e5: {  	v9 =	vadd.s32 v5, v9  }
0x1e6: {  	v7 =	vmul.f32 v7, v8;
	v8 =	vor.u32 v3, v9;
	_ =	sdelay $0x1  }
0x1e7: {  	v6 =	vadd.f32 v6, v7  }
0x1e8: {  	s0 =	simm.s32 $0x9140  }
0x1e9: {  	[tilespmem:s0+$0xFFFFFFC0] =	vst v6  }
0x1ea: {  	s19 =	simm.s32 $0x8;
	v6 =	vld.idx.msk [tilespmem:v8+s13+$0x0], $0xffff  }
0x1eb: {  	v57 =	vmov s19;
	v7 =	vld [tilespmem:s3+$0xFFFFFFD0]  }
0x1ec: {  	v9 =	vand.u32 $0x380, v57  }
0x1ed: {  	v9 =	vadd.s32 s19, v9;
	v8 =	vld.idx.msk [tilespmem:v8+s14+$0x0], $0xffff  }
0x1ee: {  	v9 =	vshll.u32 v9, $0x3  }
0x1ef: {  	v9 =	vadd.s32 v5, v9  }
0x1f0: {  	v6 =	vmul.f32 v6, v7;
	v7 =	vor.u32 v3, v9;
	_ =	sdelay $0x1  }
0x1f1: {  	v6 =	vadd.f32 v8, v6;
	_ =	sdelay $0x1  }
0x1f2: {  	[tilespmem:s0+$0xFFFFFFD0] =	vst v6  }
0x1f3: {  	s20 =	simm.s32 $0xC;
	v6 =	vld.idx.msk [tilespmem:v7+s13+$0x0], $0xffff  }
0x1f4: {  	v58 =	vmov s20;
	v8 =	vld [tilespmem:s3+$0xFFFFFFE0]  }
0x1f5: {  	v9 =	vand.u32 $0x380, v58  }
0x1f6: {  	v9 =	vadd.s32 s20, v9;
	v7 =	vld.idx.msk [tilespmem:v7+s14+$0x0], $0xffff  }
0x1f7: {  	v9 =	vshll.u32 v9, $0x3  }
0x1f8: {  	v9 =	vadd.s32 v5, v9  }
0x1f9: {  	v6 =	vmul.f32 v6, v8;
	v8 =	vor.u32 v3, v9;
	_ =	sdelay $0x1  }
0x1fa: {  	v6 =	vadd.f32 v7, v6;
	_ =	sdelay $0x1  }
0x1fb: {  	[tilespmem:s0+$0xFFFFFFE0] =	vst v6  }
0x1fc: {  	s23 =	simm.s32 $0x10;
	v6 =	vld.idx.msk [tilespmem:v8+s13+$0x0], $0xffff  }
0x1fd: {  	v59 =	vmov s23;
	v7 =	vld [tilespmem:s3+$0xFFFFFFF0]  }
0x1fe: {  	v9 =	vand.u32 $0x380, v59  }
0x1ff: {  	v9 =	vadd.s32 s23, v9;
	v8 =	vld.idx.msk [tilespmem:v8+s14+$0x0], $0xffff  }
0x200: {  	v9 =	vshll.u32 v9, $0x3  }
0x201: {  	v9 =	vadd.s32 v5, v9  }
0x202: {  	v6 =	vmul.f32 v6, v7;
	v7 =	vor.u32 v3, v9;
	_ =	sdelay $0x1  }
0x203: {  	v6 =	vadd.f32 v8, v6;
	_ =	sdelay $0x1  }
0x204: {  	[tilespmem:s0+$0xFFFFFFF0] =	vst v6  }
0x205: {  	s25 =	simm.s32 $0x14;
	v6 =	vld.idx.msk [tilespmem:v7+s13+$0x0], $0xffff  }
0x206: {  	v60 =	vmov s25;
	v8 =	vld [tilespmem:s3+$0x0]  }
0x207: {  	v9 =	vand.u32 $0x380, v60  }
0x208: {  	v9 =	vadd.s32 s25, v9;
	v7 =	vld.idx.msk [tilespmem:v7+s14+$0x0], $0xffff  }
0x209: {  	v9 =	vshll.u32 v9, $0x3  }
0x20a: {  	v9 =	vadd.s32 v5, v9  }
0x20b: {  	v6 =	vmul.f32 v6, v8;
	v8 =	vor.u32 v3, v9;
	_ =	sdelay $0x1  }
0x20c: {  	v6 =	vadd.f32 v7, v6;
	_ =	sdelay $0x1  }
0x20d: {  	[tilespmem:s0+$0x0] =	vst v6  }
0x20e: {  	s20 =	simm.s32 $0x18;
	v6 =	vld.idx.msk [tilespmem:v8+s13+$0x0], $0xffff  }
0x20f: {  	v61 =	vmov s20;
	v7 =	vld [tilespmem:s3+$0x10]  }
0x210: {  	v9 =	vand.u32 $0x380, v61  }
0x211: {  	v9 =	vadd.s32 s20, v9;
	v8 =	vld.idx.msk [tilespmem:v8+s14+$0x0], $0xffff  }
0x212: {  	v9 =	vshll.u32 v9, $0x3  }
0x213: {  	v9 =	vadd.s32 v5, v9  }
0x214: {  	v6 =	vmul.f32 v6, v7;
	v7 =	vor.u32 v3, v9;
	_ =	sdelay $0x1  }
0x215: {  	v6 =	vadd.f32 v8, v6;
	_ =	sdelay $0x1  }
0x216: {  	[tilespmem:s0+$0x10] =	vst v6  }
0x217: {  	s23 =	simm.s32 $0x1C;
	v6 =	vld.idx.msk [tilespmem:v7+s13+$0x0], $0xffff  }
0x218: {  	v62 =	vmov s23;
	v8 =	vld [tilespmem:s3+$0x20]  }
0x219: {  	v9 =	vand.u32 $0x380, v62  }
0x21a: {  	v9 =	vadd.s32 s23, v9;
	v7 =	vld.idx.msk [tilespmem:v7+s14+$0x0], $0xffff  }
0x21b: {  	v9 =	vshll.u32 v9, $0x3  }
0x21c: {  	v9 =	vadd.s32 v5, v9  }
0x21d: {  	v6 =	vmul.f32 v6, v8;
	v8 =	vor.u32 v3, v9;
	_ =	sdelay $0x1  }
0x21e: {  	v6 =	vadd.f32 v7, v6;
	_ =	sdelay $0x1  }
0x21f: {  	[tilespmem:s0+$0x20] =	vst v6  }
0x220: {  	v6 =	vld.idx.msk [tilespmem:v8+s13+$0x0], $0xffff  }
0x221: {  	s25 =	simm.s32 $0x20;
	v7 =	vld [tilespmem:s3+$0x30]  }
0x222: {  	v63 =	vmov s25  }
0x223: {  	v9 =	vand.u32 $0x380, v63  }
0x224: {  	v9 =	vadd.s32 s25, v9;
	v8 =	vld.idx.msk [tilespmem:v8+s14+$0x0], $0xffff  }
0x225: {  	v9 =	vadd.s32 v2, v9  }
0x226: {  	v7 =	vmul.f32 v6, v7;
	v6 =	vshll.u32 v9, $0x3  }
0x227: {  	v6 =	vor.u32 v3, v6;
	_ =	sdelay $0x1  }
0x228: {  	s19 =	simm.s32 $0x3C;
	s20 =	simm.s32 $0x2;
	v7 =	vadd.f32 v8, v7  }
.LBB2_10:
0x229: {  	_ = 	snop  }
0x22a: {  	s20 =	sadd.s32 $0x2, s20;
	s3 =	sadd.s32 $0x80, s3;
	[tilespmem:s0+$0x30] =	vst v7;
	s0 =	sadd.s32 $0x80, s0  }
0x22b: {  	s23 =	sadd.s32 $0xFFFFFFE8, s19;
	p0 =	slt.u32 s20, $0x3E;
	v7 =	vld.idx.msk [tilespmem:v6+s13+$0x0], $0xffff  }
0x22c: {  	v9 =	vmov s23;
	v8 =	vld [tilespmem:s3+$0xFFFFFFC0]  }
0x22d: {  	v9 =	vand.u32 $0x380, v9;
	v6 =	vld.idx.msk [tilespmem:v6+s14+$0x0], $0xffff  }
0x22e: {  	v9 =	vadd.s32 s23, v9  }
0x22f: {  	v9 =	vshll.u32 v9, $0x3  }
0x230: {  	v9 =	vadd.s32 v5, v9  }
0x231: {  	v7 =	vmul.f32 v7, v8;
	v8 =	vor.u32 v3, v9;
	_ =	sdelay $0x1  }
0x232: {  	v6 =	vadd.f32 v6, v7;
	_ =	sdelay $0x1  }
0x233: {  	[tilespmem:s0+$0xFFFFFFC0] =	vst v6  }
0x234: {  	s23 =	sadd.s32 $0xFFFFFFEC, s19;
	v6 =	vld.idx.msk [tilespmem:v8+s13+$0x0], $0xffff  }
0x235: {  	v9 =	vmov s23;
	v7 =	vld [tilespmem:s3+$0xFFFFFFD0]  }
0x236: {  	v9 =	vand.u32 $0x380, v9;
	v8 =	vld.idx.msk [tilespmem:v8+s14+$0x0], $0xffff  }
0x237: {  	v9 =	vadd.s32 s23, v9  }
0x238: {  	v9 =	vshll.u32 v9, $0x3  }
0x239: {  	v9 =	vadd.s32 v5, v9  }
0x23a: {  	v6 =	vmul.f32 v6, v7;
	v7 =	vor.u32 v3, v9;
	_ =	sdelay $0x1  }
0x23b: {  	v6 =	vadd.f32 v8, v6;
	_ =	sdelay $0x1  }
0x23c: {  	[tilespmem:s0+$0xFFFFFFD0] =	vst v6  }
0x23d: {  	s23 =	sadd.s32 $0xFFFFFFF0, s19;
	v6 =	vld.idx.msk [tilespmem:v7+s13+$0x0], $0xffff  }
0x23e: {  	v9 =	vmov s23;
	v8 =	vld [tilespmem:s3+$0xFFFFFFE0]  }
0x23f: {  	v9 =	vand.u32 $0x380, v9;
	v7 =	vld.idx.msk [tilespmem:v7+s14+$0x0], $0xffff  }
0x240: {  	v9 =	vadd.s32 s23, v9  }
0x241: {  	v9 =	vshll.u32 v9, $0x3  }
0x242: {  	v9 =	vadd.s32 v5, v9  }
0x243: {  	v6 =	vmul.f32 v6, v8;
	v8 =	vor.u32 v3, v9;
	_ =	sdelay $0x1  }
0x244: {  	v6 =	vadd.f32 v7, v6;
	_ =	sdelay $0x1  }
0x245: {  	[tilespmem:s0+$0xFFFFFFE0] =	vst v6  }
0x246: {  	s23 =	sadd.s32 $0xFFFFFFF4, s19;
	v6 =	vld.idx.msk [tilespmem:v8+s13+$0x0], $0xffff  }
0x247: {  	v9 =	vmov s23;
	v7 =	vld [tilespmem:s3+$0xFFFFFFF0]  }
0x248: {  	v9 =	vand.u32 $0x380, v9;
	v8 =	vld.idx.msk [tilespmem:v8+s14+$0x0], $0xffff  }
0x249: {  	v9 =	vadd.s32 s23, v9  }
0x24a: {  	v9 =	vshll.u32 v9, $0x3  }
0x24b: {  	v9 =	vadd.s32 v5, v9  }
0x24c: {  	v6 =	vmul.f32 v6, v7;
	v7 =	vor.u32 v3, v9;
	_ =	sdelay $0x1  }
0x24d: {  	v6 =	vadd.f32 v8, v6;
	_ =	sdelay $0x1  }
0x24e: {  	[tilespmem:s0+$0xFFFFFFF0] =	vst v6  }
0x24f: {  	s23 =	sadd.s32 $0xFFFFFFF8, s19;
	v6 =	vld.idx.msk [tilespmem:v7+s13+$0x0], $0xffff  }
0x250: {  	v9 =	vmov s23;
	v8 =	vld [tilespmem:s3+$0x0]  }
0x251: {  	v9 =	vand.u32 $0x380, v9;
	v7 =	vld.idx.msk [tilespmem:v7+s14+$0x0], $0xffff  }
0x252: {  	v9 =	vadd.s32 s23, v9  }
0x253: {  	v9 =	vshll.u32 v9, $0x3  }
0x254: {  	v9 =	vadd.s32 v5, v9  }
0x255: {  	v6 =	vmul.f32 v6, v8;
	v8 =	vor.u32 v3, v9;
	_ =	sdelay $0x1  }
0x256: {  	v6 =	vadd.f32 v7, v6;
	_ =	sdelay $0x1  }
0x257: {  	[tilespmem:s0+$0x0] =	vst v6  }
0x258: {  	s23 =	sadd.s32 $0xFFFFFFFC, s19;
	v6 =	vld.idx.msk [tilespmem:v8+s13+$0x0], $0xffff  }
0x259: {  	v9 =	vmov s23;
	v7 =	vld [tilespmem:s3+$0x10]  }
0x25a: {  	v9 =	vand.u32 $0x380, v9;
	v8 =	vld.idx.msk [tilespmem:v8+s14+$0x0], $0xffff  }
0x25b: {  	v9 =	vadd.s32 s23, v9  }
0x25c: {  	v9 =	vshll.u32 v9, $0x3  }
0x25d: {  	v9 =	vadd.s32 v5, v9  }
0x25e: {  	v6 =	vmul.f32 v6, v7;
	v7 =	vor.u32 v3, v9;
	_ =	sdelay $0x1  }
0x25f: {  	v6 =	vadd.f32 v8, v6;
	_ =	sdelay $0x1  }
0x260: {  	[tilespmem:s0+$0x10] =	vst v6  }
0x261: {  	v6 =	vld.idx.msk [tilespmem:v7+s13+$0x0], $0xffff  }
0x262: {  	v9 =	vmov s19;
	v8 =	vld [tilespmem:s3+$0x20]  }
0x263: {  	v9 =	vand.u32 $0x380, v9;
	v7 =	vld.idx.msk [tilespmem:v7+s14+$0x0], $0xffff  }
0x264: {  	v9 =	vadd.s32 s19, v9  }
0x265: {  	v9 =	vshll.u32 v9, $0x3  }
0x266: {  	v9 =	vadd.s32 v5, v9  }
0x267: {  	v6 =	vmul.f32 v6, v8;
	v8 =	vor.u32 v3, v9;
	_ =	sdelay $0x1  }
0x268: {  	v6 =	vadd.f32 v7, v6;
	_ =	sdelay $0x1  }
0x269: {  	s19 =	sadd.s32 $0x20, s19;
	[tilespmem:s0+$0x20] =	vst v6  }
0x26a: {  	s23 =	sadd.s32 $0xFFFFFFE4, s19;
	v7 =	vld.idx.msk [tilespmem:v8+s13+$0x0], $0xffff  }
0x26b: {  	v6 =	vmov s23;
	v9 =	vld [tilespmem:s3+$0x30]  }
0x26c: {  	v6 =	vand.u32 $0x380, v6;
	v8 =	vld.idx.msk [tilespmem:v8+s14+$0x0], $0xffff  }
0x26d: {  	v6 =	vadd.s32 s23, v6  }
.Ltmp10:
0x26e: {  	v6 =	vadd.s32 v2, v6;
	(pc) =	sbr.rel @p0 .LBB2_10-.Ltmp10, $3  }
0x26f: {  	v6 =	vshll.u32 v6, $0x3  }
0x270: {  	v6 =	vor.u32 v3, v6;
	v7 =	vmul.f32 v7, v9;
	_ =	sdelay $0x1  }
0x271: {  	v7 =	vadd.f32 v8, v7  }
0x272: {  	_ =	sdelay $0x2  }
0x273: {  	[tilespmem:s0+$0x30] =	vst v7  }
0x274: {  	s3 =	sadd.s32 $0x80, s3;
	s20 =	sadd.s32 $0xFFFFFFE8, s19;
	v7 =	vld.idx.msk [tilespmem:v6+s13+$0x0], $0xffff  }
0x275: {  	v9 =	vmov s20;
	v8 =	vld [tilespmem:s3+$0xFFFFFFC0]  }
0x276: {  	v9 =	vand.u32 $0x380, v9  }
0x277: {  	v6 =	vld.idx.msk [tilespmem:v6+s14+$0x0], $0xffff;
	v9 =	vadd.s32 s20, v9  }
0x278: {  	v9 =	vshll.u32 v9, $0x3  }
0x279: {  	v9 =	vadd.s32 v5, v9  }
0x27a: {  	v51 =	vor.u32 v3, v9;
	v7 =	vmul.f32 v7, v8;
	_ =	sdelay $0x1  }
0x27b: {  	v6 =	vadd.f32 v6, v7  }
0x27c: {  	s0 =	sadd.s32 $0x80, s0  }
0x27d: {  	[tilespmem:s0+$0xFFFFFFC0] =	vst v6  }
0x27e: {  	s25 =	sadd.s32 $0xFFFFFFEC, s19;
	v6 =	vld.idx.msk [tilespmem:v51+s13+$0x0], $0xffff  }
0x27f: {  	v52 =	vmov s25;
	v7 =	vld [tilespmem:s3+$0xFFFFFFD0]  }
0x280: {  	v9 =	vand.u32 $0x380, v52  }
0x281: {  	v9 =	vadd.s32 s25, v9;
	v8 =	vld.idx.msk [tilespmem:v51+s14+$0x0], $0xffff  }
0x282: {  	v9 =	vshll.u32 v9, $0x3  }
0x283: {  	v9 =	vadd.s32 v5, v9  }
0x284: {  	v6 =	vmul.f32 v6, v7;
	v7 =	vor.u32 v3, v9;
	_ =	sdelay $0x1  }
0x285: {  	v6 =	vadd.f32 v8, v6;
	_ =	sdelay $0x1  }
0x286: {  	[tilespmem:s0+$0xFFFFFFD0] =	vst v6  }
0x287: {  	s23 =	sadd.s32 $0xFFFFFFF0, s19;
	v6 =	vld.idx.msk [tilespmem:v7+s13+$0x0], $0xffff  }
0x288: {  	v54 =	vmov s23;
	v53 =	vld [tilespmem:s3+$0xFFFFFFE0]  }
0x289: {  	v9 =	vand.u32 $0x380, v54  }
0x28a: {  	v9 =	vadd.s32 s23, v9;
	v7 =	vld.idx.msk [tilespmem:v7+s14+$0x0], $0xffff  }
0x28b: {  	v9 =	vshll.u32 v9, $0x3  }
0x28c: {  	v9 =	vadd.s32 v5, v9  }
0x28d: {  	v55 =	vor.u32 v3, v9;
	v6 =	vmul.f32 v6, v53;
	_ =	sdelay $0x1  }
0x28e: {  	v6 =	vadd.f32 v7, v6;
	_ =	sdelay $0x1  }
0x28f: {  	[tilespmem:s0+$0xFFFFFFE0] =	vst v6  }
0x290: {  	s25 =	sadd.s32 $0xFFFFFFF4, s19;
	v6 =	vld.idx.msk [tilespmem:v55+s13+$0x0], $0xffff  }
0x291: {  	v56 =	vmov s25;
	v7 =	vld [tilespmem:s3+$0xFFFFFFF0]  }
0x292: {  	v9 =	vand.u32 $0x380, v56  }
0x293: {  	v9 =	vadd.s32 s25, v9;
	v8 =	vld.idx.msk [tilespmem:v55+s14+$0x0], $0xffff  }
0x294: {  	v9 =	vshll.u32 v9, $0x3  }
0x295: {  	v9 =	vadd.s32 v5, v9  }
0x296: {  	v6 =	vmul.f32 v6, v7;
	v7 =	vor.u32 v3, v9;
	_ =	sdelay $0x1  }
0x297: {  	v6 =	vadd.f32 v8, v6;
	_ =	sdelay $0x1  }
0x298: {  	[tilespmem:s0+$0xFFFFFFF0] =	vst v6  }
0x299: {  	s23 =	sadd.s32 $0xFFFFFFF8, s19;
	v6 =	vld.idx.msk [tilespmem:v7+s13+$0x0], $0xffff  }
0x29a: {  	v58 =	vmov s23;
	v57 =	vld [tilespmem:s3+$0x0]  }
0x29b: {  	v9 =	vand.u32 $0x380, v58  }
0x29c: {  	v9 =	vadd.s32 s23, v9;
	v7 =	vld.idx.msk [tilespmem:v7+s14+$0x0], $0xffff  }
0x29d: {  	v9 =	vshll.u32 v9, $0x3  }
0x29e: {  	v9 =	vadd.s32 v5, v9  }
0x29f: {  	v59 =	vor.u32 v3, v9;
	v6 =	vmul.f32 v6, v57;
	_ =	sdelay $0x1  }
0x2a0: {  	v6 =	vadd.f32 v7, v6;
	_ =	sdelay $0x1  }
0x2a1: {  	[tilespmem:s0+$0x0] =	vst v6  }
0x2a2: {  	s25 =	sadd.s32 $0xFFFFFFFC, s19;
	v6 =	vld.idx.msk [tilespmem:v59+s13+$0x0], $0xffff  }
0x2a3: {  	v60 =	vmov s25;
	v7 =	vld [tilespmem:s3+$0x10]  }
0x2a4: {  	v9 =	vand.u32 $0x380, v60  }
0x2a5: {  	v9 =	vadd.s32 s25, v9;
	v8 =	vld.idx.msk [tilespmem:v59+s14+$0x0], $0xffff  }
0x2a6: {  	v9 =	vshll.u32 v9, $0x3  }
0x2a7: {  	v9 =	vadd.s32 v5, v9  }
0x2a8: {  	v6 =	vmul.f32 v6, v7;
	v7 =	vor.u32 v3, v9;
	_ =	sdelay $0x1  }
0x2a9: {  	v6 =	vadd.f32 v8, v6;
	_ =	sdelay $0x1  }
0x2aa: {  	[tilespmem:s0+$0x10] =	vst v6  }
0x2ab: {  	v6 =	vld.idx.msk [tilespmem:v7+s13+$0x0], $0xffff  }
0x2ac: {  	v62 =	vmov s19;
	v61 =	vld [tilespmem:s3+$0x20]  }
0x2ad: {  	v9 =	vand.u32 $0x380, v62  }
0x2ae: {  	v9 =	vadd.s32 s19, v9;
	v7 =	vld.idx.msk [tilespmem:v7+s14+$0x0], $0xffff  }
0x2af: {  	v9 =	vshll.u32 v9, $0x3  }
0x2b0: {  	v9 =	vadd.s32 v5, v9  }
0x2b1: {  	v63 =	vor.u32 v3, v9;
	v6 =	vmul.f32 v6, v61;
	_ =	sdelay $0x1  }
0x2b2: {  	v6 =	vadd.f32 v7, v6;
	_ =	sdelay $0x1  }
0x2b3: {  	[tilespmem:s0+$0x20] =	vst v6  }
0x2b4: {  	v6 =	vld.idx.msk [tilespmem:v63+s13+$0x0], $0xffff  }
0x2b5: {  	v7 =	vld [tilespmem:s3+$0x30];
	_ =	sdelay $0x1  }
0x2b6: {  	v8 =	vld.idx.msk [tilespmem:v63+s14+$0x0], $0xffff;
	_ =	sdelay $0x2  }
.Ltmp11:
0x2b7: {  	v6 =	vmul.f32 v6, v7;
	(pc) =	sbr.rel .LBB2_12-.Ltmp11, $3  }
0x2b8: {  	_ = 	snop  }
0x2b9: {  	v6 =	vadd.f32 v8, v6;
	_ =	sdelay $0x1  }
0x2ba: {  	[tilespmem:s0+$0x30] =	vst v6  }
.LBB2_14:
0x2bb: {  	_ =	sfence.sel $0x180000  }
0x2bc: {  	[bflag:$0x0] =	sbarrier.arrive $0xFFFF  }
0x2bd: {  	_ =	strace $0x9000004A  }
0x2be: {  	s0 =	stileid.u32;
	[bflag:$0x2] =	sbarrier.arrive $0xFFFF  }
0x2bf: {  	p0 =	sne.s32 s0, $0x0;
	s0 =	rddreg [dreg:$0x3]  }
0x2c0: {  	s0 =	sadd.s32 @!p0 $0x100000, s0  }
0x2c1: {  	[sflag:s0] =	ssyncadd.tile.s32 @!p0 $0x1;
	_ =	shalt  }
.Lfunc_end2:
_tile_overlayer_lowered:
.L_overlay_start_2:
0x2c2: {  	(tag) =	ssettag $0x2  }
0x2c3: {  	s0 =	rddreg [dreg:$0x0];
	s2 =	stileid.u32  }
0x2c4: {  	s1 =	rddreg [dreg:$0x1];
	p0 =	sne.s32 s2, $0x0  }
0x2c5: {  	s3 =	rddreg [dreg:$0x2];
	[bflag:$0x3] =	sbarrier.arrive $0xFFFF;
	s2 =	simm.s32 @!p0 $0x1C01  }
0x2c6: {  	[timem:s3], [sflag:s2] =	dma.local @!p0 [hbm:s0], s1  }
0x2c7: {  	s0 =	simm.s32 @!p0 $0x1  }
0x2c8: {  	_ =	swait.ge @!p0 [sflag:s0], s1  }
0x2c9: {  	s1 =	ssub.s32 @!p0 $0x0, s1;
	[sflag:s0] =	ssyncset.done @!p0 $0x0  }
0x2ca: {  	[sflag:s0] =	ssyncadd.s32 @!p0 s1  }
0x2cb: {  	[bflag:$0x3] =	sbarrier.arrive $0xFFFF  }
0x2cc: {  	_ =	shalt  }

// kernel: sparse-core-data-format-call.cloned.1.call-start
scs
called_computation_lowered:
.L_overlay_start_0:
0x0: {  	s2 =	sld [smem:$0x3FD9]  }
0x1: {  	s3 =	sld [smem:$0x3FFE];
	_ =	sdelay $0x1  }
0x2: {  	s1 =	srdreg.scid  }
0x3: {  	s0 =	sand.u32 $0x1, s1  }
0x4: {  	s18 =	sshll.u32 s0, $0xA;
	s2 =	sadd.s32 s3, s2  }
0x5: {  	s2 =	sadd.s32 s2, s18  }
0x6: {  	[smem:$0x3FC4] =	sst s2  }
0x7: {  	_ = 	snop  }
0x8: {  	s2 =	sld [smem:$0x3FD0];
	(tm) =	ssettm $0x1  }
0x9: {  	s19 =	sld [smem:$0x3FFB];
	_ =	sdelay $0x3  }
0xa: {  	_ =	strace s19  }
0xb: {  	s3 =	sld [smem:$0x3FFC];
	_ =	sdelay $0x3  }
0xc: {  	_ =	strace s3  }
0xd: {  	s3 =	sld [smem:$0x3FFD];
	_ =	sdelay $0x3  }
0xe: {  	_ =	strace s3  }
0xf: {  	_ =	strace $0x8FFFFFFF  }
0x10: {  	s20 =	sld [smem:$0x3FDB];
	_ =	sdelay $0x1  }
0x11: {  	s4 =	simm.s32 $_scs_section_size  }
0x12: {  	s5 =	simm.s32 $_size__tile_overlayer_lowered;
	s6 =	simm.s32 $_tile_overlayer_lowered  }
0x13: {  	s23 =	simm.s32 $0x1BFF;
	s22 =	sshll.u32 s6, $0x1;
	s3 =	sadd.s32 s4, s20  }
0x14: {  	s7 =	simm.s32 $0x0;
	s21 =	sshll.u32 s5, $0x1;
	s5 =	sadd.s32 s22, s3  }
0x15: {  	[timem:s7], [sflag:s23] =	dma.local [hbm:s5], s21  }
0x16: {  	_ =	swait.ge [sflag:s23], s21  }
0x17: {  	s4 =	ssub.s32 $0x0, s21;
	[sflag:s23] =	ssyncset.done $0x0  }
0x18: {  	[sflag:s23] =	ssyncadd.s32 s4;
	_ =	sdelay $0x1  }
0x19: {  	s24 =	simm.s32 $0x1B8B  }
0x1a: {  	_ =	swait.ge [sflag:s24], $0x1  }
0x1b: {  	[sflag:s24] =	ssyncset.done $0x0  }
0x1c: {  	s26 =	simm.s32 $0x1B8E;
	s25 =	sld [smem:$0x3FFE];
	[sflag:s24] =	ssyncadd.s32 $0xFFFFFFFF  }
0x1d: {  	s27 =	simm.s32 $execute0_lowered;
	[smem:$0x3FD2] =	sst s26  }
0x1e: {  	s5 =	sshll.u32 s27, $0x1;
	_ =	strace $0x8000004C;
	[dreg:$0x1] =	wrdreg $0xFFFFFFFF  }
0x1f: {  	s28 =	simm.s32 $_size_execute0_lowered;
	s3 =	sadd.s32 s3, s5;
	[dreg:$0x0] =	wrdreg $0x0  }
0x20: {  	s5 =	sshll.u32 s28, $0x1;
	[dreg:$0x2] =	wrdreg s3  }
0x21: {  	[dreg:$0x3] =	wrdreg s5  }
0x22: {  	[dreg:$0x4] =	wrdreg $0xC0  }
0x23: {  	_ =	task [dreg:s7], $0x5FFFF  }
0x24: {  	[dreg:$0x1] =	wrdreg $0xFFFFFFFF  }
0x25: {  	[dreg:$0x0] =	wrdreg $0x60  }
0x26: {  	[dreg:$0x2] =	wrdreg s25  }
0x27: {  	[dreg:$0x3] =	wrdreg s2  }
0x28: {  	[dreg:$0x4] =	wrdreg $0x9  }
0x29: {  	_ =	task.clear_ibuf [dreg:s7], $0x5FFFF;
	_ =	strace $0x9000004C  }
0x2a: {  	s29 =	simm.s32 $0x9;
	_ =	strace $0x8000004E  }
0x2b: {  	_ =	swait.ge [sflag:s29], $0x1  }
0x2c: {  	[sflag:s29] =	ssyncadd.s32 $0xFFFFFFFF  }
0x2d: {  	_ =	strace $0x9000004E  }
0x2e: {  	_ =	sfence  }
0x2f: {  	s30 =	sld [smem:$0x0];
	_ =	sdelay $0x2  }
0x30: {  	s31 =	sshll.u32 s1, $0xD;
	s1 =	sshrl.u32 s1, $0x2  }
0x31: {  	s3 =	sand.u32 $0x4000, s31;
	s1 =	sadd.s32 s1, s30  }
0x32: {  	s0 =	sor.u32 s3, s0;
	s1 =	sshll.u32 s1, $0x11  }
0x33: {  	s0 =	sor.u32 s1, s0  }
0x34: {  	s0 =	sadd.s32 $0x8F2B, s0  }
0x35: {  	[sflag:s0] =	ssyncadd.remote.s32 $0x1  }
0x36: {  	_ =	sfence.sel $0xFFFF  }
0x37: {  	[dreg:$0x0] =	wrdreg $0xFFFFFFFF;
	(pc) =	sbr.abs _section_cstart, $3  }
0x38: {  	[dreg:$0x1] =	wrdreg $0xFFFFFFFF  }
0x39: {  	_ =	task.clear_ibuf [dreg:s7], $0x2FFFF;
	_ =	strace $0x9FFFFFFF  }
0x3a: {  	(tm) =	ssettm $0x7FFFFFFF  }
0x3b: {  	_ =	shalt  }
tec
execute0_lowered:
.L_overlay_start_1:
0x0: {  	(tag) =	ssettag $0x1  }
0x1: {  	s0 =	srdreg.scid  }
0x2: {  	s5 =	rddreg [dreg:$0x0];
	s1 =	sshll.u32 s0, $0x4  }
0x3: {  	s2 =	rddreg [dreg:$0x1];
	s0 =	stileid.u32;
	s1 =	sand.u32 $0x10, s1  }
0x4: {  	s4 =	simm.s32 $0x1;
	s8 =	simm.s32 $0x2;
	s1 =	sor.u32 s0, s1  }
0x5: {  	s12 =	simm.s32 $0x0;
	s9 =	simm.s32 $0x0;
	s3 =	sshll.u32 s1, $0x7  }
0x6: {  	s11 =	simm.s32 $0x0;
	s5 =	sadd.s32 $0x1BA000, s5;
	s6 =	ssub.s32 $0x30D400, s3  }
.Ltmp0:
0x7: {  	s1 =	rddreg [dreg:$0x2];
	s7 =	sand.u32 $0xF80, s6;
	(pc) =	sbr.rel .LBB1_1-.Ltmp0, $4  }
0x8: {  	_ =	strace $0x8000004D;
	p0 =	sne.s32 s7, $0x0;
	s7 =	simm.s32 $0x1  }
0x9: {  	[sflag:s4] =	ssyncpa.u1 $0x0;
	s6 =	sshrl.u32 s6, $0xC;
	s7 =	simm.s32 @!p0 $0x0  }
0xa: {  	s10 =	smov.u32 s3;
	[sflag:s8] =	ssyncpa.u1 $0x0;
	s6 =	sadd.s32 s7, s6  }
0xb: {  	s8 =	simm.s32 $0x30D400;
	p0 =	por $0x0, $0x0;
	s7 =	sadd.s32 $0x1, s6  }
.LBB1_4:
0xc: {  	s15 =	sshrl.u32 s9, $0xA  }
0xd: {  	s15 =	smulhi.u32 $0x53E2D7, s15  }
0xe: {  	p1 =	sgt.s32 s9, $0x30D380;
	s16 =	smov.u32 s9;
	s17 =	sshra.s32 s9, $0x1F  }
0xf: {  	s16 =	simm.s32 @!p1 $0x30D380;
	s17 =	sand.u32 s17, s9;
	s15 =	sshrl.u32 s15, $0x2  }
0x10: {  	s16 =	ssub.s32 s16, s17;
	s15 =	smul.u32 $0x30D400, s15  }
0x11: {  	s16 =	sadd.s32 $0xFFCF2C80, s16  }
0x12: {  	s27 =	sshll.u32 s16, $0x2;
	s15 =	ssub.s32 s9, s15  }
0x13: {  	p1 =	sgt.s32 s16, $0x7F;
	s28 =	ssub.s32 $0x200, s27;
	s29 =	sand.u32 $0x7, s15  }
0x14: {  	s16 =	sand.u32 $0x3FFFFFFC, s28;
	s15 =	sshrl.u32 s15, $0x3;
	s17 =	sshll.u32 s29, $0x12  }
0x15: {  	[tilespmem:s14+$0x0 ss:$0x81] =	vst.msk $0xffff, v0;
	s16 =	simm.s32 @p1 $0x0;
	s30 =	sadd.s32 s2, s15;
	s31 =	sor.u32 $0x80, s17  }
0x16: {  	[hbm4b:s30+s31] =	stream.strided.scatter [tilespmem:s13], [sflag:$0x2], s16, s8, s31, $0x20;
	[tilespmem:$0x4040] =	vst v63  }
.LBB1_5:
0x17: {  	p1 =	slt.u32 s11, $0x2  }
0x18: {  	p2 =	sgt.s32 @!p1 s12, $0x30D380  }
0x19: {  	s13 =	smov.u32 s12;
	s14 =	sshra.s32 @!p1 s12, $0x1F;
	p2 =	por !p2, p1  }
0x1a: {  	s12 =	sand.u32 @!p1 s14, s12;
	s13 =	simm.s32 @p2 $0x30D380  }
0x1b: {  	s12 =	ssub.s32 @!p1 s13, s12  }
0x1c: {  	s12 =	sadd.s32 @!p1 $0xFFCF2C80, s12  }
0x1d: {  	s13 =	sshll.u32 @!p1 s12, $0x2  }
0x1e: {  	p2 =	sgt.s32 @!p1 s12, $0x7F;
	s12 =	ssub.s32 @!p1 $0x200, s13  }
0x1f: {  	s14 =	sadd.s32 $0x1000, s10;
	p2 =	por !p2, p1;
	s12 =	sand.u32 @!p1 $0x3FFFFFFC, s12  }
0x20: {  	s12 =	simm.s32 @!p2 $0x0;
	p2 =	sgt.s32 s14, $0x30D3FF  }
0x21: {  	s14 =	smov.u32 @p2 s3;
	p2 =	sne.s32 s11, s7  }
.Ltmp1:
0x22: {  	_ = 	snop;
	(pc) =	sbr.rel @!p2 .LBB1_6-.Ltmp1, $4  }
0x23: {  	s13 =	simm.s32 @!p1 $0x2  }
0x24: {  	p0 =	por !p0, !p0;
	_ =	swait.ge @!p1 [sflag:s13], s12;
	s15 =	ssub.s32 @!p1 $0x0, s12  }
0x25: {  	s12 =	smov.u32 s9;
	s11 =	sadd.s32 $0x1, s11;
	[sflag:s13] =	ssyncset.done @!p1 $0x0  }
0x26: {  	s9 =	smov.u32 s10;
	s10 =	smov.u32 s14;
	[sflag:s13] =	ssyncadd.s32 @!p1 s15  }
.LBB1_1:
0x27: {  	p1 =	sge.u32 s11, s6  }
0x28: {  	s13 =	sand.u32 @!p1 $0x1FFFFFF, s10  }
0x29: {  	s14 =	smulhi.u32 @!p1 $0x14F8B59, s13;
	_ =	sdelay $0x1  }
0x2a: {  	s14 =	sshrl.u32 @!p1 s14, $0xE  }
0x2b: {  	s14 =	smul.u32 @!p1 $0x30D400, s14;
	_ =	sdelay $0x1  }
0x2c: {  	s31 =	sadd.s32 $0xFFFFFFFF, s11;
	s15 =	sxor.u32 @!p1 $0xFFFFFFFF, s11;
	s13 =	ssub.s32 @!p1 s13, s14  }
0x2d: {  	s16 =	simm.s32 @!p1 $0x80;
	s15 =	sshll.u32 @!p1 s15, $0xC;
	s13 =	sshll.u32 @!p1 s13, $0x4  }
0x2e: {  	s14 =	sand.u32 @!p1 $0x1000, s15;
	s15 =	simm.s32 @!p1 $0x20;
	s13 =	sadd.s32 @!p1 s5, s13  }
0x2f: {  	[tilespmem:s14], [sflag:$0x1] =	stream.strided.gather @!p1 [hbm4b:s13+s15], $0x1000, s16, s15, $0x38;
	[tilespmem:$0x4040] =	vst v63  }
0x30: {  	p1 =	sge.u32 s31, s6  }
.Ltmp2:
0x31: {  	_ = 	snop;
	(pc) =	sbr.rel @p1 .LBB1_5-.Ltmp2, $1  }
0x32: {  	_ =	sdelay $0x3  }
0x33: {  	s13 =	simm.s32 $0x1  }
0x34: {  	_ =	swait.ge [sflag:s4], $0x1000;
	s13 =	simm.s32 @!p0 $0x0  }
0x35: {  	[sflag:s4] =	ssyncset.done $0x0;
	s14 =	sshll.u32 s13, $0xC  }
0x36: {  	[sflag:s4] =	ssyncadd.s32 $0xFFFFF000;
	s17 =	sor.u32 $0x10, s14  }
0x37: {  	s13 =	smul.u32 $0x4080, s13;
	v1 =	vld [tilespmem:s17+$0x0]  }
0x38: {  	s30 =	sand.u32 $0x1, s11;
	v0 =	vld [tilespmem:s17+$0xFFFFFFF0]  }
0x39: {  	s14 =	smul.u32 $0x4080, s30;
	s13 =	sshrl.u32 s13, $0x2  }
0x3a: {  	s15 =	sor.u32 $0x2000, s13  }
0x3b: {  	s31 =	sshrl.u32 s14, $0x2;
	s14 =	sadd.s32 $0x0, s15  }
0x3c: {  	s16 =	simm.s32 $0x4;
	s17 =	sadd.s32 $0x20, s17;
	s13 =	sor.u32 $0x2000, s31;
	[tilespmem:s14+$0x810 ss:$0x81] =	vst.msk $0xffff, v1  }
.LBB1_3:
0x3d: {  	v1 =	vld [tilespmem:s17+$0x0];
	p1 =	sne.s32 s16, $0x1FC;
	[tilespmem:s14+$0x0 ss:$0x81] =	vst.msk $0xffff, v0;
	s14 =	smov.u32 s16;
	s16 =	sadd.s32 $0x4, s16  }
.Ltmp3:
0x3e: {  	v0 =	vld [tilespmem:s17+$0xFFFFFFF0];
	(pc) =	sbr.rel @p1 .LBB1_3-.Ltmp3, $4  }
0x3f: {  	_ = 	snop  }
0x40: {  	s14 =	sshra.s32 s14, $0x2  }
0x41: {  	s14 =	sadd.s32 s14, s15  }
0x42: {  	s17 =	sadd.s32 $0x20, s17;
	[tilespmem:s14+$0x810 ss:$0x81] =	vst.msk $0xffff, v1  }
.Ltmp4:
0x43: {  	_ = 	snop;
	(pc) =	sbr.rel .LBB1_4-.Ltmp4, $1  }
0x44: {  	_ =	sdelay $0x3  }
.LBB1_6:
0x45: {  	_ =	sfence.sel $0x180000  }
0x46: {  	s2 =	simm.s32 $0x1;
	[bflag:$0x0] =	sbarrier.arrive $0xFFFF  }
0x47: {  	s31 =	simm.s32 $0x2;
	[sflag:s2] =	ssyncpa.u1 $0x1  }
0x48: {  	[sflag:s31] =	ssyncpa.u1 $0x1  }
0x49: {  	p0 =	sne.s32 s0, $0x0;
	_ =	strace $0x9000004D  }
0x4a: {  	s0 =	sadd.s32 @!p0 $0x100000, s1;
	[bflag:$0x2] =	sbarrier.arrive $0xFFFF  }
0x4b: {  	[sflag:s0] =	ssyncadd.tile.s32 @!p0 $0x1;
	_ =	shalt  }
.Lfunc_end1:
_tile_overlayer_lowered:
.L_overlay_start_2:
0x4c: {  	(tag) =	ssettag $0x2  }
0x4d: {  	s0 =	rddreg [dreg:$0x0];
	s2 =	stileid.u32  }
0x4e: {  	s1 =	rddreg [dreg:$0x1];
	p0 =	sne.s32 s2, $0x0  }
0x4f: {  	s3 =	rddreg [dreg:$0x2];
	[bflag:$0x3] =	sbarrier.arrive $0xFFFF;
	s2 =	simm.s32 @!p0 $0x1C01  }
0x50: {  	[timem:s3], [sflag:s2] =	dma.local @!p0 [hbm:s0], s1  }
0x51: {  	s0 =	simm.s32 @!p0 $0x1  }
0x52: {  	_ =	swait.ge @!p0 [sflag:s0], s1  }
0x53: {  	s1 =	ssub.s32 @!p0 $0x0, s1;
	[sflag:s0] =	ssyncset.done @!p0 $0x0  }
0x54: {  	[sflag:s0] =	ssyncadd.s32 @!p0 s1  }
0x55: {  	[bflag:$0x3] =	sbarrier.arrive $0xFFFF  }
0x56: {  	_ =	shalt  }

</sc_bundles>
